<compile_context>
chip_gen: v7x
topology: tpu7x:2x2x1
jax: 0.10.2.dev20260603
libtpu: 0.0.44.dev20260713+nightly
codegen_flags: <defaults>
</compile_context>

<pallas_src>
import functools
import math

import jax
import jax.numpy as jnp
from jax.experimental import pallas as pl

_NG = 32
_H = 512
_R = 256


def _pad_to(n, m):
    return (n + m - 1) // m * m


def _leaky(h):
    return jnp.where(h >= 0, h, 0.01 * h)


def _dot(a, b):
    return jax.lax.dot_general(a, b, (((1,), (0,)), ((), ())),
                               preferred_element_type=jnp.float32)


def _row_spec(f):
    return pl.BlockSpec((_R, f), lambda i: (i, 0))


def _res_spec(shape):
    return pl.BlockSpec(shape, lambda i: (0, 0))


def _blk_rowmask(n_true):
    i = pl.program_id(0)
    ri = i * _R + jax.lax.broadcasted_iota(jnp.int32, (_R, 1), 0)
    return (ri < n_true).astype(jnp.float32)


def _stat_row(s):
    return jnp.concatenate(
        [s.reshape(1, -1), jnp.zeros((7, s.shape[-1]), jnp.float32)], axis=0)


def _acc_stat(ref, s):
    st = _stat_row(s)

    @pl.when(pl.program_id(0) == 0)
    def _init():
        ref[...] = st

    @pl.when(pl.program_id(0) != 0)
    def _acc():
        ref[...] = ref[...] + st



from jax import lax
from jax.experimental.pallas import tpu as pltpu
from jax.experimental.pallas import tpu_sc as plsc

_K = 128
_KT = 32


def _sc_segsum(slices, rowi, coli, zeros, np_):
    nsl = len(slices)
    E = rowi.shape[0]
    npt = E // 16
    nfull = npt // _K
    ntail = (npt - nfull * _K) // _KT
    rpt = np_ // 16
    mesh = plsc.VectorSubcoreMesh(core_axis_name="c", subcore_axis_name="s")

    @functools.partial(
        pl.kernel, mesh=mesh,
        out_type=[jax.ShapeDtypeStruct((np_, 128), jnp.float32)] * nsl,
        scratch_types=[
            pltpu.VMEM_SHARED((np_, 128), jnp.float32),
            pltpu.VMEM((_K,), jnp.int32),
            pltpu.VMEM((_K,), jnp.int32),
            pltpu.VMEM((_K, 128), jnp.float32),
            pltpu.VMEM((_KT,), jnp.int32),
            pltpu.VMEM((_KT,), jnp.int32),
            pltpu.VMEM((_KT, 128), jnp.float32),
            pltpu.SemaphoreType.DMA,
        ],
    )
    def k(*refs):
        ins = refs[:nsl]
        row_ref = refs[nsl]
        col_ref = refs[nsl + 1]
        zero_ref = refs[nsl + 2]
        outs = refs[nsl + 3:nsl + 3 + nsl]
        acc, ridx, cidx, rows, ridx2, cidx2, rows2, sem = refs[nsl + 3 + nsl:]
        c = lax.axis_index("c")
        s = lax.axis_index("s")
        for j in range(nsl):
            owner = j % 2

            @pl.when(c == owner)
            def _(j=j):
                pltpu.sync_copy(zero_ref.at[pl.ds(s * rpt, rpt)],
                                acc.at[pl.ds(s * rpt, rpt)])
                plsc.subcore_barrier()
                base = s * npt

                def chunk(i, carry):
                    eb = base + i * _K
                    pltpu.sync_copy(row_ref.at[pl.ds(eb, _K)], ridx)
                    pltpu.sync_copy(col_ref.at[pl.ds(eb, _K)], cidx)
                    pltpu.async_copy(ins[j].at[ridx], rows, sem).wait()
                    pltpu.sync_copy(rows, acc.at[cidx], add=True)
                    return carry

                lax.fori_loop(0, nfull, chunk, 0)

                def tailchunk(i, carry):
                    eb = base + nfull * _K + i * _KT
                    pltpu.sync_copy(row_ref.at[pl.ds(eb, _KT)], ridx2)
                    pltpu.sync_copy(col_ref.at[pl.ds(eb, _KT)], cidx2)
                    pltpu.async_copy(ins[j].at[ridx2], rows2, sem).wait()
                    pltpu.sync_copy(rows2, acc.at[cidx2], add=True)
                    return carry

                lax.fori_loop(0, ntail, tailchunk, 0)
                plsc.subcore_barrier()
                pltpu.sync_copy(acc.at[pl.ds(s * rpt, rpt)],
                                outs[j].at[pl.ds(s * rpt, rpt)])

    return k(*slices, rowi, coli, zeros)




def _mlpA_body(n_true, first, *refs):
    if first:
        (w_ref, p_ref, eps_ref, w1_ref, b1_ref, w2_ref, b2_ref,
         a2_ref, mask_ref, st_ref) = refs
        h = w_ref[:, 0:1]
        maskp = w_ref[:, 1:2]
        agg = p_ref[:, 0:1]
        aggm = p_ref[:, 1:2]
    else:
        (s0, s1, s2, s3, s4, p0, p1, p2, p3, pm, eps_ref, w1_ref, b1_ref,
         w2_ref, b2_ref, a2_ref, mask_ref, st_ref) = refs
        h = jnp.concatenate([s0[...], s1[...], s2[...], s3[...]], axis=1)
        maskp = s4[:, 0:1]
        agg = jnp.concatenate([p0[...], p1[...], p2[...], p3[...]], axis=1)
        aggm = pm[:, 0:1]
    rm = _blk_rowmask(n_true)
    z = (1.0 + eps_ref[0, 0]) * h + agg
    if first:
        a1 = jnp.maximum(z * w1_ref[0:1, :] + b1_ref[0:1, :], 0.0)
    else:
        a1 = jnp.maximum(_dot(z, w1_ref[...]) + b1_ref[0:1, :], 0.0)
    a2 = jnp.maximum(_dot(a1, w2_ref[...]) + b2_ref[0:1, :], 0.0)
    a2_ref[...] = a2
    mask = jnp.maximum(maskp, (aggm > 0.0).astype(jnp.float32))
    mask_ref[...] = jnp.broadcast_to(mask, mask_ref.shape)
    _acc_stat(st_ref, jnp.sum(a2 * rm, axis=0))



def _var_body(n_true, x_ref, sum_ref, out_ref):
    rm = _blk_rowmask(n_true)
    mean = sum_ref[0:1, :] * (1.0 / float(n_true))
    d = (x_ref[...] - mean) * rm
    _acc_stat(out_ref, jnp.sum(d * d, axis=0))


def _var_call(n, x, st):
    np_ = x.shape[0]
    return pl.pallas_call(
        functools.partial(_var_body, n),
        grid=(np_ // _R,),
        in_specs=[_row_spec(_H), _res_spec((8, _H))],
        out_specs=_res_spec((8, _H)),
        out_shape=jax.ShapeDtypeStruct((8, _H), jnp.float32),
    )(x, st)


def _bn(x, sum_ref, sq_ref, g, b, n_true):
    inv_n = 1.0 / float(n_true)
    mean = sum_ref[0:1, :] * inv_n
    var = sq_ref[0:1, :] * inv_n
    return (x - mean) / jnp.sqrt(var + 1e-5) * g + b



def _mlpB_body(n_true, first, *refs):
    if first:
        (a2_ref, mask_ref, s1_ref, q1_ref, g_ref, b_ref,
         v_ref, st2_ref) = refs
    else:
        (a2_ref, s0, s1, s2, s3, mask_ref, s1_ref, q1_ref, g_ref, b_ref,
         v_ref, st2_ref) = refs
    rm = _blk_rowmask(n_true)
    l = _leaky(_bn(a2_ref[...], s1_ref, q1_ref, g_ref[0:1, :],
                   b_ref[0:1, :], n_true))
    if not first:
        h = jnp.concatenate([s0[...], s1[...], s2[...], s3[...]], axis=1)
        l = h + l
    mask = mask_ref[:, 0:1]
    v = l * mask / math.sqrt(float(n_true))
    v_ref[...] = v
    _acc_stat(st2_ref, jnp.sum(v * rm, axis=0))



def _mlpC_body(n_true, v_ref, mask_ref, s2_ref, q2_ref, g_ref, b_ref,
               o0_ref, o1_ref, o2_ref, o3_ref, o4_ref):
    hn = _bn(v_ref[...], s2_ref, q2_ref, g_ref[0:1, :], b_ref[0:1, :],
             n_true)
    o0_ref[...] = hn[:, 0:128]
    o1_ref[...] = hn[:, 128:256]
    o2_ref[...] = hn[:, 256:384]
    o3_ref[...] = hn[:, 384:512]
    o4_ref[...] = jnp.concatenate(
        [mask_ref[:, 0:1], jnp.zeros((_R, 127), jnp.float32)], axis=1)



def _headA_body(n_true, s0, s1, s2, s3, s4, b_ref, l1w_ref, l1b_ref,
                l2w_ref, l2b_ref, hf_ref, gst_ref):
    h = jnp.concatenate([s0[...], s1[...], s2[...], s3[...]], axis=1)
    mask = s4[:, 0:1]
    a1 = _leaky(_dot(h, l1w_ref[...]) + l1b_ref[0:1, :]) * mask
    a2 = _leaky(_dot(a1, l2w_ref[...]) + l2b_ref[0:1, :])
    hf = a2[:, 0:1] * mask
    hf_ref[...] = jnp.broadcast_to(hf, hf_ref.shape)
    gid = jax.lax.broadcasted_iota(jnp.int32, (1, 128), 1)
    onehot = b_ref[...] == gid
    hb = jnp.broadcast_to(hf, (_R, 128))
    gmax = jnp.max(jnp.where(onehot, hb, -jnp.inf), axis=0, keepdims=True)
    gmin = jnp.min(jnp.where(onehot, hb, jnp.inf), axis=0, keepdims=True)

    @pl.when(pl.program_id(0) == 0)
    def _init():
        gst_ref[...] = jnp.concatenate(
            [gmax, gmin, jnp.zeros((6, 128), jnp.float32)], axis=0)

    @pl.when(pl.program_id(0) != 0)
    def _acc():
        gst_ref[...] = jnp.concatenate(
            [jnp.maximum(gst_ref[0:1, :], gmax),
             jnp.minimum(gst_ref[1:2, :], gmin),
             jnp.zeros((6, 128), jnp.float32)], axis=0)



def _headB_body(hf_ref, b_ref, gst_ref, o_ref):
    hf = hf_ref[:, 0:1]
    gid = jax.lax.broadcasted_iota(jnp.int32, (1, 128), 1)
    onehot = b_ref[...] == gid
    bmax = jnp.sum(jnp.where(onehot, gst_ref[0:1, :], 0.0), axis=1,
                   keepdims=True)
    bmin = jnp.sum(jnp.where(onehot, gst_ref[1:2, :], 0.0), axis=1,
                   keepdims=True)
    o_ref[...] = (hf - bmin) / (bmax + 1e-6 - bmin)


def _gin_layer(n, np_, W, P, p, bn_g, bn_b, first):
    grid = (np_ // _R,)
    eps = p['eps'].reshape(1, 1)
    w1 = p['w1'][0].reshape(1, -1) if first else p['w1']
    b1 = p['b1'].reshape(1, -1)
    b2 = p['b2'].reshape(1, -1)
    cg = p['bn_g'].reshape(1, -1)
    cb = p['bn_b'].reshape(1, -1)
    g2 = bn_g.reshape(1, -1)
    b2n = bn_b.reshape(1, -1)
    ws = (W,) if first else tuple(W)
    ps = (P,) if first else tuple(P)
    nw = len(ws)

    a2, maskb, s1 = pl.pallas_call(
        functools.partial(_mlpA_body, n, first),
        grid=grid,
        in_specs=(
            [_row_spec(128)] * (2 * nw)
            + [_res_spec((1, 1)), _res_spec(w1.shape), _res_spec((1, _H)),
               _res_spec((_H, _H)), _res_spec((1, _H))]),
        out_specs=[_row_spec(_H), _row_spec(128), _res_spec((8, _H))],
        out_shape=[
            jax.ShapeDtypeStruct((np_, _H), jnp.float32),
            jax.ShapeDtypeStruct((np_, 128), jnp.float32),
            jax.ShapeDtypeStruct((8, _H), jnp.float32),
        ],
    )(*ws, *ps, eps, w1, b1, p['w2'], b2)

    q1 = _var_call(n, a2, s1)

    hs = () if first else ws[:4]
    v, s2 = pl.pallas_call(
        functools.partial(_mlpB_body, n, first),
        grid=grid,
        in_specs=(
            [_row_spec(_H)] + [_row_spec(128)] * len(hs) + [_row_spec(128)]
            + [_res_spec((8, _H)), _res_spec((8, _H)),
               _res_spec((1, _H)), _res_spec((1, _H))]),
        out_specs=[_row_spec(_H), _res_spec((8, _H))],
        out_shape=[
            jax.ShapeDtypeStruct((np_, _H), jnp.float32),
            jax.ShapeDtypeStruct((8, _H), jnp.float32),
        ],
    )(a2, *hs, maskb, s1, q1, cg, cb)

    q2 = _var_call(n, v, s2)

    return pl.pallas_call(
        functools.partial(_mlpC_body, n),
        grid=grid,
        in_specs=[
            _row_spec(_H), _row_spec(128), _res_spec((8, _H)),
            _res_spec((8, _H)), _res_spec((1, _H)), _res_spec((1, _H)),
        ],
        out_specs=[_row_spec(128)] * 5,
        out_shape=[jax.ShapeDtypeStruct((np_, 128), jnp.float32)] * 5,
    )(v, maskb, s2, q2, g2, b2n)


def kernel(x, edge_index, batch, params):
    n = x.shape[0]
    np_ = _pad_to(n, _R)
    grid = (np_ // _R,)

    rowi = edge_index[0]
    coli = edge_index[1]

    xpad = jnp.pad(x, (0, np_ - n))[:, None]
    mask0 = (jnp.abs(xpad) > 0.0).astype(jnp.float32)
    w0 = jnp.concatenate(
        [xpad, mask0, jnp.zeros((np_, 126), jnp.float32)], axis=1)
    zeros = jnp.zeros((np_, 128), jnp.float32)

    bpad = jnp.pad(batch.astype(jnp.int32), (0, np_ - n),
                   constant_values=_NG)[:, None]

    (p1,) = _sc_segsum([w0], rowi, coli, zeros, np_)
    slices = _gin_layer(n, np_, w0, p1, params['conv1'],
                        params['bn1_g'], params['bn1_b'], first=True)

    for p, bn in zip(params['convs'], params['bns']):
        pw = _sc_segsum(list(slices), rowi, coli, zeros, np_)
        slices = _gin_layer(n, np_, slices, pw, p, bn['g'], bn['b'],
                            first=False)

    hid = params['lin1_w'].shape[1]
    hidp = _pad_to(hid, 128)
    l1w = jnp.pad(params['lin1_w'], ((0, 0), (0, hidp - hid)))
    l1b = jnp.pad(params['lin1_b'], (0, hidp - hid)).reshape(1, -1)
    l2w = jnp.pad(params['lin2_w'], ((0, hidp - hid), (0, 127)))
    l2b = jnp.pad(params['lin2_b'], (0, 127)).reshape(1, -1)

    hf, gst = pl.pallas_call(
        functools.partial(_headA_body, n),
        grid=grid,
        in_specs=[
            _row_spec(128)] * 5 + [
            pl.BlockSpec((_R, 1), lambda i: (i, 0)),
            _res_spec((_H, hidp)), _res_spec((1, hidp)),
            _res_spec((hidp, 128)), _res_spec((1, 128)),
        ],
        out_specs=[_row_spec(128), _res_spec((8, 128))],
        out_shape=[
            jax.ShapeDtypeStruct((np_, 128), jnp.float32),
            jax.ShapeDtypeStruct((8, 128), jnp.float32),
        ],
    )(*slices, bpad, l1w, l1b, l2w, l2b)

    probs = pl.pallas_call(
        _headB_body,
        grid=grid,
        in_specs=[
            _row_spec(128), pl.BlockSpec((_R, 1), lambda i: (i, 0)),
            _res_spec((8, 128)),
        ],
        out_specs=pl.BlockSpec((_R, 1), lambda i: (i, 0)),
        out_shape=jax.ShapeDtypeStruct((np_, 1), jnp.float32),
    )(hf, bpad, gst)
    return probs[:n]

# --- scband reference (transcript-rebuilt; emitter-appended) ---
"""Pipeline reference for scband-vertex-mpnn-37374805410259 (READ-ONLY COPY).

The authoritative reference and input builder live on the scoring server;
editing this copy changes nothing except your own understanding.
"""

import jax, jax.numpy as jnp
import numpy as np

N = 10000
E = 320000
NG = 32
H = 512
HID1 = 64

def _lin(key, fan_in, fan_out):
    k1, k2 = jax.random.split(key)
    bound = 1.0 / np.sqrt(fan_in)
    W = jax.random.uniform(k1, (fan_in, fan_out), minval=-bound, maxval=bound, dtype=jnp.float32)
    b = jax.random.uniform(k2, (fan_out,), minval=-bound, maxval=bound, dtype=jnp.float32)
    return W, b

def _gin_params(key, din):
    k1, k2 = jax.random.split(key)
    w1, b1 = _lin(k1, din, H)
    w2, b2 = _lin(k2, H, H)
    return {'eps': jnp.zeros((), jnp.float32), 'w1': w1, 'b1': b1, 'w2': w2, 'b2': b2,
            'bn_g': jnp.ones((H,), jnp.float32), 'bn_b': jnp.zeros((H,), jnp.float32)}

def setup_inputs(seed: int = 0):
    key = jax.random.key(seed)
    ks = jax.random.split(key, 10)
    x = jax.random.uniform(ks[0], (N,), dtype=jnp.float32)
    edge_index = jax.random.randint(ks[1], (2, E), 0, N)
    batch = jnp.sort(jax.random.randint(ks[2], (N,), 0, NG))
    lin1_w, lin1_b = _lin(ks[6], H, HID1)
    lin2_w, lin2_b = _lin(ks[7], HID1, 1)
    params = {
        'conv1': _gin_params(ks[3], 1),
        'convs': [_gin_params(ks[4], H), _gin_params(ks[5], H)],
        'bn1_g': jnp.ones((H,), jnp.float32), 'bn1_b': jnp.zeros((H,), jnp.float32),
        'bns': [{'g': jnp.ones((H,), jnp.float32), 'b': jnp.zeros((H,), jnp.float32)} for _ in range(2)],
        'lin1_w': lin1_w, 'lin1_b': lin1_b, 'lin2_w': lin2_w, 'lin2_b': lin2_b,
    }
    return {'x': x, 'edge_index': edge_index, 'batch': batch, 'params': params}

def _leaky(h):
    return jnp.where(h >= 0, h, 0.01 * h)

def _batch_norm(h, g, b):
    mean = jnp.mean(h, axis=0)
    var = jnp.var(h, axis=0)
    return (h - mean) / jnp.sqrt(var + 1e-5) * g + b

def _gin(h, row, col, p):
    agg = jax.ops.segment_sum(h[row], col, num_segments=h.shape[0])
    out = (1.0 + p['eps']) * h + agg
    out = jax.nn.relu(out @ p['w1'] + p['b1'])
    out = jax.nn.relu(out @ p['w2'] + p['b2'])
    return _batch_norm(out, p['bn_g'], p['bn_b'])

def _get_mask(h, row, col, hops):
    n = h.shape[0]
    mask = (jnp.abs(h).sum(axis=-1, keepdims=True) > 0).astype(jnp.float32)
    for _ in range(hops):
        nbr = jax.ops.segment_max(mask[row], col, num_segments=n)
        nbr = jnp.maximum(nbr, 0.0)
        mask = jnp.maximum(mask, nbr)
    return mask

def _forward(x, edge_index, batch, params):
    n = x.shape[0]
    row, col = edge_index[0], edge_index[1]
    h = x[:, None]
    mask = _get_mask(h, row, col, 1)
    h = _leaky(_gin(h, row, col, params['conv1']))
    h = h * mask
    h = h / jnp.sqrt(jnp.float32(n))
    h = _batch_norm(h, params['bn1_g'], params['bn1_b'])
    for p, bn in zip(params['convs'], params['bns']):
        h = h + _leaky(_gin(h, row, col, p))
        mask = _get_mask(mask, row, col, 1)
        h = h * mask
        h = h / jnp.sqrt(jnp.float32(n))
        h = _batch_norm(h, bn['g'], bn['b'])
    h = _leaky(h @ params['lin1_w'] + params['lin1_b'])
    h = h * mask
    h = _leaky(h @ params['lin2_w'] + params['lin2_b'])
    h = h * mask
    bmax = jax.ops.segment_max(h, batch, num_segments=n)[batch]
    bmin = jax.ops.segment_min(h, batch, num_segments=n)[batch]
    probs = (h - bmin) / (bmax + 1e-6 - bmin)
    return probs

def reference(x, edge_index, batch, params):
    return _forward(x, edge_index, batch, params)

if __name__ == "__main__":
    import jax
    _d = setup_inputs()
    print(jax.jit(kernel)(*tuple(_d.values())))

</pallas_src>

<mosaic_0001>
#map = affine_map<(d0, d1) -> (0, 0)>
#map1 = affine_map<(d0, d1) -> (0)>
module attributes {stable_mosaic.version = 14 : i64} {
  func.func @k(%arg0: i32, %arg1: i32, %arg2: memref<10240x128xf32, #tpu.memory_space<hbm>>, %arg3: memref<320000xi32, #tpu.memory_space<hbm>>, %arg4: memref<320000xi32, #tpu.memory_space<hbm>>, %arg5: memref<10240x128xf32, #tpu.memory_space<hbm>>, %arg6: memref<10240x128xf32, #tpu.memory_space<hbm>>, %arg7: memref<10240x128xf32, #tpu.memory_space<vmem_shared>>, %arg8: memref<128xi32, #tpu.memory_space<vmem>>, %arg9: memref<128xi32, #tpu.memory_space<vmem>>, %arg10: memref<128x128xf32, #tpu.memory_space<vmem>>, %arg11: memref<32xi32, #tpu.memory_space<vmem>>, %arg12: memref<32xi32, #tpu.memory_space<vmem>>, %arg13: memref<32x128xf32, #tpu.memory_space<vmem>>, %arg14: memref<!tpu.dma_semaphore, #tpu.memory_space<semaphore_mem>>) attributes {dimension_semantics = [#tpu.dimension_semantics<core_parallel>, #tpu.dimension_semantics<subcore_parallel>], iteration_bounds = array<i64: 2, 16>, scalar_prefetch = 0 : i64, scratch_operands = 8 : i64, tpu.core_type = #tpu.core_type<sc_vector_subcore>, window_params = [{transform_indices = #map}, {transform_indices = #map1}, {transform_indices = #map1}, {transform_indices = #map}, {transform_indices = #map}]} {
    %eq3A = arith.constant 0 : i32
    %eq3A_0 = arith.cmpi eq, %arg0, %eq3A : i32
    %convert_element_type3A = arith.extui %eq3A_0 : i1 to i32
    %cond3A = arith.constant 0 : i32
    %cond3A_1 = arith.cmpi ne, %convert_element_type3A, %cond3A : i32
    scf.if %cond3A_1 {
      %mul3A = arith.constant 640 : i32
      %mul3A_2 = arith.muli %arg1, %mul3A : i32
      %mul3A_3 = arith.constant 640 : i32
      %mul3A_4 = arith.muli %arg1, %mul3A_3 : i32
      "tpu.region"() ({
        %run_scoped3A = tpu.sem_alloc : memref<!tpu.dma_semaphore, #tpu.memory_space<semaphore_mem>>
        %dma_start3A_28 = arith.constant 0 : i32
        %dma_start3A_29 = tpu.memref_slice %arg7[%mul3A_4, %dma_start3A_28] : memref<10240x128xf32, #tpu.memory_space<vmem_shared>> -> memref<640x128xf32, #tpu.memory_space<vmem_shared>>
        %dma_start3A_30 = arith.constant 0 : i32
        %dma_start3A_31 = tpu.memref_slice %arg5[%mul3A_2, %dma_start3A_30] : memref<10240x128xf32, #tpu.memory_space<hbm>> -> memref<640x128xf32, #tpu.memory_space<hbm>>
        tpu.enqueue_dma source(%dma_start3A_31 : memref<640x128xf32, #tpu.memory_space<hbm>>) target(%dma_start3A_29 : memref<640x128xf32, #tpu.memory_space<vmem_shared>>) target_semaphore(%run_scoped3A : memref<!tpu.dma_semaphore, #tpu.memory_space<semaphore_mem>>)
        %dma_wait3A_32 = arith.constant 0 : i32
        %dma_wait3A_33 = tpu.memref_slice %arg7[%mul3A_4, %dma_wait3A_32] : memref<10240x128xf32, #tpu.memory_space<vmem_shared>> -> memref<640x128xf32, #tpu.memory_space<vmem_shared>>
        %dma_wait3A_34 = arith.constant 0 : i32
        %dma_wait3A_35 = tpu.memref_slice %arg5[%mul3A_2, %dma_wait3A_34] : memref<10240x128xf32, #tpu.memory_space<hbm>> -> memref<640x128xf32, #tpu.memory_space<hbm>>
        tpu.wait_dma2 semaphore(%run_scoped3A : memref<!tpu.dma_semaphore, #tpu.memory_space<semaphore_mem>>) src(%dma_wait3A_35 : memref<640x128xf32, #tpu.memory_space<hbm>>) dst(%dma_wait3A_33 : memref<640x128xf32, #tpu.memory_space<vmem_shared>>)
        tpu.yield
      }) : () -> ()
      %barrier3A = arith.constant 0 : index
      tpu.barrier barrier_id(%barrier3A)
      %mul3A_5 = arith.constant 20000 : i32
      %mul3A_6 = arith.muli %arg1, %mul3A_5 : i32
      %scan3A = arith.constant 0 : i32
      %scan3A_7 = arith.constant 0 : i32
      %scan3A_8 = arith.constant 156 : i32
      %scan3A_9 = arith.addi %scan3A_7, %scan3A_8 : i32
      %scan3A_10 = arith.constant 1 : i32
      scf.for %scan3A_28 = %scan3A_7 to %scan3A_9 step %scan3A_10  : i32 {
        %mul3A_29 = arith.constant 128 : i32
        %mul3A_30 = arith.muli %scan3A_28, %mul3A_29 : i32
        %add3A_31 = arith.addi %mul3A_6, %mul3A_30 : i32
        "tpu.region"() ({
          %run_scoped3A = tpu.sem_alloc : memref<!tpu.dma_semaphore, #tpu.memory_space<semaphore_mem>>
          %dma_start3A_38 = tpu.memref_slice %arg3[%add3A_31] : memref<320000xi32, #tpu.memory_space<hbm>> -> memref<128xi32, #tpu.memory_space<hbm>>
          %dma_start3A_39 = tpu.memref_slice %arg3[%add3A_31] : memref<320000xi32, #tpu.memory_space<hbm>> -> memref<128xi32, #tpu.memory_space<hbm>>
          tpu.enqueue_dma source(%dma_start3A_39 : memref<128xi32, #tpu.memory_space<hbm>>) target(%arg8 : memref<128xi32, #tpu.memory_space<vmem>>) target_semaphore(%run_scoped3A : memref<!tpu.dma_semaphore, #tpu.memory_space<semaphore_mem>>)
          %dma_wait3A_40 = tpu.memref_slice %arg3[%add3A_31] : memref<320000xi32, #tpu.memory_space<hbm>> -> memref<128xi32, #tpu.memory_space<hbm>>
          %dma_wait3A_41 = tpu.memref_slice %arg3[%add3A_31] : memref<320000xi32, #tpu.memory_space<hbm>> -> memref<128xi32, #tpu.memory_space<hbm>>
          tpu.wait_dma2 semaphore(%run_scoped3A : memref<!tpu.dma_semaphore, #tpu.memory_space<semaphore_mem>>) src(%dma_wait3A_41 : memref<128xi32, #tpu.memory_space<hbm>>) dst(%arg8 : memref<128xi32, #tpu.memory_space<vmem>>)
          tpu.yield
        }) : () -> ()
        "tpu.region"() ({
          %run_scoped3A = tpu.sem_alloc : memref<!tpu.dma_semaphore, #tpu.memory_space<semaphore_mem>>
          %dma_start3A_38 = tpu.memref_slice %arg4[%add3A_31] : memref<320000xi32, #tpu.memory_space<hbm>> -> memref<128xi32, #tpu.memory_space<hbm>>
          %dma_start3A_39 = tpu.memref_slice %arg4[%add3A_31] : memref<320000xi32, #tpu.memory_space<hbm>> -> memref<128xi32, #tpu.memory_space<hbm>>
          tpu.enqueue_dma source(%dma_start3A_39 : memref<128xi32, #tpu.memory_space<hbm>>) target(%arg9 : memref<128xi32, #tpu.memory_space<vmem>>) target_semaphore(%run_scoped3A : memref<!tpu.dma_semaphore, #tpu.memory_space<semaphore_mem>>)
          %dma_wait3A_40 = tpu.memref_slice %arg4[%add3A_31] : memref<320000xi32, #tpu.memory_space<hbm>> -> memref<128xi32, #tpu.memory_space<hbm>>
          %dma_wait3A_41 = tpu.memref_slice %arg4[%add3A_31] : memref<320000xi32, #tpu.memory_space<hbm>> -> memref<128xi32, #tpu.memory_space<hbm>>
          tpu.wait_dma2 semaphore(%run_scoped3A : memref<!tpu.dma_semaphore, #tpu.memory_space<semaphore_mem>>) src(%dma_wait3A_41 : memref<128xi32, #tpu.memory_space<hbm>>) dst(%arg9 : memref<128xi32, #tpu.memory_space<vmem>>)
          tpu.yield
        }) : () -> ()
        %dma_start3A_32 = arith.constant 0 : i32
        %dma_start3A_33 = arith.constant 0 : i32
        %dma_start3A_34 = tpu.memref_slice %arg2[%dma_start3A_32, %dma_start3A_33] : memref<10240x128xf32, #tpu.memory_space<hbm>> -> memref<10240x128xf32, #tpu.memory_space<hbm>>
        tpu.enqueue_indirect_dma source(%dma_start3A_34 : memref<10240x128xf32, #tpu.memory_space<hbm>>) target(%arg10 : memref<128x128xf32, #tpu.memory_space<vmem>>) offsets(%arg8 : memref<128xi32, #tpu.memory_space<vmem>>) semaphore(%arg14 : memref<!tpu.dma_semaphore, #tpu.memory_space<semaphore_mem>>)
        %dma_wait3A_35 = arith.constant 0 : i32
        %dma_wait3A_36 = arith.constant 0 : i32
        %dma_wait3A_37 = tpu.memref_slice %arg2[%dma_wait3A_35, %dma_wait3A_36] : memref<10240x128xf32, #tpu.memory_space<hbm>> -> memref<10240x128xf32, #tpu.memory_space<hbm>>
        tpu.wait_indirect_dma semaphore(%arg14 : memref<!tpu.dma_semaphore, #tpu.memory_space<semaphore_mem>>) src(%dma_wait3A_37 : memref<10240x128xf32, #tpu.memory_space<hbm>>) dst(%arg10 : memref<128x128xf32, #tpu.memory_space<vmem>>)
        "tpu.region"() ({
          %run_scoped3A = tpu.sem_alloc : memref<!tpu.dma_semaphore, #tpu.memory_space<semaphore_mem>>
          %dma_start3A_38 = arith.constant 0 : i32
          %dma_start3A_39 = arith.constant 0 : i32
          %dma_start3A_40 = tpu.memref_slice %arg7[%dma_start3A_38, %dma_start3A_39] : memref<10240x128xf32, #tpu.memory_space<vmem_shared>> -> memref<10240x128xf32, #tpu.memory_space<vmem_shared>>
          tpu.enqueue_indirect_dma source(%arg10 : memref<128x128xf32, #tpu.memory_space<vmem>>) target(%dma_start3A_40 : memref<10240x128xf32, #tpu.memory_space<vmem_shared>>) offsets(%arg9 : memref<128xi32, #tpu.memory_space<vmem>>) semaphore(%run_scoped3A : memref<!tpu.dma_semaphore, #tpu.memory_space<semaphore_mem>>) {add = true}
          %dma_wait3A_41 = arith.constant 0 : i32
          %dma_wait3A_42 = arith.constant 0 : i32
          %dma_wait3A_43 = tpu.memref_slice %arg7[%dma_wait3A_41, %dma_wait3A_42] : memref<10240x128xf32, #tpu.memory_space<vmem_shared>> -> memref<10240x128xf32, #tpu.memory_space<vmem_shared>>
          tpu.wait_indirect_dma semaphore(%run_scoped3A : memref<!tpu.dma_semaphore, #tpu.memory_space<semaphore_mem>>) src(%arg10 : memref<128x128xf32, #tpu.memory_space<vmem>>) dst(%dma_wait3A_43 : memref<10240x128xf32, #tpu.memory_space<vmem_shared>>)
          tpu.yield
        }) : () -> ()
      }
      %scan3A_11 = arith.constant 156 : i32
      %scan3A_12 = arith.constant 0 : i32
      %scan3A_13 = arith.constant 0 : i32
      %add3A = arith.constant 19968 : i32
      %add3A_14 = arith.addi %mul3A_6, %add3A : i32
      %mul3A_15 = arith.constant 32 : i32
      %mul3A_16 = arith.muli %scan3A_13, %mul3A_15 : i32
      %add3A_17 = arith.addi %add3A_14, %mul3A_16 : i32
      "tpu.region"() ({
        %run_scoped3A = tpu.sem_alloc : memref<!tpu.dma_semaphore, #tpu.memory_space<semaphore_mem>>
        %dma_start3A_28 = tpu.memref_slice %arg3[%add3A_17] : memref<320000xi32, #tpu.memory_space<hbm>> -> memref<32xi32, #tpu.memory_space<hbm>>
        %dma_start3A_29 = tpu.memref_slice %arg3[%add3A_17] : memref<320000xi32, #tpu.memory_space<hbm>> -> memref<32xi32, #tpu.memory_space<hbm>>
        tpu.enqueue_dma source(%dma_start3A_29 : memref<32xi32, #tpu.memory_space<hbm>>) target(%arg11 : memref<32xi32, #tpu.memory_space<vmem>>) target_semaphore(%run_scoped3A : memref<!tpu.dma_semaphore, #tpu.memory_space<semaphore_mem>>)
        %dma_wait3A_30 = tpu.memref_slice %arg3[%add3A_17] : memref<320000xi32, #tpu.memory_space<hbm>> -> memref<32xi32, #tpu.memory_space<hbm>>
        %dma_wait3A_31 = tpu.memref_slice %arg3[%add3A_17] : memref<320000xi32, #tpu.memory_space<hbm>> -> memref<32xi32, #tpu.memory_space<hbm>>
        tpu.wait_dma2 semaphore(%run_scoped3A : memref<!tpu.dma_semaphore, #tpu.memory_space<semaphore_mem>>) src(%dma_wait3A_31 : memref<32xi32, #tpu.memory_space<hbm>>) dst(%arg11 : memref<32xi32, #tpu.memory_space<vmem>>)
        tpu.yield
      }) : () -> ()
      "tpu.region"() ({
        %run_scoped3A = tpu.sem_alloc : memref<!tpu.dma_semaphore, #tpu.memory_space<semaphore_mem>>
        %dma_start3A_28 = tpu.memref_slice %arg4[%add3A_17] : memref<320000xi32, #tpu.memory_space<hbm>> -> memref<32xi32, #tpu.memory_space<hbm>>
        %dma_start3A_29 = tpu.memref_slice %arg4[%add3A_17] : memref<320000xi32, #tpu.memory_space<hbm>> -> memref<32xi32, #tpu.memory_space<hbm>>
        tpu.enqueue_dma source(%dma_start3A_29 : memref<32xi32, #tpu.memory_space<hbm>>) target(%arg12 : memref<32xi32, #tpu.memory_space<vmem>>) target_semaphore(%run_scoped3A : memref<!tpu.dma_semaphore, #tpu.memory_space<semaphore_mem>>)
        %dma_wait3A_30 = tpu.memref_slice %arg4[%add3A_17] : memref<320000xi32, #tpu.memory_space<hbm>> -> memref<32xi32, #tpu.memory_space<hbm>>
        %dma_wait3A_31 = tpu.memref_slice %arg4[%add3A_17] : memref<320000xi32, #tpu.memory_space<hbm>> -> memref<32xi32, #tpu.memory_space<hbm>>
        tpu.wait_dma2 semaphore(%run_scoped3A : memref<!tpu.dma_semaphore, #tpu.memory_space<semaphore_mem>>) src(%dma_wait3A_31 : memref<32xi32, #tpu.memory_space<hbm>>) dst(%arg12 : memref<32xi32, #tpu.memory_space<vmem>>)
        tpu.yield
      }) : () -> ()
      %dma_start3A = arith.constant 0 : i32
      %dma_start3A_18 = arith.constant 0 : i32
      %dma_start3A_19 = tpu.memref_slice %arg2[%dma_start3A, %dma_start3A_18] : memref<10240x128xf32, #tpu.memory_space<hbm>> -> memref<10240x128xf32, #tpu.memory_space<hbm>>
      tpu.enqueue_indirect_dma source(%dma_start3A_19 : memref<10240x128xf32, #tpu.memory_space<hbm>>) target(%arg13 : memref<32x128xf32, #tpu.memory_space<vmem>>) offsets(%arg11 : memref<32xi32, #tpu.memory_space<vmem>>) semaphore(%arg14 : memref<!tpu.dma_semaphore, #tpu.memory_space<semaphore_mem>>)
      %dma_wait3A = arith.constant 0 : i32
      %dma_wait3A_20 = arith.constant 0 : i32
      %dma_wait3A_21 = tpu.memref_slice %arg2[%dma_wait3A, %dma_wait3A_20] : memref<10240x128xf32, #tpu.memory_space<hbm>> -> memref<10240x128xf32, #tpu.memory_space<hbm>>
      tpu.wait_indirect_dma semaphore(%arg14 : memref<!tpu.dma_semaphore, #tpu.memory_space<semaphore_mem>>) src(%dma_wait3A_21 : memref<10240x128xf32, #tpu.memory_space<hbm>>) dst(%arg13 : memref<32x128xf32, #tpu.memory_space<vmem>>)
      "tpu.region"() ({
        %run_scoped3A = tpu.sem_alloc : memref<!tpu.dma_semaphore, #tpu.memory_space<semaphore_mem>>
        %dma_start3A_28 = arith.constant 0 : i32
        %dma_start3A_29 = arith.constant 0 : i32
        %dma_start3A_30 = tpu.memref_slice %arg7[%dma_start3A_28, %dma_start3A_29] : memref<10240x128xf32, #tpu.memory_space<vmem_shared>> -> memref<10240x128xf32, #tpu.memory_space<vmem_shared>>
        tpu.enqueue_indirect_dma source(%arg13 : memref<32x128xf32, #tpu.memory_space<vmem>>) target(%dma_start3A_30 : memref<10240x128xf32, #tpu.memory_space<vmem_shared>>) offsets(%arg12 : memref<32xi32, #tpu.memory_space<vmem>>) semaphore(%run_scoped3A : memref<!tpu.dma_semaphore, #tpu.memory_space<semaphore_mem>>) {add = true}
        %dma_wait3A_31 = arith.constant 0 : i32
        %dma_wait3A_32 = arith.constant 0 : i32
        %dma_wait3A_33 = tpu.memref_slice %arg7[%dma_wait3A_31, %dma_wait3A_32] : memref<10240x128xf32, #tpu.memory_space<vmem_shared>> -> memref<10240x128xf32, #tpu.memory_space<vmem_shared>>
        tpu.wait_indirect_dma semaphore(%run_scoped3A : memref<!tpu.dma_semaphore, #tpu.memory_space<semaphore_mem>>) src(%arg13 : memref<32x128xf32, #tpu.memory_space<vmem>>) dst(%dma_wait3A_33 : memref<10240x128xf32, #tpu.memory_space<vmem_shared>>)
        tpu.yield
      }) : () -> ()
      %scan3A_22 = arith.constant 1 : i32
      %barrier3A_23 = arith.constant 0 : index
      tpu.barrier barrier_id(%barrier3A_23)
      %mul3A_24 = arith.constant 640 : i32
      %mul3A_25 = arith.muli %arg1, %mul3A_24 : i32
      %mul3A_26 = arith.constant 640 : i32
      %mul3A_27 = arith.muli %arg1, %mul3A_26 : i32
      "tpu.region"() ({
        %run_scoped3A = tpu.sem_alloc : memref<!tpu.dma_semaphore, #tpu.memory_space<semaphore_mem>>
        %dma_start3A_28 = arith.constant 0 : i32
        %dma_start3A_29 = tpu.memref_slice %arg6[%mul3A_27, %dma_start3A_28] : memref<10240x128xf32, #tpu.memory_space<hbm>> -> memref<640x128xf32, #tpu.memory_space<hbm>>
        %dma_start3A_30 = arith.constant 0 : i32
        %dma_start3A_31 = tpu.memref_slice %arg7[%mul3A_25, %dma_start3A_30] : memref<10240x128xf32, #tpu.memory_space<vmem_shared>> -> memref<640x128xf32, #tpu.memory_space<vmem_shared>>
        tpu.enqueue_dma source(%dma_start3A_31 : memref<640x128xf32, #tpu.memory_space<vmem_shared>>) target(%dma_start3A_29 : memref<640x128xf32, #tpu.memory_space<hbm>>) target_semaphore(%run_scoped3A : memref<!tpu.dma_semaphore, #tpu.memory_space<semaphore_mem>>)
        %dma_wait3A_32 = arith.constant 0 : i32
        %dma_wait3A_33 = tpu.memref_slice %arg6[%mul3A_27, %dma_wait3A_32] : memref<10240x128xf32, #tpu.memory_space<hbm>> -> memref<640x128xf32, #tpu.memory_space<hbm>>
        %dma_wait3A_34 = arith.constant 0 : i32
        %dma_wait3A_35 = tpu.memref_slice %arg7[%mul3A_25, %dma_wait3A_34] : memref<10240x128xf32, #tpu.memory_space<vmem_shared>> -> memref<640x128xf32, #tpu.memory_space<vmem_shared>>
        tpu.wait_dma2 semaphore(%run_scoped3A : memref<!tpu.dma_semaphore, #tpu.memory_space<semaphore_mem>>) src(%dma_wait3A_35 : memref<640x128xf32, #tpu.memory_space<vmem_shared>>) dst(%dma_wait3A_33 : memref<640x128xf32, #tpu.memory_space<hbm>>)
        tpu.yield
      }) : () -> ()
    } else {
    }
    return
  }
}

#map = affine_map<(d0, d1) -> (0, 0)>
#map1 = affine_map<(d0, d1) -> (0)>
module attributes {stable_mosaic.version = 14 : i64} {
  func.func @k(%arg0: i32, %arg1: i32, %arg2: memref<10240x128xf32, #tpu.memory_space<hbm>>, %arg3: memref<10240x128xf32, #tpu.memory_space<hbm>>, %arg4: memref<10240x128xf32, #tpu.memory_space<hbm>>, %arg5: memref<10240x128xf32, #tpu.memory_space<hbm>>, %arg6: memref<10240x128xf32, #tpu.memory_space<hbm>>, %arg7: memref<320000xi32, #tpu.memory_space<hbm>>, %arg8: memref<320000xi32, #tpu.memory_space<hbm>>, %arg9: memref<10240x128xf32, #tpu.memory_space<hbm>>, %arg10: memref<10240x128xf32, #tpu.memory_space<hbm>>, %arg11: memref<10240x128xf32, #tpu.memory_space<hbm>>, %arg12: memref<10240x128xf32, #tpu.memory_space<hbm>>, %arg13: memref<10240x128xf32, #tpu.memory_space<hbm>>, %arg14: memref<10240x128xf32, #tpu.memory_space<hbm>>, %arg15: memref<10240x128xf32, #tpu.memory_space<vmem_shared>>, %arg16: memref<128xi32, #tpu.memory_space<vmem>>, %arg17: memref<128xi32, #tpu.memory_space<vmem>>, %arg18: memref<128x128xf32, #tpu.memory_space<vmem>>, %arg19: memref<32xi32, #tpu.memory_space<vmem>>, %arg20: memref<32xi32, #tpu.memory_space<vmem>>, %arg21: memref<32x128xf32, #tpu.memory_space<vmem>>, %arg22: memref<!tpu.dma_semaphore, #tpu.memory_space<semaphore_mem>>) attributes {dimension_semantics = [#tpu.dimension_semantics<core_parallel>, #tpu.dimension_semantics<subcore_parallel>], iteration_bounds = array<i64: 2, 16>, scalar_prefetch = 0 : i64, scratch_operands = 8 : i64, tpu.core_type = #tpu.core_type<sc_vector_subcore>, window_params = [{transform_indices = #map}, {transform_indices = #map}, {transform_indices = #map}, {transform_indices = #map}, {transform_indices = #map}, {transform_indices = #map1}, {transform_indices = #map1}, {transform_indices = #map}, {transform_indices = #map}, {transform_indices = #map}, {transform_indices = #map}, {transform_indices = #map}, {transform_indices = #map}]} {
    %eq3A = arith.constant 0 : i32
    %eq3A_0 = arith.cmpi eq, %arg0, %eq3A : i32
    %convert_element_type3A = arith.extui %eq3A_0 : i1 to i32
    %cond3A = arith.constant 0 : i32
    %cond3A_1 = arith.cmpi ne, %convert_element_type3A, %cond3A : i32
    scf.if %cond3A_1 {
      %mul3A = arith.constant 640 : i32
      %mul3A_22 = arith.muli %arg1, %mul3A : i32
      %mul3A_23 = arith.constant 640 : i32
      %mul3A_24 = arith.muli %arg1, %mul3A_23 : i32
      "tpu.region"() ({
        %run_scoped3A = tpu.sem_alloc : memref<!tpu.dma_semaphore, #tpu.memory_space<semaphore_mem>>
        %dma_start3A_48 = arith.constant 0 : i32
        %dma_start3A_49 = tpu.memref_slice %arg15[%mul3A_24, %dma_start3A_48] : memref<10240x128xf32, #tpu.memory_space<vmem_shared>> -> memref<640x128xf32, #tpu.memory_space<vmem_shared>>
        %dma_start3A_50 = arith.constant 0 : i32
        %dma_start3A_51 = tpu.memref_slice %arg9[%mul3A_22, %dma_start3A_50] : memref<10240x128xf32, #tpu.memory_space<hbm>> -> memref<640x128xf32, #tpu.memory_space<hbm>>
        tpu.enqueue_dma source(%dma_start3A_51 : memref<640x128xf32, #tpu.memory_space<hbm>>) target(%dma_start3A_49 : memref<640x128xf32, #tpu.memory_space<vmem_shared>>) target_semaphore(%run_scoped3A : memref<!tpu.dma_semaphore, #tpu.memory_space<semaphore_mem>>)
        %dma_wait3A_52 = arith.constant 0 : i32
        %dma_wait3A_53 = tpu.memref_slice %arg15[%mul3A_24, %dma_wait3A_52] : memref<10240x128xf32, #tpu.memory_space<vmem_shared>> -> memref<640x128xf32, #tpu.memory_space<vmem_shared>>
        %dma_wait3A_54 = arith.constant 0 : i32
        %dma_wait3A_55 = tpu.memref_slice %arg9[%mul3A_22, %dma_wait3A_54] : memref<10240x128xf32, #tpu.memory_space<hbm>> -> memref<640x128xf32, #tpu.memory_space<hbm>>
        tpu.wait_dma2 semaphore(%run_scoped3A : memref<!tpu.dma_semaphore, #tpu.memory_space<semaphore_mem>>) src(%dma_wait3A_55 : memref<640x128xf32, #tpu.memory_space<hbm>>) dst(%dma_wait3A_53 : memref<640x128xf32, #tpu.memory_space<vmem_shared>>)
        tpu.yield
      }) : () -> ()
      %barrier3A = arith.constant 0 : index
      tpu.barrier barrier_id(%barrier3A)
      %mul3A_25 = arith.constant 20000 : i32
      %mul3A_26 = arith.muli %arg1, %mul3A_25 : i32
      %scan3A = arith.constant 0 : i32
      %scan3A_27 = arith.constant 0 : i32
      %scan3A_28 = arith.constant 156 : i32
      %scan3A_29 = arith.addi %scan3A_27, %scan3A_28 : i32
      %scan3A_30 = arith.constant 1 : i32
      scf.for %scan3A_48 = %scan3A_27 to %scan3A_29 step %scan3A_30  : i32 {
        %mul3A_49 = arith.constant 128 : i32
        %mul3A_50 = arith.muli %scan3A_48, %mul3A_49 : i32
        %add3A_51 = arith.addi %mul3A_26, %mul3A_50 : i32
        "tpu.region"() ({
          %run_scoped3A = tpu.sem_alloc : memref<!tpu.dma_semaphore, #tpu.memory_space<semaphore_mem>>
          %dma_start3A_58 = tpu.memref_slice %arg7[%add3A_51] : memref<320000xi32, #tpu.memory_space<hbm>> -> memref<128xi32, #tpu.memory_space<hbm>>
          %dma_start3A_59 = tpu.memref_slice %arg7[%add3A_51] : memref<320000xi32, #tpu.memory_space<hbm>> -> memref<128xi32, #tpu.memory_space<hbm>>
          tpu.enqueue_dma source(%dma_start3A_59 : memref<128xi32, #tpu.memory_space<hbm>>) target(%arg16 : memref<128xi32, #tpu.memory_space<vmem>>) target_semaphore(%run_scoped3A : memref<!tpu.dma_semaphore, #tpu.memory_space<semaphore_mem>>)
          %dma_wait3A_60 = tpu.memref_slice %arg7[%add3A_51] : memref<320000xi32, #tpu.memory_space<hbm>> -> memref<128xi32, #tpu.memory_space<hbm>>
          %dma_wait3A_61 = tpu.memref_slice %arg7[%add3A_51] : memref<320000xi32, #tpu.memory_space<hbm>> -> memref<128xi32, #tpu.memory_space<hbm>>
          tpu.wait_dma2 semaphore(%run_scoped3A : memref<!tpu.dma_semaphore, #tpu.memory_space<semaphore_mem>>) src(%dma_wait3A_61 : memref<128xi32, #tpu.memory_space<hbm>>) dst(%arg16 : memref<128xi32, #tpu.memory_space<vmem>>)
          tpu.yield
        }) : () -> ()
        "tpu.region"() ({
          %run_scoped3A = tpu.sem_alloc : memref<!tpu.dma_semaphore, #tpu.memory_space<semaphore_mem>>
          %dma_start3A_58 = tpu.memref_slice %arg8[%add3A_51] : memref<320000xi32, #tpu.memory_space<hbm>> -> memref<128xi32, #tpu.memory_space<hbm>>
          %dma_start3A_59 = tpu.memref_slice %arg8[%add3A_51] : memref<320000xi32, #tpu.memory_space<hbm>> -> memref<128xi32, #tpu.memory_space<hbm>>
          tpu.enqueue_dma source(%dma_start3A_59 : memref<128xi32, #tpu.memory_space<hbm>>) target(%arg17 : memref<128xi32, #tpu.memory_space<vmem>>) target_semaphore(%run_scoped3A : memref<!tpu.dma_semaphore, #tpu.memory_space<semaphore_mem>>)
          %dma_wait3A_60 = tpu.memref_slice %arg8[%add3A_51] : memref<320000xi32, #tpu.memory_space<hbm>> -> memref<128xi32, #tpu.memory_space<hbm>>
          %dma_wait3A_61 = tpu.memref_slice %arg8[%add3A_51] : memref<320000xi32, #tpu.memory_space<hbm>> -> memref<128xi32, #tpu.memory_space<hbm>>
          tpu.wait_dma2 semaphore(%run_scoped3A : memref<!tpu.dma_semaphore, #tpu.memory_space<semaphore_mem>>) src(%dma_wait3A_61 : memref<128xi32, #tpu.memory_space<hbm>>) dst(%arg17 : memref<128xi32, #tpu.memory_space<vmem>>)
          tpu.yield
        }) : () -> ()
        %dma_start3A_52 = arith.constant 0 : i32
        %dma_start3A_53 = arith.constant 0 : i32
        %dma_start3A_54 = tpu.memref_slice %arg2[%dma_start3A_52, %dma_start3A_53] : memref<10240x128xf32, #tpu.memory_space<hbm>> -> memref<10240x128xf32, #tpu.memory_space<hbm>>
        tpu.enqueue_indirect_dma source(%dma_start3A_54 : memref<10240x128xf32, #tpu.memory_space<hbm>>) target(%arg18 : memref<128x128xf32, #tpu.memory_space<vmem>>) offsets(%arg16 : memref<128xi32, #tpu.memory_space<vmem>>) semaphore(%arg22 : memref<!tpu.dma_semaphore, #tpu.memory_space<semaphore_mem>>)
        %dma_wait3A_55 = arith.constant 0 : i32
        %dma_wait3A_56 = arith.constant 0 : i32
        %dma_wait3A_57 = tpu.memref_slice %arg2[%dma_wait3A_55, %dma_wait3A_56] : memref<10240x128xf32, #tpu.memory_space<hbm>> -> memref<10240x128xf32, #tpu.memory_space<hbm>>
        tpu.wait_indirect_dma semaphore(%arg22 : memref<!tpu.dma_semaphore, #tpu.memory_space<semaphore_mem>>) src(%dma_wait3A_57 : memref<10240x128xf32, #tpu.memory_space<hbm>>) dst(%arg18 : memref<128x128xf32, #tpu.memory_space<vmem>>)
        "tpu.region"() ({
          %run_scoped3A = tpu.sem_alloc : memref<!tpu.dma_semaphore, #tpu.memory_space<semaphore_mem>>
          %dma_start3A_58 = arith.constant 0 : i32
          %dma_start3A_59 = arith.constant 0 : i32
          %dma_start3A_60 = tpu.memref_slice %arg15[%dma_start3A_58, %dma_start3A_59] : memref<10240x128xf32, #tpu.memory_space<vmem_shared>> -> memref<10240x128xf32, #tpu.memory_space<vmem_shared>>
          tpu.enqueue_indirect_dma source(%arg18 : memref<128x128xf32, #tpu.memory_space<vmem>>) target(%dma_start3A_60 : memref<10240x128xf32, #tpu.memory_space<vmem_shared>>) offsets(%arg17 : memref<128xi32, #tpu.memory_space<vmem>>) semaphore(%run_scoped3A : memref<!tpu.dma_semaphore, #tpu.memory_space<semaphore_mem>>) {add = true}
          %dma_wait3A_61 = arith.constant 0 : i32
          %dma_wait3A_62 = arith.constant 0 : i32
          %dma_wait3A_63 = tpu.memref_slice %arg15[%dma_wait3A_61, %dma_wait3A_62] : memref<10240x128xf32, #tpu.memory_space<vmem_shared>> -> memref<10240x128xf32, #tpu.memory_space<vmem_shared>>
          tpu.wait_indirect_dma semaphore(%run_scoped3A : memref<!tpu.dma_semaphore, #tpu.memory_space<semaphore_mem>>) src(%arg18 : memref<128x128xf32, #tpu.memory_space<vmem>>) dst(%dma_wait3A_63 : memref<10240x128xf32, #tpu.memory_space<vmem_shared>>)
          tpu.yield
        }) : () -> ()
      }
      %scan3A_31 = arith.constant 156 : i32
      %scan3A_32 = arith.constant 0 : i32
      %scan3A_33 = arith.constant 0 : i32
      %add3A = arith.constant 19968 : i32
      %add3A_34 = arith.addi %mul3A_26, %add3A : i32
      %mul3A_35 = arith.constant 32 : i32
      %mul3A_36 = arith.muli %scan3A_33, %mul3A_35 : i32
      %add3A_37 = arith.addi %add3A_34, %mul3A_36 : i32
      "tpu.region"() ({
        %run_scoped3A = tpu.sem_alloc : memref<!tpu.dma_semaphore, #tpu.memory_space<semaphore_mem>>
        %dma_start3A_48 = tpu.memref_slice %arg7[%add3A_37] : memref<320000xi32, #tpu.memory_space<hbm>> -> memref<32xi32, #tpu.memory_space<hbm>>
        %dma_start3A_49 = tpu.memref_slice %arg7[%add3A_37] : memref<320000xi32, #tpu.memory_space<hbm>> -> memref<32xi32, #tpu.memory_space<hbm>>
        tpu.enqueue_dma source(%dma_start3A_49 : memref<32xi32, #tpu.memory_space<hbm>>) target(%arg19 : memref<32xi32, #tpu.memory_space<vmem>>) target_semaphore(%run_scoped3A : memref<!tpu.dma_semaphore, #tpu.memory_space<semaphore_mem>>)
        %dma_wait3A_50 = tpu.memref_slice %arg7[%add3A_37] : memref<320000xi32, #tpu.memory_space<hbm>> -> memref<32xi32, #tpu.memory_space<hbm>>
        %dma_wait3A_51 = tpu.memref_slice %arg7[%add3A_37] : memref<320000xi32, #tpu.memory_space<hbm>> -> memref<32xi32, #tpu.memory_space<hbm>>
        tpu.wait_dma2 semaphore(%run_scoped3A : memref<!tpu.dma_semaphore, #tpu.memory_space<semaphore_mem>>) src(%dma_wait3A_51 : memref<32xi32, #tpu.memory_space<hbm>>) dst(%arg19 : memref<32xi32, #tpu.memory_space<vmem>>)
        tpu.yield
      }) : () -> ()
      "tpu.region"() ({
        %run_scoped3A = tpu.sem_alloc : memref<!tpu.dma_semaphore, #tpu.memory_space<semaphore_mem>>
        %dma_start3A_48 = tpu.memref_slice %arg8[%add3A_37] : memref<320000xi32, #tpu.memory_space<hbm>> -> memref<32xi32, #tpu.memory_space<hbm>>
        %dma_start3A_49 = tpu.memref_slice %arg8[%add3A_37] : memref<320000xi32, #tpu.memory_space<hbm>> -> memref<32xi32, #tpu.memory_space<hbm>>
        tpu.enqueue_dma source(%dma_start3A_49 : memref<32xi32, #tpu.memory_space<hbm>>) target(%arg20 : memref<32xi32, #tpu.memory_space<vmem>>) target_semaphore(%run_scoped3A : memref<!tpu.dma_semaphore, #tpu.memory_space<semaphore_mem>>)
        %dma_wait3A_50 = tpu.memref_slice %arg8[%add3A_37] : memref<320000xi32, #tpu.memory_space<hbm>> -> memref<32xi32, #tpu.memory_space<hbm>>
        %dma_wait3A_51 = tpu.memref_slice %arg8[%add3A_37] : memref<320000xi32, #tpu.memory_space<hbm>> -> memref<32xi32, #tpu.memory_space<hbm>>
        tpu.wait_dma2 semaphore(%run_scoped3A : memref<!tpu.dma_semaphore, #tpu.memory_space<semaphore_mem>>) src(%dma_wait3A_51 : memref<32xi32, #tpu.memory_space<hbm>>) dst(%arg20 : memref<32xi32, #tpu.memory_space<vmem>>)
        tpu.yield
      }) : () -> ()
      %dma_start3A = arith.constant 0 : i32
      %dma_start3A_38 = arith.constant 0 : i32
      %dma_start3A_39 = tpu.memref_slice %arg2[%dma_start3A, %dma_start3A_38] : memref<10240x128xf32, #tpu.memory_space<hbm>> -> memref<10240x128xf32, #tpu.memory_space<hbm>>
      tpu.enqueue_indirect_dma source(%dma_start3A_39 : memref<10240x128xf32, #tpu.memory_space<hbm>>) target(%arg21 : memref<32x128xf32, #tpu.memory_space<vmem>>) offsets(%arg19 : memref<32xi32, #tpu.memory_space<vmem>>) semaphore(%arg22 : memref<!tpu.dma_semaphore, #tpu.memory_space<semaphore_mem>>)
      %dma_wait3A = arith.constant 0 : i32
      %dma_wait3A_40 = arith.constant 0 : i32
      %dma_wait3A_41 = tpu.memref_slice %arg2[%dma_wait3A, %dma_wait3A_40] : memref<10240x128xf32, #tpu.memory_space<hbm>> -> memref<10240x128xf32, #tpu.memory_space<hbm>>
      tpu.wait_indirect_dma semaphore(%arg22 : memref<!tpu.dma_semaphore, #tpu.memory_space<semaphore_mem>>) src(%dma_wait3A_41 : memref<10240x128xf32, #tpu.memory_space<hbm>>) dst(%arg21 : memref<32x128xf32, #tpu.memory_space<vmem>>)
      "tpu.region"() ({
        %run_scoped3A = tpu.sem_alloc : memref<!tpu.dma_semaphore, #tpu.memory_space<semaphore_mem>>
        %dma_start3A_48 = arith.constant 0 : i32
        %dma_start3A_49 = arith.constant 0 : i32
        %dma_start3A_50 = tpu.memref_slice %arg15[%dma_start3A_48, %dma_start3A_49] : memref<10240x128xf32, #tpu.memory_space<vmem_shared>> -> memref<10240x128xf32, #tpu.memory_space<vmem_shared>>
        tpu.enqueue_indirect_dma source(%arg21 : memref<32x128xf32, #tpu.memory_space<vmem>>) target(%dma_start3A_50 : memref<10240x128xf32, #tpu.memory_space<vmem_shared>>) offsets(%arg20 : memref<32xi32, #tpu.memory_space<vmem>>) semaphore(%run_scoped3A : memref<!tpu.dma_semaphore, #tpu.memory_space<semaphore_mem>>) {add = true}
        %dma_wait3A_51 = arith.constant 0 : i32
        %dma_wait3A_52 = arith.constant 0 : i32
        %dma_wait3A_53 = tpu.memref_slice %arg15[%dma_wait3A_51, %dma_wait3A_52] : memref<10240x128xf32, #tpu.memory_space<vmem_shared>> -> memref<10240x128xf32, #tpu.memory_space<vmem_shared>>
        tpu.wait_indirect_dma semaphore(%run_scoped3A : memref<!tpu.dma_semaphore, #tpu.memory_space<semaphore_mem>>) src(%arg21 : memref<32x128xf32, #tpu.memory_space<vmem>>) dst(%dma_wait3A_53 : memref<10240x128xf32, #tpu.memory_space<vmem_shared>>)
        tpu.yield
      }) : () -> ()
      %scan3A_42 = arith.constant 1 : i32
      %barrier3A_43 = arith.constant 0 : index
      tpu.barrier barrier_id(%barrier3A_43)
      %mul3A_44 = arith.constant 640 : i32
      %mul3A_45 = arith.muli %arg1, %mul3A_44 : i32
      %mul3A_46 = arith.constant 640 : i32
      %mul3A_47 = arith.muli %arg1, %mul3A_46 : i32
      "tpu.region"() ({
        %run_scoped3A = tpu.sem_alloc : memref<!tpu.dma_semaphore, #tpu.memory_space<semaphore_mem>>
        %dma_start3A_48 = arith.constant 0 : i32
        %dma_start3A_49 = tpu.memref_slice %arg10[%mul3A_47, %dma_start3A_48] : memref<10240x128xf32, #tpu.memory_space<hbm>> -> memref<640x128xf32, #tpu.memory_space<hbm>>
        %dma_start3A_50 = arith.constant 0 : i32
        %dma_start3A_51 = tpu.memref_slice %arg15[%mul3A_45, %dma_start3A_50] : memref<10240x128xf32, #tpu.memory_space<vmem_shared>> -> memref<640x128xf32, #tpu.memory_space<vmem_shared>>
        tpu.enqueue_dma source(%dma_start3A_51 : memref<640x128xf32, #tpu.memory_space<vmem_shared>>) target(%dma_start3A_49 : memref<640x128xf32, #tpu.memory_space<hbm>>) target_semaphore(%run_scoped3A : memref<!tpu.dma_semaphore, #tpu.memory_space<semaphore_mem>>)
        %dma_wait3A_52 = arith.constant 0 : i32
        %dma_wait3A_53 = tpu.memref_slice %arg10[%mul3A_47, %dma_wait3A_52] : memref<10240x128xf32, #tpu.memory_space<hbm>> -> memref<640x128xf32, #tpu.memory_space<hbm>>
        %dma_wait3A_54 = arith.constant 0 : i32
        %dma_wait3A_55 = tpu.memref_slice %arg15[%mul3A_45, %dma_wait3A_54] : memref<10240x128xf32, #tpu.memory_space<vmem_shared>> -> memref<640x128xf32, #tpu.memory_space<vmem_shared>>
        tpu.wait_dma2 semaphore(%run_scoped3A : memref<!tpu.dma_semaphore, #tpu.memory_space<semaphore_mem>>) src(%dma_wait3A_55 : memref<640x128xf32, #tpu.memory_space<vmem_shared>>) dst(%dma_wait3A_53 : memref<640x128xf32, #tpu.memory_space<hbm>>)
        tpu.yield
      }) : () -> ()
    } else {
    }
    %eq3A_2 = arith.constant 1 : i32
    %eq3A_3 = arith.cmpi eq, %arg0, %eq3A_2 : i32
    %convert_element_type3A_4 = arith.extui %eq3A_3 : i1 to i32
    %cond3A_5 = arith.constant 0 : i32
    %cond3A_6 = arith.cmpi ne, %convert_element_type3A_4, %cond3A_5 : i32
    scf.if %cond3A_6 {
      %mul3A = arith.constant 640 : i32
      %mul3A_22 = arith.muli %arg1, %mul3A : i32
      %mul3A_23 = arith.constant 640 : i32
      %mul3A_24 = arith.muli %arg1, %mul3A_23 : i32
      "tpu.region"() ({
        %run_scoped3A = tpu.sem_alloc : memref<!tpu.dma_semaphore, #tpu.memory_space<semaphore_mem>>
        %dma_start3A_48 = arith.constant 0 : i32
        %dma_start3A_49 = tpu.memref_slice %arg15[%mul3A_24, %dma_start3A_48] : memref<10240x128xf32, #tpu.memory_space<vmem_shared>> -> memref<640x128xf32, #tpu.memory_space<vmem_shared>>
        %dma_start3A_50 = arith.constant 0 : i32
        %dma_start3A_51 = tpu.memref_slice %arg9[%mul3A_22, %dma_start3A_50] : memref<10240x128xf32, #tpu.memory_space<hbm>> -> memref<640x128xf32, #tpu.memory_space<hbm>>
        tpu.enqueue_dma source(%dma_start3A_51 : memref<640x128xf32, #tpu.memory_space<hbm>>) target(%dma_start3A_49 : memref<640x128xf32, #tpu.memory_space<vmem_shared>>) target_semaphore(%run_scoped3A : memref<!tpu.dma_semaphore, #tpu.memory_space<semaphore_mem>>)
        %dma_wait3A_52 = arith.constant 0 : i32
        %dma_wait3A_53 = tpu.memref_slice %arg15[%mul3A_24, %dma_wait3A_52] : memref<10240x128xf32, #tpu.memory_space<vmem_shared>> -> memref<640x128xf32, #tpu.memory_space<vmem_shared>>
        %dma_wait3A_54 = arith.constant 0 : i32
        %dma_wait3A_55 = tpu.memref_slice %arg9[%mul3A_22, %dma_wait3A_54] : memref<10240x128xf32, #tpu.memory_space<hbm>> -> memref<640x128xf32, #tpu.memory_space<hbm>>
        tpu.wait_dma2 semaphore(%run_scoped3A : memref<!tpu.dma_semaphore, #tpu.memory_space<semaphore_mem>>) src(%dma_wait3A_55 : memref<640x128xf32, #tpu.memory_space<hbm>>) dst(%dma_wait3A_53 : memref<640x128xf32, #tpu.memory_space<vmem_shared>>)
        tpu.yield
      }) : () -> ()
      %barrier3A = arith.constant 0 : index
      tpu.barrier barrier_id(%barrier3A)
      %mul3A_25 = arith.constant 20000 : i32
      %mul3A_26 = arith.muli %arg1, %mul3A_25 : i32
      %scan3A = arith.constant 0 : i32
      %scan3A_27 = arith.constant 0 : i32
      %scan3A_28 = arith.constant 156 : i32
      %scan3A_29 = arith.addi %scan3A_27, %scan3A_28 : i32
      %scan3A_30 = arith.constant 1 : i32
      scf.for %scan3A_48 = %scan3A_27 to %scan3A_29 step %scan3A_30  : i32 {
        %mul3A_49 = arith.constant 128 : i32
        %mul3A_50 = arith.muli %scan3A_48, %mul3A_49 : i32
        %add3A_51 = arith.addi %mul3A_26, %mul3A_50 : i32
        "tpu.region"() ({
          %run_scoped3A = tpu.sem_alloc : memref<!tpu.dma_semaphore, #tpu.memory_space<semaphore_mem>>
          %dma_start3A_58 = tpu.memref_slice %arg7[%add3A_51] : memref<320000xi32, #tpu.memory_space<hbm>> -> memref<128xi32, #tpu.memory_space<hbm>>
          %dma_start3A_59 = tpu.memref_slice %arg7[%add3A_51] : memref<320000xi32, #tpu.memory_space<hbm>> -> memref<128xi32, #tpu.memory_space<hbm>>
          tpu.enqueue_dma source(%dma_start3A_59 : memref<128xi32, #tpu.memory_space<hbm>>) target(%arg16 : memref<128xi32, #tpu.memory_space<vmem>>) target_semaphore(%run_scoped3A : memref<!tpu.dma_semaphore, #tpu.memory_space<semaphore_mem>>)
          %dma_wait3A_60 = tpu.memref_slice %arg7[%add3A_51] : memref<320000xi32, #tpu.memory_space<hbm>> -> memref<128xi32, #tpu.memory_space<hbm>>
          %dma_wait3A_61 = tpu.memref_slice %arg7[%add3A_51] : memref<320000xi32, #tpu.memory_space<hbm>> -> memref<128xi32, #tpu.memory_space<hbm>>
          tpu.wait_dma2 semaphore(%run_scoped3A : memref<!tpu.dma_semaphore, #tpu.memory_space<semaphore_mem>>) src(%dma_wait3A_61 : memref<128xi32, #tpu.memory_space<hbm>>) dst(%arg16 : memref<128xi32, #tpu.memory_space<vmem>>)
          tpu.yield
        }) : () -> ()
        "tpu.region"() ({
          %run_scoped3A = tpu.sem_alloc : memref<!tpu.dma_semaphore, #tpu.memory_space<semaphore_mem>>
          %dma_start3A_58 = tpu.memref_slice %arg8[%add3A_51] : memref<320000xi32, #tpu.memory_space<hbm>> -> memref<128xi32, #tpu.memory_space<hbm>>
          %dma_start3A_59 = tpu.memref_slice %arg8[%add3A_51] : memref<320000xi32, #tpu.memory_space<hbm>> -> memref<128xi32, #tpu.memory_space<hbm>>
          tpu.enqueue_dma source(%dma_start3A_59 : memref<128xi32, #tpu.memory_space<hbm>>) target(%arg17 : memref<128xi32, #tpu.memory_space<vmem>>) target_semaphore(%run_scoped3A : memref<!tpu.dma_semaphore, #tpu.memory_space<semaphore_mem>>)
          %dma_wait3A_60 = tpu.memref_slice %arg8[%add3A_51] : memref<320000xi32, #tpu.memory_space<hbm>> -> memref<128xi32, #tpu.memory_space<hbm>>
          %dma_wait3A_61 = tpu.memref_slice %arg8[%add3A_51] : memref<320000xi32, #tpu.memory_space<hbm>> -> memref<128xi32, #tpu.memory_space<hbm>>
          tpu.wait_dma2 semaphore(%run_scoped3A : memref<!tpu.dma_semaphore, #tpu.memory_space<semaphore_mem>>) src(%dma_wait3A_61 : memref<128xi32, #tpu.memory_space<hbm>>) dst(%arg17 : memref<128xi32, #tpu.memory_space<vmem>>)
          tpu.yield
        }) : () -> ()
        %dma_start3A_52 = arith.constant 0 : i32
        %dma_start3A_53 = arith.constant 0 : i32
        %dma_start3A_54 = tpu.memref_slice %arg3[%dma_start3A_52, %dma_start3A_53] : memref<10240x128xf32, #tpu.memory_space<hbm>> -> memref<10240x128xf32, #tpu.memory_space<hbm>>
        tpu.enqueue_indirect_dma source(%dma_start3A_54 : memref<10240x128xf32, #tpu.memory_space<hbm>>) target(%arg18 : memref<128x128xf32, #tpu.memory_space<vmem>>) offsets(%arg16 : memref<128xi32, #tpu.memory_space<vmem>>) semaphore(%arg22 : memref<!tpu.dma_semaphore, #tpu.memory_space<semaphore_mem>>)
        %dma_wait3A_55 = arith.constant 0 : i32
        %dma_wait3A_56 = arith.constant 0 : i32
        %dma_wait3A_57 = tpu.memref_slice %arg3[%dma_wait3A_55, %dma_wait3A_56] : memref<10240x128xf32, #tpu.memory_space<hbm>> -> memref<10240x128xf32, #tpu.memory_space<hbm>>
        tpu.wait_indirect_dma semaphore(%arg22 : memref<!tpu.dma_semaphore, #tpu.memory_space<semaphore_mem>>) src(%dma_wait3A_57 : memref<10240x128xf32, #tpu.memory_space<hbm>>) dst(%arg18 : memref<128x128xf32, #tpu.memory_space<vmem>>)
        "tpu.region"() ({
          %run_scoped3A = tpu.sem_alloc : memref<!tpu.dma_semaphore, #tpu.memory_space<semaphore_mem>>
          %dma_start3A_58 = arith.constant 0 : i32
          %dma_start3A_59 = arith.constant 0 : i32
          %dma_start3A_60 = tpu.memref_slice %arg15[%dma_start3A_58, %dma_start3A_59] : memref<10240x128xf32, #tpu.memory_space<vmem_shared>> -> memref<10240x128xf32, #tpu.memory_space<vmem_shared>>
          tpu.enqueue_indirect_dma source(%arg18 : memref<128x128xf32, #tpu.memory_space<vmem>>) target(%dma_start3A_60 : memref<10240x128xf32, #tpu.memory_space<vmem_shared>>) offsets(%arg17 : memref<128xi32, #tpu.memory_space<vmem>>) semaphore(%run_scoped3A : memref<!tpu.dma_semaphore, #tpu.memory_space<semaphore_mem>>) {add = true}
          %dma_wait3A_61 = arith.constant 0 : i32
          %dma_wait3A_62 = arith.constant 0 : i32
          %dma_wait3A_63 = tpu.memref_slice %arg15[%dma_wait3A_61, %dma_wait3A_62] : memref<10240x128xf32, #tpu.memory_space<vmem_shared>> -> memref<10240x128xf32, #tpu.memory_space<vmem_shared>>
          tpu.wait_indirect_dma semaphore(%run_scoped3A : memref<!tpu.dma_semaphore, #tpu.memory_space<semaphore_mem>>) src(%arg18 : memref<128x128xf32, #tpu.memory_space<vmem>>) dst(%dma_wait3A_63 : memref<10240x128xf32, #tpu.memory_space<vmem_shared>>)
          tpu.yield
        }) : () -> ()
      }
      %scan3A_31 = arith.constant 156 : i32
      %scan3A_32 = arith.constant 0 : i32
      %scan3A_33 = arith.constant 0 : i32
      %add3A = arith.constant 19968 : i32
      %add3A_34 = arith.addi %mul3A_26, %add3A : i32
      %mul3A_35 = arith.constant 32 : i32
      %mul3A_36 = arith.muli %scan3A_33, %mul3A_35 : i32
      %add3A_37 = arith.addi %add3A_34, %mul3A_36 : i32
      "tpu.region"() ({
        %run_scoped3A = tpu.sem_alloc : memref<!tpu.dma_semaphore, #tpu.memory_space<semaphore_mem>>
        %dma_start3A_48 = tpu.memref_slice %arg7[%add3A_37] : memref<320000xi32, #tpu.memory_space<hbm>> -> memref<32xi32, #tpu.memory_space<hbm>>
        %dma_start3A_49 = tpu.memref_slice %arg7[%add3A_37] : memref<320000xi32, #tpu.memory_space<hbm>> -> memref<32xi32, #tpu.memory_space<hbm>>
        tpu.enqueue_dma source(%dma_start3A_49 : memref<32xi32, #tpu.memory_space<hbm>>) target(%arg19 : memref<32xi32, #tpu.memory_space<vmem>>) target_semaphore(%run_scoped3A : memref<!tpu.dma_semaphore, #tpu.memory_space<semaphore_mem>>)
        %dma_wait3A_50 = tpu.memref_slice %arg7[%add3A_37] : memref<320000xi32, #tpu.memory_space<hbm>> -> memref<32xi32, #tpu.memory_space<hbm>>
        %dma_wait3A_51 = tpu.memref_slice %arg7[%add3A_37] : memref<320000xi32, #tpu.memory_space<hbm>> -> memref<32xi32, #tpu.memory_space<hbm>>
        tpu.wait_dma2 semaphore(%run_scoped3A : memref<!tpu.dma_semaphore, #tpu.memory_space<semaphore_mem>>) src(%dma_wait3A_51 : memref<32xi32, #tpu.memory_space<hbm>>) dst(%arg19 : memref<32xi32, #tpu.memory_space<vmem>>)
        tpu.yield
      }) : () -> ()
      "tpu.region"() ({
        %run_scoped3A = tpu.sem_alloc : memref<!tpu.dma_semaphore, #tpu.memory_space<semaphore_mem>>
        %dma_start3A_48 = tpu.memref_slice %arg8[%add3A_37] : memref<320000xi32, #tpu.memory_space<hbm>> -> memref<32xi32, #tpu.memory_space<hbm>>
        %dma_start3A_49 = tpu.memref_slice %arg8[%add3A_37] : memref<320000xi32, #tpu.memory_space<hbm>> -> memref<32xi32, #tpu.memory_space<hbm>>
        tpu.enqueue_dma source(%dma_start3A_49 : memref<32xi32, #tpu.memory_space<hbm>>) target(%arg20 : memref<32xi32, #tpu.memory_space<vmem>>) target_semaphore(%run_scoped3A : memref<!tpu.dma_semaphore, #tpu.memory_space<semaphore_mem>>)
        %dma_wait3A_50 = tpu.memref_slice %arg8[%add3A_37] : memref<320000xi32, #tpu.memory_space<hbm>> -> memref<32xi32, #tpu.memory_space<hbm>>
        %dma_wait3A_51 = tpu.memref_slice %arg8[%add3A_37] : memref<320000xi32, #tpu.memory_space<hbm>> -> memref<32xi32, #tpu.memory_space<hbm>>
        tpu.wait_dma2 semaphore(%run_scoped3A : memref<!tpu.dma_semaphore, #tpu.memory_space<semaphore_mem>>) src(%dma_wait3A_51 : memref<32xi32, #tpu.memory_space<hbm>>) dst(%arg20 : memref<32xi32, #tpu.memory_space<vmem>>)
        tpu.yield
      }) : () -> ()
      %dma_start3A = arith.constant 0 : i32
      %dma_start3A_38 = arith.constant 0 : i32
      %dma_start3A_39 = tpu.memref_slice %arg3[%dma_start3A, %dma_start3A_38] : memref<10240x128xf32, #tpu.memory_space<hbm>> -> memref<10240x128xf32, #tpu.memory_space<hbm>>
      tpu.enqueue_indirect_dma source(%dma_start3A_39 : memref<10240x128xf32, #tpu.memory_space<hbm>>) target(%arg21 : memref<32x128xf32, #tpu.memory_space<vmem>>) offsets(%arg19 : memref<32xi32, #tpu.memory_space<vmem>>) semaphore(%arg22 : memref<!tpu.dma_semaphore, #tpu.memory_space<semaphore_mem>>)
      %dma_wait3A = arith.constant 0 : i32
      %dma_wait3A_40 = arith.constant 0 : i32
      %dma_wait3A_41 = tpu.memref_slice %arg3[%dma_wait3A, %dma_wait3A_40] : memref<10240x128xf32, #tpu.memory_space<hbm>> -> memref<10240x128xf32, #tpu.memory_space<hbm>>
      tpu.wait_indirect_dma semaphore(%arg22 : memref<!tpu.dma_semaphore, #tpu.memory_space<semaphore_mem>>) src(%dma_wait3A_41 : memref<10240x128xf32, #tpu.memory_space<hbm>>) dst(%arg21 : memref<32x128xf32, #tpu.memory_space<vmem>>)
      "tpu.region"() ({
        %run_scoped3A = tpu.sem_alloc : memref<!tpu.dma_semaphore, #tpu.memory_space<semaphore_mem>>
        %dma_start3A_48 = arith.constant 0 : i32
        %dma_start3A_49 = arith.constant 0 : i32
        %dma_start3A_50 = tpu.memref_slice %arg15[%dma_start3A_48, %dma_start3A_49] : memref<10240x128xf32, #tpu.memory_space<vmem_shared>> -> memref<10240x128xf32, #tpu.memory_space<vmem_shared>>
        tpu.enqueue_indirect_dma source(%arg21 : memref<32x128xf32, #tpu.memory_space<vmem>>) target(%dma_start3A_50 : memref<10240x128xf32, #tpu.memory_space<vmem_shared>>) offsets(%arg20 : memref<32xi32, #tpu.memory_space<vmem>>) semaphore(%run_scoped3A : memref<!tpu.dma_semaphore, #tpu.memory_space<semaphore_mem>>) {add = true}
        %dma_wait3A_51 = arith.constant 0 : i32
        %dma_wait3A_52 = arith.constant 0 : i32
        %dma_wait3A_53 = tpu.memref_slice %arg15[%dma_wait3A_51, %dma_wait3A_52] : memref<10240x128xf32, #tpu.memory_space<vmem_shared>> -> memref<10240x128xf32, #tpu.memory_space<vmem_shared>>
        tpu.wait_indirect_dma semaphore(%run_scoped3A : memref<!tpu.dma_semaphore, #tpu.memory_space<semaphore_mem>>) src(%arg21 : memref<32x128xf32, #tpu.memory_space<vmem>>) dst(%dma_wait3A_53 : memref<10240x128xf32, #tpu.memory_space<vmem_shared>>)
        tpu.yield
      }) : () -> ()
      %scan3A_42 = arith.constant 1 : i32
      %barrier3A_43 = arith.constant 0 : index
      tpu.barrier barrier_id(%barrier3A_43)
      %mul3A_44 = arith.constant 640 : i32
      %mul3A_45 = arith.muli %arg1, %mul3A_44 : i32
      %mul3A_46 = arith.constant 640 : i32
      %mul3A_47 = arith.muli %arg1, %mul3A_46 : i32
      "tpu.region"() ({
        %run_scoped3A = tpu.sem_alloc : memref<!tpu.dma_semaphore, #tpu.memory_space<semaphore_mem>>
        %dma_start3A_48 = arith.constant 0 : i32
        %dma_start3A_49 = tpu.memref_slice %arg11[%mul3A_47, %dma_start3A_48] : memref<10240x128xf32, #tpu.memory_space<hbm>> -> memref<640x128xf32, #tpu.memory_space<hbm>>
        %dma_start3A_50 = arith.constant 0 : i32
        %dma_start3A_51 = tpu.memref_slice %arg15[%mul3A_45, %dma_start3A_50] : memref<10240x128xf32, #tpu.memory_space<vmem_shared>> -> memref<640x128xf32, #tpu.memory_space<vmem_shared>>
        tpu.enqueue_dma source(%dma_start3A_51 : memref<640x128xf32, #tpu.memory_space<vmem_shared>>) target(%dma_start3A_49 : memref<640x128xf32, #tpu.memory_space<hbm>>) target_semaphore(%run_scoped3A : memref<!tpu.dma_semaphore, #tpu.memory_space<semaphore_mem>>)
        %dma_wait3A_52 = arith.constant 0 : i32
        %dma_wait3A_53 = tpu.memref_slice %arg11[%mul3A_47, %dma_wait3A_52] : memref<10240x128xf32, #tpu.memory_space<hbm>> -> memref<640x128xf32, #tpu.memory_space<hbm>>
        %dma_wait3A_54 = arith.constant 0 : i32
        %dma_wait3A_55 = tpu.memref_slice %arg15[%mul3A_45, %dma_wait3A_54] : memref<10240x128xf32, #tpu.memory_space<vmem_shared>> -> memref<640x128xf32, #tpu.memory_space<vmem_shared>>
        tpu.wait_dma2 semaphore(%run_scoped3A : memref<!tpu.dma_semaphore, #tpu.memory_space<semaphore_mem>>) src(%dma_wait3A_55 : memref<640x128xf32, #tpu.memory_space<vmem_shared>>) dst(%dma_wait3A_53 : memref<640x128xf32, #tpu.memory_space<hbm>>)
        tpu.yield
      }) : () -> ()
    } else {
    }
    %eq3A_7 = arith.constant 0 : i32
    %eq3A_8 = arith.cmpi eq, %arg0, %eq3A_7 : i32
    %convert_element_type3A_9 = arith.extui %eq3A_8 : i1 to i32
    %cond3A_10 = arith.constant 0 : i32
    %cond3A_11 = arith.cmpi ne, %convert_element_type3A_9, %cond3A_10 : i32
    scf.if %cond3A_11 {
      %mul3A = arith.constant 640 : i32
      %mul3A_22 = arith.muli %arg1, %mul3A : i32
      %mul3A_23 = arith.constant 640 : i32
      %mul3A_24 = arith.muli %arg1, %mul3A_23 : i32
      "tpu.region"() ({
        %run_scoped3A = tpu.sem_alloc : memref<!tpu.dma_semaphore, #tpu.memory_space<semaphore_mem>>
        %dma_start3A_48 = arith.constant 0 : i32
        %dma_start3A_49 = tpu.memref_slice %arg15[%mul3A_24, %dma_start3A_48] : memref<10240x128xf32, #tpu.memory_space<vmem_shared>> -> memref<640x128xf32, #tpu.memory_space<vmem_shared>>
        %dma_start3A_50 = arith.constant 0 : i32
        %dma_start3A_51 = tpu.memref_slice %arg9[%mul3A_22, %dma_start3A_50] : memref<10240x128xf32, #tpu.memory_space<hbm>> -> memref<640x128xf32, #tpu.memory_space<hbm>>
        tpu.enqueue_dma source(%dma_start3A_51 : memref<640x128xf32, #tpu.memory_space<hbm>>) target(%dma_start3A_49 : memref<640x128xf32, #tpu.memory_space<vmem_shared>>) target_semaphore(%run_scoped3A : memref<!tpu.dma_semaphore, #tpu.memory_space<semaphore_mem>>)
        %dma_wait3A_52 = arith.constant 0 : i32
        %dma_wait3A_53 = tpu.memref_slice %arg15[%mul3A_24, %dma_wait3A_52] : memref<10240x128xf32, #tpu.memory_space<vmem_shared>> -> memref<640x128xf32, #tpu.memory_space<vmem_shared>>
        %dma_wait3A_54 = arith.constant 0 : i32
        %dma_wait3A_55 = tpu.memref_slice %arg9[%mul3A_22, %dma_wait3A_54] : memref<10240x128xf32, #tpu.memory_space<hbm>> -> memref<640x128xf32, #tpu.memory_space<hbm>>
        tpu.wait_dma2 semaphore(%run_scoped3A : memref<!tpu.dma_semaphore, #tpu.memory_space<semaphore_mem>>) src(%dma_wait3A_55 : memref<640x128xf32, #tpu.memory_space<hbm>>) dst(%dma_wait3A_53 : memref<640x128xf32, #tpu.memory_space<vmem_shared>>)
        tpu.yield
      }) : () -> ()
      %barrier3A = arith.constant 0 : index
      tpu.barrier barrier_id(%barrier3A)
      %mul3A_25 = arith.constant 20000 : i32
      %mul3A_26 = arith.muli %arg1, %mul3A_25 : i32
      %scan3A = arith.constant 0 : i32
      %scan3A_27 = arith.constant 0 : i32
      %scan3A_28 = arith.constant 156 : i32
      %scan3A_29 = arith.addi %scan3A_27, %scan3A_28 : i32
      %scan3A_30 = arith.constant 1 : i32
      scf.for %scan3A_48 = %scan3A_27 to %scan3A_29 step %scan3A_30  : i32 {
        %mul3A_49 = arith.constant 128 : i32
        %mul3A_50 = arith.muli %scan3A_48, %mul3A_49 : i32
        %add3A_51 = arith.addi %mul3A_26, %mul3A_50 : i32
        "tpu.region"() ({
          %run_scoped3A = tpu.sem_alloc : memref<!tpu.dma_semaphore, #tpu.memory_space<semaphore_mem>>
          %dma_start3A_58 = tpu.memref_slice %arg7[%add3A_51] : memref<320000xi32, #tpu.memory_space<hbm>> -> memref<128xi32, #tpu.memory_space<hbm>>
          %dma_start3A_59 = tpu.memref_slice %arg7[%add3A_51] : memref<320000xi32, #tpu.memory_space<hbm>> -> memref<128xi32, #tpu.memory_space<hbm>>
          tpu.enqueue_dma source(%dma_start3A_59 : memref<128xi32, #tpu.memory_space<hbm>>) target(%arg16 : memref<128xi32, #tpu.memory_space<vmem>>) target_semaphore(%run_scoped3A : memref<!tpu.dma_semaphore, #tpu.memory_space<semaphore_mem>>)
          %dma_wait3A_60 = tpu.memref_slice %arg7[%add3A_51] : memref<320000xi32, #tpu.memory_space<hbm>> -> memref<128xi32, #tpu.memory_space<hbm>>
          %dma_wait3A_61 = tpu.memref_slice %arg7[%add3A_51] : memref<320000xi32, #tpu.memory_space<hbm>> -> memref<128xi32, #tpu.memory_space<hbm>>
          tpu.wait_dma2 semaphore(%run_scoped3A : memref<!tpu.dma_semaphore, #tpu.memory_space<semaphore_mem>>) src(%dma_wait3A_61 : memref<128xi32, #tpu.memory_space<hbm>>) dst(%arg16 : memref<128xi32, #tpu.memory_space<vmem>>)
          tpu.yield
        }) : () -> ()
        "tpu.region"() ({
          %run_scoped3A = tpu.sem_alloc : memref<!tpu.dma_semaphore, #tpu.memory_space<semaphore_mem>>
          %dma_start3A_58 = tpu.memref_slice %arg8[%add3A_51] : memref<320000xi32, #tpu.memory_space<hbm>> -> memref<128xi32, #tpu.memory_space<hbm>>
          %dma_start3A_59 = tpu.memref_slice %arg8[%add3A_51] : memref<320000xi32, #tpu.memory_space<hbm>> -> memref<128xi32, #tpu.memory_space<hbm>>
          tpu.enqueue_dma source(%dma_start3A_59 : memref<128xi32, #tpu.memory_space<hbm>>) target(%arg17 : memref<128xi32, #tpu.memory_space<vmem>>) target_semaphore(%run_scoped3A : memref<!tpu.dma_semaphore, #tpu.memory_space<semaphore_mem>>)
          %dma_wait3A_60 = tpu.memref_slice %arg8[%add3A_51] : memref<320000xi32, #tpu.memory_space<hbm>> -> memref<128xi32, #tpu.memory_space<hbm>>
          %dma_wait3A_61 = tpu.memref_slice %arg8[%add3A_51] : memref<320000xi32, #tpu.memory_space<hbm>> -> memref<128xi32, #tpu.memory_space<hbm>>
          tpu.wait_dma2 semaphore(%run_scoped3A : memref<!tpu.dma_semaphore, #tpu.memory_space<semaphore_mem>>) src(%dma_wait3A_61 : memref<128xi32, #tpu.memory_space<hbm>>) dst(%arg17 : memref<128xi32, #tpu.memory_space<vmem>>)
          tpu.yield
        }) : () -> ()
        %dma_start3A_52 = arith.constant 0 : i32
        %dma_start3A_53 = arith.constant 0 : i32
        %dma_start3A_54 = tpu.memref_slice %arg4[%dma_start3A_52, %dma_start3A_53] : memref<10240x128xf32, #tpu.memory_space<hbm>> -> memref<10240x128xf32, #tpu.memory_space<hbm>>
        tpu.enqueue_indirect_dma source(%dma_start3A_54 : memref<10240x128xf32, #tpu.memory_space<hbm>>) target(%arg18 : memref<128x128xf32, #tpu.memory_space<vmem>>) offsets(%arg16 : memref<128xi32, #tpu.memory_space<vmem>>) semaphore(%arg22 : memref<!tpu.dma_semaphore, #tpu.memory_space<semaphore_mem>>)
        %dma_wait3A_55 = arith.constant 0 : i32
        %dma_wait3A_56 = arith.constant 0 : i32
        %dma_wait3A_57 = tpu.memref_slice %arg4[%dma_wait3A_55, %dma_wait3A_56] : memref<10240x128xf32, #tpu.memory_space<hbm>> -> memref<10240x128xf32, #tpu.memory_space<hbm>>
        tpu.wait_indirect_dma semaphore(%arg22 : memref<!tpu.dma_semaphore, #tpu.memory_space<semaphore_mem>>) src(%dma_wait3A_57 : memref<10240x128xf32, #tpu.memory_space<hbm>>) dst(%arg18 : memref<128x128xf32, #tpu.memory_space<vmem>>)
        "tpu.region"() ({
          %run_scoped3A = tpu.sem_alloc : memref<!tpu.dma_semaphore, #tpu.memory_space<semaphore_mem>>
          %dma_start3A_58 = arith.constant 0 : i32
          %dma_start3A_59 = arith.constant 0 : i32
          %dma_start3A_60 = tpu.memref_slice %arg15[%dma_start3A_58, %dma_start3A_59] : memref<10240x128xf32, #tpu.memory_space<vmem_shared>> -> memref<10240x128xf32, #tpu.memory_space<vmem_shared>>
          tpu.enqueue_indirect_dma source(%arg18 : memref<128x128xf32, #tpu.memory_space<vmem>>) target(%dma_start3A_60 : memref<10240x128xf32, #tpu.memory_space<vmem_shared>>) offsets(%arg17 : memref<128xi32, #tpu.memory_space<vmem>>) semaphore(%run_scoped3A : memref<!tpu.dma_semaphore, #tpu.memory_space<semaphore_mem>>) {add = true}
          %dma_wait3A_61 = arith.constant 0 : i32
          %dma_wait3A_62 = arith.constant 0 : i32
          %dma_wait3A_63 = tpu.memref_slice %arg15[%dma_wait3A_61, %dma_wait3A_62] : memref<10240x128xf32, #tpu.memory_space<vmem_shared>> -> memref<10240x128xf32, #tpu.memory_space<vmem_shared>>
          tpu.wait_indirect_dma semaphore(%run_scoped3A : memref<!tpu.dma_semaphore, #tpu.memory_space<semaphore_mem>>) src(%arg18 : memref<128x128xf32, #tpu.memory_space<vmem>>) dst(%dma_wait3A_63 : memref<10240x128xf32, #tpu.memory_space<vmem_shared>>)
          tpu.yield
        }) : () -> ()
      }
      %scan3A_31 = arith.constant 156 : i32
      %scan3A_32 = arith.constant 0 : i32
      %scan3A_33 = arith.constant 0 : i32
      %add3A = arith.constant 19968 : i32
      %add3A_34 = arith.addi %mul3A_26, %add3A : i32
      %mul3A_35 = arith.constant 32 : i32
      %mul3A_36 = arith.muli %scan3A_33, %mul3A_35 : i32
      %add3A_37 = arith.addi %add3A_34, %mul3A_36 : i32
      "tpu.region"() ({
        %run_scoped3A = tpu.sem_alloc : memref<!tpu.dma_semaphore, #tpu.memory_space<semaphore_mem>>
        %dma_start3A_48 = tpu.memref_slice %arg7[%add3A_37] : memref<320000xi32, #tpu.memory_space<hbm>> -> memref<32xi32, #tpu.memory_space<hbm>>
        %dma_start3A_49 = tpu.memref_slice %arg7[%add3A_37] : memref<320000xi32, #tpu.memory_space<hbm>> -> memref<32xi32, #tpu.memory_space<hbm>>
        tpu.enqueue_dma source(%dma_start3A_49 : memref<32xi32, #tpu.memory_space<hbm>>) target(%arg19 : memref<32xi32, #tpu.memory_space<vmem>>) target_semaphore(%run_scoped3A : memref<!tpu.dma_semaphore, #tpu.memory_space<semaphore_mem>>)
        %dma_wait3A_50 = tpu.memref_slice %arg7[%add3A_37] : memref<320000xi32, #tpu.memory_space<hbm>> -> memref<32xi32, #tpu.memory_space<hbm>>
        %dma_wait3A_51 = tpu.memref_slice %arg7[%add3A_37] : memref<320000xi32, #tpu.memory_space<hbm>> -> memref<32xi32, #tpu.memory_space<hbm>>
        tpu.wait_dma2 semaphore(%run_scoped3A : memref<!tpu.dma_semaphore, #tpu.memory_space<semaphore_mem>>) src(%dma_wait3A_51 : memref<32xi32, #tpu.memory_space<hbm>>) dst(%arg19 : memref<32xi32, #tpu.memory_space<vmem>>)
        tpu.yield
      }) : () -> ()
      "tpu.region"() ({
        %run_scoped3A = tpu.sem_alloc : memref<!tpu.dma_semaphore, #tpu.memory_space<semaphore_mem>>
        %dma_start3A_48 = tpu.memref_slice %arg8[%add3A_37] : memref<320000xi32, #tpu.memory_space<hbm>> -> memref<32xi32, #tpu.memory_space<hbm>>
        %dma_start3A_49 = tpu.memref_slice %arg8[%add3A_37] : memref<320000xi32, #tpu.memory_space<hbm>> -> memref<32xi32, #tpu.memory_space<hbm>>
        tpu.enqueue_dma source(%dma_start3A_49 : memref<32xi32, #tpu.memory_space<hbm>>) target(%arg20 : memref<32xi32, #tpu.memory_space<vmem>>) target_semaphore(%run_scoped3A : memref<!tpu.dma_semaphore, #tpu.memory_space<semaphore_mem>>)
        %dma_wait3A_50 = tpu.memref_slice %arg8[%add3A_37] : memref<320000xi32, #tpu.memory_space<hbm>> -> memref<32xi32, #tpu.memory_space<hbm>>
        %dma_wait3A_51 = tpu.memref_slice %arg8[%add3A_37] : memref<320000xi32, #tpu.memory_space<hbm>> -> memref<32xi32, #tpu.memory_space<hbm>>
        tpu.wait_dma2 semaphore(%run_scoped3A : memref<!tpu.dma_semaphore, #tpu.memory_space<semaphore_mem>>) src(%dma_wait3A_51 : memref<32xi32, #tpu.memory_space<hbm>>) dst(%arg20 : memref<32xi32, #tpu.memory_space<vmem>>)
        tpu.yield
      }) : () -> ()
      %dma_start3A = arith.constant 0 : i32
      %dma_start3A_38 = arith.constant 0 : i32
      %dma_start3A_39 = tpu.memref_slice %arg4[%dma_start3A, %dma_start3A_38] : memref<10240x128xf32, #tpu.memory_space<hbm>> -> memref<10240x128xf32, #tpu.memory_space<hbm>>
      tpu.enqueue_indirect_dma source(%dma_start3A_39 : memref<10240x128xf32, #tpu.memory_space<hbm>>) target(%arg21 : memref<32x128xf32, #tpu.memory_space<vmem>>) offsets(%arg19 : memref<32xi32, #tpu.memory_space<vmem>>) semaphore(%arg22 : memref<!tpu.dma_semaphore, #tpu.memory_space<semaphore_mem>>)
      %dma_wait3A = arith.constant 0 : i32
      %dma_wait3A_40 = arith.constant 0 : i32
      %dma_wait3A_41 = tpu.memref_slice %arg4[%dma_wait3A, %dma_wait3A_40] : memref<10240x128xf32, #tpu.memory_space<hbm>> -> memref<10240x128xf32, #tpu.memory_space<hbm>>
      tpu.wait_indirect_dma semaphore(%arg22 : memref<!tpu.dma_semaphore, #tpu.memory_space<semaphore_mem>>) src(%dma_wait3A_41 : memref<10240x128xf32, #tpu.memory_space<hbm>>) dst(%arg21 : memref<32x128xf32, #tpu.memory_space<vmem>>)
      "tpu.region"() ({
        %run_scoped3A = tpu.sem_alloc : memref<!tpu.dma_semaphore, #tpu.memory_space<semaphore_mem>>
        %dma_start3A_48 = arith.constant 0 : i32
        %dma_start3A_49 = arith.constant 0 : i32
        %dma_start3A_50 = tpu.memref_slice %arg15[%dma_start3A_48, %dma_start3A_49] : memref<10240x128xf32, #tpu.memory_space<vmem_shared>> -> memref<10240x128xf32, #tpu.memory_space<vmem_shared>>
        tpu.enqueue_indirect_dma source(%arg21 : memref<32x128xf32, #tpu.memory_space<vmem>>) target(%dma_start3A_50 : memref<10240x128xf32, #tpu.memory_space<vmem_shared>>) offsets(%arg20 : memref<32xi32, #tpu.memory_space<vmem>>) semaphore(%run_scoped3A : memref<!tpu.dma_semaphore, #tpu.memory_space<semaphore_mem>>) {add = true}
        %dma_wait3A_51 = arith.constant 0 : i32
        %dma_wait3A_52 = arith.constant 0 : i32
        %dma_wait3A_53 = tpu.memref_slice %arg15[%dma_wait3A_51, %dma_wait3A_52] : memref<10240x128xf32, #tpu.memory_space<vmem_shared>> -> memref<10240x128xf32, #tpu.memory_space<vmem_shared>>
        tpu.wait_indirect_dma semaphore(%run_scoped3A : memref<!tpu.dma_semaphore, #tpu.memory_space<semaphore_mem>>) src(%arg21 : memref<32x128xf32, #tpu.memory_space<vmem>>) dst(%dma_wait3A_53 : memref<10240x128xf32, #tpu.memory_space<vmem_shared>>)
        tpu.yield
      }) : () -> ()
      %scan3A_42 = arith.constant 1 : i32
      %barrier3A_43 = arith.constant 0 : index
      tpu.barrier barrier_id(%barrier3A_43)
      %mul3A_44 = arith.constant 640 : i32
      %mul3A_45 = arith.muli %arg1, %mul3A_44 : i32
      %mul3A_46 = arith.constant 640 : i32
      %mul3A_47 = arith.muli %arg1, %mul3A_46 : i32
      "tpu.region"() ({
        %run_scoped3A = tpu.sem_alloc : memref<!tpu.dma_semaphore, #tpu.memory_space<semaphore_mem>>
        %dma_start3A_48 = arith.constant 0 : i32
        %dma_start3A_49 = tpu.memref_slice %arg12[%mul3A_47, %dma_start3A_48] : memref<10240x128xf32, #tpu.memory_space<hbm>> -> memref<640x128xf32, #tpu.memory_space<hbm>>
        %dma_start3A_50 = arith.constant 0 : i32
        %dma_start3A_51 = tpu.memref_slice %arg15[%mul3A_45, %dma_start3A_50] : memref<10240x128xf32, #tpu.memory_space<vmem_shared>> -> memref<640x128xf32, #tpu.memory_space<vmem_shared>>
        tpu.enqueue_dma source(%dma_start3A_51 : memref<640x128xf32, #tpu.memory_space<vmem_shared>>) target(%dma_start3A_49 : memref<640x128xf32, #tpu.memory_space<hbm>>) target_semaphore(%run_scoped3A : memref<!tpu.dma_semaphore, #tpu.memory_space<semaphore_mem>>)
        %dma_wait3A_52 = arith.constant 0 : i32
        %dma_wait3A_53 = tpu.memref_slice %arg12[%mul3A_47, %dma_wait3A_52] : memref<10240x128xf32, #tpu.memory_space<hbm>> -> memref<640x128xf32, #tpu.memory_space<hbm>>
        %dma_wait3A_54 = arith.constant 0 : i32
        %dma_wait3A_55 = tpu.memref_slice %arg15[%mul3A_45, %dma_wait3A_54] : memref<10240x128xf32, #tpu.memory_space<vmem_shared>> -> memref<640x128xf32, #tpu.memory_space<vmem_shared>>
        tpu.wait_dma2 semaphore(%run_scoped3A : memref<!tpu.dma_semaphore, #tpu.memory_space<semaphore_mem>>) src(%dma_wait3A_55 : memref<640x128xf32, #tpu.memory_space<vmem_shared>>) dst(%dma_wait3A_53 : memref<640x128xf32, #tpu.memory_space<hbm>>)
        tpu.yield
      }) : () -> ()
    } else {
    }
    %eq3A_12 = arith.constant 1 : i32
    %eq3A_13 = arith.cmpi eq, %arg0, %eq3A_12 : i32
    %convert_element_type3A_14 = arith.extui %eq3A_13 : i1 to i32
    %cond3A_15 = arith.constant 0 : i32
    %cond3A_16 = arith.cmpi ne, %convert_element_type3A_14, %cond3A_15 : i32
    scf.if %cond3A_16 {
      %mul3A = arith.constant 640 : i32
      %mul3A_22 = arith.muli %arg1, %mul3A : i32
      %mul3A_23 = arith.constant 640 : i32
      %mul3A_24 = arith.muli %arg1, %mul3A_23 : i32
      "tpu.region"() ({
        %run_scoped3A = tpu.sem_alloc : memref<!tpu.dma_semaphore, #tpu.memory_space<semaphore_mem>>
        %dma_start3A_48 = arith.constant 0 : i32
        %dma_start3A_49 = tpu.memref_slice %arg15[%mul3A_24, %dma_start3A_48] : memref<10240x128xf32, #tpu.memory_space<vmem_shared>> -> memref<640x128xf32, #tpu.memory_space<vmem_shared>>
        %dma_start3A_50 = arith.constant 0 : i32
        %dma_start3A_51 = tpu.memref_slice %arg9[%mul3A_22, %dma_start3A_50] : memref<10240x128xf32, #tpu.memory_space<hbm>> -> memref<640x128xf32, #tpu.memory_space<hbm>>
        tpu.enqueue_dma source(%dma_start3A_51 : memref<640x128xf32, #tpu.memory_space<hbm>>) target(%dma_start3A_49 : memref<640x128xf32, #tpu.memory_space<vmem_shared>>) target_semaphore(%run_scoped3A : memref<!tpu.dma_semaphore, #tpu.memory_space<semaphore_mem>>)
        %dma_wait3A_52 = arith.constant 0 : i32
        %dma_wait3A_53 = tpu.memref_slice %arg15[%mul3A_24, %dma_wait3A_52] : memref<10240x128xf32, #tpu.memory_space<vmem_shared>> -> memref<640x128xf32, #tpu.memory_space<vmem_shared>>
        %dma_wait3A_54 = arith.constant 0 : i32
        %dma_wait3A_55 = tpu.memref_slice %arg9[%mul3A_22, %dma_wait3A_54] : memref<10240x128xf32, #tpu.memory_space<hbm>> -> memref<640x128xf32, #tpu.memory_space<hbm>>
        tpu.wait_dma2 semaphore(%run_scoped3A : memref<!tpu.dma_semaphore, #tpu.memory_space<semaphore_mem>>) src(%dma_wait3A_55 : memref<640x128xf32, #tpu.memory_space<hbm>>) dst(%dma_wait3A_53 : memref<640x128xf32, #tpu.memory_space<vmem_shared>>)
        tpu.yield
      }) : () -> ()
      %barrier3A = arith.constant 0 : index
      tpu.barrier barrier_id(%barrier3A)
      %mul3A_25 = arith.constant 20000 : i32
      %mul3A_26 = arith.muli %arg1, %mul3A_25 : i32
      %scan3A = arith.constant 0 : i32
      %scan3A_27 = arith.constant 0 : i32
      %scan3A_28 = arith.constant 156 : i32
      %scan3A_29 = arith.addi %scan3A_27, %scan3A_28 : i32
      %scan3A_30 = arith.constant 1 : i32
      scf.for %scan3A_48 = %scan3A_27 to %scan3A_29 step %scan3A_30  : i32 {
        %mul3A_49 = arith.constant 128 : i32
        %mul3A_50 = arith.muli %scan3A_48, %mul3A_49 : i32
        %add3A_51 = arith.addi %mul3A_26, %mul3A_50 : i32
        "tpu.region"() ({
          %run_scoped3A = tpu.sem_alloc : memref<!tpu.dma_semaphore, #tpu.memory_space<semaphore_mem>>
          %dma_start3A_58 = tpu.memref_slice %arg7[%add3A_51] : memref<320000xi32, #tpu.memory_space<hbm>> -> memref<128xi32, #tpu.memory_space<hbm>>
          %dma_start3A_59 = tpu.memref_slice %arg7[%add3A_51] : memref<320000xi32, #tpu.memory_space<hbm>> -> memref<128xi32, #tpu.memory_space<hbm>>
          tpu.enqueue_dma source(%dma_start3A_59 : memref<128xi32, #tpu.memory_space<hbm>>) target(%arg16 : memref<128xi32, #tpu.memory_space<vmem>>) target_semaphore(%run_scoped3A : memref<!tpu.dma_semaphore, #tpu.memory_space<semaphore_mem>>)
          %dma_wait3A_60 = tpu.memref_slice %arg7[%add3A_51] : memref<320000xi32, #tpu.memory_space<hbm>> -> memref<128xi32, #tpu.memory_space<hbm>>
          %dma_wait3A_61 = tpu.memref_slice %arg7[%add3A_51] : memref<320000xi32, #tpu.memory_space<hbm>> -> memref<128xi32, #tpu.memory_space<hbm>>
          tpu.wait_dma2 semaphore(%run_scoped3A : memref<!tpu.dma_semaphore, #tpu.memory_space<semaphore_mem>>) src(%dma_wait3A_61 : memref<128xi32, #tpu.memory_space<hbm>>) dst(%arg16 : memref<128xi32, #tpu.memory_space<vmem>>)
          tpu.yield
        }) : () -> ()
        "tpu.region"() ({
          %run_scoped3A = tpu.sem_alloc : memref<!tpu.dma_semaphore, #tpu.memory_space<semaphore_mem>>
          %dma_start3A_58 = tpu.memref_slice %arg8[%add3A_51] : memref<320000xi32, #tpu.memory_space<hbm>> -> memref<128xi32, #tpu.memory_space<hbm>>
          %dma_start3A_59 = tpu.memref_slice %arg8[%add3A_51] : memref<320000xi32, #tpu.memory_space<hbm>> -> memref<128xi32, #tpu.memory_space<hbm>>
          tpu.enqueue_dma source(%dma_start3A_59 : memref<128xi32, #tpu.memory_space<hbm>>) target(%arg17 : memref<128xi32, #tpu.memory_space<vmem>>) target_semaphore(%run_scoped3A : memref<!tpu.dma_semaphore, #tpu.memory_space<semaphore_mem>>)
          %dma_wait3A_60 = tpu.memref_slice %arg8[%add3A_51] : memref<320000xi32, #tpu.memory_space<hbm>> -> memref<128xi32, #tpu.memory_space<hbm>>
          %dma_wait3A_61 = tpu.memref_slice %arg8[%add3A_51] : memref<320000xi32, #tpu.memory_space<hbm>> -> memref<128xi32, #tpu.memory_space<hbm>>
          tpu.wait_dma2 semaphore(%run_scoped3A : memref<!tpu.dma_semaphore, #tpu.memory_space<semaphore_mem>>) src(%dma_wait3A_61 : memref<128xi32, #tpu.memory_space<hbm>>) dst(%arg17 : memref<128xi32, #tpu.memory_space<vmem>>)
          tpu.yield
        }) : () -> ()
        %dma_start3A_52 = arith.constant 0 : i32
        %dma_start3A_53 = arith.constant 0 : i32
        %dma_start3A_54 = tpu.memref_slice %arg5[%dma_start3A_52, %dma_start3A_53] : memref<10240x128xf32, #tpu.memory_space<hbm>> -> memref<10240x128xf32, #tpu.memory_space<hbm>>
        tpu.enqueue_indirect_dma source(%dma_start3A_54 : memref<10240x128xf32, #tpu.memory_space<hbm>>) target(%arg18 : memref<128x128xf32, #tpu.memory_space<vmem>>) offsets(%arg16 : memref<128xi32, #tpu.memory_space<vmem>>) semaphore(%arg22 : memref<!tpu.dma_semaphore, #tpu.memory_space<semaphore_mem>>)
        %dma_wait3A_55 = arith.constant 0 : i32
        %dma_wait3A_56 = arith.constant 0 : i32
        %dma_wait3A_57 = tpu.memref_slice %arg5[%dma_wait3A_55, %dma_wait3A_56] : memref<10240x128xf32, #tpu.memory_space<hbm>> -> memref<10240x128xf32, #tpu.memory_space<hbm>>
        tpu.wait_indirect_dma semaphore(%arg22 : memref<!tpu.dma_semaphore, #tpu.memory_space<semaphore_mem>>) src(%dma_wait3A_57 : memref<10240x128xf32, #tpu.memory_space<hbm>>) dst(%arg18 : memref<128x128xf32, #tpu.memory_space<vmem>>)
        "tpu.region"() ({
          %run_scoped3A = tpu.sem_alloc : memref<!tpu.dma_semaphore, #tpu.memory_space<semaphore_mem>>
          %dma_start3A_58 = arith.constant 0 : i32
          %dma_start3A_59 = arith.constant 0 : i32
          %dma_start3A_60 = tpu.memref_slice %arg15[%dma_start3A_58, %dma_start3A_59] : memref<10240x128xf32, #tpu.memory_space<vmem_shared>> -> memref<10240x128xf32, #tpu.memory_space<vmem_shared>>
          tpu.enqueue_indirect_dma source(%arg18 : memref<128x128xf32, #tpu.memory_space<vmem>>) target(%dma_start3A_60 : memref<10240x128xf32, #tpu.memory_space<vmem_shared>>) offsets(%arg17 : memref<128xi32, #tpu.memory_space<vmem>>) semaphore(%run_scoped3A : memref<!tpu.dma_semaphore, #tpu.memory_space<semaphore_mem>>) {add = true}
          %dma_wait3A_61 = arith.constant 0 : i32
          %dma_wait3A_62 = arith.constant 0 : i32
          %dma_wait3A_63 = tpu.memref_slice %arg15[%dma_wait3A_61, %dma_wait3A_62] : memref<10240x128xf32, #tpu.memory_space<vmem_shared>> -> memref<10240x128xf32, #tpu.memory_space<vmem_shared>>
          tpu.wait_indirect_dma semaphore(%run_scoped3A : memref<!tpu.dma_semaphore, #tpu.memory_space<semaphore_mem>>) src(%arg18 : memref<128x128xf32, #tpu.memory_space<vmem>>) dst(%dma_wait3A_63 : memref<10240x128xf32, #tpu.memory_space<vmem_shared>>)
          tpu.yield
        }) : () -> ()
      }
      %scan3A_31 = arith.constant 156 : i32
      %scan3A_32 = arith.constant 0 : i32
      %scan3A_33 = arith.constant 0 : i32
      %add3A = arith.constant 19968 : i32
      %add3A_34 = arith.addi %mul3A_26, %add3A : i32
      %mul3A_35 = arith.constant 32 : i32
      %mul3A_36 = arith.muli %scan3A_33, %mul3A_35 : i32
      %add3A_37 = arith.addi %add3A_34, %mul3A_36 : i32
      "tpu.region"() ({
        %run_scoped3A = tpu.sem_alloc : memref<!tpu.dma_semaphore, #tpu.memory_space<semaphore_mem>>
        %dma_start3A_48 = tpu.memref_slice %arg7[%add3A_37] : memref<320000xi32, #tpu.memory_space<hbm>> -> memref<32xi32, #tpu.memory_space<hbm>>
        %dma_start3A_49 = tpu.memref_slice %arg7[%add3A_37] : memref<320000xi32, #tpu.memory_space<hbm>> -> memref<32xi32, #tpu.memory_space<hbm>>
        tpu.enqueue_dma source(%dma_start3A_49 : memref<32xi32, #tpu.memory_space<hbm>>) target(%arg19 : memref<32xi32, #tpu.memory_space<vmem>>) target_semaphore(%run_scoped3A : memref<!tpu.dma_semaphore, #tpu.memory_space<semaphore_mem>>)
        %dma_wait3A_50 = tpu.memref_slice %arg7[%add3A_37] : memref<320000xi32, #tpu.memory_space<hbm>> -> memref<32xi32, #tpu.memory_space<hbm>>
        %dma_wait3A_51 = tpu.memref_slice %arg7[%add3A_37] : memref<320000xi32, #tpu.memory_space<hbm>> -> memref<32xi32, #tpu.memory_space<hbm>>
        tpu.wait_dma2 semaphore(%run_scoped3A : memref<!tpu.dma_semaphore, #tpu.memory_space<semaphore_mem>>) src(%dma_wait3A_51 : memref<32xi32, #tpu.memory_space<hbm>>) dst(%arg19 : memref<32xi32, #tpu.memory_space<vmem>>)
        tpu.yield
      }) : () -> ()
      "tpu.region"() ({
        %run_scoped3A = tpu.sem_alloc : memref<!tpu.dma_semaphore, #tpu.memory_space<semaphore_mem>>
        %dma_start3A_48 = tpu.memref_slice %arg8[%add3A_37] : memref<320000xi32, #tpu.memory_space<hbm>> -> memref<32xi32, #tpu.memory_space<hbm>>
        %dma_start3A_49 = tpu.memref_slice %arg8[%add3A_37] : memref<320000xi32, #tpu.memory_space<hbm>> -> memref<32xi32, #tpu.memory_space<hbm>>
        tpu.enqueue_dma source(%dma_start3A_49 : memref<32xi32, #tpu.memory_space<hbm>>) target(%arg20 : memref<32xi32, #tpu.memory_space<vmem>>) target_semaphore(%run_scoped3A : memref<!tpu.dma_semaphore, #tpu.memory_space<semaphore_mem>>)
        %dma_wait3A_50 = tpu.memref_slice %arg8[%add3A_37] : memref<320000xi32, #tpu.memory_space<hbm>> -> memref<32xi32, #tpu.memory_space<hbm>>
        %dma_wait3A_51 = tpu.memref_slice %arg8[%add3A_37] : memref<320000xi32, #tpu.memory_space<hbm>> -> memref<32xi32, #tpu.memory_space<hbm>>
        tpu.wait_dma2 semaphore(%run_scoped3A : memref<!tpu.dma_semaphore, #tpu.memory_space<semaphore_mem>>) src(%dma_wait3A_51 : memref<32xi32, #tpu.memory_space<hbm>>) dst(%arg20 : memref<32xi32, #tpu.memory_space<vmem>>)
        tpu.yield
      }) : () -> ()
      %dma_start3A = arith.constant 0 : i32
      %dma_start3A_38 = arith.constant 0 : i32
      %dma_start3A_39 = tpu.memref_slice %arg5[%dma_start3A, %dma_start3A_38] : memref<10240x128xf32, #tpu.memory_space<hbm>> -> memref<10240x128xf32, #tpu.memory_space<hbm>>
      tpu.enqueue_indirect_dma source(%dma_start3A_39 : memref<10240x128xf32, #tpu.memory_space<hbm>>) target(%arg21 : memref<32x128xf32, #tpu.memory_space<vmem>>) offsets(%arg19 : memref<32xi32, #tpu.memory_space<vmem>>) semaphore(%arg22 : memref<!tpu.dma_semaphore, #tpu.memory_space<semaphore_mem>>)
      %dma_wait3A = arith.constant 0 : i32
      %dma_wait3A_40 = arith.constant 0 : i32
      %dma_wait3A_41 = tpu.memref_slice %arg5[%dma_wait3A, %dma_wait3A_40] : memref<10240x128xf32, #tpu.memory_space<hbm>> -> memref<10240x128xf32, #tpu.memory_space<hbm>>
      tpu.wait_indirect_dma semaphore(%arg22 : memref<!tpu.dma_semaphore, #tpu.memory_space<semaphore_mem>>) src(%dma_wait3A_41 : memref<10240x128xf32, #tpu.memory_space<hbm>>) dst(%arg21 : memref<32x128xf32, #tpu.memory_space<vmem>>)
      "tpu.region"() ({
        %run_scoped3A = tpu.sem_alloc : memref<!tpu.dma_semaphore, #tpu.memory_space<semaphore_mem>>
        %dma_start3A_48 = arith.constant 0 : i32
        %dma_start3A_49 = arith.constant 0 : i32
        %dma_start3A_50 = tpu.memref_slice %arg15[%dma_start3A_48, %dma_start3A_49] : memref<10240x128xf32, #tpu.memory_space<vmem_shared>> -> memref<10240x128xf32, #tpu.memory_space<vmem_shared>>
        tpu.enqueue_indirect_dma source(%arg21 : memref<32x128xf32, #tpu.memory_space<vmem>>) target(%dma_start3A_50 : memref<10240x128xf32, #tpu.memory_space<vmem_shared>>) offsets(%arg20 : memref<32xi32, #tpu.memory_space<vmem>>) semaphore(%run_scoped3A : memref<!tpu.dma_semaphore, #tpu.memory_space<semaphore_mem>>) {add = true}
        %dma_wait3A_51 = arith.constant 0 : i32
        %dma_wait3A_52 = arith.constant 0 : i32
        %dma_wait3A_53 = tpu.memref_slice %arg15[%dma_wait3A_51, %dma_wait3A_52] : memref<10240x128xf32, #tpu.memory_space<vmem_shared>> -> memref<10240x128xf32, #tpu.memory_space<vmem_shared>>
        tpu.wait_indirect_dma semaphore(%run_scoped3A : memref<!tpu.dma_semaphore, #tpu.memory_space<semaphore_mem>>) src(%arg21 : memref<32x128xf32, #tpu.memory_space<vmem>>) dst(%dma_wait3A_53 : memref<10240x128xf32, #tpu.memory_space<vmem_shared>>)
        tpu.yield
      }) : () -> ()
      %scan3A_42 = arith.constant 1 : i32
      %barrier3A_43 = arith.constant 0 : index
      tpu.barrier barrier_id(%barrier3A_43)
      %mul3A_44 = arith.constant 640 : i32
      %mul3A_45 = arith.muli %arg1, %mul3A_44 : i32
      %mul3A_46 = arith.constant 640 : i32
      %mul3A_47 = arith.muli %arg1, %mul3A_46 : i32
      "tpu.region"() ({
        %run_scoped3A = tpu.sem_alloc : memref<!tpu.dma_semaphore, #tpu.memory_space<semaphore_mem>>
        %dma_start3A_48 = arith.constant 0 : i32
        %dma_start3A_49 = tpu.memref_slice %arg13[%mul3A_47, %dma_start3A_48] : memref<10240x128xf32, #tpu.memory_space<hbm>> -> memref<640x128xf32, #tpu.memory_space<hbm>>
        %dma_start3A_50 = arith.constant 0 : i32
        %dma_start3A_51 = tpu.memref_slice %arg15[%mul3A_45, %dma_start3A_50] : memref<10240x128xf32, #tpu.memory_space<vmem_shared>> -> memref<640x128xf32, #tpu.memory_space<vmem_shared>>
        tpu.enqueue_dma source(%dma_start3A_51 : memref<640x128xf32, #tpu.memory_space<vmem_shared>>) target(%dma_start3A_49 : memref<640x128xf32, #tpu.memory_space<hbm>>) target_semaphore(%run_scoped3A : memref<!tpu.dma_semaphore, #tpu.memory_space<semaphore_mem>>)
        %dma_wait3A_52 = arith.constant 0 : i32
        %dma_wait3A_53 = tpu.memref_slice %arg13[%mul3A_47, %dma_wait3A_52] : memref<10240x128xf32, #tpu.memory_space<hbm>> -> memref<640x128xf32, #tpu.memory_space<hbm>>
        %dma_wait3A_54 = arith.constant 0 : i32
        %dma_wait3A_55 = tpu.memref_slice %arg15[%mul3A_45, %dma_wait3A_54] : memref<10240x128xf32, #tpu.memory_space<vmem_shared>> -> memref<640x128xf32, #tpu.memory_space<vmem_shared>>
        tpu.wait_dma2 semaphore(%run_scoped3A : memref<!tpu.dma_semaphore, #tpu.memory_space<semaphore_mem>>) src(%dma_wait3A_55 : memref<640x128xf32, #tpu.memory_space<vmem_shared>>) dst(%dma_wait3A_53 : memref<640x128xf32, #tpu.memory_space<hbm>>)
        tpu.yield
      }) : () -> ()
    } else {
    }
    %eq3A_17 = arith.constant 0 : i32
    %eq3A_18 = arith.cmpi eq, %arg0, %eq3A_17 : i32
    %convert_element_type3A_19 = arith.extui %eq3A_18 : i1 to i32
    %cond3A_20 = arith.constant 0 : i32
    %cond3A_21 = arith.cmpi ne, %convert_element_type3A_19, %cond3A_20 : i32
    scf.if %cond3A_21 {
      %mul3A = arith.constant 640 : i32
      %mul3A_22 = arith.muli %arg1, %mul3A : i32
      %mul3A_23 = arith.constant 640 : i32
      %mul3A_24 = arith.muli %arg1, %mul3A_23 : i32
      "tpu.region"() ({
        %run_scoped3A = tpu.sem_alloc : memref<!tpu.dma_semaphore, #tpu.memory_space<semaphore_mem>>
        %dma_start3A_48 = arith.constant 0 : i32
        %dma_start3A_49 = tpu.memref_slice %arg15[%mul3A_24, %dma_start3A_48] : memref<10240x128xf32, #tpu.memory_space<vmem_shared>> -> memref<640x128xf32, #tpu.memory_space<vmem_shared>>
        %dma_start3A_50 = arith.constant 0 : i32
        %dma_start3A_51 = tpu.memref_slice %arg9[%mul3A_22, %dma_start3A_50] : memref<10240x128xf32, #tpu.memory_space<hbm>> -> memref<640x128xf32, #tpu.memory_space<hbm>>
        tpu.enqueue_dma source(%dma_start3A_51 : memref<640x128xf32, #tpu.memory_space<hbm>>) target(%dma_start3A_49 : memref<640x128xf32, #tpu.memory_space<vmem_shared>>) target_semaphore(%run_scoped3A : memref<!tpu.dma_semaphore, #tpu.memory_space<semaphore_mem>>)
        %dma_wait3A_52 = arith.constant 0 : i32
        %dma_wait3A_53 = tpu.memref_slice %arg15[%mul3A_24, %dma_wait3A_52] : memref<10240x128xf32, #tpu.memory_space<vmem_shared>> -> memref<640x128xf32, #tpu.memory_space<vmem_shared>>
        %dma_wait3A_54 = arith.constant 0 : i32
        %dma_wait3A_55 = tpu.memref_slice %arg9[%mul3A_22, %dma_wait3A_54] : memref<10240x128xf32, #tpu.memory_space<hbm>> -> memref<640x128xf32, #tpu.memory_space<hbm>>
        tpu.wait_dma2 semaphore(%run_scoped3A : memref<!tpu.dma_semaphore, #tpu.memory_space<semaphore_mem>>) src(%dma_wait3A_55 : memref<640x128xf32, #tpu.memory_space<hbm>>) dst(%dma_wait3A_53 : memref<640x128xf32, #tpu.memory_space<vmem_shared>>)
        tpu.yield
      }) : () -> ()
      %barrier3A = arith.constant 0 : index
      tpu.barrier barrier_id(%barrier3A)
      %mul3A_25 = arith.constant 20000 : i32
      %mul3A_26 = arith.muli %arg1, %mul3A_25 : i32
      %scan3A = arith.constant 0 : i32
      %scan3A_27 = arith.constant 0 : i32
      %scan3A_28 = arith.constant 156 : i32
      %scan3A_29 = arith.addi %scan3A_27, %scan3A_28 : i32
      %scan3A_30 = arith.constant 1 : i32
      scf.for %scan3A_48 = %scan3A_27 to %scan3A_29 step %scan3A_30  : i32 {
        %mul3A_49 = arith.constant 128 : i32
        %mul3A_50 = arith.muli %scan3A_48, %mul3A_49 : i32
        %add3A_51 = arith.addi %mul3A_26, %mul3A_50 : i32
        "tpu.region"() ({
          %run_scoped3A = tpu.sem_alloc : memref<!tpu.dma_semaphore, #tpu.memory_space<semaphore_mem>>
          %dma_start3A_58 = tpu.memref_slice %arg7[%add3A_51] : memref<320000xi32, #tpu.memory_space<hbm>> -> memref<128xi32, #tpu.memory_space<hbm>>
          %dma_start3A_59 = tpu.memref_slice %arg7[%add3A_51] : memref<320000xi32, #tpu.memory_space<hbm>> -> memref<128xi32, #tpu.memory_space<hbm>>
          tpu.enqueue_dma source(%dma_start3A_59 : memref<128xi32, #tpu.memory_space<hbm>>) target(%arg16 : memref<128xi32, #tpu.memory_space<vmem>>) target_semaphore(%run_scoped3A : memref<!tpu.dma_semaphore, #tpu.memory_space<semaphore_mem>>)
          %dma_wait3A_60 = tpu.memref_slice %arg7[%add3A_51] : memref<320000xi32, #tpu.memory_space<hbm>> -> memref<128xi32, #tpu.memory_space<hbm>>
          %dma_wait3A_61 = tpu.memref_slice %arg7[%add3A_51] : memref<320000xi32, #tpu.memory_space<hbm>> -> memref<128xi32, #tpu.memory_space<hbm>>
          tpu.wait_dma2 semaphore(%run_scoped3A : memref<!tpu.dma_semaphore, #tpu.memory_space<semaphore_mem>>) src(%dma_wait3A_61 : memref<128xi32, #tpu.memory_space<hbm>>) dst(%arg16 : memref<128xi32, #tpu.memory_space<vmem>>)
          tpu.yield
        }) : () -> ()
        "tpu.region"() ({
          %run_scoped3A = tpu.sem_alloc : memref<!tpu.dma_semaphore, #tpu.memory_space<semaphore_mem>>
          %dma_start3A_58 = tpu.memref_slice %arg8[%add3A_51] : memref<320000xi32, #tpu.memory_space<hbm>> -> memref<128xi32, #tpu.memory_space<hbm>>
          %dma_start3A_59 = tpu.memref_slice %arg8[%add3A_51] : memref<320000xi32, #tpu.memory_space<hbm>> -> memref<128xi32, #tpu.memory_space<hbm>>
          tpu.enqueue_dma source(%dma_start3A_59 : memref<128xi32, #tpu.memory_space<hbm>>) target(%arg17 : memref<128xi32, #tpu.memory_space<vmem>>) target_semaphore(%run_scoped3A : memref<!tpu.dma_semaphore, #tpu.memory_space<semaphore_mem>>)
          %dma_wait3A_60 = tpu.memref_slice %arg8[%add3A_51] : memref<320000xi32, #tpu.memory_space<hbm>> -> memref<128xi32, #tpu.memory_space<hbm>>
          %dma_wait3A_61 = tpu.memref_slice %arg8[%add3A_51] : memref<320000xi32, #tpu.memory_space<hbm>> -> memref<128xi32, #tpu.memory_space<hbm>>
          tpu.wait_dma2 semaphore(%run_scoped3A : memref<!tpu.dma_semaphore, #tpu.memory_space<semaphore_mem>>) src(%dma_wait3A_61 : memref<128xi32, #tpu.memory_space<hbm>>) dst(%arg17 : memref<128xi32, #tpu.memory_space<vmem>>)
          tpu.yield
        }) : () -> ()
        %dma_start3A_52 = arith.constant 0 : i32
        %dma_start3A_53 = arith.constant 0 : i32
        %dma_start3A_54 = tpu.memref_slice %arg6[%dma_start3A_52, %dma_start3A_53] : memref<10240x128xf32, #tpu.memory_space<hbm>> -> memref<10240x128xf32, #tpu.memory_space<hbm>>
        tpu.enqueue_indirect_dma source(%dma_start3A_54 : memref<10240x128xf32, #tpu.memory_space<hbm>>) target(%arg18 : memref<128x128xf32, #tpu.memory_space<vmem>>) offsets(%arg16 : memref<128xi32, #tpu.memory_space<vmem>>) semaphore(%arg22 : memref<!tpu.dma_semaphore, #tpu.memory_space<semaphore_mem>>)
        %dma_wait3A_55 = arith.constant 0 : i32
        %dma_wait3A_56 = arith.constant 0 : i32
        %dma_wait3A_57 = tpu.memref_slice %arg6[%dma_wait3A_55, %dma_wait3A_56] : memref<10240x128xf32, #tpu.memory_space<hbm>> -> memref<10240x128xf32, #tpu.memory_space<hbm>>
        tpu.wait_indirect_dma semaphore(%arg22 : memref<!tpu.dma_semaphore, #tpu.memory_space<semaphore_mem>>) src(%dma_wait3A_57 : memref<10240x128xf32, #tpu.memory_space<hbm>>) dst(%arg18 : memref<128x128xf32, #tpu.memory_space<vmem>>)
        "tpu.region"() ({
          %run_scoped3A = tpu.sem_alloc : memref<!tpu.dma_semaphore, #tpu.memory_space<semaphore_mem>>
          %dma_start3A_58 = arith.constant 0 : i32
          %dma_start3A_59 = arith.constant 0 : i32
          %dma_start3A_60 = tpu.memref_slice %arg15[%dma_start3A_58, %dma_start3A_59] : memref<10240x128xf32, #tpu.memory_space<vmem_shared>> -> memref<10240x128xf32, #tpu.memory_space<vmem_shared>>
          tpu.enqueue_indirect_dma source(%arg18 : memref<128x128xf32, #tpu.memory_space<vmem>>) target(%dma_start3A_60 : memref<10240x128xf32, #tpu.memory_space<vmem_shared>>) offsets(%arg17 : memref<128xi32, #tpu.memory_space<vmem>>) semaphore(%run_scoped3A : memref<!tpu.dma_semaphore, #tpu.memory_space<semaphore_mem>>) {add = true}
          %dma_wait3A_61 = arith.constant 0 : i32
          %dma_wait3A_62 = arith.constant 0 : i32
          %dma_wait3A_63 = tpu.memref_slice %arg15[%dma_wait3A_61, %dma_wait3A_62] : memref<10240x128xf32, #tpu.memory_space<vmem_shared>> -> memref<10240x128xf32, #tpu.memory_space<vmem_shared>>
          tpu.wait_indirect_dma semaphore(%run_scoped3A : memref<!tpu.dma_semaphore, #tpu.memory_space<semaphore_mem>>) src(%arg18 : memref<128x128xf32, #tpu.memory_space<vmem>>) dst(%dma_wait3A_63 : memref<10240x128xf32, #tpu.memory_space<vmem_shared>>)
          tpu.yield
        }) : () -> ()
      }
      %scan3A_31 = arith.constant 156 : i32
      %scan3A_32 = arith.constant 0 : i32
      %scan3A_33 = arith.constant 0 : i32
      %add3A = arith.constant 19968 : i32
      %add3A_34 = arith.addi %mul3A_26, %add3A : i32
      %mul3A_35 = arith.constant 32 : i32
      %mul3A_36 = arith.muli %scan3A_33, %mul3A_35 : i32
      %add3A_37 = arith.addi %add3A_34, %mul3A_36 : i32
      "tpu.region"() ({
        %run_scoped3A = tpu.sem_alloc : memref<!tpu.dma_semaphore, #tpu.memory_space<semaphore_mem>>
        %dma_start3A_48 = tpu.memref_slice %arg7[%add3A_37] : memref<320000xi32, #tpu.memory_space<hbm>> -> memref<32xi32, #tpu.memory_space<hbm>>
        %dma_start3A_49 = tpu.memref_slice %arg7[%add3A_37] : memref<320000xi32, #tpu.memory_space<hbm>> -> memref<32xi32, #tpu.memory_space<hbm>>
        tpu.enqueue_dma source(%dma_start3A_49 : memref<32xi32, #tpu.memory_space<hbm>>) target(%arg19 : memref<32xi32, #tpu.memory_space<vmem>>) target_semaphore(%run_scoped3A : memref<!tpu.dma_semaphore, #tpu.memory_space<semaphore_mem>>)
        %dma_wait3A_50 = tpu.memref_slice %arg7[%add3A_37] : memref<320000xi32, #tpu.memory_space<hbm>> -> memref<32xi32, #tpu.memory_space<hbm>>
        %dma_wait3A_51 = tpu.memref_slice %arg7[%add3A_37] : memref<320000xi32, #tpu.memory_space<hbm>> -> memref<32xi32, #tpu.memory_space<hbm>>
        tpu.wait_dma2 semaphore(%run_scoped3A : memref<!tpu.dma_semaphore, #tpu.memory_space<semaphore_mem>>) src(%dma_wait3A_51 : memref<32xi32, #tpu.memory_space<hbm>>) dst(%arg19 : memref<32xi32, #tpu.memory_space<vmem>>)
        tpu.yield
      }) : () -> ()
      "tpu.region"() ({
        %run_scoped3A = tpu.sem_alloc : memref<!tpu.dma_semaphore, #tpu.memory_space<semaphore_mem>>
        %dma_start3A_48 = tpu.memref_slice %arg8[%add3A_37] : memref<320000xi32, #tpu.memory_space<hbm>> -> memref<32xi32, #tpu.memory_space<hbm>>
        %dma_start3A_49 = tpu.memref_slice %arg8[%add3A_37] : memref<320000xi32, #tpu.memory_space<hbm>> -> memref<32xi32, #tpu.memory_space<hbm>>
        tpu.enqueue_dma source(%dma_start3A_49 : memref<32xi32, #tpu.memory_space<hbm>>) target(%arg20 : memref<32xi32, #tpu.memory_space<vmem>>) target_semaphore(%run_scoped3A : memref<!tpu.dma_semaphore, #tpu.memory_space<semaphore_mem>>)
        %dma_wait3A_50 = tpu.memref_slice %arg8[%add3A_37] : memref<320000xi32, #tpu.memory_space<hbm>> -> memref<32xi32, #tpu.memory_space<hbm>>
        %dma_wait3A_51 = tpu.memref_slice %arg8[%add3A_37] : memref<320000xi32, #tpu.memory_space<hbm>> -> memref<32xi32, #tpu.memory_space<hbm>>
        tpu.wait_dma2 semaphore(%run_scoped3A : memref<!tpu.dma_semaphore, #tpu.memory_space<semaphore_mem>>) src(%dma_wait3A_51 : memref<32xi32, #tpu.memory_space<hbm>>) dst(%arg20 : memref<32xi32, #tpu.memory_space<vmem>>)
        tpu.yield
      }) : () -> ()
      %dma_start3A = arith.constant 0 : i32
      %dma_start3A_38 = arith.constant 0 : i32
      %dma_start3A_39 = tpu.memref_slice %arg6[%dma_start3A, %dma_start3A_38] : memref<10240x128xf32, #tpu.memory_space<hbm>> -> memref<10240x128xf32, #tpu.memory_space<hbm>>
      tpu.enqueue_indirect_dma source(%dma_start3A_39 : memref<10240x128xf32, #tpu.memory_space<hbm>>) target(%arg21 : memref<32x128xf32, #tpu.memory_space<vmem>>) offsets(%arg19 : memref<32xi32, #tpu.memory_space<vmem>>) semaphore(%arg22 : memref<!tpu.dma_semaphore, #tpu.memory_space<semaphore_mem>>)
      %dma_wait3A = arith.constant 0 : i32
      %dma_wait3A_40 = arith.constant 0 : i32
      %dma_wait3A_41 = tpu.memref_slice %arg6[%dma_wait3A, %dma_wait3A_40] : memref<10240x128xf32, #tpu.memory_space<hbm>> -> memref<10240x128xf32, #tpu.memory_space<hbm>>
      tpu.wait_indirect_dma semaphore(%arg22 : memref<!tpu.dma_semaphore, #tpu.memory_space<semaphore_mem>>) src(%dma_wait3A_41 : memref<10240x128xf32, #tpu.memory_space<hbm>>) dst(%arg21 : memref<32x128xf32, #tpu.memory_space<vmem>>)
      "tpu.region"() ({
        %run_scoped3A = tpu.sem_alloc : memref<!tpu.dma_semaphore, #tpu.memory_space<semaphore_mem>>
        %dma_start3A_48 = arith.constant 0 : i32
        %dma_start3A_49 = arith.constant 0 : i32
        %dma_start3A_50 = tpu.memref_slice %arg15[%dma_start3A_48, %dma_start3A_49] : memref<10240x128xf32, #tpu.memory_space<vmem_shared>> -> memref<10240x128xf32, #tpu.memory_space<vmem_shared>>
        tpu.enqueue_indirect_dma source(%arg21 : memref<32x128xf32, #tpu.memory_space<vmem>>) target(%dma_start3A_50 : memref<10240x128xf32, #tpu.memory_space<vmem_shared>>) offsets(%arg20 : memref<32xi32, #tpu.memory_space<vmem>>) semaphore(%run_scoped3A : memref<!tpu.dma_semaphore, #tpu.memory_space<semaphore_mem>>) {add = true}
        %dma_wait3A_51 = arith.constant 0 : i32
        %dma_wait3A_52 = arith.constant 0 : i32
        %dma_wait3A_53 = tpu.memref_slice %arg15[%dma_wait3A_51, %dma_wait3A_52] : memref<10240x128xf32, #tpu.memory_space<vmem_shared>> -> memref<10240x128xf32, #tpu.memory_space<vmem_shared>>
        tpu.wait_indirect_dma semaphore(%run_scoped3A : memref<!tpu.dma_semaphore, #tpu.memory_space<semaphore_mem>>) src(%arg21 : memref<32x128xf32, #tpu.memory_space<vmem>>) dst(%dma_wait3A_53 : memref<10240x128xf32, #tpu.memory_space<vmem_shared>>)
        tpu.yield
      }) : () -> ()
      %scan3A_42 = arith.constant 1 : i32
      %barrier3A_43 = arith.constant 0 : index
      tpu.barrier barrier_id(%barrier3A_43)
      %mul3A_44 = arith.constant 640 : i32
      %mul3A_45 = arith.muli %arg1, %mul3A_44 : i32
      %mul3A_46 = arith.constant 640 : i32
      %mul3A_47 = arith.muli %arg1, %mul3A_46 : i32
      "tpu.region"() ({
        %run_scoped3A = tpu.sem_alloc : memref<!tpu.dma_semaphore, #tpu.memory_space<semaphore_mem>>
        %dma_start3A_48 = arith.constant 0 : i32
        %dma_start3A_49 = tpu.memref_slice %arg14[%mul3A_47, %dma_start3A_48] : memref<10240x128xf32, #tpu.memory_space<hbm>> -> memref<640x128xf32, #tpu.memory_space<hbm>>
        %dma_start3A_50 = arith.constant 0 : i32
        %dma_start3A_51 = tpu.memref_slice %arg15[%mul3A_45, %dma_start3A_50] : memref<10240x128xf32, #tpu.memory_space<vmem_shared>> -> memref<640x128xf32, #tpu.memory_space<vmem_shared>>
        tpu.enqueue_dma source(%dma_start3A_51 : memref<640x128xf32, #tpu.memory_space<vmem_shared>>) target(%dma_start3A_49 : memref<640x128xf32, #tpu.memory_space<hbm>>) target_semaphore(%run_scoped3A : memref<!tpu.dma_semaphore, #tpu.memory_space<semaphore_mem>>)
        %dma_wait3A_52 = arith.constant 0 : i32
        %dma_wait3A_53 = tpu.memref_slice %arg14[%mul3A_47, %dma_wait3A_52] : memref<10240x128xf32, #tpu.memory_space<hbm>> -> memref<640x128xf32, #tpu.memory_space<hbm>>
        %dma_wait3A_54 = arith.constant 0 : i32
        %dma_wait3A_55 = tpu.memref_slice %arg15[%mul3A_45, %dma_wait3A_54] : memref<10240x128xf32, #tpu.memory_space<vmem_shared>> -> memref<640x128xf32, #tpu.memory_space<vmem_shared>>
        tpu.wait_dma2 semaphore(%run_scoped3A : memref<!tpu.dma_semaphore, #tpu.memory_space<semaphore_mem>>) src(%dma_wait3A_55 : memref<640x128xf32, #tpu.memory_space<vmem_shared>>) dst(%dma_wait3A_53 : memref<640x128xf32, #tpu.memory_space<hbm>>)
        tpu.yield
      }) : () -> ()
    } else {
    }
    return
  }
}

#map = affine_map<(d0, d1) -> (0, 0)>
#map1 = affine_map<(d0, d1) -> (0)>
module attributes {stable_mosaic.version = 14 : i64} {
  func.func @k(%arg0: i32, %arg1: i32, %arg2: memref<10240x128xf32, #tpu.memory_space<hbm>>, %arg3: memref<10240x128xf32, #tpu.memory_space<hbm>>, %arg4: memref<10240x128xf32, #tpu.memory_space<hbm>>, %arg5: memref<10240x128xf32, #tpu.memory_space<hbm>>, %arg6: memref<10240x128xf32, #tpu.memory_space<hbm>>, %arg7: memref<320000xi32, #tpu.memory_space<hbm>>, %arg8: memref<320000xi32, #tpu.memory_space<hbm>>, %arg9: memref<10240x128xf32, #tpu.memory_space<hbm>>, %arg10: memref<10240x128xf32, #tpu.memory_space<hbm>>, %arg11: memref<10240x128xf32, #tpu.memory_space<hbm>>, %arg12: memref<10240x128xf32, #tpu.memory_space<hbm>>, %arg13: memref<10240x128xf32, #tpu.memory_space<hbm>>, %arg14: memref<10240x128xf32, #tpu.memory_space<hbm>>, %arg15: memref<10240x128xf32, #tpu.memory_space<vmem_shared>>, %arg16: memref<128xi32, #tpu.memory_space<vmem>>, %arg17: memref<128xi32, #tpu.memory_space<vmem>>, %arg18: memref<128x128xf32, #tpu.memory_space<vmem>>, %arg19: memref<32xi32, #tpu.memory_space<vmem>>, %arg20: memref<32xi32, #tpu.memory_space<vmem>>, %arg21: memref<32x128xf32, #tpu.memory_space<vmem>>, %arg22: memref<!tpu.dma_semaphore, #tpu.memory_space<semaphore_mem>>) attributes {dimension_semantics = [#tpu.dimension_semantics<core_parallel>, #tpu.dimension_semantics<subcore_parallel>], iteration_bounds = array<i64: 2, 16>, scalar_prefetch = 0 : i64, scratch_operands = 8 : i64, tpu.core_type = #tpu.core_type<sc_vector_subcore>, window_params = [{transform_indices = #map}, {transform_indices = #map}, {transform_indices = #map}, {transform_indices = #map}, {transform_indices = #map}, {transform_indices = #map1}, {transform_indices = #map1}, {transform_indices = #map}, {transform_indices = #map}, {transform_indices = #map}, {transform_indices = #map}, {transform_indices = #map}, {transform_indices = #map}]} {
    %eq3A = arith.constant 0 : i32
    %eq3A_0 = arith.cmpi eq, %arg0, %eq3A : i32
    %convert_element_type3A = arith.extui %eq3A_0 : i1 to i32
    %cond3A = arith.constant 0 : i32
    %cond3A_1 = arith.cmpi ne, %convert_element_type3A, %cond3A : i32
    scf.if %cond3A_1 {
      %mul3A = arith.constant 640 : i32
      %mul3A_22 = arith.muli %arg1, %mul3A : i32
      %mul3A_23 = arith.constant 640 : i32
      %mul3A_24 = arith.muli %arg1, %mul3A_23 : i32
      "tpu.region"() ({
        %run_scoped3A = tpu.sem_alloc : memref<!tpu.dma_semaphore, #tpu.memory_space<semaphore_mem>>
        %dma_start3A_48 = arith.constant 0 : i32
        %dma_start3A_49 = tpu.memref_slice %arg15[%mul3A_24, %dma_start3A_48] : memref<10240x128xf32, #tpu.memory_space<vmem_shared>> -> memref<640x128xf32, #tpu.memory_space<vmem_shared>>
        %dma_start3A_50 = arith.constant 0 : i32
        %dma_start3A_51 = tpu.memref_slice %arg9[%mul3A_22, %dma_start3A_50] : memref<10240x128xf32, #tpu.memory_space<hbm>> -> memref<640x128xf32, #tpu.memory_space<hbm>>
        tpu.enqueue_dma source(%dma_start3A_51 : memref<640x128xf32, #tpu.memory_space<hbm>>) target(%dma_start3A_49 : memref<640x128xf32, #tpu.memory_space<vmem_shared>>) target_semaphore(%run_scoped3A : memref<!tpu.dma_semaphore, #tpu.memory_space<semaphore_mem>>)
        %dma_wait3A_52 = arith.constant 0 : i32
        %dma_wait3A_53 = tpu.memref_slice %arg15[%mul3A_24, %dma_wait3A_52] : memref<10240x128xf32, #tpu.memory_space<vmem_shared>> -> memref<640x128xf32, #tpu.memory_space<vmem_shared>>
        %dma_wait3A_54 = arith.constant 0 : i32
        %dma_wait3A_55 = tpu.memref_slice %arg9[%mul3A_22, %dma_wait3A_54] : memref<10240x128xf32, #tpu.memory_space<hbm>> -> memref<640x128xf32, #tpu.memory_space<hbm>>
        tpu.wait_dma2 semaphore(%run_scoped3A : memref<!tpu.dma_semaphore, #tpu.memory_space<semaphore_mem>>) src(%dma_wait3A_55 : memref<640x128xf32, #tpu.memory_space<hbm>>) dst(%dma_wait3A_53 : memref<640x128xf32, #tpu.memory_space<vmem_shared>>)
        tpu.yield
      }) : () -> ()
      %barrier3A = arith.constant 0 : index
      tpu.barrier barrier_id(%barrier3A)
      %mul3A_25 = arith.constant 20000 : i32
      %mul3A_26 = arith.muli %arg1, %mul3A_25 : i32
      %scan3A = arith.constant 0 : i32
      %scan3A_27 = arith.constant 0 : i32
      %scan3A_28 = arith.constant 156 : i32
      %scan3A_29 = arith.addi %scan3A_27, %scan3A_28 : i32
      %scan3A_30 = arith.constant 1 : i32
      scf.for %scan3A_48 = %scan3A_27 to %scan3A_29 step %scan3A_30  : i32 {
        %mul3A_49 = arith.constant 128 : i32
        %mul3A_50 = arith.muli %scan3A_48, %mul3A_49 : i32
        %add3A_51 = arith.addi %mul3A_26, %mul3A_50 : i32
        "tpu.region"() ({
          %run_scoped3A = tpu.sem_alloc : memref<!tpu.dma_semaphore, #tpu.memory_space<semaphore_mem>>
          %dma_start3A_58 = tpu.memref_slice %arg7[%add3A_51] : memref<320000xi32, #tpu.memory_space<hbm>> -> memref<128xi32, #tpu.memory_space<hbm>>
          %dma_start3A_59 = tpu.memref_slice %arg7[%add3A_51] : memref<320000xi32, #tpu.memory_space<hbm>> -> memref<128xi32, #tpu.memory_space<hbm>>
          tpu.enqueue_dma source(%dma_start3A_59 : memref<128xi32, #tpu.memory_space<hbm>>) target(%arg16 : memref<128xi32, #tpu.memory_space<vmem>>) target_semaphore(%run_scoped3A : memref<!tpu.dma_semaphore, #tpu.memory_space<semaphore_mem>>)
          %dma_wait3A_60 = tpu.memref_slice %arg7[%add3A_51] : memref<320000xi32, #tpu.memory_space<hbm>> -> memref<128xi32, #tpu.memory_space<hbm>>
          %dma_wait3A_61 = tpu.memref_slice %arg7[%add3A_51] : memref<320000xi32, #tpu.memory_space<hbm>> -> memref<128xi32, #tpu.memory_space<hbm>>
          tpu.wait_dma2 semaphore(%run_scoped3A : memref<!tpu.dma_semaphore, #tpu.memory_space<semaphore_mem>>) src(%dma_wait3A_61 : memref<128xi32, #tpu.memory_space<hbm>>) dst(%arg16 : memref<128xi32, #tpu.memory_space<vmem>>)
          tpu.yield
        }) : () -> ()
        "tpu.region"() ({
          %run_scoped3A = tpu.sem_alloc : memref<!tpu.dma_semaphore, #tpu.memory_space<semaphore_mem>>
          %dma_start3A_58 = tpu.memref_slice %arg8[%add3A_51] : memref<320000xi32, #tpu.memory_space<hbm>> -> memref<128xi32, #tpu.memory_space<hbm>>
          %dma_start3A_59 = tpu.memref_slice %arg8[%add3A_51] : memref<320000xi32, #tpu.memory_space<hbm>> -> memref<128xi32, #tpu.memory_space<hbm>>
          tpu.enqueue_dma source(%dma_start3A_59 : memref<128xi32, #tpu.memory_space<hbm>>) target(%arg17 : memref<128xi32, #tpu.memory_space<vmem>>) target_semaphore(%run_scoped3A : memref<!tpu.dma_semaphore, #tpu.memory_space<semaphore_mem>>)
          %dma_wait3A_60 = tpu.memref_slice %arg8[%add3A_51] : memref<320000xi32, #tpu.memory_space<hbm>> -> memref<128xi32, #tpu.memory_space<hbm>>
          %dma_wait3A_61 = tpu.memref_slice %arg8[%add3A_51] : memref<320000xi32, #tpu.memory_space<hbm>> -> memref<128xi32, #tpu.memory_space<hbm>>
          tpu.wait_dma2 semaphore(%run_scoped3A : memref<!tpu.dma_semaphore, #tpu.memory_space<semaphore_mem>>) src(%dma_wait3A_61 : memref<128xi32, #tpu.memory_space<hbm>>) dst(%arg17 : memref<128xi32, #tpu.memory_space<vmem>>)
          tpu.yield
        }) : () -> ()
        %dma_start3A_52 = arith.constant 0 : i32
        %dma_start3A_53 = arith.constant 0 : i32
        %dma_start3A_54 = tpu.memref_slice %arg2[%dma_start3A_52, %dma_start3A_53] : memref<10240x128xf32, #tpu.memory_space<hbm>> -> memref<10240x128xf32, #tpu.memory_space<hbm>>
        tpu.enqueue_indirect_dma source(%dma_start3A_54 : memref<10240x128xf32, #tpu.memory_space<hbm>>) target(%arg18 : memref<128x128xf32, #tpu.memory_space<vmem>>) offsets(%arg16 : memref<128xi32, #tpu.memory_space<vmem>>) semaphore(%arg22 : memref<!tpu.dma_semaphore, #tpu.memory_space<semaphore_mem>>)
        %dma_wait3A_55 = arith.constant 0 : i32
        %dma_wait3A_56 = arith.constant 0 : i32
        %dma_wait3A_57 = tpu.memref_slice %arg2[%dma_wait3A_55, %dma_wait3A_56] : memref<10240x128xf32, #tpu.memory_space<hbm>> -> memref<10240x128xf32, #tpu.memory_space<hbm>>
        tpu.wait_indirect_dma semaphore(%arg22 : memref<!tpu.dma_semaphore, #tpu.memory_space<semaphore_mem>>) src(%dma_wait3A_57 : memref<10240x128xf32, #tpu.memory_space<hbm>>) dst(%arg18 : memref<128x128xf32, #tpu.memory_space<vmem>>)
        "tpu.region"() ({
          %run_scoped3A = tpu.sem_alloc : memref<!tpu.dma_semaphore, #tpu.memory_space<semaphore_mem>>
          %dma_start3A_58 = arith.constant 0 : i32
          %dma_start3A_59 = arith.constant 0 : i32
          %dma_start3A_60 = tpu.memref_slice %arg15[%dma_start3A_58, %dma_start3A_59] : memref<10240x128xf32, #tpu.memory_space<vmem_shared>> -> memref<10240x128xf32, #tpu.memory_space<vmem_shared>>
          tpu.enqueue_indirect_dma source(%arg18 : memref<128x128xf32, #tpu.memory_space<vmem>>) target(%dma_start3A_60 : memref<10240x128xf32, #tpu.memory_space<vmem_shared>>) offsets(%arg17 : memref<128xi32, #tpu.memory_space<vmem>>) semaphore(%run_scoped3A : memref<!tpu.dma_semaphore, #tpu.memory_space<semaphore_mem>>) {add = true}
          %dma_wait3A_61 = arith.constant 0 : i32
          %dma_wait3A_62 = arith.constant 0 : i32
          %dma_wait3A_63 = tpu.memref_slice %arg15[%dma_wait3A_61, %dma_wait3A_62] : memref<10240x128xf32, #tpu.memory_space<vmem_shared>> -> memref<10240x128xf32, #tpu.memory_space<vmem_shared>>
          tpu.wait_indirect_dma semaphore(%run_scoped3A : memref<!tpu.dma_semaphore, #tpu.memory_space<semaphore_mem>>) src(%arg18 : memref<128x128xf32, #tpu.memory_space<vmem>>) dst(%dma_wait3A_63 : memref<10240x128xf32, #tpu.memory_space<vmem_shared>>)
          tpu.yield
        }) : () -> ()
      }
      %scan3A_31 = arith.constant 156 : i32
      %scan3A_32 = arith.constant 0 : i32
      %scan3A_33 = arith.constant 0 : i32
      %add3A = arith.constant 19968 : i32
      %add3A_34 = arith.addi %mul3A_26, %add3A : i32
      %mul3A_35 = arith.constant 32 : i32
      %mul3A_36 = arith.muli %scan3A_33, %mul3A_35 : i32
      %add3A_37 = arith.addi %add3A_34, %mul3A_36 : i32
      "tpu.region"() ({
        %run_scoped3A = tpu.sem_alloc : memref<!tpu.dma_semaphore, #tpu.memory_space<semaphore_mem>>
        %dma_start3A_48 = tpu.memref_slice %arg7[%add3A_37] : memref<320000xi32, #tpu.memory_space<hbm>> -> memref<32xi32, #tpu.memory_space<hbm>>
        %dma_start3A_49 = tpu.memref_slice %arg7[%add3A_37] : memref<320000xi32, #tpu.memory_space<hbm>> -> memref<32xi32, #tpu.memory_space<hbm>>
        tpu.enqueue_dma source(%dma_start3A_49 : memref<32xi32, #tpu.memory_space<hbm>>) target(%arg19 : memref<32xi32, #tpu.memory_space<vmem>>) target_semaphore(%run_scoped3A : memref<!tpu.dma_semaphore, #tpu.memory_space<semaphore_mem>>)
        %dma_wait3A_50 = tpu.memref_slice %arg7[%add3A_37] : memref<320000xi32, #tpu.memory_space<hbm>> -> memref<32xi32, #tpu.memory_space<hbm>>
        %dma_wait3A_51 = tpu.memref_slice %arg7[%add3A_37] : memref<320000xi32, #tpu.memory_space<hbm>> -> memref<32xi32, #tpu.memory_space<hbm>>
        tpu.wait_dma2 semaphore(%run_scoped3A : memref<!tpu.dma_semaphore, #tpu.memory_space<semaphore_mem>>) src(%dma_wait3A_51 : memref<32xi32, #tpu.memory_space<hbm>>) dst(%arg19 : memref<32xi32, #tpu.memory_space<vmem>>)
        tpu.yield
      }) : () -> ()
      "tpu.region"() ({
        %run_scoped3A = tpu.sem_alloc : memref<!tpu.dma_semaphore, #tpu.memory_space<semaphore_mem>>
        %dma_start3A_48 = tpu.memref_slice %arg8[%add3A_37] : memref<320000xi32, #tpu.memory_space<hbm>> -> memref<32xi32, #tpu.memory_space<hbm>>
        %dma_start3A_49 = tpu.memref_slice %arg8[%add3A_37] : memref<320000xi32, #tpu.memory_space<hbm>> -> memref<32xi32, #tpu.memory_space<hbm>>
        tpu.enqueue_dma source(%dma_start3A_49 : memref<32xi32, #tpu.memory_space<hbm>>) target(%arg20 : memref<32xi32, #tpu.memory_space<vmem>>) target_semaphore(%run_scoped3A : memref<!tpu.dma_semaphore, #tpu.memory_space<semaphore_mem>>)
        %dma_wait3A_50 = tpu.memref_slice %arg8[%add3A_37] : memref<320000xi32, #tpu.memory_space<hbm>> -> memref<32xi32, #tpu.memory_space<hbm>>
        %dma_wait3A_51 = tpu.memref_slice %arg8[%add3A_37] : memref<320000xi32, #tpu.memory_space<hbm>> -> memref<32xi32, #tpu.memory_space<hbm>>
        tpu.wait_dma2 semaphore(%run_scoped3A : memref<!tpu.dma_semaphore, #tpu.memory_space<semaphore_mem>>) src(%dma_wait3A_51 : memref<32xi32, #tpu.memory_space<hbm>>) dst(%arg20 : memref<32xi32, #tpu.memory_space<vmem>>)
        tpu.yield
      }) : () -> ()
      %dma_start3A = arith.constant 0 : i32
      %dma_start3A_38 = arith.constant 0 : i32
      %dma_start3A_39 = tpu.memref_slice %arg2[%dma_start3A, %dma_start3A_38] : memref<10240x128xf32, #tpu.memory_space<hbm>> -> memref<10240x128xf32, #tpu.memory_space<hbm>>
      tpu.enqueue_indirect_dma source(%dma_start3A_39 : memref<10240x128xf32, #tpu.memory_space<hbm>>) target(%arg21 : memref<32x128xf32, #tpu.memory_space<vmem>>) offsets(%arg19 : memref<32xi32, #tpu.memory_space<vmem>>) semaphore(%arg22 : memref<!tpu.dma_semaphore, #tpu.memory_space<semaphore_mem>>)
      %dma_wait3A = arith.constant 0 : i32
      %dma_wait3A_40 = arith.constant 0 : i32
      %dma_wait3A_41 = tpu.memref_slice %arg2[%dma_wait3A, %dma_wait3A_40] : memref<10240x128xf32, #tpu.memory_space<hbm>> -> memref<10240x128xf32, #tpu.memory_space<hbm>>
      tpu.wait_indirect_dma semaphore(%arg22 : memref<!tpu.dma_semaphore, #tpu.memory_space<semaphore_mem>>) src(%dma_wait3A_41 : memref<10240x128xf32, #tpu.memory_space<hbm>>) dst(%arg21 : memref<32x128xf32, #tpu.memory_space<vmem>>)
      "tpu.region"() ({
        %run_scoped3A = tpu.sem_alloc : memref<!tpu.dma_semaphore, #tpu.memory_space<semaphore_mem>>
        %dma_start3A_48 = arith.constant 0 : i32
        %dma_start3A_49 = arith.constant 0 : i32
        %dma_start3A_50 = tpu.memref_slice %arg15[%dma_start3A_48, %dma_start3A_49] : memref<10240x128xf32, #tpu.memory_space<vmem_shared>> -> memref<10240x128xf32, #tpu.memory_space<vmem_shared>>
        tpu.enqueue_indirect_dma source(%arg21 : memref<32x128xf32, #tpu.memory_space<vmem>>) target(%dma_start3A_50 : memref<10240x128xf32, #tpu.memory_space<vmem_shared>>) offsets(%arg20 : memref<32xi32, #tpu.memory_space<vmem>>) semaphore(%run_scoped3A : memref<!tpu.dma_semaphore, #tpu.memory_space<semaphore_mem>>) {add = true}
        %dma_wait3A_51 = arith.constant 0 : i32
        %dma_wait3A_52 = arith.constant 0 : i32
        %dma_wait3A_53 = tpu.memref_slice %arg15[%dma_wait3A_51, %dma_wait3A_52] : memref<10240x128xf32, #tpu.memory_space<vmem_shared>> -> memref<10240x128xf32, #tpu.memory_space<vmem_shared>>
        tpu.wait_indirect_dma semaphore(%run_scoped3A : memref<!tpu.dma_semaphore, #tpu.memory_space<semaphore_mem>>) src(%arg21 : memref<32x128xf32, #tpu.memory_space<vmem>>) dst(%dma_wait3A_53 : memref<10240x128xf32, #tpu.memory_space<vmem_shared>>)
        tpu.yield
      }) : () -> ()
      %scan3A_42 = arith.constant 1 : i32
      %barrier3A_43 = arith.constant 0 : index
      tpu.barrier barrier_id(%barrier3A_43)
      %mul3A_44 = arith.constant 640 : i32
      %mul3A_45 = arith.muli %arg1, %mul3A_44 : i32
      %mul3A_46 = arith.constant 640 : i32
      %mul3A_47 = arith.muli %arg1, %mul3A_46 : i32
      "tpu.region"() ({
        %run_scoped3A = tpu.sem_alloc : memref<!tpu.dma_semaphore, #tpu.memory_space<semaphore_mem>>
        %dma_start3A_48 = arith.constant 0 : i32
        %dma_start3A_49 = tpu.memref_slice %arg10[%mul3A_47, %dma_start3A_48] : memref<10240x128xf32, #tpu.memory_space<hbm>> -> memref<640x128xf32, #tpu.memory_space<hbm>>
        %dma_start3A_50 = arith.constant 0 : i32
        %dma_start3A_51 = tpu.memref_slice %arg15[%mul3A_45, %dma_start3A_50] : memref<10240x128xf32, #tpu.memory_space<vmem_shared>> -> memref<640x128xf32, #tpu.memory_space<vmem_shared>>
        tpu.enqueue_dma source(%dma_start3A_51 : memref<640x128xf32, #tpu.memory_space<vmem_shared>>) target(%dma_start3A_49 : memref<640x128xf32, #tpu.memory_space<hbm>>) target_semaphore(%run_scoped3A : memref<!tpu.dma_semaphore, #tpu.memory_space<semaphore_mem>>)
        %dma_wait3A_52 = arith.constant 0 : i32
        %dma_wait3A_53 = tpu.memref_slice %arg10[%mul3A_47, %dma_wait3A_52] : memref<10240x128xf32, #tpu.memory_space<hbm>> -> memref<640x128xf32, #tpu.memory_space<hbm>>
        %dma_wait3A_54 = arith.constant 0 : i32
        %dma_wait3A_55 = tpu.memref_slice %arg15[%mul3A_45, %dma_wait3A_54] : memref<10240x128xf32, #tpu.memory_space<vmem_shared>> -> memref<640x128xf32, #tpu.memory_space<vmem_shared>>
        tpu.wait_dma2 semaphore(%run_scoped3A : memref<!tpu.dma_semaphore, #tpu.memory_space<semaphore_mem>>) src(%dma_wait3A_55 : memref<640x128xf32, #tpu.memory_space<vmem_shared>>) dst(%dma_wait3A_53 : memref<640x128xf32, #tpu.memory_space<hbm>>)
        tpu.yield
      }) : () -> ()
    } else {
    }
    %eq3A_2 = arith.constant 1 : i32
    %eq3A_3 = arith.cmpi eq, %arg0, %eq3A_2 : i32
    %convert_element_type3A_4 = arith.extui %eq3A_3 : i1 to i32
    %cond3A_5 = arith.constant 0 : i32
    %cond3A_6 = arith.cmpi ne, %convert_element_type3A_4, %cond3A_5 : i32
    scf.if %cond3A_6 {
      %mul3A = arith.constant 640 : i32
      %mul3A_22 = arith.muli %arg1, %mul3A : i32
      %mul3A_23 = arith.constant 640 : i32
      %mul3A_24 = arith.muli %arg1, %mul3A_23 : i32
      "tpu.region"() ({
        %run_scoped3A = tpu.sem_alloc : memref<!tpu.dma_semaphore, #tpu.memory_space<semaphore_mem>>
        %dma_start3A_48 = arith.constant 0 : i32
        %dma_start3A_49 = tpu.memref_slice %arg15[%mul3A_24, %dma_start3A_48] : memref<10240x128xf32, #tpu.memory_space<vmem_shared>> -> memref<640x128xf32, #tpu.memory_space<vmem_shared>>
        %dma_start3A_50 = arith.constant 0 : i32
        %dma_start3A_51 = tpu.memref_slice %arg9[%mul3A_22, %dma_start3A_50] : memref<10240x128xf32, #tpu.memory_space<hbm>> -> memref<640x128xf32, #tpu.memory_space<hbm>>
        tpu.enqueue_dma source(%dma_start3A_51 : memref<640x128xf32, #tpu.memory_space<hbm>>) target(%dma_start3A_49 : memref<640x128xf32, #tpu.memory_space<vmem_shared>>) target_semaphore(%run_scoped3A : memref<!tpu.dma_semaphore, #tpu.memory_space<semaphore_mem>>)
        %dma_wait3A_52 = arith.constant 0 : i32
        %dma_wait3A_53 = tpu.memref_slice %arg15[%mul3A_24, %dma_wait3A_52] : memref<10240x128xf32, #tpu.memory_space<vmem_shared>> -> memref<640x128xf32, #tpu.memory_space<vmem_shared>>
        %dma_wait3A_54 = arith.constant 0 : i32
        %dma_wait3A_55 = tpu.memref_slice %arg9[%mul3A_22, %dma_wait3A_54] : memref<10240x128xf32, #tpu.memory_space<hbm>> -> memref<640x128xf32, #tpu.memory_space<hbm>>
        tpu.wait_dma2 semaphore(%run_scoped3A : memref<!tpu.dma_semaphore, #tpu.memory_space<semaphore_mem>>) src(%dma_wait3A_55 : memref<640x128xf32, #tpu.memory_space<hbm>>) dst(%dma_wait3A_53 : memref<640x128xf32, #tpu.memory_space<vmem_shared>>)
        tpu.yield
      }) : () -> ()
      %barrier3A = arith.constant 0 : index
      tpu.barrier barrier_id(%barrier3A)
      %mul3A_25 = arith.constant 20000 : i32
      %mul3A_26 = arith.muli %arg1, %mul3A_25 : i32
      %scan3A = arith.constant 0 : i32
      %scan3A_27 = arith.constant 0 : i32
      %scan3A_28 = arith.constant 156 : i32
      %scan3A_29 = arith.addi %scan3A_27, %scan3A_28 : i32
      %scan3A_30 = arith.constant 1 : i32
      scf.for %scan3A_48 = %scan3A_27 to %scan3A_29 step %scan3A_30  : i32 {
        %mul3A_49 = arith.constant 128 : i32
        %mul3A_50 = arith.muli %scan3A_48, %mul3A_49 : i32
        %add3A_51 = arith.addi %mul3A_26, %mul3A_50 : i32
        "tpu.region"() ({
          %run_scoped3A = tpu.sem_alloc : memref<!tpu.dma_semaphore, #tpu.memory_space<semaphore_mem>>
          %dma_start3A_58 = tpu.memref_slice %arg7[%add3A_51] : memref<320000xi32, #tpu.memory_space<hbm>> -> memref<128xi32, #tpu.memory_space<hbm>>
          %dma_start3A_59 = tpu.memref_slice %arg7[%add3A_51] : memref<320000xi32, #tpu.memory_space<hbm>> -> memref<128xi32, #tpu.memory_space<hbm>>
          tpu.enqueue_dma source(%dma_start3A_59 : memref<128xi32, #tpu.memory_space<hbm>>) target(%arg16 : memref<128xi32, #tpu.memory_space<vmem>>) target_semaphore(%run_scoped3A : memref<!tpu.dma_semaphore, #tpu.memory_space<semaphore_mem>>)
          %dma_wait3A_60 = tpu.memref_slice %arg7[%add3A_51] : memref<320000xi32, #tpu.memory_space<hbm>> -> memref<128xi32, #tpu.memory_space<hbm>>
          %dma_wait3A_61 = tpu.memref_slice %arg7[%add3A_51] : memref<320000xi32, #tpu.memory_space<hbm>> -> memref<128xi32, #tpu.memory_space<hbm>>
          tpu.wait_dma2 semaphore(%run_scoped3A : memref<!tpu.dma_semaphore, #tpu.memory_space<semaphore_mem>>) src(%dma_wait3A_61 : memref<128xi32, #tpu.memory_space<hbm>>) dst(%arg16 : memref<128xi32, #tpu.memory_space<vmem>>)
          tpu.yield
        }) : () -> ()
        "tpu.region"() ({
          %run_scoped3A = tpu.sem_alloc : memref<!tpu.dma_semaphore, #tpu.memory_space<semaphore_mem>>
          %dma_start3A_58 = tpu.memref_slice %arg8[%add3A_51] : memref<320000xi32, #tpu.memory_space<hbm>> -> memref<128xi32, #tpu.memory_space<hbm>>
          %dma_start3A_59 = tpu.memref_slice %arg8[%add3A_51] : memref<320000xi32, #tpu.memory_space<hbm>> -> memref<128xi32, #tpu.memory_space<hbm>>
          tpu.enqueue_dma source(%dma_start3A_59 : memref<128xi32, #tpu.memory_space<hbm>>) target(%arg17 : memref<128xi32, #tpu.memory_space<vmem>>) target_semaphore(%run_scoped3A : memref<!tpu.dma_semaphore, #tpu.memory_space<semaphore_mem>>)
          %dma_wait3A_60 = tpu.memref_slice %arg8[%add3A_51] : memref<320000xi32, #tpu.memory_space<hbm>> -> memref<128xi32, #tpu.memory_space<hbm>>
          %dma_wait3A_61 = tpu.memref_slice %arg8[%add3A_51] : memref<320000xi32, #tpu.memory_space<hbm>> -> memref<128xi32, #tpu.memory_space<hbm>>
          tpu.wait_dma2 semaphore(%run_scoped3A : memref<!tpu.dma_semaphore, #tpu.memory_space<semaphore_mem>>) src(%dma_wait3A_61 : memref<128xi32, #tpu.memory_space<hbm>>) dst(%arg17 : memref<128xi32, #tpu.memory_space<vmem>>)
          tpu.yield
        }) : () -> ()
        %dma_start3A_52 = arith.constant 0 : i32
        %dma_start3A_53 = arith.constant 0 : i32
        %dma_start3A_54 = tpu.memref_slice %arg3[%dma_start3A_52, %dma_start3A_53] : memref<10240x128xf32, #tpu.memory_space<hbm>> -> memref<10240x128xf32, #tpu.memory_space<hbm>>
        tpu.enqueue_indirect_dma source(%dma_start3A_54 : memref<10240x128xf32, #tpu.memory_space<hbm>>) target(%arg18 : memref<128x128xf32, #tpu.memory_space<vmem>>) offsets(%arg16 : memref<128xi32, #tpu.memory_space<vmem>>) semaphore(%arg22 : memref<!tpu.dma_semaphore, #tpu.memory_space<semaphore_mem>>)
        %dma_wait3A_55 = arith.constant 0 : i32
        %dma_wait3A_56 = arith.constant 0 : i32
        %dma_wait3A_57 = tpu.memref_slice %arg3[%dma_wait3A_55, %dma_wait3A_56] : memref<10240x128xf32, #tpu.memory_space<hbm>> -> memref<10240x128xf32, #tpu.memory_space<hbm>>
        tpu.wait_indirect_dma semaphore(%arg22 : memref<!tpu.dma_semaphore, #tpu.memory_space<semaphore_mem>>) src(%dma_wait3A_57 : memref<10240x128xf32, #tpu.memory_space<hbm>>) dst(%arg18 : memref<128x128xf32, #tpu.memory_space<vmem>>)
        "tpu.region"() ({
          %run_scoped3A = tpu.sem_alloc : memref<!tpu.dma_semaphore, #tpu.memory_space<semaphore_mem>>
          %dma_start3A_58 = arith.constant 0 : i32
          %dma_start3A_59 = arith.constant 0 : i32
          %dma_start3A_60 = tpu.memref_slice %arg15[%dma_start3A_58, %dma_start3A_59] : memref<10240x128xf32, #tpu.memory_space<vmem_shared>> -> memref<10240x128xf32, #tpu.memory_space<vmem_shared>>
          tpu.enqueue_indirect_dma source(%arg18 : memref<128x128xf32, #tpu.memory_space<vmem>>) target(%dma_start3A_60 : memref<10240x128xf32, #tpu.memory_space<vmem_shared>>) offsets(%arg17 : memref<128xi32, #tpu.memory_space<vmem>>) semaphore(%run_scoped3A : memref<!tpu.dma_semaphore, #tpu.memory_space<semaphore_mem>>) {add = true}
          %dma_wait3A_61 = arith.constant 0 : i32
          %dma_wait3A_62 = arith.constant 0 : i32
          %dma_wait3A_63 = tpu.memref_slice %arg15[%dma_wait3A_61, %dma_wait3A_62] : memref<10240x128xf32, #tpu.memory_space<vmem_shared>> -> memref<10240x128xf32, #tpu.memory_space<vmem_shared>>
          tpu.wait_indirect_dma semaphore(%run_scoped3A : memref<!tpu.dma_semaphore, #tpu.memory_space<semaphore_mem>>) src(%arg18 : memref<128x128xf32, #tpu.memory_space<vmem>>) dst(%dma_wait3A_63 : memref<10240x128xf32, #tpu.memory_space<vmem_shared>>)
          tpu.yield
        }) : () -> ()
      }
      %scan3A_31 = arith.constant 156 : i32
      %scan3A_32 = arith.constant 0 : i32
      %scan3A_33 = arith.constant 0 : i32
      %add3A = arith.constant 19968 : i32
      %add3A_34 = arith.addi %mul3A_26, %add3A : i32
      %mul3A_35 = arith.constant 32 : i32
      %mul3A_36 = arith.muli %scan3A_33, %mul3A_35 : i32
      %add3A_37 = arith.addi %add3A_34, %mul3A_36 : i32
      "tpu.region"() ({
        %run_scoped3A = tpu.sem_alloc : memref<!tpu.dma_semaphore, #tpu.memory_space<semaphore_mem>>
        %dma_start3A_48 = tpu.memref_slice %arg7[%add3A_37] : memref<320000xi32, #tpu.memory_space<hbm>> -> memref<32xi32, #tpu.memory_space<hbm>>
        %dma_start3A_49 = tpu.memref_slice %arg7[%add3A_37] : memref<320000xi32, #tpu.memory_space<hbm>> -> memref<32xi32, #tpu.memory_space<hbm>>
        tpu.enqueue_dma source(%dma_start3A_49 : memref<32xi32, #tpu.memory_space<hbm>>) target(%arg19 : memref<32xi32, #tpu.memory_space<vmem>>) target_semaphore(%run_scoped3A : memref<!tpu.dma_semaphore, #tpu.memory_space<semaphore_mem>>)
        %dma_wait3A_50 = tpu.memref_slice %arg7[%add3A_37] : memref<320000xi32, #tpu.memory_space<hbm>> -> memref<32xi32, #tpu.memory_space<hbm>>
        %dma_wait3A_51 = tpu.memref_slice %arg7[%add3A_37] : memref<320000xi32, #tpu.memory_space<hbm>> -> memref<32xi32, #tpu.memory_space<hbm>>
        tpu.wait_dma2 semaphore(%run_scoped3A : memref<!tpu.dma_semaphore, #tpu.memory_space<semaphore_mem>>) src(%dma_wait3A_51 : memref<32xi32, #tpu.memory_space<hbm>>) dst(%arg19 : memref<32xi32, #tpu.memory_space<vmem>>)
        tpu.yield
      }) : () -> ()
      "tpu.region"() ({
        %run_scoped3A = tpu.sem_alloc : memref<!tpu.dma_semaphore, #tpu.memory_space<semaphore_mem>>
        %dma_start3A_48 = tpu.memref_slice %arg8[%add3A_37] : memref<320000xi32, #tpu.memory_space<hbm>> -> memref<32xi32, #tpu.memory_space<hbm>>
        %dma_start3A_49 = tpu.memref_slice %arg8[%add3A_37] : memref<320000xi32, #tpu.memory_space<hbm>> -> memref<32xi32, #tpu.memory_space<hbm>>
        tpu.enqueue_dma source(%dma_start3A_49 : memref<32xi32, #tpu.memory_space<hbm>>) target(%arg20 : memref<32xi32, #tpu.memory_space<vmem>>) target_semaphore(%run_scoped3A : memref<!tpu.dma_semaphore, #tpu.memory_space<semaphore_mem>>)
        %dma_wait3A_50 = tpu.memref_slice %arg8[%add3A_37] : memref<320000xi32, #tpu.memory_space<hbm>> -> memref<32xi32, #tpu.memory_space<hbm>>
        %dma_wait3A_51 = tpu.memref_slice %arg8[%add3A_37] : memref<320000xi32, #tpu.memory_space<hbm>> -> memref<32xi32, #tpu.memory_space<hbm>>
        tpu.wait_dma2 semaphore(%run_scoped3A : memref<!tpu.dma_semaphore, #tpu.memory_space<semaphore_mem>>) src(%dma_wait3A_51 : memref<32xi32, #tpu.memory_space<hbm>>) dst(%arg20 : memref<32xi32, #tpu.memory_space<vmem>>)
        tpu.yield
      }) : () -> ()
      %dma_start3A = arith.constant 0 : i32
      %dma_start3A_38 = arith.constant 0 : i32
      %dma_start3A_39 = tpu.memref_slice %arg3[%dma_start3A, %dma_start3A_38] : memref<10240x128xf32, #tpu.memory_space<hbm>> -> memref<10240x128xf32, #tpu.memory_space<hbm>>
      tpu.enqueue_indirect_dma source(%dma_start3A_39 : memref<10240x128xf32, #tpu.memory_space<hbm>>) target(%arg21 : memref<32x128xf32, #tpu.memory_space<vmem>>) offsets(%arg19 : memref<32xi32, #tpu.memory_space<vmem>>) semaphore(%arg22 : memref<!tpu.dma_semaphore, #tpu.memory_space<semaphore_mem>>)
      %dma_wait3A = arith.constant 0 : i32
      %dma_wait3A_40 = arith.constant 0 : i32
      %dma_wait3A_41 = tpu.memref_slice %arg3[%dma_wait3A, %dma_wait3A_40] : memref<10240x128xf32, #tpu.memory_space<hbm>> -> memref<10240x128xf32, #tpu.memory_space<hbm>>
      tpu.wait_indirect_dma semaphore(%arg22 : memref<!tpu.dma_semaphore, #tpu.memory_space<semaphore_mem>>) src(%dma_wait3A_41 : memref<10240x128xf32, #tpu.memory_space<hbm>>) dst(%arg21 : memref<32x128xf32, #tpu.memory_space<vmem>>)
      "tpu.region"() ({
        %run_scoped3A = tpu.sem_alloc : memref<!tpu.dma_semaphore, #tpu.memory_space<semaphore_mem>>
        %dma_start3A_48 = arith.constant 0 : i32
        %dma_start3A_49 = arith.constant 0 : i32
        %dma_start3A_50 = tpu.memref_slice %arg15[%dma_start3A_48, %dma_start3A_49] : memref<10240x128xf32, #tpu.memory_space<vmem_shared>> -> memref<10240x128xf32, #tpu.memory_space<vmem_shared>>
        tpu.enqueue_indirect_dma source(%arg21 : memref<32x128xf32, #tpu.memory_space<vmem>>) target(%dma_start3A_50 : memref<10240x128xf32, #tpu.memory_space<vmem_shared>>) offsets(%arg20 : memref<32xi32, #tpu.memory_space<vmem>>) semaphore(%run_scoped3A : memref<!tpu.dma_semaphore, #tpu.memory_space<semaphore_mem>>) {add = true}
        %dma_wait3A_51 = arith.constant 0 : i32
        %dma_wait3A_52 = arith.constant 0 : i32
        %dma_wait3A_53 = tpu.memref_slice %arg15[%dma_wait3A_51, %dma_wait3A_52] : memref<10240x128xf32, #tpu.memory_space<vmem_shared>> -> memref<10240x128xf32, #tpu.memory_space<vmem_shared>>
        tpu.wait_indirect_dma semaphore(%run_scoped3A : memref<!tpu.dma_semaphore, #tpu.memory_space<semaphore_mem>>) src(%arg21 : memref<32x128xf32, #tpu.memory_space<vmem>>) dst(%dma_wait3A_53 : memref<10240x128xf32, #tpu.memory_space<vmem_shared>>)
        tpu.yield
      }) : () -> ()
      %scan3A_42 = arith.constant 1 : i32
      %barrier3A_43 = arith.constant 0 : index
      tpu.barrier barrier_id(%barrier3A_43)
      %mul3A_44 = arith.constant 640 : i32
      %mul3A_45 = arith.muli %arg1, %mul3A_44 : i32
      %mul3A_46 = arith.constant 640 : i32
      %mul3A_47 = arith.muli %arg1, %mul3A_46 : i32
      "tpu.region"() ({
        %run_scoped3A = tpu.sem_alloc : memref<!tpu.dma_semaphore, #tpu.memory_space<semaphore_mem>>
        %dma_start3A_48 = arith.constant 0 : i32
        %dma_start3A_49 = tpu.memref_slice %arg11[%mul3A_47, %dma_start3A_48] : memref<10240x128xf32, #tpu.memory_space<hbm>> -> memref<640x128xf32, #tpu.memory_space<hbm>>
        %dma_start3A_50 = arith.constant 0 : i32
        %dma_start3A_51 = tpu.memref_slice %arg15[%mul3A_45, %dma_start3A_50] : memref<10240x128xf32, #tpu.memory_space<vmem_shared>> -> memref<640x128xf32, #tpu.memory_space<vmem_shared>>
        tpu.enqueue_dma source(%dma_start3A_51 : memref<640x128xf32, #tpu.memory_space<vmem_shared>>) target(%dma_start3A_49 : memref<640x128xf32, #tpu.memory_space<hbm>>) target_semaphore(%run_scoped3A : memref<!tpu.dma_semaphore, #tpu.memory_space<semaphore_mem>>)
        %dma_wait3A_52 = arith.constant 0 : i32
        %dma_wait3A_53 = tpu.memref_slice %arg11[%mul3A_47, %dma_wait3A_52] : memref<10240x128xf32, #tpu.memory_space<hbm>> -> memref<640x128xf32, #tpu.memory_space<hbm>>
        %dma_wait3A_54 = arith.constant 0 : i32
        %dma_wait3A_55 = tpu.memref_slice %arg15[%mul3A_45, %dma_wait3A_54] : memref<10240x128xf32, #tpu.memory_space<vmem_shared>> -> memref<640x128xf32, #tpu.memory_space<vmem_shared>>
        tpu.wait_dma2 semaphore(%run_scoped3A : memref<!tpu.dma_semaphore, #tpu.memory_space<semaphore_mem>>) src(%dma_wait3A_55 : memref<640x128xf32, #tpu.memory_space<vmem_shared>>) dst(%dma_wait3A_53 : memref<640x128xf32, #tpu.memory_space<hbm>>)
        tpu.yield
      }) : () -> ()
    } else {
    }
    %eq3A_7 = arith.constant 0 : i32
    %eq3A_8 = arith.cmpi eq, %arg0, %eq3A_7 : i32
    %convert_element_type3A_9 = arith.extui %eq3A_8 : i1 to i32
    %cond3A_10 = arith.constant 0 : i32
    %cond3A_11 = arith.cmpi ne, %convert_element_type3A_9, %cond3A_10 : i32
    scf.if %cond3A_11 {
      %mul3A = arith.constant 640 : i32
      %mul3A_22 = arith.muli %arg1, %mul3A : i32
      %mul3A_23 = arith.constant 640 : i32
      %mul3A_24 = arith.muli %arg1, %mul3A_23 : i32
      "tpu.region"() ({
        %run_scoped3A = tpu.sem_alloc : memref<!tpu.dma_semaphore, #tpu.memory_space<semaphore_mem>>
        %dma_start3A_48 = arith.constant 0 : i32
        %dma_start3A_49 = tpu.memref_slice %arg15[%mul3A_24, %dma_start3A_48] : memref<10240x128xf32, #tpu.memory_space<vmem_shared>> -> memref<640x128xf32, #tpu.memory_space<vmem_shared>>
        %dma_start3A_50 = arith.constant 0 : i32
        %dma_start3A_51 = tpu.memref_slice %arg9[%mul3A_22, %dma_start3A_50] : memref<10240x128xf32, #tpu.memory_space<hbm>> -> memref<640x128xf32, #tpu.memory_space<hbm>>
        tpu.enqueue_dma source(%dma_start3A_51 : memref<640x128xf32, #tpu.memory_space<hbm>>) target(%dma_start3A_49 : memref<640x128xf32, #tpu.memory_space<vmem_shared>>) target_semaphore(%run_scoped3A : memref<!tpu.dma_semaphore, #tpu.memory_space<semaphore_mem>>)
        %dma_wait3A_52 = arith.constant 0 : i32
        %dma_wait3A_53 = tpu.memref_slice %arg15[%mul3A_24, %dma_wait3A_52] : memref<10240x128xf32, #tpu.memory_space<vmem_shared>> -> memref<640x128xf32, #tpu.memory_space<vmem_shared>>
        %dma_wait3A_54 = arith.constant 0 : i32
        %dma_wait3A_55 = tpu.memref_slice %arg9[%mul3A_22, %dma_wait3A_54] : memref<10240x128xf32, #tpu.memory_space<hbm>> -> memref<640x128xf32, #tpu.memory_space<hbm>>
        tpu.wait_dma2 semaphore(%run_scoped3A : memref<!tpu.dma_semaphore, #tpu.memory_space<semaphore_mem>>) src(%dma_wait3A_55 : memref<640x128xf32, #tpu.memory_space<hbm>>) dst(%dma_wait3A_53 : memref<640x128xf32, #tpu.memory_space<vmem_shared>>)
        tpu.yield
      }) : () -> ()
      %barrier3A = arith.constant 0 : index
      tpu.barrier barrier_id(%barrier3A)
      %mul3A_25 = arith.constant 20000 : i32
      %mul3A_26 = arith.muli %arg1, %mul3A_25 : i32
      %scan3A = arith.constant 0 : i32
      %scan3A_27 = arith.constant 0 : i32
      %scan3A_28 = arith.constant 156 : i32
      %scan3A_29 = arith.addi %scan3A_27, %scan3A_28 : i32
      %scan3A_30 = arith.constant 1 : i32
      scf.for %scan3A_48 = %scan3A_27 to %scan3A_29 step %scan3A_30  : i32 {
        %mul3A_49 = arith.constant 128 : i32
        %mul3A_50 = arith.muli %scan3A_48, %mul3A_49 : i32
        %add3A_51 = arith.addi %mul3A_26, %mul3A_50 : i32
        "tpu.region"() ({
          %run_scoped3A = tpu.sem_alloc : memref<!tpu.dma_semaphore, #tpu.memory_space<semaphore_mem>>
          %dma_start3A_58 = tpu.memref_slice %arg7[%add3A_51] : memref<320000xi32, #tpu.memory_space<hbm>> -> memref<128xi32, #tpu.memory_space<hbm>>
          %dma_start3A_59 = tpu.memref_slice %arg7[%add3A_51] : memref<320000xi32, #tpu.memory_space<hbm>> -> memref<128xi32, #tpu.memory_space<hbm>>
          tpu.enqueue_dma source(%dma_start3A_59 : memref<128xi32, #tpu.memory_space<hbm>>) target(%arg16 : memref<128xi32, #tpu.memory_space<vmem>>) target_semaphore(%run_scoped3A : memref<!tpu.dma_semaphore, #tpu.memory_space<semaphore_mem>>)
          %dma_wait3A_60 = tpu.memref_slice %arg7[%add3A_51] : memref<320000xi32, #tpu.memory_space<hbm>> -> memref<128xi32, #tpu.memory_space<hbm>>
          %dma_wait3A_61 = tpu.memref_slice %arg7[%add3A_51] : memref<320000xi32, #tpu.memory_space<hbm>> -> memref<128xi32, #tpu.memory_space<hbm>>
          tpu.wait_dma2 semaphore(%run_scoped3A : memref<!tpu.dma_semaphore, #tpu.memory_space<semaphore_mem>>) src(%dma_wait3A_61 : memref<128xi32, #tpu.memory_space<hbm>>) dst(%arg16 : memref<128xi32, #tpu.memory_space<vmem>>)
          tpu.yield
        }) : () -> ()
        "tpu.region"() ({
          %run_scoped3A = tpu.sem_alloc : memref<!tpu.dma_semaphore, #tpu.memory_space<semaphore_mem>>
          %dma_start3A_58 = tpu.memref_slice %arg8[%add3A_51] : memref<320000xi32, #tpu.memory_space<hbm>> -> memref<128xi32, #tpu.memory_space<hbm>>
          %dma_start3A_59 = tpu.memref_slice %arg8[%add3A_51] : memref<320000xi32, #tpu.memory_space<hbm>> -> memref<128xi32, #tpu.memory_space<hbm>>
          tpu.enqueue_dma source(%dma_start3A_59 : memref<128xi32, #tpu.memory_space<hbm>>) target(%arg17 : memref<128xi32, #tpu.memory_space<vmem>>) target_semaphore(%run_scoped3A : memref<!tpu.dma_semaphore, #tpu.memory_space<semaphore_mem>>)
          %dma_wait3A_60 = tpu.memref_slice %arg8[%add3A_51] : memref<320000xi32, #tpu.memory_space<hbm>> -> memref<128xi32, #tpu.memory_space<hbm>>
          %dma_wait3A_61 = tpu.memref_slice %arg8[%add3A_51] : memref<320000xi32, #tpu.memory_space<hbm>> -> memref<128xi32, #tpu.memory_space<hbm>>
          tpu.wait_dma2 semaphore(%run_scoped3A : memref<!tpu.dma_semaphore, #tpu.memory_space<semaphore_mem>>) src(%dma_wait3A_61 : memref<128xi32, #tpu.memory_space<hbm>>) dst(%arg17 : memref<128xi32, #tpu.memory_space<vmem>>)
          tpu.yield
        }) : () -> ()
        %dma_start3A_52 = arith.constant 0 : i32
        %dma_start3A_53 = arith.constant 0 : i32
        %dma_start3A_54 = tpu.memref_slice %arg4[%dma_start3A_52, %dma_start3A_53] : memref<10240x128xf32, #tpu.memory_space<hbm>> -> memref<10240x128xf32, #tpu.memory_space<hbm>>
        tpu.enqueue_indirect_dma source(%dma_start3A_54 : memref<10240x128xf32, #tpu.memory_space<hbm>>) target(%arg18 : memref<128x128xf32, #tpu.memory_space<vmem>>) offsets(%arg16 : memref<128xi32, #tpu.memory_space<vmem>>) semaphore(%arg22 : memref<!tpu.dma_semaphore, #tpu.memory_space<semaphore_mem>>)
        %dma_wait3A_55 = arith.constant 0 : i32
        %dma_wait3A_56 = arith.constant 0 : i32
        %dma_wait3A_57 = tpu.memref_slice %arg4[%dma_wait3A_55, %dma_wait3A_56] : memref<10240x128xf32, #tpu.memory_space<hbm>> -> memref<10240x128xf32, #tpu.memory_space<hbm>>
        tpu.wait_indirect_dma semaphore(%arg22 : memref<!tpu.dma_semaphore, #tpu.memory_space<semaphore_mem>>) src(%dma_wait3A_57 : memref<10240x128xf32, #tpu.memory_space<hbm>>) dst(%arg18 : memref<128x128xf32, #tpu.memory_space<vmem>>)
        "tpu.region"() ({
          %run_scoped3A = tpu.sem_alloc : memref<!tpu.dma_semaphore, #tpu.memory_space<semaphore_mem>>
          %dma_start3A_58 = arith.constant 0 : i32
          %dma_start3A_59 = arith.constant 0 : i32
          %dma_start3A_60 = tpu.memref_slice %arg15[%dma_start3A_58, %dma_start3A_59] : memref<10240x128xf32, #tpu.memory_space<vmem_shared>> -> memref<10240x128xf32, #tpu.memory_space<vmem_shared>>
          tpu.enqueue_indirect_dma source(%arg18 : memref<128x128xf32, #tpu.memory_space<vmem>>) target(%dma_start3A_60 : memref<10240x128xf32, #tpu.memory_space<vmem_shared>>) offsets(%arg17 : memref<128xi32, #tpu.memory_space<vmem>>) semaphore(%run_scoped3A : memref<!tpu.dma_semaphore, #tpu.memory_space<semaphore_mem>>) {add = true}
          %dma_wait3A_61 = arith.constant 0 : i32
          %dma_wait3A_62 = arith.constant 0 : i32
          %dma_wait3A_63 = tpu.memref_slice %arg15[%dma_wait3A_61, %dma_wait3A_62] : memref<10240x128xf32, #tpu.memory_space<vmem_shared>> -> memref<10240x128xf32, #tpu.memory_space<vmem_shared>>
          tpu.wait_indirect_dma semaphore(%run_scoped3A : memref<!tpu.dma_semaphore, #tpu.memory_space<semaphore_mem>>) src(%arg18 : memref<128x128xf32, #tpu.memory_space<vmem>>) dst(%dma_wait3A_63 : memref<10240x128xf32, #tpu.memory_space<vmem_shared>>)
          tpu.yield
        }) : () -> ()
      }
      %scan3A_31 = arith.constant 156 : i32
      %scan3A_32 = arith.constant 0 : i32
      %scan3A_33 = arith.constant 0 : i32
      %add3A = arith.constant 19968 : i32
      %add3A_34 = arith.addi %mul3A_26, %add3A : i32
      %mul3A_35 = arith.constant 32 : i32
      %mul3A_36 = arith.muli %scan3A_33, %mul3A_35 : i32
      %add3A_37 = arith.addi %add3A_34, %mul3A_36 : i32
      "tpu.region"() ({
        %run_scoped3A = tpu.sem_alloc : memref<!tpu.dma_semaphore, #tpu.memory_space<semaphore_mem>>
        %dma_start3A_48 = tpu.memref_slice %arg7[%add3A_37] : memref<320000xi32, #tpu.memory_space<hbm>> -> memref<32xi32, #tpu.memory_space<hbm>>
        %dma_start3A_49 = tpu.memref_slice %arg7[%add3A_37] : memref<320000xi32, #tpu.memory_space<hbm>> -> memref<32xi32, #tpu.memory_space<hbm>>
        tpu.enqueue_dma source(%dma_start3A_49 : memref<32xi32, #tpu.memory_space<hbm>>) target(%arg19 : memref<32xi32, #tpu.memory_space<vmem>>) target_semaphore(%run_scoped3A : memref<!tpu.dma_semaphore, #tpu.memory_space<semaphore_mem>>)
        %dma_wait3A_50 = tpu.memref_slice %arg7[%add3A_37] : memref<320000xi32, #tpu.memory_space<hbm>> -> memref<32xi32, #tpu.memory_space<hbm>>
        %dma_wait3A_51 = tpu.memref_slice %arg7[%add3A_37] : memref<320000xi32, #tpu.memory_space<hbm>> -> memref<32xi32, #tpu.memory_space<hbm>>
        tpu.wait_dma2 semaphore(%run_scoped3A : memref<!tpu.dma_semaphore, #tpu.memory_space<semaphore_mem>>) src(%dma_wait3A_51 : memref<32xi32, #tpu.memory_space<hbm>>) dst(%arg19 : memref<32xi32, #tpu.memory_space<vmem>>)
        tpu.yield
      }) : () -> ()
      "tpu.region"() ({
        %run_scoped3A = tpu.sem_alloc : memref<!tpu.dma_semaphore, #tpu.memory_space<semaphore_mem>>
        %dma_start3A_48 = tpu.memref_slice %arg8[%add3A_37] : memref<320000xi32, #tpu.memory_space<hbm>> -> memref<32xi32, #tpu.memory_space<hbm>>
        %dma_start3A_49 = tpu.memref_slice %arg8[%add3A_37] : memref<320000xi32, #tpu.memory_space<hbm>> -> memref<32xi32, #tpu.memory_space<hbm>>
        tpu.enqueue_dma source(%dma_start3A_49 : memref<32xi32, #tpu.memory_space<hbm>>) target(%arg20 : memref<32xi32, #tpu.memory_space<vmem>>) target_semaphore(%run_scoped3A : memref<!tpu.dma_semaphore, #tpu.memory_space<semaphore_mem>>)
        %dma_wait3A_50 = tpu.memref_slice %arg8[%add3A_37] : memref<320000xi32, #tpu.memory_space<hbm>> -> memref<32xi32, #tpu.memory_space<hbm>>
        %dma_wait3A_51 = tpu.memref_slice %arg8[%add3A_37] : memref<320000xi32, #tpu.memory_space<hbm>> -> memref<32xi32, #tpu.memory_space<hbm>>
        tpu.wait_dma2 semaphore(%run_scoped3A : memref<!tpu.dma_semaphore, #tpu.memory_space<semaphore_mem>>) src(%dma_wait3A_51 : memref<32xi32, #tpu.memory_space<hbm>>) dst(%arg20 : memref<32xi32, #tpu.memory_space<vmem>>)
        tpu.yield
      }) : () -> ()
      %dma_start3A = arith.constant 0 : i32
      %dma_start3A_38 = arith.constant 0 : i32
      %dma_start3A_39 = tpu.memref_slice %arg4[%dma_start3A, %dma_start3A_38] : memref<10240x128xf32, #tpu.memory_space<hbm>> -> memref<10240x128xf32, #tpu.memory_space<hbm>>
      tpu.enqueue_indirect_dma source(%dma_start3A_39 : memref<10240x128xf32, #tpu.memory_space<hbm>>) target(%arg21 : memref<32x128xf32, #tpu.memory_space<vmem>>) offsets(%arg19 : memref<32xi32, #tpu.memory_space<vmem>>) semaphore(%arg22 : memref<!tpu.dma_semaphore, #tpu.memory_space<semaphore_mem>>)
      %dma_wait3A = arith.constant 0 : i32
      %dma_wait3A_40 = arith.constant 0 : i32
      %dma_wait3A_41 = tpu.memref_slice %arg4[%dma_wait3A, %dma_wait3A_40] : memref<10240x128xf32, #tpu.memory_space<hbm>> -> memref<10240x128xf32, #tpu.memory_space<hbm>>
      tpu.wait_indirect_dma semaphore(%arg22 : memref<!tpu.dma_semaphore, #tpu.memory_space<semaphore_mem>>) src(%dma_wait3A_41 : memref<10240x128xf32, #tpu.memory_space<hbm>>) dst(%arg21 : memref<32x128xf32, #tpu.memory_space<vmem>>)
      "tpu.region"() ({
        %run_scoped3A = tpu.sem_alloc : memref<!tpu.dma_semaphore, #tpu.memory_space<semaphore_mem>>
        %dma_start3A_48 = arith.constant 0 : i32
        %dma_start3A_49 = arith.constant 0 : i32
        %dma_start3A_50 = tpu.memref_slice %arg15[%dma_start3A_48, %dma_start3A_49] : memref<10240x128xf32, #tpu.memory_space<vmem_shared>> -> memref<10240x128xf32, #tpu.memory_space<vmem_shared>>
        tpu.enqueue_indirect_dma source(%arg21 : memref<32x128xf32, #tpu.memory_space<vmem>>) target(%dma_start3A_50 : memref<10240x128xf32, #tpu.memory_space<vmem_shared>>) offsets(%arg20 : memref<32xi32, #tpu.memory_space<vmem>>) semaphore(%run_scoped3A : memref<!tpu.dma_semaphore, #tpu.memory_space<semaphore_mem>>) {add = true}
        %dma_wait3A_51 = arith.constant 0 : i32
        %dma_wait3A_52 = arith.constant 0 : i32
        %dma_wait3A_53 = tpu.memref_slice %arg15[%dma_wait3A_51, %dma_wait3A_52] : memref<10240x128xf32, #tpu.memory_space<vmem_shared>> -> memref<10240x128xf32, #tpu.memory_space<vmem_shared>>
        tpu.wait_indirect_dma semaphore(%run_scoped3A : memref<!tpu.dma_semaphore, #tpu.memory_space<semaphore_mem>>) src(%arg21 : memref<32x128xf32, #tpu.memory_space<vmem>>) dst(%dma_wait3A_53 : memref<10240x128xf32, #tpu.memory_space<vmem_shared>>)
        tpu.yield
      }) : () -> ()
      %scan3A_42 = arith.constant 1 : i32
      %barrier3A_43 = arith.constant 0 : index
      tpu.barrier barrier_id(%barrier3A_43)
      %mul3A_44 = arith.constant 640 : i32
      %mul3A_45 = arith.muli %arg1, %mul3A_44 : i32
      %mul3A_46 = arith.constant 640 : i32
      %mul3A_47 = arith.muli %arg1, %mul3A_46 : i32
      "tpu.region"() ({
        %run_scoped3A = tpu.sem_alloc : memref<!tpu.dma_semaphore, #tpu.memory_space<semaphore_mem>>
        %dma_start3A_48 = arith.constant 0 : i32
        %dma_start3A_49 = tpu.memref_slice %arg12[%mul3A_47, %dma_start3A_48] : memref<10240x128xf32, #tpu.memory_space<hbm>> -> memref<640x128xf32, #tpu.memory_space<hbm>>
        %dma_start3A_50 = arith.constant 0 : i32
        %dma_start3A_51 = tpu.memref_slice %arg15[%mul3A_45, %dma_start3A_50] : memref<10240x128xf32, #tpu.memory_space<vmem_shared>> -> memref<640x128xf32, #tpu.memory_space<vmem_shared>>
        tpu.enqueue_dma source(%dma_start3A_51 : memref<640x128xf32, #tpu.memory_space<vmem_shared>>) target(%dma_start3A_49 : memref<640x128xf32, #tpu.memory_space<hbm>>) target_semaphore(%run_scoped3A : memref<!tpu.dma_semaphore, #tpu.memory_space<semaphore_mem>>)
        %dma_wait3A_52 = arith.constant 0 : i32
        %dma_wait3A_53 = tpu.memref_slice %arg12[%mul3A_47, %dma_wait3A_52] : memref<10240x128xf32, #tpu.memory_space<hbm>> -> memref<640x128xf32, #tpu.memory_space<hbm>>
        %dma_wait3A_54 = arith.constant 0 : i32
        %dma_wait3A_55 = tpu.memref_slice %arg15[%mul3A_45, %dma_wait3A_54] : memref<10240x128xf32, #tpu.memory_space<vmem_shared>> -> memref<640x128xf32, #tpu.memory_space<vmem_shared>>
        tpu.wait_dma2 semaphore(%run_scoped3A : memref<!tpu.dma_semaphore, #tpu.memory_space<semaphore_mem>>) src(%dma_wait3A_55 : memref<640x128xf32, #tpu.memory_space<vmem_shared>>) dst(%dma_wait3A_53 : memref<640x128xf32, #tpu.memory_space<hbm>>)
        tpu.yield
      }) : () -> ()
    } else {
    }
    %eq3A_12 = arith.constant 1 : i32
    %eq3A_13 = arith.cmpi eq, %arg0, %eq3A_12 : i32
    %convert_element_type3A_14 = arith.extui %eq3A_13 : i1 to i32
    %cond3A_15 = arith.constant 0 : i32
    %cond3A_16 = arith.cmpi ne, %convert_element_type3A_14, %cond3A_15 : i32
    scf.if %cond3A_16 {
      %mul3A = arith.constant 640 : i32
      %mul3A_22 = arith.muli %arg1, %mul3A : i32
      %mul3A_23 = arith.constant 640 : i32
      %mul3A_24 = arith.muli %arg1, %mul3A_23 : i32
      "tpu.region"() ({
        %run_scoped3A = tpu.sem_alloc : memref<!tpu.dma_semaphore, #tpu.memory_space<semaphore_mem>>
        %dma_start3A_48 = arith.constant 0 : i32
        %dma_start3A_49 = tpu.memref_slice %arg15[%mul3A_24, %dma_start3A_48] : memref<10240x128xf32, #tpu.memory_space<vmem_shared>> -> memref<640x128xf32, #tpu.memory_space<vmem_shared>>
        %dma_start3A_50 = arith.constant 0 : i32
        %dma_start3A_51 = tpu.memref_slice %arg9[%mul3A_22, %dma_start3A_50] : memref<10240x128xf32, #tpu.memory_space<hbm>> -> memref<640x128xf32, #tpu.memory_space<hbm>>
        tpu.enqueue_dma source(%dma_start3A_51 : memref<640x128xf32, #tpu.memory_space<hbm>>) target(%dma_start3A_49 : memref<640x128xf32, #tpu.memory_space<vmem_shared>>) target_semaphore(%run_scoped3A : memref<!tpu.dma_semaphore, #tpu.memory_space<semaphore_mem>>)
        %dma_wait3A_52 = arith.constant 0 : i32
        %dma_wait3A_53 = tpu.memref_slice %arg15[%mul3A_24, %dma_wait3A_52] : memref<10240x128xf32, #tpu.memory_space<vmem_shared>> -> memref<640x128xf32, #tpu.memory_space<vmem_shared>>
        %dma_wait3A_54 = arith.constant 0 : i32
        %dma_wait3A_55 = tpu.memref_slice %arg9[%mul3A_22, %dma_wait3A_54] : memref<10240x128xf32, #tpu.memory_space<hbm>> -> memref<640x128xf32, #tpu.memory_space<hbm>>
        tpu.wait_dma2 semaphore(%run_scoped3A : memref<!tpu.dma_semaphore, #tpu.memory_space<semaphore_mem>>) src(%dma_wait3A_55 : memref<640x128xf32, #tpu.memory_space<hbm>>) dst(%dma_wait3A_53 : memref<640x128xf32, #tpu.memory_space<vmem_shared>>)
        tpu.yield
      }) : () -> ()
      %barrier3A = arith.constant 0 : index
      tpu.barrier barrier_id(%barrier3A)
      %mul3A_25 = arith.constant 20000 : i32
      %mul3A_26 = arith.muli %arg1, %mul3A_25 : i32
      %scan3A = arith.constant 0 : i32
      %scan3A_27 = arith.constant 0 : i32
      %scan3A_28 = arith.constant 156 : i32
      %scan3A_29 = arith.addi %scan3A_27, %scan3A_28 : i32
      %scan3A_30 = arith.constant 1 : i32
      scf.for %scan3A_48 = %scan3A_27 to %scan3A_29 step %scan3A_30  : i32 {
        %mul3A_49 = arith.constant 128 : i32
        %mul3A_50 = arith.muli %scan3A_48, %mul3A_49 : i32
        %add3A_51 = arith.addi %mul3A_26, %mul3A_50 : i32
        "tpu.region"() ({
          %run_scoped3A = tpu.sem_alloc : memref<!tpu.dma_semaphore, #tpu.memory_space<semaphore_mem>>
          %dma_start3A_58 = tpu.memref_slice %arg7[%add3A_51] : memref<320000xi32, #tpu.memory_space<hbm>> -> memref<128xi32, #tpu.memory_space<hbm>>
          %dma_start3A_59 = tpu.memref_slice %arg7[%add3A_51] : memref<320000xi32, #tpu.memory_space<hbm>> -> memref<128xi32, #tpu.memory_space<hbm>>
          tpu.enqueue_dma source(%dma_start3A_59 : memref<128xi32, #tpu.memory_space<hbm>>) target(%arg16 : memref<128xi32, #tpu.memory_space<vmem>>) target_semaphore(%run_scoped3A : memref<!tpu.dma_semaphore, #tpu.memory_space<semaphore_mem>>)
          %dma_wait3A_60 = tpu.memref_slice %arg7[%add3A_51] : memref<320000xi32, #tpu.memory_space<hbm>> -> memref<128xi32, #tpu.memory_space<hbm>>
          %dma_wait3A_61 = tpu.memref_slice %arg7[%add3A_51] : memref<320000xi32, #tpu.memory_space<hbm>> -> memref<128xi32, #tpu.memory_space<hbm>>
          tpu.wait_dma2 semaphore(%run_scoped3A : memref<!tpu.dma_semaphore, #tpu.memory_space<semaphore_mem>>) src(%dma_wait3A_61 : memref<128xi32, #tpu.memory_space<hbm>>) dst(%arg16 : memref<128xi32, #tpu.memory_space<vmem>>)
          tpu.yield
        }) : () -> ()
        "tpu.region"() ({
          %run_scoped3A = tpu.sem_alloc : memref<!tpu.dma_semaphore, #tpu.memory_space<semaphore_mem>>
          %dma_start3A_58 = tpu.memref_slice %arg8[%add3A_51] : memref<320000xi32, #tpu.memory_space<hbm>> -> memref<128xi32, #tpu.memory_space<hbm>>
          %dma_start3A_59 = tpu.memref_slice %arg8[%add3A_51] : memref<320000xi32, #tpu.memory_space<hbm>> -> memref<128xi32, #tpu.memory_space<hbm>>
          tpu.enqueue_dma source(%dma_start3A_59 : memref<128xi32, #tpu.memory_space<hbm>>) target(%arg17 : memref<128xi32, #tpu.memory_space<vmem>>) target_semaphore(%run_scoped3A : memref<!tpu.dma_semaphore, #tpu.memory_space<semaphore_mem>>)
          %dma_wait3A_60 = tpu.memref_slice %arg8[%add3A_51] : memref<320000xi32, #tpu.memory_space<hbm>> -> memref<128xi32, #tpu.memory_space<hbm>>
          %dma_wait3A_61 = tpu.memref_slice %arg8[%add3A_51] : memref<320000xi32, #tpu.memory_space<hbm>> -> memref<128xi32, #tpu.memory_space<hbm>>
          tpu.wait_dma2 semaphore(%run_scoped3A : memref<!tpu.dma_semaphore, #tpu.memory_space<semaphore_mem>>) src(%dma_wait3A_61 : memref<128xi32, #tpu.memory_space<hbm>>) dst(%arg17 : memref<128xi32, #tpu.memory_space<vmem>>)
          tpu.yield
        }) : () -> ()
        %dma_start3A_52 = arith.constant 0 : i32
        %dma_start3A_53 = arith.constant 0 : i32
        %dma_start3A_54 = tpu.memref_slice %arg5[%dma_start3A_52, %dma_start3A_53] : memref<10240x128xf32, #tpu.memory_space<hbm>> -> memref<10240x128xf32, #tpu.memory_space<hbm>>
        tpu.enqueue_indirect_dma source(%dma_start3A_54 : memref<10240x128xf32, #tpu.memory_space<hbm>>) target(%arg18 : memref<128x128xf32, #tpu.memory_space<vmem>>) offsets(%arg16 : memref<128xi32, #tpu.memory_space<vmem>>) semaphore(%arg22 : memref<!tpu.dma_semaphore, #tpu.memory_space<semaphore_mem>>)
        %dma_wait3A_55 = arith.constant 0 : i32
        %dma_wait3A_56 = arith.constant 0 : i32
        %dma_wait3A_57 = tpu.memref_slice %arg5[%dma_wait3A_55, %dma_wait3A_56] : memref<10240x128xf32, #tpu.memory_space<hbm>> -> memref<10240x128xf32, #tpu.memory_space<hbm>>
        tpu.wait_indirect_dma semaphore(%arg22 : memref<!tpu.dma_semaphore, #tpu.memory_space<semaphore_mem>>) src(%dma_wait3A_57 : memref<10240x128xf32, #tpu.memory_space<hbm>>) dst(%arg18 : memref<128x128xf32, #tpu.memory_space<vmem>>)
        "tpu.region"() ({
          %run_scoped3A = tpu.sem_alloc : memref<!tpu.dma_semaphore, #tpu.memory_space<semaphore_mem>>
          %dma_start3A_58 = arith.constant 0 : i32
          %dma_start3A_59 = arith.constant 0 : i32
          %dma_start3A_60 = tpu.memref_slice %arg15[%dma_start3A_58, %dma_start3A_59] : memref<10240x128xf32, #tpu.memory_space<vmem_shared>> -> memref<10240x128xf32, #tpu.memory_space<vmem_shared>>
          tpu.enqueue_indirect_dma source(%arg18 : memref<128x128xf32, #tpu.memory_space<vmem>>) target(%dma_start3A_60 : memref<10240x128xf32, #tpu.memory_space<vmem_shared>>) offsets(%arg17 : memref<128xi32, #tpu.memory_space<vmem>>) semaphore(%run_scoped3A : memref<!tpu.dma_semaphore, #tpu.memory_space<semaphore_mem>>) {add = true}
          %dma_wait3A_61 = arith.constant 0 : i32
          %dma_wait3A_62 = arith.constant 0 : i32
          %dma_wait3A_63 = tpu.memref_slice %arg15[%dma_wait3A_61, %dma_wait3A_62] : memref<10240x128xf32, #tpu.memory_space<vmem_shared>> -> memref<10240x128xf32, #tpu.memory_space<vmem_shared>>
          tpu.wait_indirect_dma semaphore(%run_scoped3A : memref<!tpu.dma_semaphore, #tpu.memory_space<semaphore_mem>>) src(%arg18 : memref<128x128xf32, #tpu.memory_space<vmem>>) dst(%dma_wait3A_63 : memref<10240x128xf32, #tpu.memory_space<vmem_shared>>)
          tpu.yield
        }) : () -> ()
      }
      %scan3A_31 = arith.constant 156 : i32
      %scan3A_32 = arith.constant 0 : i32
      %scan3A_33 = arith.constant 0 : i32
      %add3A = arith.constant 19968 : i32
      %add3A_34 = arith.addi %mul3A_26, %add3A : i32
      %mul3A_35 = arith.constant 32 : i32
      %mul3A_36 = arith.muli %scan3A_33, %mul3A_35 : i32
      %add3A_37 = arith.addi %add3A_34, %mul3A_36 : i32
      "tpu.region"() ({
        %run_scoped3A = tpu.sem_alloc : memref<!tpu.dma_semaphore, #tpu.memory_space<semaphore_mem>>
        %dma_start3A_48 = tpu.memref_slice %arg7[%add3A_37] : memref<320000xi32, #tpu.memory_space<hbm>> -> memref<32xi32, #tpu.memory_space<hbm>>
        %dma_start3A_49 = tpu.memref_slice %arg7[%add3A_37] : memref<320000xi32, #tpu.memory_space<hbm>> -> memref<32xi32, #tpu.memory_space<hbm>>
        tpu.enqueue_dma source(%dma_start3A_49 : memref<32xi32, #tpu.memory_space<hbm>>) target(%arg19 : memref<32xi32, #tpu.memory_space<vmem>>) target_semaphore(%run_scoped3A : memref<!tpu.dma_semaphore, #tpu.memory_space<semaphore_mem>>)
        %dma_wait3A_50 = tpu.memref_slice %arg7[%add3A_37] : memref<320000xi32, #tpu.memory_space<hbm>> -> memref<32xi32, #tpu.memory_space<hbm>>
        %dma_wait3A_51 = tpu.memref_slice %arg7[%add3A_37] : memref<320000xi32, #tpu.memory_space<hbm>> -> memref<32xi32, #tpu.memory_space<hbm>>
        tpu.wait_dma2 semaphore(%run_scoped3A : memref<!tpu.dma_semaphore, #tpu.memory_space<semaphore_mem>>) src(%dma_wait3A_51 : memref<32xi32, #tpu.memory_space<hbm>>) dst(%arg19 : memref<32xi32, #tpu.memory_space<vmem>>)
        tpu.yield
      }) : () -> ()
      "tpu.region"() ({
        %run_scoped3A = tpu.sem_alloc : memref<!tpu.dma_semaphore, #tpu.memory_space<semaphore_mem>>
        %dma_start3A_48 = tpu.memref_slice %arg8[%add3A_37] : memref<320000xi32, #tpu.memory_space<hbm>> -> memref<32xi32, #tpu.memory_space<hbm>>
        %dma_start3A_49 = tpu.memref_slice %arg8[%add3A_37] : memref<320000xi32, #tpu.memory_space<hbm>> -> memref<32xi32, #tpu.memory_space<hbm>>
        tpu.enqueue_dma source(%dma_start3A_49 : memref<32xi32, #tpu.memory_space<hbm>>) target(%arg20 : memref<32xi32, #tpu.memory_space<vmem>>) target_semaphore(%run_scoped3A : memref<!tpu.dma_semaphore, #tpu.memory_space<semaphore_mem>>)
        %dma_wait3A_50 = tpu.memref_slice %arg8[%add3A_37] : memref<320000xi32, #tpu.memory_space<hbm>> -> memref<32xi32, #tpu.memory_space<hbm>>
        %dma_wait3A_51 = tpu.memref_slice %arg8[%add3A_37] : memref<320000xi32, #tpu.memory_space<hbm>> -> memref<32xi32, #tpu.memory_space<hbm>>
        tpu.wait_dma2 semaphore(%run_scoped3A : memref<!tpu.dma_semaphore, #tpu.memory_space<semaphore_mem>>) src(%dma_wait3A_51 : memref<32xi32, #tpu.memory_space<hbm>>) dst(%arg20 : memref<32xi32, #tpu.memory_space<vmem>>)
        tpu.yield
      }) : () -> ()
      %dma_start3A = arith.constant 0 : i32
      %dma_start3A_38 = arith.constant 0 : i32
      %dma_start3A_39 = tpu.memref_slice %arg5[%dma_start3A, %dma_start3A_38] : memref<10240x128xf32, #tpu.memory_space<hbm>> -> memref<10240x128xf32, #tpu.memory_space<hbm>>
      tpu.enqueue_indirect_dma source(%dma_start3A_39 : memref<10240x128xf32, #tpu.memory_space<hbm>>) target(%arg21 : memref<32x128xf32, #tpu.memory_space<vmem>>) offsets(%arg19 : memref<32xi32, #tpu.memory_space<vmem>>) semaphore(%arg22 : memref<!tpu.dma_semaphore, #tpu.memory_space<semaphore_mem>>)
      %dma_wait3A = arith.constant 0 : i32
      %dma_wait3A_40 = arith.constant 0 : i32
      %dma_wait3A_41 = tpu.memref_slice %arg5[%dma_wait3A, %dma_wait3A_40] : memref<10240x128xf32, #tpu.memory_space<hbm>> -> memref<10240x128xf32, #tpu.memory_space<hbm>>
      tpu.wait_indirect_dma semaphore(%arg22 : memref<!tpu.dma_semaphore, #tpu.memory_space<semaphore_mem>>) src(%dma_wait3A_41 : memref<10240x128xf32, #tpu.memory_space<hbm>>) dst(%arg21 : memref<32x128xf32, #tpu.memory_space<vmem>>)
      "tpu.region"() ({
        %run_scoped3A = tpu.sem_alloc : memref<!tpu.dma_semaphore, #tpu.memory_space<semaphore_mem>>
        %dma_start3A_48 = arith.constant 0 : i32
        %dma_start3A_49 = arith.constant 0 : i32
        %dma_start3A_50 = tpu.memref_slice %arg15[%dma_start3A_48, %dma_start3A_49] : memref<10240x128xf32, #tpu.memory_space<vmem_shared>> -> memref<10240x128xf32, #tpu.memory_space<vmem_shared>>
        tpu.enqueue_indirect_dma source(%arg21 : memref<32x128xf32, #tpu.memory_space<vmem>>) target(%dma_start3A_50 : memref<10240x128xf32, #tpu.memory_space<vmem_shared>>) offsets(%arg20 : memref<32xi32, #tpu.memory_space<vmem>>) semaphore(%run_scoped3A : memref<!tpu.dma_semaphore, #tpu.memory_space<semaphore_mem>>) {add = true}
        %dma_wait3A_51 = arith.constant 0 : i32
        %dma_wait3A_52 = arith.constant 0 : i32
        %dma_wait3A_53 = tpu.memref_slice %arg15[%dma_wait3A_51, %dma_wait3A_52] : memref<10240x128xf32, #tpu.memory_space<vmem_shared>> -> memref<10240x128xf32, #tpu.memory_space<vmem_shared>>
        tpu.wait_indirect_dma semaphore(%run_scoped3A : memref<!tpu.dma_semaphore, #tpu.memory_space<semaphore_mem>>) src(%arg21 : memref<32x128xf32, #tpu.memory_space<vmem>>) dst(%dma_wait3A_53 : memref<10240x128xf32, #tpu.memory_space<vmem_shared>>)
        tpu.yield
      }) : () -> ()
      %scan3A_42 = arith.constant 1 : i32
      %barrier3A_43 = arith.constant 0 : index
      tpu.barrier barrier_id(%barrier3A_43)
      %mul3A_44 = arith.constant 640 : i32
      %mul3A_45 = arith.muli %arg1, %mul3A_44 : i32
      %mul3A_46 = arith.constant 640 : i32
      %mul3A_47 = arith.muli %arg1, %mul3A_46 : i32
      "tpu.region"() ({
        %run_scoped3A = tpu.sem_alloc : memref<!tpu.dma_semaphore, #tpu.memory_space<semaphore_mem>>
        %dma_start3A_48 = arith.constant 0 : i32
        %dma_start3A_49 = tpu.memref_slice %arg13[%mul3A_47, %dma_start3A_48] : memref<10240x128xf32, #tpu.memory_space<hbm>> -> memref<640x128xf32, #tpu.memory_space<hbm>>
        %dma_start3A_50 = arith.constant 0 : i32
        %dma_start3A_51 = tpu.memref_slice %arg15[%mul3A_45, %dma_start3A_50] : memref<10240x128xf32, #tpu.memory_space<vmem_shared>> -> memref<640x128xf32, #tpu.memory_space<vmem_shared>>
        tpu.enqueue_dma source(%dma_start3A_51 : memref<640x128xf32, #tpu.memory_space<vmem_shared>>) target(%dma_start3A_49 : memref<640x128xf32, #tpu.memory_space<hbm>>) target_semaphore(%run_scoped3A : memref<!tpu.dma_semaphore, #tpu.memory_space<semaphore_mem>>)
        %dma_wait3A_52 = arith.constant 0 : i32
        %dma_wait3A_53 = tpu.memref_slice %arg13[%mul3A_47, %dma_wait3A_52] : memref<10240x128xf32, #tpu.memory_space<hbm>> -> memref<640x128xf32, #tpu.memory_space<hbm>>
        %dma_wait3A_54 = arith.constant 0 : i32
        %dma_wait3A_55 = tpu.memref_slice %arg15[%mul3A_45, %dma_wait3A_54] : memref<10240x128xf32, #tpu.memory_space<vmem_shared>> -> memref<640x128xf32, #tpu.memory_space<vmem_shared>>
        tpu.wait_dma2 semaphore(%run_scoped3A : memref<!tpu.dma_semaphore, #tpu.memory_space<semaphore_mem>>) src(%dma_wait3A_55 : memref<640x128xf32, #tpu.memory_space<vmem_shared>>) dst(%dma_wait3A_53 : memref<640x128xf32, #tpu.memory_space<hbm>>)
        tpu.yield
      }) : () -> ()
    } else {
    }
    %eq3A_17 = arith.constant 0 : i32
    %eq3A_18 = arith.cmpi eq, %arg0, %eq3A_17 : i32
    %convert_element_type3A_19 = arith.extui %eq3A_18 : i1 to i32
    %cond3A_20 = arith.constant 0 : i32
    %cond3A_21 = arith.cmpi ne, %convert_element_type3A_19, %cond3A_20 : i32
    scf.if %cond3A_21 {
      %mul3A = arith.constant 640 : i32
      %mul3A_22 = arith.muli %arg1, %mul3A : i32
      %mul3A_23 = arith.constant 640 : i32
      %mul3A_24 = arith.muli %arg1, %mul3A_23 : i32
      "tpu.region"() ({
        %run_scoped3A = tpu.sem_alloc : memref<!tpu.dma_semaphore, #tpu.memory_space<semaphore_mem>>
        %dma_start3A_48 = arith.constant 0 : i32
        %dma_start3A_49 = tpu.memref_slice %arg15[%mul3A_24, %dma_start3A_48] : memref<10240x128xf32, #tpu.memory_space<vmem_shared>> -> memref<640x128xf32, #tpu.memory_space<vmem_shared>>
        %dma_start3A_50 = arith.constant 0 : i32
        %dma_start3A_51 = tpu.memref_slice %arg9[%mul3A_22, %dma_start3A_50] : memref<10240x128xf32, #tpu.memory_space<hbm>> -> memref<640x128xf32, #tpu.memory_space<hbm>>
        tpu.enqueue_dma source(%dma_start3A_51 : memref<640x128xf32, #tpu.memory_space<hbm>>) target(%dma_start3A_49 : memref<640x128xf32, #tpu.memory_space<vmem_shared>>) target_semaphore(%run_scoped3A : memref<!tpu.dma_semaphore, #tpu.memory_space<semaphore_mem>>)
        %dma_wait3A_52 = arith.constant 0 : i32
        %dma_wait3A_53 = tpu.memref_slice %arg15[%mul3A_24, %dma_wait3A_52] : memref<10240x128xf32, #tpu.memory_space<vmem_shared>> -> memref<640x128xf32, #tpu.memory_space<vmem_shared>>
        %dma_wait3A_54 = arith.constant 0 : i32
        %dma_wait3A_55 = tpu.memref_slice %arg9[%mul3A_22, %dma_wait3A_54] : memref<10240x128xf32, #tpu.memory_space<hbm>> -> memref<640x128xf32, #tpu.memory_space<hbm>>
        tpu.wait_dma2 semaphore(%run_scoped3A : memref<!tpu.dma_semaphore, #tpu.memory_space<semaphore_mem>>) src(%dma_wait3A_55 : memref<640x128xf32, #tpu.memory_space<hbm>>) dst(%dma_wait3A_53 : memref<640x128xf32, #tpu.memory_space<vmem_shared>>)
        tpu.yield
      }) : () -> ()
      %barrier3A = arith.constant 0 : index
      tpu.barrier barrier_id(%barrier3A)
      %mul3A_25 = arith.constant 20000 : i32
      %mul3A_26 = arith.muli %arg1, %mul3A_25 : i32
      %scan3A = arith.constant 0 : i32
      %scan3A_27 = arith.constant 0 : i32
      %scan3A_28 = arith.constant 156 : i32
      %scan3A_29 = arith.addi %scan3A_27, %scan3A_28 : i32
      %scan3A_30 = arith.constant 1 : i32
      scf.for %scan3A_48 = %scan3A_27 to %scan3A_29 step %scan3A_30  : i32 {
        %mul3A_49 = arith.constant 128 : i32
        %mul3A_50 = arith.muli %scan3A_48, %mul3A_49 : i32
        %add3A_51 = arith.addi %mul3A_26, %mul3A_50 : i32
        "tpu.region"() ({
          %run_scoped3A = tpu.sem_alloc : memref<!tpu.dma_semaphore, #tpu.memory_space<semaphore_mem>>
          %dma_start3A_58 = tpu.memref_slice %arg7[%add3A_51] : memref<320000xi32, #tpu.memory_space<hbm>> -> memref<128xi32, #tpu.memory_space<hbm>>
          %dma_start3A_59 = tpu.memref_slice %arg7[%add3A_51] : memref<320000xi32, #tpu.memory_space<hbm>> -> memref<128xi32, #tpu.memory_space<hbm>>
          tpu.enqueue_dma source(%dma_start3A_59 : memref<128xi32, #tpu.memory_space<hbm>>) target(%arg16 : memref<128xi32, #tpu.memory_space<vmem>>) target_semaphore(%run_scoped3A : memref<!tpu.dma_semaphore, #tpu.memory_space<semaphore_mem>>)
          %dma_wait3A_60 = tpu.memref_slice %arg7[%add3A_51] : memref<320000xi32, #tpu.memory_space<hbm>> -> memref<128xi32, #tpu.memory_space<hbm>>
          %dma_wait3A_61 = tpu.memref_slice %arg7[%add3A_51] : memref<320000xi32, #tpu.memory_space<hbm>> -> memref<128xi32, #tpu.memory_space<hbm>>
          tpu.wait_dma2 semaphore(%run_scoped3A : memref<!tpu.dma_semaphore, #tpu.memory_space<semaphore_mem>>) src(%dma_wait3A_61 : memref<128xi32, #tpu.memory_space<hbm>>) dst(%arg16 : memref<128xi32, #tpu.memory_space<vmem>>)
          tpu.yield
        }) : () -> ()
        "tpu.region"() ({
          %run_scoped3A = tpu.sem_alloc : memref<!tpu.dma_semaphore, #tpu.memory_space<semaphore_mem>>
          %dma_start3A_58 = tpu.memref_slice %arg8[%add3A_51] : memref<320000xi32, #tpu.memory_space<hbm>> -> memref<128xi32, #tpu.memory_space<hbm>>
          %dma_start3A_59 = tpu.memref_slice %arg8[%add3A_51] : memref<320000xi32, #tpu.memory_space<hbm>> -> memref<128xi32, #tpu.memory_space<hbm>>
          tpu.enqueue_dma source(%dma_start3A_59 : memref<128xi32, #tpu.memory_space<hbm>>) target(%arg17 : memref<128xi32, #tpu.memory_space<vmem>>) target_semaphore(%run_scoped3A : memref<!tpu.dma_semaphore, #tpu.memory_space<semaphore_mem>>)
          %dma_wait3A_60 = tpu.memref_slice %arg8[%add3A_51] : memref<320000xi32, #tpu.memory_space<hbm>> -> memref<128xi32, #tpu.memory_space<hbm>>
          %dma_wait3A_61 = tpu.memref_slice %arg8[%add3A_51] : memref<320000xi32, #tpu.memory_space<hbm>> -> memref<128xi32, #tpu.memory_space<hbm>>
          tpu.wait_dma2 semaphore(%run_scoped3A : memref<!tpu.dma_semaphore, #tpu.memory_space<semaphore_mem>>) src(%dma_wait3A_61 : memref<128xi32, #tpu.memory_space<hbm>>) dst(%arg17 : memref<128xi32, #tpu.memory_space<vmem>>)
          tpu.yield
        }) : () -> ()
        %dma_start3A_52 = arith.constant 0 : i32
        %dma_start3A_53 = arith.constant 0 : i32
        %dma_start3A_54 = tpu.memref_slice %arg6[%dma_start3A_52, %dma_start3A_53] : memref<10240x128xf32, #tpu.memory_space<hbm>> -> memref<10240x128xf32, #tpu.memory_space<hbm>>
        tpu.enqueue_indirect_dma source(%dma_start3A_54 : memref<10240x128xf32, #tpu.memory_space<hbm>>) target(%arg18 : memref<128x128xf32, #tpu.memory_space<vmem>>) offsets(%arg16 : memref<128xi32, #tpu.memory_space<vmem>>) semaphore(%arg22 : memref<!tpu.dma_semaphore, #tpu.memory_space<semaphore_mem>>)
        %dma_wait3A_55 = arith.constant 0 : i32
        %dma_wait3A_56 = arith.constant 0 : i32
        %dma_wait3A_57 = tpu.memref_slice %arg6[%dma_wait3A_55, %dma_wait3A_56] : memref<10240x128xf32, #tpu.memory_space<hbm>> -> memref<10240x128xf32, #tpu.memory_space<hbm>>
        tpu.wait_indirect_dma semaphore(%arg22 : memref<!tpu.dma_semaphore, #tpu.memory_space<semaphore_mem>>) src(%dma_wait3A_57 : memref<10240x128xf32, #tpu.memory_space<hbm>>) dst(%arg18 : memref<128x128xf32, #tpu.memory_space<vmem>>)
        "tpu.region"() ({
          %run_scoped3A = tpu.sem_alloc : memref<!tpu.dma_semaphore, #tpu.memory_space<semaphore_mem>>
          %dma_start3A_58 = arith.constant 0 : i32
          %dma_start3A_59 = arith.constant 0 : i32
          %dma_start3A_60 = tpu.memref_slice %arg15[%dma_start3A_58, %dma_start3A_59] : memref<10240x128xf32, #tpu.memory_space<vmem_shared>> -> memref<10240x128xf32, #tpu.memory_space<vmem_shared>>
          tpu.enqueue_indirect_dma source(%arg18 : memref<128x128xf32, #tpu.memory_space<vmem>>) target(%dma_start3A_60 : memref<10240x128xf32, #tpu.memory_space<vmem_shared>>) offsets(%arg17 : memref<128xi32, #tpu.memory_space<vmem>>) semaphore(%run_scoped3A : memref<!tpu.dma_semaphore, #tpu.memory_space<semaphore_mem>>) {add = true}
          %dma_wait3A_61 = arith.constant 0 : i32
          %dma_wait3A_62 = arith.constant 0 : i32
          %dma_wait3A_63 = tpu.memref_slice %arg15[%dma_wait3A_61, %dma_wait3A_62] : memref<10240x128xf32, #tpu.memory_space<vmem_shared>> -> memref<10240x128xf32, #tpu.memory_space<vmem_shared>>
          tpu.wait_indirect_dma semaphore(%run_scoped3A : memref<!tpu.dma_semaphore, #tpu.memory_space<semaphore_mem>>) src(%arg18 : memref<128x128xf32, #tpu.memory_space<vmem>>) dst(%dma_wait3A_63 : memref<10240x128xf32, #tpu.memory_space<vmem_shared>>)
          tpu.yield
        }) : () -> ()
      }
      %scan3A_31 = arith.constant 156 : i32
      %scan3A_32 = arith.constant 0 : i32
      %scan3A_33 = arith.constant 0 : i32
      %add3A = arith.constant 19968 : i32
      %add3A_34 = arith.addi %mul3A_26, %add3A : i32
      %mul3A_35 = arith.constant 32 : i32
      %mul3A_36 = arith.muli %scan3A_33, %mul3A_35 : i32
      %add3A_37 = arith.addi %add3A_34, %mul3A_36 : i32
      "tpu.region"() ({
        %run_scoped3A = tpu.sem_alloc : memref<!tpu.dma_semaphore, #tpu.memory_space<semaphore_mem>>
        %dma_start3A_48 = tpu.memref_slice %arg7[%add3A_37] : memref<320000xi32, #tpu.memory_space<hbm>> -> memref<32xi32, #tpu.memory_space<hbm>>
        %dma_start3A_49 = tpu.memref_slice %arg7[%add3A_37] : memref<320000xi32, #tpu.memory_space<hbm>> -> memref<32xi32, #tpu.memory_space<hbm>>
        tpu.enqueue_dma source(%dma_start3A_49 : memref<32xi32, #tpu.memory_space<hbm>>) target(%arg19 : memref<32xi32, #tpu.memory_space<vmem>>) target_semaphore(%run_scoped3A : memref<!tpu.dma_semaphore, #tpu.memory_space<semaphore_mem>>)
        %dma_wait3A_50 = tpu.memref_slice %arg7[%add3A_37] : memref<320000xi32, #tpu.memory_space<hbm>> -> memref<32xi32, #tpu.memory_space<hbm>>
        %dma_wait3A_51 = tpu.memref_slice %arg7[%add3A_37] : memref<320000xi32, #tpu.memory_space<hbm>> -> memref<32xi32, #tpu.memory_space<hbm>>
        tpu.wait_dma2 semaphore(%run_scoped3A : memref<!tpu.dma_semaphore, #tpu.memory_space<semaphore_mem>>) src(%dma_wait3A_51 : memref<32xi32, #tpu.memory_space<hbm>>) dst(%arg19 : memref<32xi32, #tpu.memory_space<vmem>>)
        tpu.yield
      }) : () -> ()
      "tpu.region"() ({
        %run_scoped3A = tpu.sem_alloc : memref<!tpu.dma_semaphore, #tpu.memory_space<semaphore_mem>>
        %dma_start3A_48 = tpu.memref_slice %arg8[%add3A_37] : memref<320000xi32, #tpu.memory_space<hbm>> -> memref<32xi32, #tpu.memory_space<hbm>>
        %dma_start3A_49 = tpu.memref_slice %arg8[%add3A_37] : memref<320000xi32, #tpu.memory_space<hbm>> -> memref<32xi32, #tpu.memory_space<hbm>>
        tpu.enqueue_dma source(%dma_start3A_49 : memref<32xi32, #tpu.memory_space<hbm>>) target(%arg20 : memref<32xi32, #tpu.memory_space<vmem>>) target_semaphore(%run_scoped3A : memref<!tpu.dma_semaphore, #tpu.memory_space<semaphore_mem>>)
        %dma_wait3A_50 = tpu.memref_slice %arg8[%add3A_37] : memref<320000xi32, #tpu.memory_space<hbm>> -> memref<32xi32, #tpu.memory_space<hbm>>
        %dma_wait3A_51 = tpu.memref_slice %arg8[%add3A_37] : memref<320000xi32, #tpu.memory_space<hbm>> -> memref<32xi32, #tpu.memory_space<hbm>>
        tpu.wait_dma2 semaphore(%run_scoped3A : memref<!tpu.dma_semaphore, #tpu.memory_space<semaphore_mem>>) src(%dma_wait3A_51 : memref<32xi32, #tpu.memory_space<hbm>>) dst(%arg20 : memref<32xi32, #tpu.memory_space<vmem>>)
        tpu.yield
      }) : () -> ()
      %dma_start3A = arith.constant 0 : i32
      %dma_start3A_38 = arith.constant 0 : i32
      %dma_start3A_39 = tpu.memref_slice %arg6[%dma_start3A, %dma_start3A_38] : memref<10240x128xf32, #tpu.memory_space<hbm>> -> memref<10240x128xf32, #tpu.memory_space<hbm>>
      tpu.enqueue_indirect_dma source(%dma_start3A_39 : memref<10240x128xf32, #tpu.memory_space<hbm>>) target(%arg21 : memref<32x128xf32, #tpu.memory_space<vmem>>) offsets(%arg19 : memref<32xi32, #tpu.memory_space<vmem>>) semaphore(%arg22 : memref<!tpu.dma_semaphore, #tpu.memory_space<semaphore_mem>>)
      %dma_wait3A = arith.constant 0 : i32
      %dma_wait3A_40 = arith.constant 0 : i32
      %dma_wait3A_41 = tpu.memref_slice %arg6[%dma_wait3A, %dma_wait3A_40] : memref<10240x128xf32, #tpu.memory_space<hbm>> -> memref<10240x128xf32, #tpu.memory_space<hbm>>
      tpu.wait_indirect_dma semaphore(%arg22 : memref<!tpu.dma_semaphore, #tpu.memory_space<semaphore_mem>>) src(%dma_wait3A_41 : memref<10240x128xf32, #tpu.memory_space<hbm>>) dst(%arg21 : memref<32x128xf32, #tpu.memory_space<vmem>>)
      "tpu.region"() ({
        %run_scoped3A = tpu.sem_alloc : memref<!tpu.dma_semaphore, #tpu.memory_space<semaphore_mem>>
        %dma_start3A_48 = arith.constant 0 : i32
        %dma_start3A_49 = arith.constant 0 : i32
        %dma_start3A_50 = tpu.memref_slice %arg15[%dma_start3A_48, %dma_start3A_49] : memref<10240x128xf32, #tpu.memory_space<vmem_shared>> -> memref<10240x128xf32, #tpu.memory_space<vmem_shared>>
        tpu.enqueue_indirect_dma source(%arg21 : memref<32x128xf32, #tpu.memory_space<vmem>>) target(%dma_start3A_50 : memref<10240x128xf32, #tpu.memory_space<vmem_shared>>) offsets(%arg20 : memref<32xi32, #tpu.memory_space<vmem>>) semaphore(%run_scoped3A : memref<!tpu.dma_semaphore, #tpu.memory_space<semaphore_mem>>) {add = true}
        %dma_wait3A_51 = arith.constant 0 : i32
        %dma_wait3A_52 = arith.constant 0 : i32
        %dma_wait3A_53 = tpu.memref_slice %arg15[%dma_wait3A_51, %dma_wait3A_52] : memref<10240x128xf32, #tpu.memory_space<vmem_shared>> -> memref<10240x128xf32, #tpu.memory_space<vmem_shared>>
        tpu.wait_indirect_dma semaphore(%run_scoped3A : memref<!tpu.dma_semaphore, #tpu.memory_space<semaphore_mem>>) src(%arg21 : memref<32x128xf32, #tpu.memory_space<vmem>>) dst(%dma_wait3A_53 : memref<10240x128xf32, #tpu.memory_space<vmem_shared>>)
        tpu.yield
      }) : () -> ()
      %scan3A_42 = arith.constant 1 : i32
      %barrier3A_43 = arith.constant 0 : index
      tpu.barrier barrier_id(%barrier3A_43)
      %mul3A_44 = arith.constant 640 : i32
      %mul3A_45 = arith.muli %arg1, %mul3A_44 : i32
      %mul3A_46 = arith.constant 640 : i32
      %mul3A_47 = arith.muli %arg1, %mul3A_46 : i32
      "tpu.region"() ({
        %run_scoped3A = tpu.sem_alloc : memref<!tpu.dma_semaphore, #tpu.memory_space<semaphore_mem>>
        %dma_start3A_48 = arith.constant 0 : i32
        %dma_start3A_49 = tpu.memref_slice %arg14[%mul3A_47, %dma_start3A_48] : memref<10240x128xf32, #tpu.memory_space<hbm>> -> memref<640x128xf32, #tpu.memory_space<hbm>>
        %dma_start3A_50 = arith.constant 0 : i32
        %dma_start3A_51 = tpu.memref_slice %arg15[%mul3A_45, %dma_start3A_50] : memref<10240x128xf32, #tpu.memory_space<vmem_shared>> -> memref<640x128xf32, #tpu.memory_space<vmem_shared>>
        tpu.enqueue_dma source(%dma_start3A_51 : memref<640x128xf32, #tpu.memory_space<vmem_shared>>) target(%dma_start3A_49 : memref<640x128xf32, #tpu.memory_space<hbm>>) target_semaphore(%run_scoped3A : memref<!tpu.dma_semaphore, #tpu.memory_space<semaphore_mem>>)
        %dma_wait3A_52 = arith.constant 0 : i32
        %dma_wait3A_53 = tpu.memref_slice %arg14[%mul3A_47, %dma_wait3A_52] : memref<10240x128xf32, #tpu.memory_space<hbm>> -> memref<640x128xf32, #tpu.memory_space<hbm>>
        %dma_wait3A_54 = arith.constant 0 : i32
        %dma_wait3A_55 = tpu.memref_slice %arg15[%mul3A_45, %dma_wait3A_54] : memref<10240x128xf32, #tpu.memory_space<vmem_shared>> -> memref<640x128xf32, #tpu.memory_space<vmem_shared>>
        tpu.wait_dma2 semaphore(%run_scoped3A : memref<!tpu.dma_semaphore, #tpu.memory_space<semaphore_mem>>) src(%dma_wait3A_55 : memref<640x128xf32, #tpu.memory_space<vmem_shared>>) dst(%dma_wait3A_53 : memref<640x128xf32, #tpu.memory_space<hbm>>)
        tpu.yield
      }) : () -> ()
    } else {
    }
    return
  }
}

module attributes {stable_mosaic.version = 14 : i64} {
  func.func @_mlpA_body(%arg0: i32, %arg1: memref<256x128xf32, #tpu.memory_space<vmem>>, %arg2: memref<256x128xf32, #tpu.memory_space<vmem>>, %arg3: memref<1x1xf32, #tpu.memory_space<vmem>>, %arg4: memref<1x512xf32, #tpu.memory_space<vmem>>, %arg5: memref<1x512xf32, #tpu.memory_space<vmem>>, %arg6: memref<512x512xf32, #tpu.memory_space<vmem>>, %arg7: memref<1x512xf32, #tpu.memory_space<vmem>>, %arg8: memref<256x512xf32, #tpu.memory_space<vmem>>, %arg9: memref<256x128xf32, #tpu.memory_space<vmem>>, %arg10: memref<8x512xf32, #tpu.memory_space<vmem>>) attributes {dimension_semantics = [#tpu.dimension_semantics<arbitrary>], iteration_bounds = array<i64: 40>, scalar_prefetch = 0 : i64, scratch_operands = 0 : i64, tpu.core_type = #tpu.core_type<tc>, window_params = [{transform_indices = @transform_0, window_bounds = array<i64: 256, 128>}, {transform_indices = @transform_1, window_bounds = array<i64: 256, 128>}, {pipeline_mode = #tpu.pipeline_mode<synchronous>, transform_indices = @transform_2, window_bounds = array<i64: 1, 1>}, {pipeline_mode = #tpu.pipeline_mode<synchronous>, transform_indices = @transform_3, window_bounds = array<i64: 1, 512>}, {pipeline_mode = #tpu.pipeline_mode<synchronous>, transform_indices = @transform_4, window_bounds = array<i64: 1, 512>}, {pipeline_mode = #tpu.pipeline_mode<synchronous>, transform_indices = @transform_5, window_bounds = array<i64: 512, 512>}, {pipeline_mode = #tpu.pipeline_mode<synchronous>, transform_indices = @transform_6, window_bounds = array<i64: 1, 512>}, {transform_indices = @transform_7, window_bounds = array<i64: 256, 512>}, {transform_indices = @transform_8, window_bounds = array<i64: 256, 128>}, {pipeline_mode = #tpu.pipeline_mode<synchronous>, transform_indices = @transform_9, window_bounds = array<i64: 8, 512>}]} {
    %get3A = arith.constant 0 : index
    %get3A_0 = arith.constant 0 : index
    %get3A_1 = vector.load %arg1[%get3A, %get3A_0] : memref<256x128xf32, #tpu.memory_space<vmem>>, vector<256x1xf32>
    %get3A_2 = arith.constant 0 : index
    %get3A_3 = arith.constant 1 : index
    %get3A_4 = vector.load %arg1[%get3A_2, %get3A_3] : memref<256x128xf32, #tpu.memory_space<vmem>>, vector<256x1xf32>
    %get3A_5 = arith.constant 0 : index
    %get3A_6 = arith.constant 0 : index
    %get3A_7 = vector.load %arg2[%get3A_5, %get3A_6] : memref<256x128xf32, #tpu.memory_space<vmem>>, vector<256x1xf32>
    %get3A_8 = arith.constant 0 : index
    %get3A_9 = arith.constant 1 : index
    %get3A_10 = vector.load %arg2[%get3A_8, %get3A_9] : memref<256x128xf32, #tpu.memory_space<vmem>>, vector<256x1xf32>
    %mul3A = arith.constant 256 : i32
    %mul3A_11 = arith.muli %arg0, %mul3A : i32
    %iota3A = tpu.iota {dimensions = array<i32: 0>} : vector<256x1xi32>
    %add3A = vector.broadcast %mul3A_11 : i32 to vector<256x1xi32>
    %add3A_12 = arith.addi %add3A, %iota3A : vector<256x1xi32>
    %lt3A = arith.constant 10000 : i32
    %lt3A_13 = vector.broadcast %lt3A : i32 to vector<256x1xi32>
    %lt3A_14 = arith.cmpi slt, %add3A_12, %lt3A_13 : vector<256x1xi32>
    %convert_element_type3A = arith.extui %lt3A_14 : vector<256x1xi1> to vector<256x1xi32>
    %convert_element_type3A_15 = arith.sitofp %convert_element_type3A : vector<256x1xi32> to vector<256x1xf32>
    %get3A_16 = arith.constant 0 : index
    %get3A_17 = arith.constant 0 : index
    %get3A_18 = vector.load %arg3[%get3A_16, %get3A_17] : memref<1x1xf32, #tpu.memory_space<vmem>>, vector<1x1xf32>
    %get3A_19 = vector.extract %get3A_18[0, 0] : f32 from vector<1x1xf32>
    %add3A_20 = arith.constant 1.000000e+00 : f32
    %add3A_21 = arith.addf %add3A_20, %get3A_19 : f32
    %mul3A_22 = vector.broadcast %add3A_21 : f32 to vector<256x1xf32>
    %mul3A_23 = arith.mulf %mul3A_22, %get3A_1 : vector<256x1xf32>
    %add3A_24 = arith.addf %mul3A_23, %get3A_7 : vector<256x1xf32>
    %get3A_25 = arith.constant 0 : index
    %get3A_26 = arith.constant 0 : index
    %get3A_27 = vector.load %arg4[%get3A_25, %get3A_26] : memref<1x512xf32, #tpu.memory_space<vmem>>, vector<1x512xf32>
    %mul3A_28 = vector.broadcast %add3A_24 : vector<256x1xf32> to vector<256x512xf32>
    %mul3A_29 = vector.broadcast %get3A_27 : vector<1x512xf32> to vector<256x512xf32>
    %mul3A_30 = arith.mulf %mul3A_28, %mul3A_29 : vector<256x512xf32>
    %get3A_31 = arith.constant 0 : index
    %get3A_32 = arith.constant 0 : index
    %get3A_33 = vector.load %arg5[%get3A_31, %get3A_32] : memref<1x512xf32, #tpu.memory_space<vmem>>, vector<1x512xf32>
    %add3A_34 = vector.broadcast %get3A_33 : vector<1x512xf32> to vector<256x512xf32>
    %add3A_35 = arith.addf %mul3A_30, %add3A_34 : vector<256x512xf32>
    %max3A = arith.constant 0.000000e+00 : f32
    %max3A_36 = vector.broadcast %max3A : f32 to vector<256x512xf32>
    %max3A_37 = arith.maximumf %add3A_35, %max3A_36 : vector<256x512xf32>
    %get3A_38 = arith.constant 0 : index
    %get3A_39 = arith.constant 0 : index
    %get3A_40 = vector.load %arg6[%get3A_38, %get3A_39] : memref<512x512xf32, #tpu.memory_space<vmem>>, vector<512x512xf32>
    %dot_general3A = arith.constant dense<0.000000e+00> : vector<256x512xf32>
    %dot_general3A_41 = tpu.matmul %max3A_37, %get3A_40, %dot_general3A {dimension_numbers = #tpu.dot_dimension_numbers<[1], [0], [0], [1], [0, 0, 1, 1], [], []>, transpose_lhs_hint = false} : vector<256x512xf32>, vector<512x512xf32>, vector<256x512xf32> -> vector<256x512xf32>
    %get3A_42 = arith.constant 0 : index
    %get3A_43 = arith.constant 0 : index
    %get3A_44 = vector.load %arg7[%get3A_42, %get3A_43] : memref<1x512xf32, #tpu.memory_space<vmem>>, vector<1x512xf32>
    %add3A_45 = vector.broadcast %get3A_44 : vector<1x512xf32> to vector<256x512xf32>
    %add3A_46 = arith.addf %dot_general3A_41, %add3A_45 : vector<256x512xf32>
    %max3A_47 = arith.constant 0.000000e+00 : f32
    %max3A_48 = vector.broadcast %max3A_47 : f32 to vector<256x512xf32>
    %max3A_49 = arith.maximumf %add3A_46, %max3A_48 : vector<256x512xf32>
    %swap3A = arith.constant 0 : index
    %swap3A_50 = arith.constant 0 : index
    %swap3A_51 = vector.load %arg8[%swap3A, %swap3A_50] : memref<256x512xf32, #tpu.memory_space<vmem>>, vector<256x512xf32>
    tpu.vector_store %arg8[%swap3A, %swap3A_50], %max3A_49 {strides = array<i32>} : memref<256x512xf32, #tpu.memory_space<vmem>>, vector<256x512xf32>,
    %gt3A = arith.constant 0.000000e+00 : f32
    %gt3A_52 = vector.broadcast %gt3A : f32 to vector<256x1xf32>
    %gt3A_53 = arith.cmpf ogt, %get3A_10, %gt3A_52 : vector<256x1xf32>
    %convert_element_type3A_54 = arith.extui %gt3A_53 : vector<256x1xi1> to vector<256x1xi32>
    %convert_element_type3A_55 = arith.sitofp %convert_element_type3A_54 : vector<256x1xi32> to vector<256x1xf32>
    %max3A_56 = arith.maximumf %get3A_4, %convert_element_type3A_55 : vector<256x1xf32>
    %broadcast_in_dim3A = vector.shape_cast %max3A_56 : vector<256x1xf32> to vector<256x1xf32>
    %broadcast_in_dim3A_57 = vector.broadcast %broadcast_in_dim3A : vector<256x1xf32> to vector<256x128xf32>
    %swap3A_58 = arith.constant 0 : index
    %swap3A_59 = arith.constant 0 : index
    %swap3A_60 = vector.load %arg9[%swap3A_58, %swap3A_59] : memref<256x128xf32, #tpu.memory_space<vmem>>, vector<256x128xf32>
    tpu.vector_store %arg9[%swap3A_58, %swap3A_59], %broadcast_in_dim3A_57 {strides = array<i32>} : memref<256x128xf32, #tpu.memory_space<vmem>>, vector<256x128xf32>,
    %mul3A_61 = vector.broadcast %convert_element_type3A_15 : vector<256x1xf32> to vector<256x512xf32>
    %mul3A_62 = arith.mulf %max3A_49, %mul3A_61 : vector<256x512xf32>
    %reduce_sum3A = arith.constant dense<0.000000e+00> : vector<512xf32>
    %reduce_sum3A_63 = vector.multi_reduction <add>, %mul3A_62, %reduce_sum3A [0] : vector<256x512xf32> to vector<512xf32>
    %reshape3A = vector.shape_cast %reduce_sum3A_63 : vector<512xf32> to vector<1x512xf32>
    %broadcast_in_dim3A_64 = arith.constant 0.000000e+00 : f32
    %broadcast_in_dim3A_65 = vector.broadcast %broadcast_in_dim3A_64 : f32 to vector<7x512xf32>
    %concatenate3A = tpu.concatenate %reshape3A, %broadcast_in_dim3A_65 in 0 : vector<1x512xf32>, vector<7x512xf32> -> vector<8x512xf32>
    %eq3A = arith.constant 0 : i32
    %eq3A_66 = arith.cmpi eq, %arg0, %eq3A : i32
    %convert_element_type3A_67 = arith.extui %eq3A_66 : i1 to i32
    %cond3A = arith.constant 0 : i32
    %cond3A_68 = arith.cmpi ne, %convert_element_type3A_67, %cond3A : i32
    scf.if %cond3A_68 {
      %swap3A_73 = arith.constant 0 : index
      %swap3A_74 = arith.constant 0 : index
      %swap3A_75 = vector.load %arg10[%swap3A_73, %swap3A_74] : memref<8x512xf32, #tpu.memory_space<vmem>>, vector<8x512xf32>
      tpu.vector_store %arg10[%swap3A_73, %swap3A_74], %concatenate3A {strides = array<i32>} : memref<8x512xf32, #tpu.memory_space<vmem>>, vector<8x512xf32>,
    } else {
    }
    %ne3A = arith.constant 0 : i32
    %ne3A_69 = arith.cmpi ne, %arg0, %ne3A : i32
    %convert_element_type3A_70 = arith.extui %ne3A_69 : i1 to i32
    %cond3A_71 = arith.constant 0 : i32
    %cond3A_72 = arith.cmpi ne, %convert_element_type3A_70, %cond3A_71 : i32
    scf.if %cond3A_72 {
      %get3A_73 = arith.constant 0 : index
      %get3A_74 = arith.constant 0 : index
      %get3A_75 = vector.load %arg10[%get3A_73, %get3A_74] : memref<8x512xf32, #tpu.memory_space<vmem>>, vector<8x512xf32>
      %add3A_76 = arith.addf %get3A_75, %concatenate3A : vector<8x512xf32>
      %swap3A_77 = arith.constant 0 : index
      %swap3A_78 = arith.constant 0 : index
      %swap3A_79 = vector.load %arg10[%swap3A_77, %swap3A_78] : memref<8x512xf32, #tpu.memory_space<vmem>>, vector<8x512xf32>
      tpu.vector_store %arg10[%swap3A_77, %swap3A_78], %add3A_76 {strides = array<i32>} : memref<8x512xf32, #tpu.memory_space<vmem>>, vector<8x512xf32>,
    } else {
    }
    return
  }
  func.func @transform_0(%arg0: i32) -> (i32, i32) {
    %c0_i32 = arith.constant 0 : i32
    %c0_i32_0 = arith.constant 0 : i32
    return %arg0, %c0_i32 : i32, i32
  }
  func.func @transform_1(%arg0: i32) -> (i32, i32) {
    %c0_i32 = arith.constant 0 : i32
    %c0_i32_0 = arith.constant 0 : i32
    return %arg0, %c0_i32 : i32, i32
  }
  func.func @transform_2(%arg0: i32) -> (i32, i32) {
    %c0_i32 = arith.constant 0 : i32
    %c0_i32_0 = arith.constant 0 : i32
    %c0_i32_1 = arith.constant 0 : i32
    return %c0_i32, %c0_i32_0 : i32, i32
  }
  func.func @transform_3(%arg0: i32) -> (i32, i32) {
    %c0_i32 = arith.constant 0 : i32
    %c0_i32_0 = arith.constant 0 : i32
    %c0_i32_1 = arith.constant 0 : i32
    return %c0_i32, %c0_i32_0 : i32, i32
  }
  func.func @transform_4(%arg0: i32) -> (i32, i32) {
    %c0_i32 = arith.constant 0 : i32
    %c0_i32_0 = arith.constant 0 : i32
    %c0_i32_1 = arith.constant 0 : i32
    return %c0_i32, %c0_i32_0 : i32, i32
  }
  func.func @transform_5(%arg0: i32) -> (i32, i32) {
    %c0_i32 = arith.constant 0 : i32
    %c0_i32_0 = arith.constant 0 : i32
    %c0_i32_1 = arith.constant 0 : i32
    return %c0_i32, %c0_i32_0 : i32, i32
  }
  func.func @transform_6(%arg0: i32) -> (i32, i32) {
    %c0_i32 = arith.constant 0 : i32
    %c0_i32_0 = arith.constant 0 : i32
    %c0_i32_1 = arith.constant 0 : i32
    return %c0_i32, %c0_i32_0 : i32, i32
  }
  func.func @transform_7(%arg0: i32) -> (i32, i32) {
    %c0_i32 = arith.constant 0 : i32
    %c0_i32_0 = arith.constant 0 : i32
    return %arg0, %c0_i32 : i32, i32
  }
  func.func @transform_8(%arg0: i32) -> (i32, i32) {
    %c0_i32 = arith.constant 0 : i32
    %c0_i32_0 = arith.constant 0 : i32
    return %arg0, %c0_i32 : i32, i32
  }
  func.func @transform_9(%arg0: i32) -> (i32, i32) {
    %c0_i32 = arith.constant 0 : i32
    %c0_i32_0 = arith.constant 0 : i32
    %c0_i32_1 = arith.constant 0 : i32
    return %c0_i32, %c0_i32_0 : i32, i32
  }
}

module attributes {stable_mosaic.version = 14 : i64} {
  func.func @_var_body(%arg0: i32, %arg1: memref<256x512xf32, #tpu.memory_space<vmem>>, %arg2: memref<8x512xf32, #tpu.memory_space<vmem>>, %arg3: memref<8x512xf32, #tpu.memory_space<vmem>>) attributes {dimension_semantics = [#tpu.dimension_semantics<arbitrary>], iteration_bounds = array<i64: 40>, scalar_prefetch = 0 : i64, scratch_operands = 0 : i64, tpu.core_type = #tpu.core_type<tc>, window_params = [{transform_indices = @transform_0, window_bounds = array<i64: 256, 512>}, {pipeline_mode = #tpu.pipeline_mode<synchronous>, transform_indices = @transform_1, window_bounds = array<i64: 8, 512>}, {pipeline_mode = #tpu.pipeline_mode<synchronous>, transform_indices = @transform_2, window_bounds = array<i64: 8, 512>}]} {
    %mul3A = arith.constant 256 : i32
    %mul3A_0 = arith.muli %arg0, %mul3A : i32
    %iota3A = tpu.iota {dimensions = array<i32: 0>} : vector<256x1xi32>
    %add3A = vector.broadcast %mul3A_0 : i32 to vector<256x1xi32>
    %add3A_1 = arith.addi %add3A, %iota3A : vector<256x1xi32>
    %lt3A = arith.constant 10000 : i32
    %lt3A_2 = vector.broadcast %lt3A : i32 to vector<256x1xi32>
    %lt3A_3 = arith.cmpi slt, %add3A_1, %lt3A_2 : vector<256x1xi32>
    %convert_element_type3A = arith.extui %lt3A_3 : vector<256x1xi1> to vector<256x1xi32>
    %convert_element_type3A_4 = arith.sitofp %convert_element_type3A : vector<256x1xi32> to vector<256x1xf32>
    %get3A = arith.constant 0 : index
    %get3A_5 = arith.constant 0 : index
    %get3A_6 = vector.load %arg2[%get3A, %get3A_5] : memref<8x512xf32, #tpu.memory_space<vmem>>, vector<1x512xf32>
    %mul3A_7 = arith.constant 9.99999974E-5 : f32
    %mul3A_8 = vector.broadcast %mul3A_7 : f32 to vector<1x512xf32>
    %mul3A_9 = arith.mulf %get3A_6, %mul3A_8 : vector<1x512xf32>
    %get3A_10 = arith.constant 0 : index
    %get3A_11 = arith.constant 0 : index
    %get3A_12 = vector.load %arg1[%get3A_10, %get3A_11] : memref<256x512xf32, #tpu.memory_space<vmem>>, vector<256x512xf32>
    %sub3A = vector.broadcast %mul3A_9 : vector<1x512xf32> to vector<256x512xf32>
    %sub3A_13 = arith.subf %get3A_12, %sub3A : vector<256x512xf32>
    %mul3A_14 = vector.broadcast %convert_element_type3A_4 : vector<256x1xf32> to vector<256x512xf32>
    %mul3A_15 = arith.mulf %sub3A_13, %mul3A_14 : vector<256x512xf32>
    %mul3A_16 = arith.mulf %mul3A_15, %mul3A_15 : vector<256x512xf32>
    %reduce_sum3A = arith.constant dense<0.000000e+00> : vector<512xf32>
    %reduce_sum3A_17 = vector.multi_reduction <add>, %mul3A_16, %reduce_sum3A [0] : vector<256x512xf32> to vector<512xf32>
    %reshape3A = vector.shape_cast %reduce_sum3A_17 : vector<512xf32> to vector<1x512xf32>
    %broadcast_in_dim3A = arith.constant 0.000000e+00 : f32
    %broadcast_in_dim3A_18 = vector.broadcast %broadcast_in_dim3A : f32 to vector<7x512xf32>
    %concatenate3A = tpu.concatenate %reshape3A, %broadcast_in_dim3A_18 in 0 : vector<1x512xf32>, vector<7x512xf32> -> vector<8x512xf32>
    %eq3A = arith.constant 0 : i32
    %eq3A_19 = arith.cmpi eq, %arg0, %eq3A : i32
    %convert_element_type3A_20 = arith.extui %eq3A_19 : i1 to i32
    %cond3A = arith.constant 0 : i32
    %cond3A_21 = arith.cmpi ne, %convert_element_type3A_20, %cond3A : i32
    scf.if %cond3A_21 {
      %swap3A = arith.constant 0 : index
      %swap3A_26 = arith.constant 0 : index
      %swap3A_27 = vector.load %arg3[%swap3A, %swap3A_26] : memref<8x512xf32, #tpu.memory_space<vmem>>, vector<8x512xf32>
      tpu.vector_store %arg3[%swap3A, %swap3A_26], %concatenate3A {strides = array<i32>} : memref<8x512xf32, #tpu.memory_space<vmem>>, vector<8x512xf32>,
    } else {
    }
    %ne3A = arith.constant 0 : i32
    %ne3A_22 = arith.cmpi ne, %arg0, %ne3A : i32
    %convert_element_type3A_23 = arith.extui %ne3A_22 : i1 to i32
    %cond3A_24 = arith.constant 0 : i32
    %cond3A_25 = arith.cmpi ne, %convert_element_type3A_23, %cond3A_24 : i32
    scf.if %cond3A_25 {
      %get3A_26 = arith.constant 0 : index
      %get3A_27 = arith.constant 0 : index
      %get3A_28 = vector.load %arg3[%get3A_26, %get3A_27] : memref<8x512xf32, #tpu.memory_space<vmem>>, vector<8x512xf32>
      %add3A_29 = arith.addf %get3A_28, %concatenate3A : vector<8x512xf32>
      %swap3A = arith.constant 0 : index
      %swap3A_30 = arith.constant 0 : index
      %swap3A_31 = vector.load %arg3[%swap3A, %swap3A_30] : memref<8x512xf32, #tpu.memory_space<vmem>>, vector<8x512xf32>
      tpu.vector_store %arg3[%swap3A, %swap3A_30], %add3A_29 {strides = array<i32>} : memref<8x512xf32, #tpu.memory_space<vmem>>, vector<8x512xf32>,
    } else {
    }
    return
  }
  func.func @transform_0(%arg0: i32) -> (i32, i32) {
    %c0_i32 = arith.constant 0 : i32
    %c0_i32_0 = arith.constant 0 : i32
    return %arg0, %c0_i32 : i32, i32
  }
  func.func @transform_1(%arg0: i32) -> (i32, i32) {
    %c0_i32 = arith.constant 0 : i32
    %c0_i32_0 = arith.constant 0 : i32
    %c0_i32_1 = arith.constant 0 : i32
    return %c0_i32, %c0_i32_0 : i32, i32
  }
  func.func @transform_2(%arg0: i32) -> (i32, i32) {
    %c0_i32 = arith.constant 0 : i32
    %c0_i32_0 = arith.constant 0 : i32
    %c0_i32_1 = arith.constant 0 : i32
    return %c0_i32, %c0_i32_0 : i32, i32
  }
}

module attributes {stable_mosaic.version = 14 : i64} {
  func.func @_mlpB_body(%arg0: i32, %arg1: memref<256x512xf32, #tpu.memory_space<vmem>>, %arg2: memref<256x128xf32, #tpu.memory_space<vmem>>, %arg3: memref<8x512xf32, #tpu.memory_space<vmem>>, %arg4: memref<8x512xf32, #tpu.memory_space<vmem>>, %arg5: memref<1x512xf32, #tpu.memory_space<vmem>>, %arg6: memref<1x512xf32, #tpu.memory_space<vmem>>, %arg7: memref<256x512xf32, #tpu.memory_space<vmem>>, %arg8: memref<8x512xf32, #tpu.memory_space<vmem>>) attributes {dimension_semantics = [#tpu.dimension_semantics<arbitrary>], iteration_bounds = array<i64: 40>, scalar_prefetch = 0 : i64, scratch_operands = 0 : i64, tpu.core_type = #tpu.core_type<tc>, window_params = [{transform_indices = @transform_0, window_bounds = array<i64: 256, 512>}, {transform_indices = @transform_1, window_bounds = array<i64: 256, 128>}, {pipeline_mode = #tpu.pipeline_mode<synchronous>, transform_indices = @transform_2, window_bounds = array<i64: 8, 512>}, {pipeline_mode = #tpu.pipeline_mode<synchronous>, transform_indices = @transform_3, window_bounds = array<i64: 8, 512>}, {pipeline_mode = #tpu.pipeline_mode<synchronous>, transform_indices = @transform_4, window_bounds = array<i64: 1, 512>}, {pipeline_mode = #tpu.pipeline_mode<synchronous>, transform_indices = @transform_5, window_bounds = array<i64: 1, 512>}, {transform_indices = @transform_6, window_bounds = array<i64: 256, 512>}, {pipeline_mode = #tpu.pipeline_mode<synchronous>, transform_indices = @transform_7, window_bounds = array<i64: 8, 512>}]} {
    %mul3A = arith.constant 256 : i32
    %mul3A_0 = arith.muli %arg0, %mul3A : i32
    %iota3A = tpu.iota {dimensions = array<i32: 0>} : vector<256x1xi32>
    %add3A = vector.broadcast %mul3A_0 : i32 to vector<256x1xi32>
    %add3A_1 = arith.addi %add3A, %iota3A : vector<256x1xi32>
    %lt3A = arith.constant 10000 : i32
    %lt3A_2 = vector.broadcast %lt3A : i32 to vector<256x1xi32>
    %lt3A_3 = arith.cmpi slt, %add3A_1, %lt3A_2 : vector<256x1xi32>
    %convert_element_type3A = arith.extui %lt3A_3 : vector<256x1xi1> to vector<256x1xi32>
    %convert_element_type3A_4 = arith.sitofp %convert_element_type3A : vector<256x1xi32> to vector<256x1xf32>
    %get3A = arith.constant 0 : index
    %get3A_5 = arith.constant 0 : index
    %get3A_6 = vector.load %arg1[%get3A, %get3A_5] : memref<256x512xf32, #tpu.memory_space<vmem>>, vector<256x512xf32>
    %get3A_7 = arith.constant 0 : index
    %get3A_8 = arith.constant 0 : index
    %get3A_9 = vector.load %arg5[%get3A_7, %get3A_8] : memref<1x512xf32, #tpu.memory_space<vmem>>, vector<1x512xf32>
    %get3A_10 = arith.constant 0 : index
    %get3A_11 = arith.constant 0 : index
    %get3A_12 = vector.load %arg6[%get3A_10, %get3A_11] : memref<1x512xf32, #tpu.memory_space<vmem>>, vector<1x512xf32>
    %get3A_13 = arith.constant 0 : index
    %get3A_14 = arith.constant 0 : index
    %get3A_15 = vector.load %arg3[%get3A_13, %get3A_14] : memref<8x512xf32, #tpu.memory_space<vmem>>, vector<1x512xf32>
    %mul3A_16 = arith.constant 9.99999974E-5 : f32
    %mul3A_17 = vector.broadcast %mul3A_16 : f32 to vector<1x512xf32>
    %mul3A_18 = arith.mulf %get3A_15, %mul3A_17 : vector<1x512xf32>
    %get3A_19 = arith.constant 0 : index
    %get3A_20 = arith.constant 0 : index
    %get3A_21 = vector.load %arg4[%get3A_19, %get3A_20] : memref<8x512xf32, #tpu.memory_space<vmem>>, vector<1x512xf32>
    %mul3A_22 = arith.constant 9.99999974E-5 : f32
    %mul3A_23 = vector.broadcast %mul3A_22 : f32 to vector<1x512xf32>
    %mul3A_24 = arith.mulf %get3A_21, %mul3A_23 : vector<1x512xf32>
    %sub3A = vector.broadcast %mul3A_18 : vector<1x512xf32> to vector<256x512xf32>
    %sub3A_25 = arith.subf %get3A_6, %sub3A : vector<256x512xf32>
    %add3A_26 = arith.constant 9.99999974E-6 : f32
    %add3A_27 = vector.broadcast %add3A_26 : f32 to vector<1x512xf32>
    %add3A_28 = arith.addf %mul3A_24, %add3A_27 : vector<1x512xf32>
    %sqrt3A = math.sqrt %add3A_28 : vector<1x512xf32>
    %div3A = vector.broadcast %sqrt3A : vector<1x512xf32> to vector<256x512xf32>
    %div3A_29 = arith.divf %sub3A_25, %div3A : vector<256x512xf32>
    %mul3A_30 = vector.broadcast %get3A_9 : vector<1x512xf32> to vector<256x512xf32>
    %mul3A_31 = arith.mulf %div3A_29, %mul3A_30 : vector<256x512xf32>
    %add3A_32 = vector.broadcast %get3A_12 : vector<1x512xf32> to vector<256x512xf32>
    %add3A_33 = arith.addf %mul3A_31, %add3A_32 : vector<256x512xf32>
    %ge3A = arith.constant 0.000000e+00 : f32
    %ge3A_34 = vector.broadcast %ge3A : f32 to vector<256x512xf32>
    %ge3A_35 = arith.cmpf oge, %add3A_33, %ge3A_34 : vector<256x512xf32>
    %mul3A_36 = arith.constant 0.00999999977 : f32
    %mul3A_37 = vector.broadcast %mul3A_36 : f32 to vector<256x512xf32>
    %mul3A_38 = arith.mulf %mul3A_37, %add3A_33 : vector<256x512xf32>
    %select_n3A = arith.select %ge3A_35, %add3A_33, %mul3A_38 : vector<256x512xi1>, vector<256x512xf32>
    %get3A_39 = arith.constant 0 : index
    %get3A_40 = arith.constant 0 : index
    %get3A_41 = vector.load %arg2[%get3A_39, %get3A_40] : memref<256x128xf32, #tpu.memory_space<vmem>>, vector<256x1xf32>
    %mul3A_42 = vector.broadcast %get3A_41 : vector<256x1xf32> to vector<256x512xf32>
    %mul3A_43 = arith.mulf %select_n3A, %mul3A_42 : vector<256x512xf32>
    %div3A_44 = arith.constant 1.000000e+02 : f32
    %div3A_45 = vector.broadcast %div3A_44 : f32 to vector<256x512xf32>
    %div3A_46 = arith.divf %mul3A_43, %div3A_45 : vector<256x512xf32>
    %swap3A = arith.constant 0 : index
    %swap3A_47 = arith.constant 0 : index
    %swap3A_48 = vector.load %arg7[%swap3A, %swap3A_47] : memref<256x512xf32, #tpu.memory_space<vmem>>, vector<256x512xf32>
    tpu.vector_store %arg7[%swap3A, %swap3A_47], %div3A_46 {strides = array<i32>} : memref<256x512xf32, #tpu.memory_space<vmem>>, vector<256x512xf32>,
    %mul3A_49 = vector.broadcast %convert_element_type3A_4 : vector<256x1xf32> to vector<256x512xf32>
    %mul3A_50 = arith.mulf %div3A_46, %mul3A_49 : vector<256x512xf32>
    %reduce_sum3A = arith.constant dense<0.000000e+00> : vector<512xf32>
    %reduce_sum3A_51 = vector.multi_reduction <add>, %mul3A_50, %reduce_sum3A [0] : vector<256x512xf32> to vector<512xf32>
    %reshape3A = vector.shape_cast %reduce_sum3A_51 : vector<512xf32> to vector<1x512xf32>
    %broadcast_in_dim3A = arith.constant 0.000000e+00 : f32
    %broadcast_in_dim3A_52 = vector.broadcast %broadcast_in_dim3A : f32 to vector<7x512xf32>
    %concatenate3A = tpu.concatenate %reshape3A, %broadcast_in_dim3A_52 in 0 : vector<1x512xf32>, vector<7x512xf32> -> vector<8x512xf32>
    %eq3A = arith.constant 0 : i32
    %eq3A_53 = arith.cmpi eq, %arg0, %eq3A : i32
    %convert_element_type3A_54 = arith.extui %eq3A_53 : i1 to i32
    %cond3A = arith.constant 0 : i32
    %cond3A_55 = arith.cmpi ne, %convert_element_type3A_54, %cond3A : i32
    scf.if %cond3A_55 {
      %swap3A_60 = arith.constant 0 : index
      %swap3A_61 = arith.constant 0 : index
      %swap3A_62 = vector.load %arg8[%swap3A_60, %swap3A_61] : memref<8x512xf32, #tpu.memory_space<vmem>>, vector<8x512xf32>
      tpu.vector_store %arg8[%swap3A_60, %swap3A_61], %concatenate3A {strides = array<i32>} : memref<8x512xf32, #tpu.memory_space<vmem>>, vector<8x512xf32>,
    } else {
    }
    %ne3A = arith.constant 0 : i32
    %ne3A_56 = arith.cmpi ne, %arg0, %ne3A : i32
    %convert_element_type3A_57 = arith.extui %ne3A_56 : i1 to i32
    %cond3A_58 = arith.constant 0 : i32
    %cond3A_59 = arith.cmpi ne, %convert_element_type3A_57, %cond3A_58 : i32
    scf.if %cond3A_59 {
      %get3A_60 = arith.constant 0 : index
      %get3A_61 = arith.constant 0 : index
      %get3A_62 = vector.load %arg8[%get3A_60, %get3A_61] : memref<8x512xf32, #tpu.memory_space<vmem>>, vector<8x512xf32>
      %add3A_63 = arith.addf %get3A_62, %concatenate3A : vector<8x512xf32>
      %swap3A_64 = arith.constant 0 : index
      %swap3A_65 = arith.constant 0 : index
      %swap3A_66 = vector.load %arg8[%swap3A_64, %swap3A_65] : memref<8x512xf32, #tpu.memory_space<vmem>>, vector<8x512xf32>
      tpu.vector_store %arg8[%swap3A_64, %swap3A_65], %add3A_63 {strides = array<i32>} : memref<8x512xf32, #tpu.memory_space<vmem>>, vector<8x512xf32>,
    } else {
    }
    return
  }
  func.func @transform_0(%arg0: i32) -> (i32, i32) {
    %c0_i32 = arith.constant 0 : i32
    %c0_i32_0 = arith.constant 0 : i32
    return %arg0, %c0_i32 : i32, i32
  }
  func.func @transform_1(%arg0: i32) -> (i32, i32) {
    %c0_i32 = arith.constant 0 : i32
    %c0_i32_0 = arith.constant 0 : i32
    return %arg0, %c0_i32 : i32, i32
  }
  func.func @transform_2(%arg0: i32) -> (i32, i32) {
    %c0_i32 = arith.constant 0 : i32
    %c0_i32_0 = arith.constant 0 : i32
    %c0_i32_1 = arith.constant 0 : i32
    return %c0_i32, %c0_i32_0 : i32, i32
  }
  func.func @transform_3(%arg0: i32) -> (i32, i32) {
    %c0_i32 = arith.constant 0 : i32
    %c0_i32_0 = arith.constant 0 : i32
    %c0_i32_1 = arith.constant 0 : i32
    return %c0_i32, %c0_i32_0 : i32, i32
  }
  func.func @transform_4(%arg0: i32) -> (i32, i32) {
    %c0_i32 = arith.constant 0 : i32
    %c0_i32_0 = arith.constant 0 : i32
    %c0_i32_1 = arith.constant 0 : i32
    return %c0_i32, %c0_i32_0 : i32, i32
  }
  func.func @transform_5(%arg0: i32) -> (i32, i32) {
    %c0_i32 = arith.constant 0 : i32
    %c0_i32_0 = arith.constant 0 : i32
    %c0_i32_1 = arith.constant 0 : i32
    return %c0_i32, %c0_i32_0 : i32, i32
  }
  func.func @transform_6(%arg0: i32) -> (i32, i32) {
    %c0_i32 = arith.constant 0 : i32
    %c0_i32_0 = arith.constant 0 : i32
    return %arg0, %c0_i32 : i32, i32
  }
  func.func @transform_7(%arg0: i32) -> (i32, i32) {
    %c0_i32 = arith.constant 0 : i32
    %c0_i32_0 = arith.constant 0 : i32
    %c0_i32_1 = arith.constant 0 : i32
    return %c0_i32, %c0_i32_0 : i32, i32
  }
}

module attributes {stable_mosaic.version = 14 : i64} {
  func.func @_mlpC_body(%arg0: i32, %arg1: memref<256x512xf32, #tpu.memory_space<vmem>>, %arg2: memref<256x128xf32, #tpu.memory_space<vmem>>, %arg3: memref<8x512xf32, #tpu.memory_space<vmem>>, %arg4: memref<8x512xf32, #tpu.memory_space<vmem>>, %arg5: memref<1x512xf32, #tpu.memory_space<vmem>>, %arg6: memref<1x512xf32, #tpu.memory_space<vmem>>, %arg7: memref<256x128xf32, #tpu.memory_space<vmem>>, %arg8: memref<256x128xf32, #tpu.memory_space<vmem>>, %arg9: memref<256x128xf32, #tpu.memory_space<vmem>>, %arg10: memref<256x128xf32, #tpu.memory_space<vmem>>, %arg11: memref<256x128xf32, #tpu.memory_space<vmem>>) attributes {dimension_semantics = [#tpu.dimension_semantics<arbitrary>], iteration_bounds = array<i64: 40>, scalar_prefetch = 0 : i64, scratch_operands = 0 : i64, tpu.core_type = #tpu.core_type<tc>, window_params = [{transform_indices = @transform_0, window_bounds = array<i64: 256, 512>}, {transform_indices = @transform_1, window_bounds = array<i64: 256, 128>}, {pipeline_mode = #tpu.pipeline_mode<synchronous>, transform_indices = @transform_2, window_bounds = array<i64: 8, 512>}, {pipeline_mode = #tpu.pipeline_mode<synchronous>, transform_indices = @transform_3, window_bounds = array<i64: 8, 512>}, {pipeline_mode = #tpu.pipeline_mode<synchronous>, transform_indices = @transform_4, window_bounds = array<i64: 1, 512>}, {pipeline_mode = #tpu.pipeline_mode<synchronous>, transform_indices = @transform_5, window_bounds = array<i64: 1, 512>}, {transform_indices = @transform_6, window_bounds = array<i64: 256, 128>}, {transform_indices = @transform_7, window_bounds = array<i64: 256, 128>}, {transform_indices = @transform_8, window_bounds = array<i64: 256, 128>}, {transform_indices = @transform_9, window_bounds = array<i64: 256, 128>}, {transform_indices = @transform_10, window_bounds = array<i64: 256, 128>}]} {
    %get3A = arith.constant 0 : index
    %get3A_0 = arith.constant 0 : index
    %get3A_1 = vector.load %arg1[%get3A, %get3A_0] : memref<256x512xf32, #tpu.memory_space<vmem>>, vector<256x512xf32>
    %get3A_2 = arith.constant 0 : index
    %get3A_3 = arith.constant 0 : index
    %get3A_4 = vector.load %arg5[%get3A_2, %get3A_3] : memref<1x512xf32, #tpu.memory_space<vmem>>, vector<1x512xf32>
    %get3A_5 = arith.constant 0 : index
    %get3A_6 = arith.constant 0 : index
    %get3A_7 = vector.load %arg6[%get3A_5, %get3A_6] : memref<1x512xf32, #tpu.memory_space<vmem>>, vector<1x512xf32>
    %get3A_8 = arith.constant 0 : index
    %get3A_9 = arith.constant 0 : index
    %get3A_10 = vector.load %arg3[%get3A_8, %get3A_9] : memref<8x512xf32, #tpu.memory_space<vmem>>, vector<1x512xf32>
    %mul3A = arith.constant 9.99999974E-5 : f32
    %mul3A_11 = vector.broadcast %mul3A : f32 to vector<1x512xf32>
    %mul3A_12 = arith.mulf %get3A_10, %mul3A_11 : vector<1x512xf32>
    %get3A_13 = arith.constant 0 : index
    %get3A_14 = arith.constant 0 : index
    %get3A_15 = vector.load %arg4[%get3A_13, %get3A_14] : memref<8x512xf32, #tpu.memory_space<vmem>>, vector<1x512xf32>
    %mul3A_16 = arith.constant 9.99999974E-5 : f32
    %mul3A_17 = vector.broadcast %mul3A_16 : f32 to vector<1x512xf32>
    %mul3A_18 = arith.mulf %get3A_15, %mul3A_17 : vector<1x512xf32>
    %sub3A = vector.broadcast %mul3A_12 : vector<1x512xf32> to vector<256x512xf32>
    %sub3A_19 = arith.subf %get3A_1, %sub3A : vector<256x512xf32>
    %add3A = arith.constant 9.99999974E-6 : f32
    %add3A_20 = vector.broadcast %add3A : f32 to vector<1x512xf32>
    %add3A_21 = arith.addf %mul3A_18, %add3A_20 : vector<1x512xf32>
    %sqrt3A = math.sqrt %add3A_21 : vector<1x512xf32>
    %div3A = vector.broadcast %sqrt3A : vector<1x512xf32> to vector<256x512xf32>
    %div3A_22 = arith.divf %sub3A_19, %div3A : vector<256x512xf32>
    %mul3A_23 = vector.broadcast %get3A_4 : vector<1x512xf32> to vector<256x512xf32>
    %mul3A_24 = arith.mulf %div3A_22, %mul3A_23 : vector<256x512xf32>
    %add3A_25 = vector.broadcast %get3A_7 : vector<1x512xf32> to vector<256x512xf32>
    %add3A_26 = arith.addf %mul3A_24, %add3A_25 : vector<256x512xf32>
    %slice3A = vector.extract_strided_slice %add3A_26 {offsets = [0, 0], sizes = [256, 128], strides = [1, 1]} : vector<256x512xf32> to vector<256x128xf32>
    %swap3A = arith.constant 0 : index
    %swap3A_27 = arith.constant 0 : index
    %swap3A_28 = vector.load %arg7[%swap3A, %swap3A_27] : memref<256x128xf32, #tpu.memory_space<vmem>>, vector<256x128xf32>
    tpu.vector_store %arg7[%swap3A, %swap3A_27], %slice3A {strides = array<i32>} : memref<256x128xf32, #tpu.memory_space<vmem>>, vector<256x128xf32>,
    %slice3A_29 = vector.extract_strided_slice %add3A_26 {offsets = [0, 128], sizes = [256, 128], strides = [1, 1]} : vector<256x512xf32> to vector<256x128xf32>
    %swap3A_30 = arith.constant 0 : index
    %swap3A_31 = arith.constant 0 : index
    %swap3A_32 = vector.load %arg8[%swap3A_30, %swap3A_31] : memref<256x128xf32, #tpu.memory_space<vmem>>, vector<256x128xf32>
    tpu.vector_store %arg8[%swap3A_30, %swap3A_31], %slice3A_29 {strides = array<i32>} : memref<256x128xf32, #tpu.memory_space<vmem>>, vector<256x128xf32>,
    %slice3A_33 = vector.extract_strided_slice %add3A_26 {offsets = [0, 256], sizes = [256, 128], strides = [1, 1]} : vector<256x512xf32> to vector<256x128xf32>
    %swap3A_34 = arith.constant 0 : index
    %swap3A_35 = arith.constant 0 : index
    %swap3A_36 = vector.load %arg9[%swap3A_34, %swap3A_35] : memref<256x128xf32, #tpu.memory_space<vmem>>, vector<256x128xf32>
    tpu.vector_store %arg9[%swap3A_34, %swap3A_35], %slice3A_33 {strides = array<i32>} : memref<256x128xf32, #tpu.memory_space<vmem>>, vector<256x128xf32>,
    %slice3A_37 = vector.extract_strided_slice %add3A_26 {offsets = [0, 384], sizes = [256, 128], strides = [1, 1]} : vector<256x512xf32> to vector<256x128xf32>
    %swap3A_38 = arith.constant 0 : index
    %swap3A_39 = arith.constant 0 : index
    %swap3A_40 = vector.load %arg10[%swap3A_38, %swap3A_39] : memref<256x128xf32, #tpu.memory_space<vmem>>, vector<256x128xf32>
    tpu.vector_store %arg10[%swap3A_38, %swap3A_39], %slice3A_37 {strides = array<i32>} : memref<256x128xf32, #tpu.memory_space<vmem>>, vector<256x128xf32>,
    %get3A_41 = arith.constant 0 : index
    %get3A_42 = arith.constant 0 : index
    %get3A_43 = vector.load %arg2[%get3A_41, %get3A_42] : memref<256x128xf32, #tpu.memory_space<vmem>>, vector<256x1xf32>
    %broadcast_in_dim3A = arith.constant 0.000000e+00 : f32
    %broadcast_in_dim3A_44 = vector.broadcast %broadcast_in_dim3A : f32 to vector<256x127xf32>
    %concatenate3A = tpu.concatenate %get3A_43, %broadcast_in_dim3A_44 in 1 : vector<256x1xf32>, vector<256x127xf32> -> vector<256x128xf32>
    %swap3A_45 = arith.constant 0 : index
    %swap3A_46 = arith.constant 0 : index
    %swap3A_47 = vector.load %arg11[%swap3A_45, %swap3A_46] : memref<256x128xf32, #tpu.memory_space<vmem>>, vector<256x128xf32>
    tpu.vector_store %arg11[%swap3A_45, %swap3A_46], %concatenate3A {strides = array<i32>} : memref<256x128xf32, #tpu.memory_space<vmem>>, vector<256x128xf32>,
    return
  }
  func.func @transform_0(%arg0: i32) -> (i32, i32) {
    %c0_i32 = arith.constant 0 : i32
    %c0_i32_0 = arith.constant 0 : i32
    return %arg0, %c0_i32 : i32, i32
  }
  func.func @transform_1(%arg0: i32) -> (i32, i32) {
    %c0_i32 = arith.constant 0 : i32
    %c0_i32_0 = arith.constant 0 : i32
    return %arg0, %c0_i32 : i32, i32
  }
  func.func @transform_2(%arg0: i32) -> (i32, i32) {
    %c0_i32 = arith.constant 0 : i32
    %c0_i32_0 = arith.constant 0 : i32
    %c0_i32_1 = arith.constant 0 : i32
    return %c0_i32, %c0_i32_0 : i32, i32
  }
  func.func @transform_3(%arg0: i32) -> (i32, i32) {
    %c0_i32 = arith.constant 0 : i32
    %c0_i32_0 = arith.constant 0 : i32
    %c0_i32_1 = arith.constant 0 : i32
    return %c0_i32, %c0_i32_0 : i32, i32
  }
  func.func @transform_4(%arg0: i32) -> (i32, i32) {
    %c0_i32 = arith.constant 0 : i32
    %c0_i32_0 = arith.constant 0 : i32
    %c0_i32_1 = arith.constant 0 : i32
    return %c0_i32, %c0_i32_0 : i32, i32
  }
  func.func @transform_5(%arg0: i32) -> (i32, i32) {
    %c0_i32 = arith.constant 0 : i32
    %c0_i32_0 = arith.constant 0 : i32
    %c0_i32_1 = arith.constant 0 : i32
    return %c0_i32, %c0_i32_0 : i32, i32
  }
  func.func @transform_6(%arg0: i32) -> (i32, i32) {
    %c0_i32 = arith.constant 0 : i32
    %c0_i32_0 = arith.constant 0 : i32
    return %arg0, %c0_i32 : i32, i32
  }
  func.func @transform_7(%arg0: i32) -> (i32, i32) {
    %c0_i32 = arith.constant 0 : i32
    %c0_i32_0 = arith.constant 0 : i32
    return %arg0, %c0_i32 : i32, i32
  }
  func.func @transform_8(%arg0: i32) -> (i32, i32) {
    %c0_i32 = arith.constant 0 : i32
    %c0_i32_0 = arith.constant 0 : i32
    return %arg0, %c0_i32 : i32, i32
  }
  func.func @transform_9(%arg0: i32) -> (i32, i32) {
    %c0_i32 = arith.constant 0 : i32
    %c0_i32_0 = arith.constant 0 : i32
    return %arg0, %c0_i32 : i32, i32
  }
  func.func @transform_10(%arg0: i32) -> (i32, i32) {
    %c0_i32 = arith.constant 0 : i32
    %c0_i32_0 = arith.constant 0 : i32
    return %arg0, %c0_i32 : i32, i32
  }
}

module attributes {stable_mosaic.version = 14 : i64} {
  func.func @_mlpA_body(%arg0: i32, %arg1: memref<256x128xf32, #tpu.memory_space<vmem>>, %arg2: memref<256x128xf32, #tpu.memory_space<vmem>>, %arg3: memref<256x128xf32, #tpu.memory_space<vmem>>, %arg4: memref<256x128xf32, #tpu.memory_space<vmem>>, %arg5: memref<256x128xf32, #tpu.memory_space<vmem>>, %arg6: memref<256x128xf32, #tpu.memory_space<vmem>>, %arg7: memref<256x128xf32, #tpu.memory_space<vmem>>, %arg8: memref<256x128xf32, #tpu.memory_space<vmem>>, %arg9: memref<256x128xf32, #tpu.memory_space<vmem>>, %arg10: memref<256x128xf32, #tpu.memory_space<vmem>>, %arg11: memref<1x1xf32, #tpu.memory_space<vmem>>, %arg12: memref<512x512xf32, #tpu.memory_space<vmem>>, %arg13: memref<1x512xf32, #tpu.memory_space<vmem>>, %arg14: memref<512x512xf32, #tpu.memory_space<vmem>>, %arg15: memref<1x512xf32, #tpu.memory_space<vmem>>, %arg16: memref<256x512xf32, #tpu.memory_space<vmem>>, %arg17: memref<256x128xf32, #tpu.memory_space<vmem>>, %arg18: memref<8x512xf32, #tpu.memory_space<vmem>>) attributes {dimension_semantics = [#tpu.dimension_semantics<arbitrary>], iteration_bounds = array<i64: 40>, scalar_prefetch = 0 : i64, scratch_operands = 0 : i64, tpu.core_type = #tpu.core_type<tc>, window_params = [{transform_indices = @transform_0, window_bounds = array<i64: 256, 128>}, {transform_indices = @transform_1, window_bounds = array<i64: 256, 128>}, {transform_indices = @transform_2, window_bounds = array<i64: 256, 128>}, {transform_indices = @transform_3, window_bounds = array<i64: 256, 128>}, {transform_indices = @transform_4, window_bounds = array<i64: 256, 128>}, {transform_indices = @transform_5, window_bounds = array<i64: 256, 128>}, {transform_indices = @transform_6, window_bounds = array<i64: 256, 128>}, {transform_indices = @transform_7, window_bounds = array<i64: 256, 128>}, {transform_indices = @transform_8, window_bounds = array<i64: 256, 128>}, {transform_indices = @transform_9, window_bounds = array<i64: 256, 128>}, {pipeline_mode = #tpu.pipeline_mode<synchronous>, transform_indices = @transform_10, window_bounds = array<i64: 1, 1>}, {pipeline_mode = #tpu.pipeline_mode<synchronous>, transform_indices = @transform_11, window_bounds = array<i64: 512, 512>}, {pipeline_mode = #tpu.pipeline_mode<synchronous>, transform_indices = @transform_12, window_bounds = array<i64: 1, 512>}, {pipeline_mode = #tpu.pipeline_mode<synchronous>, transform_indices = @transform_13, window_bounds = array<i64: 512, 512>}, {pipeline_mode = #tpu.pipeline_mode<synchronous>, transform_indices = @transform_14, window_bounds = array<i64: 1, 512>}, {transform_indices = @transform_15, window_bounds = array<i64: 256, 512>}, {transform_indices = @transform_16, window_bounds = array<i64: 256, 128>}, {pipeline_mode = #tpu.pipeline_mode<synchronous>, transform_indices = @transform_17, window_bounds = array<i64: 8, 512>}]} {
    %get3A = arith.constant 0 : index
    %get3A_0 = arith.constant 0 : index
    %get3A_1 = vector.load %arg1[%get3A, %get3A_0] : memref<256x128xf32, #tpu.memory_space<vmem>>, vector<256x128xf32>
    %get3A_2 = arith.constant 0 : index
    %get3A_3 = arith.constant 0 : index
    %get3A_4 = vector.load %arg2[%get3A_2, %get3A_3] : memref<256x128xf32, #tpu.memory_space<vmem>>, vector<256x128xf32>
    %get3A_5 = arith.constant 0 : index
    %get3A_6 = arith.constant 0 : index
    %get3A_7 = vector.load %arg3[%get3A_5, %get3A_6] : memref<256x128xf32, #tpu.memory_space<vmem>>, vector<256x128xf32>
    %get3A_8 = arith.constant 0 : index
    %get3A_9 = arith.constant 0 : index
    %get3A_10 = vector.load %arg4[%get3A_8, %get3A_9] : memref<256x128xf32, #tpu.memory_space<vmem>>, vector<256x128xf32>
    %concatenate3A = tpu.concatenate %get3A_1, %get3A_4, %get3A_7, %get3A_10 in 1 : vector<256x128xf32>, vector<256x128xf32>, vector<256x128xf32>, vector<256x128xf32> -> vector<256x512xf32>
    %get3A_11 = arith.constant 0 : index
    %get3A_12 = arith.constant 0 : index
    %get3A_13 = vector.load %arg5[%get3A_11, %get3A_12] : memref<256x128xf32, #tpu.memory_space<vmem>>, vector<256x1xf32>
    %get3A_14 = arith.constant 0 : index
    %get3A_15 = arith.constant 0 : index
    %get3A_16 = vector.load %arg6[%get3A_14, %get3A_15] : memref<256x128xf32, #tpu.memory_space<vmem>>, vector<256x128xf32>
    %get3A_17 = arith.constant 0 : index
    %get3A_18 = arith.constant 0 : index
    %get3A_19 = vector.load %arg7[%get3A_17, %get3A_18] : memref<256x128xf32, #tpu.memory_space<vmem>>, vector<256x128xf32>
    %get3A_20 = arith.constant 0 : index
    %get3A_21 = arith.constant 0 : index
    %get3A_22 = vector.load %arg8[%get3A_20, %get3A_21] : memref<256x128xf32, #tpu.memory_space<vmem>>, vector<256x128xf32>
    %get3A_23 = arith.constant 0 : index
    %get3A_24 = arith.constant 0 : index
    %get3A_25 = vector.load %arg9[%get3A_23, %get3A_24] : memref<256x128xf32, #tpu.memory_space<vmem>>, vector<256x128xf32>
    %concatenate3A_26 = tpu.concatenate %get3A_16, %get3A_19, %get3A_22, %get3A_25 in 1 : vector<256x128xf32>, vector<256x128xf32>, vector<256x128xf32>, vector<256x128xf32> -> vector<256x512xf32>
    %get3A_27 = arith.constant 0 : index
    %get3A_28 = arith.constant 0 : index
    %get3A_29 = vector.load %arg10[%get3A_27, %get3A_28] : memref<256x128xf32, #tpu.memory_space<vmem>>, vector<256x1xf32>
    %mul3A = arith.constant 256 : i32
    %mul3A_30 = arith.muli %arg0, %mul3A : i32
    %iota3A = tpu.iota {dimensions = array<i32: 0>} : vector<256x1xi32>
    %add3A = vector.broadcast %mul3A_30 : i32 to vector<256x1xi32>
    %add3A_31 = arith.addi %add3A, %iota3A : vector<256x1xi32>
    %lt3A = arith.constant 10000 : i32
    %lt3A_32 = vector.broadcast %lt3A : i32 to vector<256x1xi32>
    %lt3A_33 = arith.cmpi slt, %add3A_31, %lt3A_32 : vector<256x1xi32>
    %convert_element_type3A = arith.extui %lt3A_33 : vector<256x1xi1> to vector<256x1xi32>
    %convert_element_type3A_34 = arith.sitofp %convert_element_type3A : vector<256x1xi32> to vector<256x1xf32>
    %get3A_35 = arith.constant 0 : index
    %get3A_36 = arith.constant 0 : index
    %get3A_37 = vector.load %arg11[%get3A_35, %get3A_36] : memref<1x1xf32, #tpu.memory_space<vmem>>, vector<1x1xf32>
    %get3A_38 = vector.extract %get3A_37[0, 0] : f32 from vector<1x1xf32>
    %add3A_39 = arith.constant 1.000000e+00 : f32
    %add3A_40 = arith.addf %add3A_39, %get3A_38 : f32
    %mul3A_41 = vector.broadcast %add3A_40 : f32 to vector<256x512xf32>
    %mul3A_42 = arith.mulf %mul3A_41, %concatenate3A : vector<256x512xf32>
    %add3A_43 = arith.addf %mul3A_42, %concatenate3A_26 : vector<256x512xf32>
    %get3A_44 = arith.constant 0 : index
    %get3A_45 = arith.constant 0 : index
    %get3A_46 = vector.load %arg12[%get3A_44, %get3A_45] : memref<512x512xf32, #tpu.memory_space<vmem>>, vector<512x512xf32>
    %dot_general3A = arith.constant dense<0.000000e+00> : vector<256x512xf32>
    %dot_general3A_47 = tpu.matmul %add3A_43, %get3A_46, %dot_general3A {dimension_numbers = #tpu.dot_dimension_numbers<[1], [0], [0], [1], [0, 0, 1, 1], [], []>, transpose_lhs_hint = false} : vector<256x512xf32>, vector<512x512xf32>, vector<256x512xf32> -> vector<256x512xf32>
    %get3A_48 = arith.constant 0 : index
    %get3A_49 = arith.constant 0 : index
    %get3A_50 = vector.load %arg13[%get3A_48, %get3A_49] : memref<1x512xf32, #tpu.memory_space<vmem>>, vector<1x512xf32>
    %add3A_51 = vector.broadcast %get3A_50 : vector<1x512xf32> to vector<256x512xf32>
    %add3A_52 = arith.addf %dot_general3A_47, %add3A_51 : vector<256x512xf32>
    %max3A = arith.constant 0.000000e+00 : f32
    %max3A_53 = vector.broadcast %max3A : f32 to vector<256x512xf32>
    %max3A_54 = arith.maximumf %add3A_52, %max3A_53 : vector<256x512xf32>
    %get3A_55 = arith.constant 0 : index
    %get3A_56 = arith.constant 0 : index
    %get3A_57 = vector.load %arg14[%get3A_55, %get3A_56] : memref<512x512xf32, #tpu.memory_space<vmem>>, vector<512x512xf32>
    %dot_general3A_58 = arith.constant dense<0.000000e+00> : vector<256x512xf32>
    %dot_general3A_59 = tpu.matmul %max3A_54, %get3A_57, %dot_general3A_58 {dimension_numbers = #tpu.dot_dimension_numbers<[1], [0], [0], [1], [0, 0, 1, 1], [], []>, transpose_lhs_hint = false} : vector<256x512xf32>, vector<512x512xf32>, vector<256x512xf32> -> vector<256x512xf32>
    %get3A_60 = arith.constant 0 : index
    %get3A_61 = arith.constant 0 : index
    %get3A_62 = vector.load %arg15[%get3A_60, %get3A_61] : memref<1x512xf32, #tpu.memory_space<vmem>>, vector<1x512xf32>
    %add3A_63 = vector.broadcast %get3A_62 : vector<1x512xf32> to vector<256x512xf32>
    %add3A_64 = arith.addf %dot_general3A_59, %add3A_63 : vector<256x512xf32>
    %max3A_65 = arith.constant 0.000000e+00 : f32
    %max3A_66 = vector.broadcast %max3A_65 : f32 to vector<256x512xf32>
    %max3A_67 = arith.maximumf %add3A_64, %max3A_66 : vector<256x512xf32>
    %swap3A = arith.constant 0 : index
    %swap3A_68 = arith.constant 0 : index
    %swap3A_69 = vector.load %arg16[%swap3A, %swap3A_68] : memref<256x512xf32, #tpu.memory_space<vmem>>, vector<256x512xf32>
    tpu.vector_store %arg16[%swap3A, %swap3A_68], %max3A_67 {strides = array<i32>} : memref<256x512xf32, #tpu.memory_space<vmem>>, vector<256x512xf32>,
    %gt3A = arith.constant 0.000000e+00 : f32
    %gt3A_70 = vector.broadcast %gt3A : f32 to vector<256x1xf32>
    %gt3A_71 = arith.cmpf ogt, %get3A_29, %gt3A_70 : vector<256x1xf32>
    %convert_element_type3A_72 = arith.extui %gt3A_71 : vector<256x1xi1> to vector<256x1xi32>
    %convert_element_type3A_73 = arith.sitofp %convert_element_type3A_72 : vector<256x1xi32> to vector<256x1xf32>
    %max3A_74 = arith.maximumf %get3A_13, %convert_element_type3A_73 : vector<256x1xf32>
    %broadcast_in_dim3A = vector.shape_cast %max3A_74 : vector<256x1xf32> to vector<256x1xf32>
    %broadcast_in_dim3A_75 = vector.broadcast %broadcast_in_dim3A : vector<256x1xf32> to vector<256x128xf32>
    %swap3A_76 = arith.constant 0 : index
    %swap3A_77 = arith.constant 0 : index
    %swap3A_78 = vector.load %arg17[%swap3A_76, %swap3A_77] : memref<256x128xf32, #tpu.memory_space<vmem>>, vector<256x128xf32>
    tpu.vector_store %arg17[%swap3A_76, %swap3A_77], %broadcast_in_dim3A_75 {strides = array<i32>} : memref<256x128xf32, #tpu.memory_space<vmem>>, vector<256x128xf32>,
    %mul3A_79 = vector.broadcast %convert_element_type3A_34 : vector<256x1xf32> to vector<256x512xf32>
    %mul3A_80 = arith.mulf %max3A_67, %mul3A_79 : vector<256x512xf32>
    %reduce_sum3A = arith.constant dense<0.000000e+00> : vector<512xf32>
    %reduce_sum3A_81 = vector.multi_reduction <add>, %mul3A_80, %reduce_sum3A [0] : vector<256x512xf32> to vector<512xf32>
    %reshape3A = vector.shape_cast %reduce_sum3A_81 : vector<512xf32> to vector<1x512xf32>
    %broadcast_in_dim3A_82 = arith.constant 0.000000e+00 : f32
    %broadcast_in_dim3A_83 = vector.broadcast %broadcast_in_dim3A_82 : f32 to vector<7x512xf32>
    %concatenate3A_84 = tpu.concatenate %reshape3A, %broadcast_in_dim3A_83 in 0 : vector<1x512xf32>, vector<7x512xf32> -> vector<8x512xf32>
    %eq3A = arith.constant 0 : i32
    %eq3A_85 = arith.cmpi eq, %arg0, %eq3A : i32
    %convert_element_type3A_86 = arith.extui %eq3A_85 : i1 to i32
    %cond3A = arith.constant 0 : i32
    %cond3A_87 = arith.cmpi ne, %convert_element_type3A_86, %cond3A : i32
    scf.if %cond3A_87 {
      %swap3A_92 = arith.constant 0 : index
      %swap3A_93 = arith.constant 0 : index
      %swap3A_94 = vector.load %arg18[%swap3A_92, %swap3A_93] : memref<8x512xf32, #tpu.memory_space<vmem>>, vector<8x512xf32>
      tpu.vector_store %arg18[%swap3A_92, %swap3A_93], %concatenate3A_84 {strides = array<i32>} : memref<8x512xf32, #tpu.memory_space<vmem>>, vector<8x512xf32>,
    } else {
    }
    %ne3A = arith.constant 0 : i32
    %ne3A_88 = arith.cmpi ne, %arg0, %ne3A : i32
    %convert_element_type3A_89 = arith.extui %ne3A_88 : i1 to i32
    %cond3A_90 = arith.constant 0 : i32
    %cond3A_91 = arith.cmpi ne, %convert_element_type3A_89, %cond3A_90 : i32
    scf.if %cond3A_91 {
      %get3A_92 = arith.constant 0 : index
      %get3A_93 = arith.constant 0 : index
      %get3A_94 = vector.load %arg18[%get3A_92, %get3A_93] : memref<8x512xf32, #tpu.memory_space<vmem>>, vector<8x512xf32>
      %add3A_95 = arith.addf %get3A_94, %concatenate3A_84 : vector<8x512xf32>
      %swap3A_96 = arith.constant 0 : index
      %swap3A_97 = arith.constant 0 : index
      %swap3A_98 = vector.load %arg18[%swap3A_96, %swap3A_97] : memref<8x512xf32, #tpu.memory_space<vmem>>, vector<8x512xf32>
      tpu.vector_store %arg18[%swap3A_96, %swap3A_97], %add3A_95 {strides = array<i32>} : memref<8x512xf32, #tpu.memory_space<vmem>>, vector<8x512xf32>,
    } else {
    }
    return
  }
  func.func @transform_0(%arg0: i32) -> (i32, i32) {
    %c0_i32 = arith.constant 0 : i32
    %c0_i32_0 = arith.constant 0 : i32
    return %arg0, %c0_i32 : i32, i32
  }
  func.func @transform_1(%arg0: i32) -> (i32, i32) {
    %c0_i32 = arith.constant 0 : i32
    %c0_i32_0 = arith.constant 0 : i32
    return %arg0, %c0_i32 : i32, i32
  }
  func.func @transform_2(%arg0: i32) -> (i32, i32) {
    %c0_i32 = arith.constant 0 : i32
    %c0_i32_0 = arith.constant 0 : i32
    return %arg0, %c0_i32 : i32, i32
  }
  func.func @transform_3(%arg0: i32) -> (i32, i32) {
    %c0_i32 = arith.constant 0 : i32
    %c0_i32_0 = arith.constant 0 : i32
    return %arg0, %c0_i32 : i32, i32
  }
  func.func @transform_4(%arg0: i32) -> (i32, i32) {
    %c0_i32 = arith.constant 0 : i32
    %c0_i32_0 = arith.constant 0 : i32
    return %arg0, %c0_i32 : i32, i32
  }
  func.func @transform_5(%arg0: i32) -> (i32, i32) {
    %c0_i32 = arith.constant 0 : i32
    %c0_i32_0 = arith.constant 0 : i32
    return %arg0, %c0_i32 : i32, i32
  }
  func.func @transform_6(%arg0: i32) -> (i32, i32) {
    %c0_i32 = arith.constant 0 : i32
    %c0_i32_0 = arith.constant 0 : i32
    return %arg0, %c0_i32 : i32, i32
  }
  func.func @transform_7(%arg0: i32) -> (i32, i32) {
    %c0_i32 = arith.constant 0 : i32
    %c0_i32_0 = arith.constant 0 : i32
    return %arg0, %c0_i32 : i32, i32
  }
  func.func @transform_8(%arg0: i32) -> (i32, i32) {
    %c0_i32 = arith.constant 0 : i32
    %c0_i32_0 = arith.constant 0 : i32
    return %arg0, %c0_i32 : i32, i32
  }
  func.func @transform_9(%arg0: i32) -> (i32, i32) {
    %c0_i32 = arith.constant 0 : i32
    %c0_i32_0 = arith.constant 0 : i32
    return %arg0, %c0_i32 : i32, i32
  }
  func.func @transform_10(%arg0: i32) -> (i32, i32) {
    %c0_i32 = arith.constant 0 : i32
    %c0_i32_0 = arith.constant 0 : i32
    %c0_i32_1 = arith.constant 0 : i32
    return %c0_i32, %c0_i32_0 : i32, i32
  }
  func.func @transform_11(%arg0: i32) -> (i32, i32) {
    %c0_i32 = arith.constant 0 : i32
    %c0_i32_0 = arith.constant 0 : i32
    %c0_i32_1 = arith.constant 0 : i32
    return %c0_i32, %c0_i32_0 : i32, i32
  }
  func.func @transform_12(%arg0: i32) -> (i32, i32) {
    %c0_i32 = arith.constant 0 : i32
    %c0_i32_0 = arith.constant 0 : i32
    %c0_i32_1 = arith.constant 0 : i32
    return %c0_i32, %c0_i32_0 : i32, i32
  }
  func.func @transform_13(%arg0: i32) -> (i32, i32) {
    %c0_i32 = arith.constant 0 : i32
    %c0_i32_0 = arith.constant 0 : i32
    %c0_i32_1 = arith.constant 0 : i32
    return %c0_i32, %c0_i32_0 : i32, i32
  }
  func.func @transform_14(%arg0: i32) -> (i32, i32) {
    %c0_i32 = arith.constant 0 : i32
    %c0_i32_0 = arith.constant 0 : i32
    %c0_i32_1 = arith.constant 0 : i32
    return %c0_i32, %c0_i32_0 : i32, i32
  }
  func.func @transform_15(%arg0: i32) -> (i32, i32) {
    %c0_i32 = arith.constant 0 : i32
    %c0_i32_0 = arith.constant 0 : i32
    return %arg0, %c0_i32 : i32, i32
  }
  func.func @transform_16(%arg0: i32) -> (i32, i32) {
    %c0_i32 = arith.constant 0 : i32
    %c0_i32_0 = arith.constant 0 : i32
    return %arg0, %c0_i32 : i32, i32
  }
  func.func @transform_17(%arg0: i32) -> (i32, i32) {
    %c0_i32 = arith.constant 0 : i32
    %c0_i32_0 = arith.constant 0 : i32
    %c0_i32_1 = arith.constant 0 : i32
    return %c0_i32, %c0_i32_0 : i32, i32
  }
}

module attributes {stable_mosaic.version = 14 : i64} {
  func.func @_mlpB_body(%arg0: i32, %arg1: memref<256x512xf32, #tpu.memory_space<vmem>>, %arg2: memref<256x128xf32, #tpu.memory_space<vmem>>, %arg3: memref<256x128xf32, #tpu.memory_space<vmem>>, %arg4: memref<256x128xf32, #tpu.memory_space<vmem>>, %arg5: memref<256x128xf32, #tpu.memory_space<vmem>>, %arg6: memref<256x128xf32, #tpu.memory_space<vmem>>, %arg7: memref<8x512xf32, #tpu.memory_space<vmem>>, %arg8: memref<8x512xf32, #tpu.memory_space<vmem>>, %arg9: memref<1x512xf32, #tpu.memory_space<vmem>>, %arg10: memref<1x512xf32, #tpu.memory_space<vmem>>, %arg11: memref<256x512xf32, #tpu.memory_space<vmem>>, %arg12: memref<8x512xf32, #tpu.memory_space<vmem>>) attributes {dimension_semantics = [#tpu.dimension_semantics<arbitrary>], iteration_bounds = array<i64: 40>, scalar_prefetch = 0 : i64, scratch_operands = 0 : i64, tpu.core_type = #tpu.core_type<tc>, window_params = [{transform_indices = @transform_0, window_bounds = array<i64: 256, 512>}, {transform_indices = @transform_1, window_bounds = array<i64: 256, 128>}, {transform_indices = @transform_2, window_bounds = array<i64: 256, 128>}, {transform_indices = @transform_3, window_bounds = array<i64: 256, 128>}, {transform_indices = @transform_4, window_bounds = array<i64: 256, 128>}, {transform_indices = @transform_5, window_bounds = array<i64: 256, 128>}, {pipeline_mode = #tpu.pipeline_mode<synchronous>, transform_indices = @transform_6, window_bounds = array<i64: 8, 512>}, {pipeline_mode = #tpu.pipeline_mode<synchronous>, transform_indices = @transform_7, window_bounds = array<i64: 8, 512>}, {pipeline_mode = #tpu.pipeline_mode<synchronous>, transform_indices = @transform_8, window_bounds = array<i64: 1, 512>}, {pipeline_mode = #tpu.pipeline_mode<synchronous>, transform_indices = @transform_9, window_bounds = array<i64: 1, 512>}, {transform_indices = @transform_10, window_bounds = array<i64: 256, 512>}, {pipeline_mode = #tpu.pipeline_mode<synchronous>, transform_indices = @transform_11, window_bounds = array<i64: 8, 512>}]} {
    %mul3A = arith.constant 256 : i32
    %mul3A_0 = arith.muli %arg0, %mul3A : i32
    %iota3A = tpu.iota {dimensions = array<i32: 0>} : vector<256x1xi32>
    %add3A = vector.broadcast %mul3A_0 : i32 to vector<256x1xi32>
    %add3A_1 = arith.addi %add3A, %iota3A : vector<256x1xi32>
    %lt3A = arith.constant 10000 : i32
    %lt3A_2 = vector.broadcast %lt3A : i32 to vector<256x1xi32>
    %lt3A_3 = arith.cmpi slt, %add3A_1, %lt3A_2 : vector<256x1xi32>
    %convert_element_type3A = arith.extui %lt3A_3 : vector<256x1xi1> to vector<256x1xi32>
    %convert_element_type3A_4 = arith.sitofp %convert_element_type3A : vector<256x1xi32> to vector<256x1xf32>
    %get3A = arith.constant 0 : index
    %get3A_5 = arith.constant 0 : index
    %get3A_6 = vector.load %arg1[%get3A, %get3A_5] : memref<256x512xf32, #tpu.memory_space<vmem>>, vector<256x512xf32>
    %get3A_7 = arith.constant 0 : index
    %get3A_8 = arith.constant 0 : index
    %get3A_9 = vector.load %arg9[%get3A_7, %get3A_8] : memref<1x512xf32, #tpu.memory_space<vmem>>, vector<1x512xf32>
    %get3A_10 = arith.constant 0 : index
    %get3A_11 = arith.constant 0 : index
    %get3A_12 = vector.load %arg10[%get3A_10, %get3A_11] : memref<1x512xf32, #tpu.memory_space<vmem>>, vector<1x512xf32>
    %get3A_13 = arith.constant 0 : index
    %get3A_14 = arith.constant 0 : index
    %get3A_15 = vector.load %arg7[%get3A_13, %get3A_14] : memref<8x512xf32, #tpu.memory_space<vmem>>, vector<1x512xf32>
    %mul3A_16 = arith.constant 9.99999974E-5 : f32
    %mul3A_17 = vector.broadcast %mul3A_16 : f32 to vector<1x512xf32>
    %mul3A_18 = arith.mulf %get3A_15, %mul3A_17 : vector<1x512xf32>
    %get3A_19 = arith.constant 0 : index
    %get3A_20 = arith.constant 0 : index
    %get3A_21 = vector.load %arg8[%get3A_19, %get3A_20] : memref<8x512xf32, #tpu.memory_space<vmem>>, vector<1x512xf32>
    %mul3A_22 = arith.constant 9.99999974E-5 : f32
    %mul3A_23 = vector.broadcast %mul3A_22 : f32 to vector<1x512xf32>
    %mul3A_24 = arith.mulf %get3A_21, %mul3A_23 : vector<1x512xf32>
    %sub3A = vector.broadcast %mul3A_18 : vector<1x512xf32> to vector<256x512xf32>
    %sub3A_25 = arith.subf %get3A_6, %sub3A : vector<256x512xf32>
    %add3A_26 = arith.constant 9.99999974E-6 : f32
    %add3A_27 = vector.broadcast %add3A_26 : f32 to vector<1x512xf32>
    %add3A_28 = arith.addf %mul3A_24, %add3A_27 : vector<1x512xf32>
    %sqrt3A = math.sqrt %add3A_28 : vector<1x512xf32>
    %div3A = vector.broadcast %sqrt3A : vector<1x512xf32> to vector<256x512xf32>
    %div3A_29 = arith.divf %sub3A_25, %div3A : vector<256x512xf32>
    %mul3A_30 = vector.broadcast %get3A_9 : vector<1x512xf32> to vector<256x512xf32>
    %mul3A_31 = arith.mulf %div3A_29, %mul3A_30 : vector<256x512xf32>
    %add3A_32 = vector.broadcast %get3A_12 : vector<1x512xf32> to vector<256x512xf32>
    %add3A_33 = arith.addf %mul3A_31, %add3A_32 : vector<256x512xf32>
    %ge3A = arith.constant 0.000000e+00 : f32
    %ge3A_34 = vector.broadcast %ge3A : f32 to vector<256x512xf32>
    %ge3A_35 = arith.cmpf oge, %add3A_33, %ge3A_34 : vector<256x512xf32>
    %mul3A_36 = arith.constant 0.00999999977 : f32
    %mul3A_37 = vector.broadcast %mul3A_36 : f32 to vector<256x512xf32>
    %mul3A_38 = arith.mulf %mul3A_37, %add3A_33 : vector<256x512xf32>
    %select_n3A = arith.select %ge3A_35, %add3A_33, %mul3A_38 : vector<256x512xi1>, vector<256x512xf32>
    %get3A_39 = arith.constant 0 : index
    %get3A_40 = arith.constant 0 : index
    %get3A_41 = vector.load %arg2[%get3A_39, %get3A_40] : memref<256x128xf32, #tpu.memory_space<vmem>>, vector<256x128xf32>
    %get3A_42 = arith.constant 0 : index
    %get3A_43 = arith.constant 0 : index
    %get3A_44 = vector.load %arg3[%get3A_42, %get3A_43] : memref<256x128xf32, #tpu.memory_space<vmem>>, vector<256x128xf32>
    %get3A_45 = arith.constant 0 : index
    %get3A_46 = arith.constant 0 : index
    %get3A_47 = vector.load %arg4[%get3A_45, %get3A_46] : memref<256x128xf32, #tpu.memory_space<vmem>>, vector<256x128xf32>
    %get3A_48 = arith.constant 0 : index
    %get3A_49 = arith.constant 0 : index
    %get3A_50 = vector.load %arg5[%get3A_48, %get3A_49] : memref<256x128xf32, #tpu.memory_space<vmem>>, vector<256x128xf32>
    %concatenate3A = tpu.concatenate %get3A_41, %get3A_44, %get3A_47, %get3A_50 in 1 : vector<256x128xf32>, vector<256x128xf32>, vector<256x128xf32>, vector<256x128xf32> -> vector<256x512xf32>
    %add3A_51 = arith.addf %concatenate3A, %select_n3A : vector<256x512xf32>
    %get3A_52 = arith.constant 0 : index
    %get3A_53 = arith.constant 0 : index
    %get3A_54 = vector.load %arg6[%get3A_52, %get3A_53] : memref<256x128xf32, #tpu.memory_space<vmem>>, vector<256x1xf32>
    %mul3A_55 = vector.broadcast %get3A_54 : vector<256x1xf32> to vector<256x512xf32>
    %mul3A_56 = arith.mulf %add3A_51, %mul3A_55 : vector<256x512xf32>
    %div3A_57 = arith.constant 1.000000e+02 : f32
    %div3A_58 = vector.broadcast %div3A_57 : f32 to vector<256x512xf32>
    %div3A_59 = arith.divf %mul3A_56, %div3A_58 : vector<256x512xf32>
    %swap3A = arith.constant 0 : index
    %swap3A_60 = arith.constant 0 : index
    %swap3A_61 = vector.load %arg11[%swap3A, %swap3A_60] : memref<256x512xf32, #tpu.memory_space<vmem>>, vector<256x512xf32>
    tpu.vector_store %arg11[%swap3A, %swap3A_60], %div3A_59 {strides = array<i32>} : memref<256x512xf32, #tpu.memory_space<vmem>>, vector<256x512xf32>,
    %mul3A_62 = vector.broadcast %convert_element_type3A_4 : vector<256x1xf32> to vector<256x512xf32>
    %mul3A_63 = arith.mulf %div3A_59, %mul3A_62 : vector<256x512xf32>
    %reduce_sum3A = arith.constant dense<0.000000e+00> : vector<512xf32>
    %reduce_sum3A_64 = vector.multi_reduction <add>, %mul3A_63, %reduce_sum3A [0] : vector<256x512xf32> to vector<512xf32>
    %reshape3A = vector.shape_cast %reduce_sum3A_64 : vector<512xf32> to vector<1x512xf32>
    %broadcast_in_dim3A = arith.constant 0.000000e+00 : f32
    %broadcast_in_dim3A_65 = vector.broadcast %broadcast_in_dim3A : f32 to vector<7x512xf32>
    %concatenate3A_66 = tpu.concatenate %reshape3A, %broadcast_in_dim3A_65 in 0 : vector<1x512xf32>, vector<7x512xf32> -> vector<8x512xf32>
    %eq3A = arith.constant 0 : i32
    %eq3A_67 = arith.cmpi eq, %arg0, %eq3A : i32
    %convert_element_type3A_68 = arith.extui %eq3A_67 : i1 to i32
    %cond3A = arith.constant 0 : i32
    %cond3A_69 = arith.cmpi ne, %convert_element_type3A_68, %cond3A : i32
    scf.if %cond3A_69 {
      %swap3A_74 = arith.constant 0 : index
      %swap3A_75 = arith.constant 0 : index
      %swap3A_76 = vector.load %arg12[%swap3A_74, %swap3A_75] : memref<8x512xf32, #tpu.memory_space<vmem>>, vector<8x512xf32>
      tpu.vector_store %arg12[%swap3A_74, %swap3A_75], %concatenate3A_66 {strides = array<i32>} : memref<8x512xf32, #tpu.memory_space<vmem>>, vector<8x512xf32>,
    } else {
    }
    %ne3A = arith.constant 0 : i32
    %ne3A_70 = arith.cmpi ne, %arg0, %ne3A : i32
    %convert_element_type3A_71 = arith.extui %ne3A_70 : i1 to i32
    %cond3A_72 = arith.constant 0 : i32
    %cond3A_73 = arith.cmpi ne, %convert_element_type3A_71, %cond3A_72 : i32
    scf.if %cond3A_73 {
      %get3A_74 = arith.constant 0 : index
      %get3A_75 = arith.constant 0 : index
      %get3A_76 = vector.load %arg12[%get3A_74, %get3A_75] : memref<8x512xf32, #tpu.memory_space<vmem>>, vector<8x512xf32>
      %add3A_77 = arith.addf %get3A_76, %concatenate3A_66 : vector<8x512xf32>
      %swap3A_78 = arith.constant 0 : index
      %swap3A_79 = arith.constant 0 : index
      %swap3A_80 = vector.load %arg12[%swap3A_78, %swap3A_79] : memref<8x512xf32, #tpu.memory_space<vmem>>, vector<8x512xf32>
      tpu.vector_store %arg12[%swap3A_78, %swap3A_79], %add3A_77 {strides = array<i32>} : memref<8x512xf32, #tpu.memory_space<vmem>>, vector<8x512xf32>,
    } else {
    }
    return
  }
  func.func @transform_0(%arg0: i32) -> (i32, i32) {
    %c0_i32 = arith.constant 0 : i32
    %c0_i32_0 = arith.constant 0 : i32
    return %arg0, %c0_i32 : i32, i32
  }
  func.func @transform_1(%arg0: i32) -> (i32, i32) {
    %c0_i32 = arith.constant 0 : i32
    %c0_i32_0 = arith.constant 0 : i32
    return %arg0, %c0_i32 : i32, i32
  }
  func.func @transform_2(%arg0: i32) -> (i32, i32) {
    %c0_i32 = arith.constant 0 : i32
    %c0_i32_0 = arith.constant 0 : i32
    return %arg0, %c0_i32 : i32, i32
  }
  func.func @transform_3(%arg0: i32) -> (i32, i32) {
    %c0_i32 = arith.constant 0 : i32
    %c0_i32_0 = arith.constant 0 : i32
    return %arg0, %c0_i32 : i32, i32
  }
  func.func @transform_4(%arg0: i32) -> (i32, i32) {
    %c0_i32 = arith.constant 0 : i32
    %c0_i32_0 = arith.constant 0 : i32
    return %arg0, %c0_i32 : i32, i32
  }
  func.func @transform_5(%arg0: i32) -> (i32, i32) {
    %c0_i32 = arith.constant 0 : i32
    %c0_i32_0 = arith.constant 0 : i32
    return %arg0, %c0_i32 : i32, i32
  }
  func.func @transform_6(%arg0: i32) -> (i32, i32) {
    %c0_i32 = arith.constant 0 : i32
    %c0_i32_0 = arith.constant 0 : i32
    %c0_i32_1 = arith.constant 0 : i32
    return %c0_i32, %c0_i32_0 : i32, i32
  }
  func.func @transform_7(%arg0: i32) -> (i32, i32) {
    %c0_i32 = arith.constant 0 : i32
    %c0_i32_0 = arith.constant 0 : i32
    %c0_i32_1 = arith.constant 0 : i32
    return %c0_i32, %c0_i32_0 : i32, i32
  }
  func.func @transform_8(%arg0: i32) -> (i32, i32) {
    %c0_i32 = arith.constant 0 : i32
    %c0_i32_0 = arith.constant 0 : i32
    %c0_i32_1 = arith.constant 0 : i32
    return %c0_i32, %c0_i32_0 : i32, i32
  }
  func.func @transform_9(%arg0: i32) -> (i32, i32) {
    %c0_i32 = arith.constant 0 : i32
    %c0_i32_0 = arith.constant 0 : i32
    %c0_i32_1 = arith.constant 0 : i32
    return %c0_i32, %c0_i32_0 : i32, i32
  }
  func.func @transform_10(%arg0: i32) -> (i32, i32) {
    %c0_i32 = arith.constant 0 : i32
    %c0_i32_0 = arith.constant 0 : i32
    return %arg0, %c0_i32 : i32, i32
  }
  func.func @transform_11(%arg0: i32) -> (i32, i32) {
    %c0_i32 = arith.constant 0 : i32
    %c0_i32_0 = arith.constant 0 : i32
    %c0_i32_1 = arith.constant 0 : i32
    return %c0_i32, %c0_i32_0 : i32, i32
  }
}

module attributes {stable_mosaic.version = 14 : i64} {
  func.func @_headA_body(%arg0: i32, %arg1: memref<256x128xf32, #tpu.memory_space<vmem>>, %arg2: memref<256x128xf32, #tpu.memory_space<vmem>>, %arg3: memref<256x128xf32, #tpu.memory_space<vmem>>, %arg4: memref<256x128xf32, #tpu.memory_space<vmem>>, %arg5: memref<256x128xf32, #tpu.memory_space<vmem>>, %arg6: memref<256x1xi32, #tpu.memory_space<vmem>>, %arg7: memref<512x128xf32, #tpu.memory_space<vmem>>, %arg8: memref<1x128xf32, #tpu.memory_space<vmem>>, %arg9: memref<128x128xf32, #tpu.memory_space<vmem>>, %arg10: memref<1x128xf32, #tpu.memory_space<vmem>>, %arg11: memref<256x128xf32, #tpu.memory_space<vmem>>, %arg12: memref<8x128xf32, #tpu.memory_space<vmem>>) attributes {dimension_semantics = [#tpu.dimension_semantics<arbitrary>], iteration_bounds = array<i64: 40>, scalar_prefetch = 0 : i64, scratch_operands = 0 : i64, tpu.core_type = #tpu.core_type<tc>, window_params = [{transform_indices = @transform_0, window_bounds = array<i64: 256, 128>}, {transform_indices = @transform_1, window_bounds = array<i64: 256, 128>}, {transform_indices = @transform_2, window_bounds = array<i64: 256, 128>}, {transform_indices = @transform_3, window_bounds = array<i64: 256, 128>}, {transform_indices = @transform_4, window_bounds = array<i64: 256, 128>}, {transform_indices = @transform_5, window_bounds = array<i64: 256, 1>}, {pipeline_mode = #tpu.pipeline_mode<synchronous>, transform_indices = @transform_6, window_bounds = array<i64: 512, 128>}, {pipeline_mode = #tpu.pipeline_mode<synchronous>, transform_indices = @transform_7, window_bounds = array<i64: 1, 128>}, {pipeline_mode = #tpu.pipeline_mode<synchronous>, transform_indices = @transform_8, window_bounds = array<i64: 128, 128>}, {pipeline_mode = #tpu.pipeline_mode<synchronous>, transform_indices = @transform_9, window_bounds = array<i64: 1, 128>}, {transform_indices = @transform_10, window_bounds = array<i64: 256, 128>}, {pipeline_mode = #tpu.pipeline_mode<synchronous>, transform_indices = @transform_11, window_bounds = array<i64: 8, 128>}]} {
    %get3A = arith.constant 0 : index
    %get3A_0 = arith.constant 0 : index
    %get3A_1 = vector.load %arg1[%get3A, %get3A_0] : memref<256x128xf32, #tpu.memory_space<vmem>>, vector<256x128xf32>
    %get3A_2 = arith.constant 0 : index
    %get3A_3 = arith.constant 0 : index
    %get3A_4 = vector.load %arg2[%get3A_2, %get3A_3] : memref<256x128xf32, #tpu.memory_space<vmem>>, vector<256x128xf32>
    %get3A_5 = arith.constant 0 : index
    %get3A_6 = arith.constant 0 : index
    %get3A_7 = vector.load %arg3[%get3A_5, %get3A_6] : memref<256x128xf32, #tpu.memory_space<vmem>>, vector<256x128xf32>
    %get3A_8 = arith.constant 0 : index
    %get3A_9 = arith.constant 0 : index
    %get3A_10 = vector.load %arg4[%get3A_8, %get3A_9] : memref<256x128xf32, #tpu.memory_space<vmem>>, vector<256x128xf32>
    %concatenate3A = tpu.concatenate %get3A_1, %get3A_4, %get3A_7, %get3A_10 in 1 : vector<256x128xf32>, vector<256x128xf32>, vector<256x128xf32>, vector<256x128xf32> -> vector<256x512xf32>
    %get3A_11 = arith.constant 0 : index
    %get3A_12 = arith.constant 0 : index
    %get3A_13 = vector.load %arg5[%get3A_11, %get3A_12] : memref<256x128xf32, #tpu.memory_space<vmem>>, vector<256x1xf32>
    %get3A_14 = arith.constant 0 : index
    %get3A_15 = arith.constant 0 : index
    %get3A_16 = vector.load %arg7[%get3A_14, %get3A_15] : memref<512x128xf32, #tpu.memory_space<vmem>>, vector<512x128xf32>
    %dot_general3A = arith.constant dense<0.000000e+00> : vector<256x128xf32>
    %dot_general3A_17 = tpu.matmul %concatenate3A, %get3A_16, %dot_general3A {dimension_numbers = #tpu.dot_dimension_numbers<[1], [0], [0], [1], [0, 0, 1, 1], [], []>, transpose_lhs_hint = false} : vector<256x512xf32>, vector<512x128xf32>, vector<256x128xf32> -> vector<256x128xf32>
    %get3A_18 = arith.constant 0 : index
    %get3A_19 = arith.constant 0 : index
    %get3A_20 = vector.load %arg8[%get3A_18, %get3A_19] : memref<1x128xf32, #tpu.memory_space<vmem>>, vector<1x128xf32>
    %add3A = vector.broadcast %get3A_20 : vector<1x128xf32> to vector<256x128xf32>
    %add3A_21 = arith.addf %dot_general3A_17, %add3A : vector<256x128xf32>
    %ge3A = arith.constant 0.000000e+00 : f32
    %ge3A_22 = vector.broadcast %ge3A : f32 to vector<256x128xf32>
    %ge3A_23 = arith.cmpf oge, %add3A_21, %ge3A_22 : vector<256x128xf32>
    %mul3A = arith.constant 0.00999999977 : f32
    %mul3A_24 = vector.broadcast %mul3A : f32 to vector<256x128xf32>
    %mul3A_25 = arith.mulf %mul3A_24, %add3A_21 : vector<256x128xf32>
    %select_n3A = arith.select %ge3A_23, %add3A_21, %mul3A_25 : vector<256x128xi1>, vector<256x128xf32>
    %mul3A_26 = vector.broadcast %get3A_13 : vector<256x1xf32> to vector<256x128xf32>
    %mul3A_27 = arith.mulf %select_n3A, %mul3A_26 : vector<256x128xf32>
    %get3A_28 = arith.constant 0 : index
    %get3A_29 = arith.constant 0 : index
    %get3A_30 = vector.load %arg9[%get3A_28, %get3A_29] : memref<128x128xf32, #tpu.memory_space<vmem>>, vector<128x128xf32>
    %dot_general3A_31 = arith.constant dense<0.000000e+00> : vector<256x128xf32>
    %dot_general3A_32 = tpu.matmul %mul3A_27, %get3A_30, %dot_general3A_31 {dimension_numbers = #tpu.dot_dimension_numbers<[1], [0], [0], [1], [0, 0, 1, 1], [], []>, transpose_lhs_hint = false} : vector<256x128xf32>, vector<128x128xf32>, vector<256x128xf32> -> vector<256x128xf32>
    %get3A_33 = arith.constant 0 : index
    %get3A_34 = arith.constant 0 : index
    %get3A_35 = vector.load %arg10[%get3A_33, %get3A_34] : memref<1x128xf32, #tpu.memory_space<vmem>>, vector<1x128xf32>
    %add3A_36 = vector.broadcast %get3A_35 : vector<1x128xf32> to vector<256x128xf32>
    %add3A_37 = arith.addf %dot_general3A_32, %add3A_36 : vector<256x128xf32>
    %ge3A_38 = arith.constant 0.000000e+00 : f32
    %ge3A_39 = vector.broadcast %ge3A_38 : f32 to vector<256x128xf32>
    %ge3A_40 = arith.cmpf oge, %add3A_37, %ge3A_39 : vector<256x128xf32>
    %mul3A_41 = arith.constant 0.00999999977 : f32
    %mul3A_42 = vector.broadcast %mul3A_41 : f32 to vector<256x128xf32>
    %mul3A_43 = arith.mulf %mul3A_42, %add3A_37 : vector<256x128xf32>
    %select_n3A_44 = arith.select %ge3A_40, %add3A_37, %mul3A_43 : vector<256x128xi1>, vector<256x128xf32>
    %slice3A = vector.extract_strided_slice %select_n3A_44 {offsets = [0, 0], sizes = [256, 1], strides = [1, 1]} : vector<256x128xf32> to vector<256x1xf32>
    %mul3A_45 = arith.mulf %slice3A, %get3A_13 : vector<256x1xf32>
    %broadcast_in_dim3A = vector.shape_cast %mul3A_45 : vector<256x1xf32> to vector<256x1xf32>
    %broadcast_in_dim3A_46 = vector.broadcast %broadcast_in_dim3A : vector<256x1xf32> to vector<256x128xf32>
    %swap3A = arith.constant 0 : index
    %swap3A_47 = arith.constant 0 : index
    %swap3A_48 = vector.load %arg11[%swap3A, %swap3A_47] : memref<256x128xf32, #tpu.memory_space<vmem>>, vector<256x128xf32>
    tpu.vector_store %arg11[%swap3A, %swap3A_47], %broadcast_in_dim3A_46 {strides = array<i32>} : memref<256x128xf32, #tpu.memory_space<vmem>>, vector<256x128xf32>,
    %iota3A = tpu.iota {dimensions = array<i32: 1>} : vector<1x128xi32>
    %get3A_49 = arith.constant 0 : index
    %get3A_50 = arith.constant 0 : index
    %get3A_51 = vector.load %arg6[%get3A_49, %get3A_50] : memref<256x1xi32, #tpu.memory_space<vmem>>, vector<256x1xi32>
    %eq3A = vector.broadcast %get3A_51 : vector<256x1xi32> to vector<256x128xi32>
    %eq3A_52 = vector.broadcast %iota3A : vector<1x128xi32> to vector<256x128xi32>
    %eq3A_53 = arith.cmpi eq, %eq3A, %eq3A_52 : vector<256x128xi32>
    %broadcast_in_dim3A_54 = vector.shape_cast %mul3A_45 : vector<256x1xf32> to vector<256x1xf32>
    %broadcast_in_dim3A_55 = vector.broadcast %broadcast_in_dim3A_54 : vector<256x1xf32> to vector<256x128xf32>
    %jit3A = arith.constant 0xFF800000 : f32
    %broadcast_in_dim3A_56 = vector.broadcast %jit3A : f32 to vector<256x128xf32>
    %select_n3A_57 = arith.select %eq3A_53, %broadcast_in_dim3A_55, %broadcast_in_dim3A_56 : vector<256x128xi1>, vector<256x128xf32>
    %reduce_max3A = arith.constant dense<0xFF800000> : vector<128xf32>
    %reduce_max3A_58 = vector.multi_reduction <maximumf>, %select_n3A_57, %reduce_max3A [0] : vector<256x128xf32> to vector<128xf32>
    %broadcast_in_dim3A_59 = vector.shape_cast %reduce_max3A_58 : vector<128xf32> to vector<1x128xf32>
    %jit3A_60 = arith.constant 0x7F800000 : f32
    %broadcast_in_dim3A_61 = vector.broadcast %jit3A_60 : f32 to vector<256x128xf32>
    %select_n3A_62 = arith.select %eq3A_53, %broadcast_in_dim3A_55, %broadcast_in_dim3A_61 : vector<256x128xi1>, vector<256x128xf32>
    %reduce_min3A = arith.constant dense<0x7F800000> : vector<128xf32>
    %reduce_min3A_63 = vector.multi_reduction <minimumf>, %select_n3A_62, %reduce_min3A [0] : vector<256x128xf32> to vector<128xf32>
    %broadcast_in_dim3A_64 = vector.shape_cast %reduce_min3A_63 : vector<128xf32> to vector<1x128xf32>
    %eq3A_65 = arith.constant 0 : i32
    %eq3A_66 = arith.cmpi eq, %arg0, %eq3A_65 : i32
    %convert_element_type3A = arith.extui %eq3A_66 : i1 to i32
    %cond3A = arith.constant 0 : i32
    %cond3A_67 = arith.cmpi ne, %convert_element_type3A, %cond3A : i32
    scf.if %cond3A_67 {
      %broadcast_in_dim3A_72 = arith.constant 0.000000e+00 : f32
      %broadcast_in_dim3A_73 = vector.broadcast %broadcast_in_dim3A_72 : f32 to vector<6x128xf32>
      %concatenate3A_74 = tpu.concatenate %broadcast_in_dim3A_59, %broadcast_in_dim3A_64, %broadcast_in_dim3A_73 in 0 : vector<1x128xf32>, vector<1x128xf32>, vector<6x128xf32> -> vector<8x128xf32>
      %swap3A_75 = arith.constant 0 : index
      %swap3A_76 = arith.constant 0 : index
      %swap3A_77 = vector.load %arg12[%swap3A_75, %swap3A_76] : memref<8x128xf32, #tpu.memory_space<vmem>>, vector<8x128xf32>
      tpu.vector_store %arg12[%swap3A_75, %swap3A_76], %concatenate3A_74 {strides = array<i32>} : memref<8x128xf32, #tpu.memory_space<vmem>>, vector<8x128xf32>,
    } else {
    }
    %ne3A = arith.constant 0 : i32
    %ne3A_68 = arith.cmpi ne, %arg0, %ne3A : i32
    %convert_element_type3A_69 = arith.extui %ne3A_68 : i1 to i32
    %cond3A_70 = arith.constant 0 : i32
    %cond3A_71 = arith.cmpi ne, %convert_element_type3A_69, %cond3A_70 : i32
    scf.if %cond3A_71 {
      %get3A_72 = arith.constant 0 : index
      %get3A_73 = arith.constant 0 : index
      %get3A_74 = vector.load %arg12[%get3A_72, %get3A_73] : memref<8x128xf32, #tpu.memory_space<vmem>>, vector<1x128xf32>
      %max3A = arith.maximumf %get3A_74, %broadcast_in_dim3A_59 : vector<1x128xf32>
      %get3A_75 = arith.constant 1 : index
      %get3A_76 = arith.constant 0 : index
      %get3A_77 = vector.load %arg12[%get3A_75, %get3A_76] : memref<8x128xf32, #tpu.memory_space<vmem>>, vector<1x128xf32>
      %min3A = arith.minimumf %get3A_77, %broadcast_in_dim3A_64 : vector<1x128xf32>
      %broadcast_in_dim3A_78 = arith.constant 0.000000e+00 : f32
      %broadcast_in_dim3A_79 = vector.broadcast %broadcast_in_dim3A_78 : f32 to vector<6x128xf32>
      %concatenate3A_80 = tpu.concatenate %max3A, %min3A, %broadcast_in_dim3A_79 in 0 : vector<1x128xf32>, vector<1x128xf32>, vector<6x128xf32> -> vector<8x128xf32>
      %swap3A_81 = arith.constant 0 : index
      %swap3A_82 = arith.constant 0 : index
      %swap3A_83 = vector.load %arg12[%swap3A_81, %swap3A_82] : memref<8x128xf32, #tpu.memory_space<vmem>>, vector<8x128xf32>
      tpu.vector_store %arg12[%swap3A_81, %swap3A_82], %concatenate3A_80 {strides = array<i32>} : memref<8x128xf32, #tpu.memory_space<vmem>>, vector<8x128xf32>,
    } else {
    }
    return
  }
  func.func @transform_0(%arg0: i32) -> (i32, i32) {
    %c0_i32 = arith.constant 0 : i32
    %c0_i32_0 = arith.constant 0 : i32
    return %arg0, %c0_i32 : i32, i32
  }
  func.func @transform_1(%arg0: i32) -> (i32, i32) {
    %c0_i32 = arith.constant 0 : i32
    %c0_i32_0 = arith.constant 0 : i32
    return %arg0, %c0_i32 : i32, i32
  }
  func.func @transform_2(%arg0: i32) -> (i32, i32) {
    %c0_i32 = arith.constant 0 : i32
    %c0_i32_0 = arith.constant 0 : i32
    return %arg0, %c0_i32 : i32, i32
  }
  func.func @transform_3(%arg0: i32) -> (i32, i32) {
    %c0_i32 = arith.constant 0 : i32
    %c0_i32_0 = arith.constant 0 : i32
    return %arg0, %c0_i32 : i32, i32
  }
  func.func @transform_4(%arg0: i32) -> (i32, i32) {
    %c0_i32 = arith.constant 0 : i32
    %c0_i32_0 = arith.constant 0 : i32
    return %arg0, %c0_i32 : i32, i32
  }
  func.func @transform_5(%arg0: i32) -> (i32, i32) {
    %c0_i32 = arith.constant 0 : i32
    %c0_i32_0 = arith.constant 0 : i32
    return %arg0, %c0_i32 : i32, i32
  }
  func.func @transform_6(%arg0: i32) -> (i32, i32) {
    %c0_i32 = arith.constant 0 : i32
    %c0_i32_0 = arith.constant 0 : i32
    %c0_i32_1 = arith.constant 0 : i32
    return %c0_i32, %c0_i32_0 : i32, i32
  }
  func.func @transform_7(%arg0: i32) -> (i32, i32) {
    %c0_i32 = arith.constant 0 : i32
    %c0_i32_0 = arith.constant 0 : i32
    %c0_i32_1 = arith.constant 0 : i32
    return %c0_i32, %c0_i32_0 : i32, i32
  }
  func.func @transform_8(%arg0: i32) -> (i32, i32) {
    %c0_i32 = arith.constant 0 : i32
    %c0_i32_0 = arith.constant 0 : i32
    %c0_i32_1 = arith.constant 0 : i32
    return %c0_i32, %c0_i32_0 : i32, i32
  }
  func.func @transform_9(%arg0: i32) -> (i32, i32) {
    %c0_i32 = arith.constant 0 : i32
    %c0_i32_0 = arith.constant 0 : i32
    %c0_i32_1 = arith.constant 0 : i32
    return %c0_i32, %c0_i32_0 : i32, i32
  }
  func.func @transform_10(%arg0: i32) -> (i32, i32) {
    %c0_i32 = arith.constant 0 : i32
    %c0_i32_0 = arith.constant 0 : i32
    return %arg0, %c0_i32 : i32, i32
  }
  func.func @transform_11(%arg0: i32) -> (i32, i32) {
    %c0_i32 = arith.constant 0 : i32
    %c0_i32_0 = arith.constant 0 : i32
    %c0_i32_1 = arith.constant 0 : i32
    return %c0_i32, %c0_i32_0 : i32, i32
  }
}

module attributes {stable_mosaic.version = 14 : i64} {
  func.func @_headB_body(%arg0: i32, %arg1: memref<256x128xf32, #tpu.memory_space<vmem>>, %arg2: memref<256x1xi32, #tpu.memory_space<vmem>>, %arg3: memref<8x128xf32, #tpu.memory_space<vmem>>, %arg4: memref<256x1xf32, #tpu.memory_space<vmem>>) attributes {dimension_semantics = [#tpu.dimension_semantics<arbitrary>], iteration_bounds = array<i64: 40>, scalar_prefetch = 0 : i64, scratch_operands = 0 : i64, tpu.core_type = #tpu.core_type<tc>, window_params = [{transform_indices = @transform_0, window_bounds = array<i64: 256, 128>}, {transform_indices = @transform_1, window_bounds = array<i64: 256, 1>}, {pipeline_mode = #tpu.pipeline_mode<synchronous>, transform_indices = @transform_2, window_bounds = array<i64: 8, 128>}, {transform_indices = @transform_3, window_bounds = array<i64: 256, 1>}]} {
    %get3A = arith.constant 0 : index
    %get3A_0 = arith.constant 0 : index
    %get3A_1 = vector.load %arg1[%get3A, %get3A_0] : memref<256x128xf32, #tpu.memory_space<vmem>>, vector<256x1xf32>
    %iota3A = tpu.iota {dimensions = array<i32: 1>} : vector<1x128xi32>
    %get3A_2 = arith.constant 0 : index
    %get3A_3 = arith.constant 0 : index
    %get3A_4 = vector.load %arg2[%get3A_2, %get3A_3] : memref<256x1xi32, #tpu.memory_space<vmem>>, vector<256x1xi32>
    %eq3A = vector.broadcast %get3A_4 : vector<256x1xi32> to vector<256x128xi32>
    %eq3A_5 = vector.broadcast %iota3A : vector<1x128xi32> to vector<256x128xi32>
    %eq3A_6 = arith.cmpi eq, %eq3A, %eq3A_5 : vector<256x128xi32>
    %get3A_7 = arith.constant 0 : index
    %get3A_8 = arith.constant 0 : index
    %get3A_9 = vector.load %arg3[%get3A_7, %get3A_8] : memref<8x128xf32, #tpu.memory_space<vmem>>, vector<1x128xf32>
    %jit3A = arith.constant 0.000000e+00 : f32
    %broadcast_in_dim3A = vector.shape_cast %get3A_9 : vector<1x128xf32> to vector<1x128xf32>
    %broadcast_in_dim3A_10 = vector.broadcast %broadcast_in_dim3A : vector<1x128xf32> to vector<256x128xf32>
    %broadcast_in_dim3A_11 = vector.broadcast %jit3A : f32 to vector<256x128xf32>
    %select_n3A = arith.select %eq3A_6, %broadcast_in_dim3A_10, %broadcast_in_dim3A_11 : vector<256x128xi1>, vector<256x128xf32>
    %reduce_sum3A = arith.constant dense<0.000000e+00> : vector<256xf32>
    %reduce_sum3A_12 = vector.multi_reduction <add>, %select_n3A, %reduce_sum3A [1] : vector<256x128xf32> to vector<256xf32>
    %broadcast_in_dim3A_13 = vector.shape_cast %reduce_sum3A_12 : vector<256xf32> to vector<256x1xf32>
    %get3A_14 = arith.constant 1 : index
    %get3A_15 = arith.constant 0 : index
    %get3A_16 = vector.load %arg3[%get3A_14, %get3A_15] : memref<8x128xf32, #tpu.memory_space<vmem>>, vector<1x128xf32>
    %jit3A_17 = arith.constant 0.000000e+00 : f32
    %broadcast_in_dim3A_18 = vector.shape_cast %get3A_16 : vector<1x128xf32> to vector<1x128xf32>
    %broadcast_in_dim3A_19 = vector.broadcast %broadcast_in_dim3A_18 : vector<1x128xf32> to vector<256x128xf32>
    %broadcast_in_dim3A_20 = vector.broadcast %jit3A_17 : f32 to vector<256x128xf32>
    %select_n3A_21 = arith.select %eq3A_6, %broadcast_in_dim3A_19, %broadcast_in_dim3A_20 : vector<256x128xi1>, vector<256x128xf32>
    %reduce_sum3A_22 = arith.constant dense<0.000000e+00> : vector<256xf32>
    %reduce_sum3A_23 = vector.multi_reduction <add>, %select_n3A_21, %reduce_sum3A_22 [1] : vector<256x128xf32> to vector<256xf32>
    %broadcast_in_dim3A_24 = vector.shape_cast %reduce_sum3A_23 : vector<256xf32> to vector<256x1xf32>
    %sub3A = arith.subf %get3A_1, %broadcast_in_dim3A_24 : vector<256x1xf32>
    %add3A = arith.constant 9.99999997E-7 : f32
    %add3A_25 = vector.broadcast %add3A : f32 to vector<256x1xf32>
    %add3A_26 = arith.addf %broadcast_in_dim3A_13, %add3A_25 : vector<256x1xf32>
    %sub3A_27 = arith.subf %add3A_26, %broadcast_in_dim3A_24 : vector<256x1xf32>
    %div3A = arith.divf %sub3A, %sub3A_27 : vector<256x1xf32>
    %swap3A = arith.constant 0 : index
    %swap3A_28 = arith.constant 0 : index
    %swap3A_29 = vector.load %arg4[%swap3A, %swap3A_28] : memref<256x1xf32, #tpu.memory_space<vmem>>, vector<256x1xf32>
    tpu.vector_store %arg4[%swap3A, %swap3A_28], %div3A {strides = array<i32>} : memref<256x1xf32, #tpu.memory_space<vmem>>, vector<256x1xf32>,
    return
  }
  func.func @transform_0(%arg0: i32) -> (i32, i32) {
    %c0_i32 = arith.constant 0 : i32
    %c0_i32_0 = arith.constant 0 : i32
    return %arg0, %c0_i32 : i32, i32
  }
  func.func @transform_1(%arg0: i32) -> (i32, i32) {
    %c0_i32 = arith.constant 0 : i32
    %c0_i32_0 = arith.constant 0 : i32
    return %arg0, %c0_i32 : i32, i32
  }
  func.func @transform_2(%arg0: i32) -> (i32, i32) {
    %c0_i32 = arith.constant 0 : i32
    %c0_i32_0 = arith.constant 0 : i32
    %c0_i32_1 = arith.constant 0 : i32
    return %c0_i32, %c0_i32_0 : i32, i32
  }
  func.func @transform_3(%arg0: i32) -> (i32, i32) {
    %c0_i32 = arith.constant 0 : i32
    %c0_i32_0 = arith.constant 0 : i32
    return %arg0, %c0_i32 : i32, i32
  }
}

</mosaic_0001>

<sc_bundles>
// kernel: kernel.22.cloned.1.call-start
scs
__scs_entry_jumppad:
0x0: {  	(pc) =	sbr.rel $0x88, $3  }
0x1: {  	(tag) =	ssettag $0x0;
	lr =	simm.s32 $0x1  }
0x2: {  	[smem:$0x3F7F] =	sst lr;
	_ =	strace $0xD0000000  }
0x3: {  	_ = 	snop  }
0x4: {  	_ = 	snop  }
0x5: {  	_ = 	snop  }
0x6: {  	_ = 	snop  }
0x7: {  	_ = 	snop  }
__scs_overlays_trampoline_lowered:
0x8: {  	[smem:$0x3F8E] =	sst s0  }
0x9: {  	[smem:$0x3F8F] =	sst s1  }
0xa: {  	[smem:$0x3F90] =	sst s2  }
0xb: {  	[smem:$0x3F91] =	sst s3  }
0xc: {  	[smem:$0x3F92] =	sst s4  }
0xd: {  	[smem:$0x3F93] =	sst s5  }
0xe: {  	[smem:$0x3F94] =	sst s6  }
0xf: {  	[smem:$0x3F95] =	sst s7  }
0x10: {  	[smem:$0x3F96] =	sst s8  }
0x11: {  	[smem:$0x3F97] =	sst s9;
	s0 =	simm.s32 @!p0 $0x0  }
0x12: {  	s1 =	sld [smem:$0x3F7D];
	s0 =	simm.s32 @p0 $0x1  }
0x13: {  	[smem:$0x3F98] =	sst s0;
	s0 =	simm.s32 @!p1 $0x0  }
0x14: {  	s2 =	sld [smem:$0x3F7C];
	s0 =	simm.s32 @p1 $0x1  }
0x15: {  	[smem:$0x3F99] =	sst s0;
	s0 =	simm.s32 @!p2 $0x0  }
0x16: {  	s3 =	sld [smem:$0x3FDB];
	s0 =	simm.s32 @p2 $0x1  }
0x17: {  	s4 =	simm.s32 $0x1BF5;
	[smem:$0x3F9B] =	sst s0  }
0x18: {  	s0 =	sld [smem:$0x3F7E];
	_ =	swait.ge [sflag:s4], $0x0  }
0x19: {  	s7 =	sld [smem:$0x3F7F]  }
0x1a: {  	s8 =	sadd.s32 $0xFFFFE003, lr  }
0x1b: {  	s9 =	sadd.s32 $0xFFFFFEF7, lr;
	s5 =	simm.s32 $0xFFFFFFFF;
	p2 =	slt.u32 s8, $0xFFFFF086  }
0x1c: {  	p1 =	slt.u32 s9, $0xF7A;
	s5 =	simm.s32 @!p2 $0x0  }
0x1d: {  	s5 =	simm.s32 @p1 $0x1;
	p0 =	seq.s32 s7, s2  }
0x1e: {  	s7 =	smul.u32 @!p0 $0xF7A, s2;
	p2 =	seq.s32 @!p0 s5, $0x0  }
0x1f: {  	s9 =	smul.u32 $0xF7A, s1;
	s8 =	simm.s32 @!p0 $0x1BF5;
	p2 =	por !p2, p0  }
0x20: {  	[sflag:s8] =	ssyncset.s32 @!p0 $0xFFFFF086;
	s6 =	sadd.s32 @!p0 s3, s7;
	s7 =	simm.s32 @!p0 $0x108  }
0x21: {  	s3 =	sadd.s32 s3, s9;
	s6 =	sadd.s32 @!p0 $0x88, s6;
	s7 =	simm.s32 @p2 $0x1082  }
0x22: {  	[simem:s7], [sflag:s8] =	dma.local @!p0 [hbm:s6], $0xF7A  }
0x23: {  	s9 =	sor.u32 $0xD0000000, s2;
	s6 =	simm.s32 $0x108;
	_ =	swait.ge @!p0 [sflag:s8], $0x0  }
0x24: {  	s3 =	sadd.s32 $0x88, s3;
	s6 =	simm.s32 @!p1 $0x1082;
	[sflag:s4] =	ssyncset.s32 $0xFFFFF086  }
0x25: {  	[simem:s6], [sflag:s4] =	dma.local [hbm:s3], $0xF7A  }
0x26: {  	[smem:$0x3F7F] =	sst s1;
	(tag) =	ssettag s2;
	_ =	strace s9  }
0x27: {  	s1 =	sld [smem:$0x3F8F]  }
0x28: {  	s2 =	sld [smem:$0x3F90]  }
0x29: {  	s4 =	sld [smem:$0x3F92]  }
0x2a: {  	p0 =	seq.s32 s5, $0x0;
	s5 =	sld [smem:$0x3F93]  }
0x2b: {  	s6 =	sld [smem:$0x3F94]  }
0x2c: {  	s7 =	sld [smem:$0x3F95]  }
0x2d: {  	s3 =	simm.s32 $0x108;
	s8 =	sld [smem:$0x3F96]  }
0x2e: {  	s3 =	simm.s32 @!p0 $0x1082;
	s9 =	sld [smem:$0x3F97]  }
0x2f: {  	lr =	sadd.s32 s0, s3;
	s0 =	sld [smem:$0x3F8E]  }
0x30: {  	s3 =	sld [smem:$0x3F91]  }
0x31: {  	[smem:$0x3F9A] =	sst s10  }
0x32: {  	s10 =	sld [smem:$0x3F98];
	_ =	sdelay $0x3  }
0x33: {  	p0 =	seq.s32 s10, $0x1;
	s10 =	sld [smem:$0x3F9A];
	_ =	sdelay $0x3  }
0x34: {  	[smem:$0x3F9A] =	sst s10  }
0x35: {  	s10 =	sld [smem:$0x3F99];
	_ =	sdelay $0x3  }
0x36: {  	p1 =	seq.s32 s10, $0x1;
	s10 =	sld [smem:$0x3F9A];
	_ =	sdelay $0x3  }
0x37: {  	[smem:$0x3F9A] =	sst s10  }
0x38: {  	s10 =	sld [smem:$0x3F9B]  }
0x39: {  	_ = 	snop;
	(pc) =	sbr.ind lr, $3  }
0x3a: {  	_ = 	snop  }
0x3b: {  	_ = 	snop  }
0x3c: {  	p2 =	seq.s32 s10, $0x1;
	s10 =	sld [smem:$0x3F9A]  }
0x3d: {  	_ =	shalt  }
0x3e: {  	_ =	shalt  }
0x3f: {  	_ =	shalt  }
0x40: {  	_ =	shalt  }
0x41: {  	_ =	shalt  }
0x42: {  	_ =	shalt  }
0x43: {  	_ =	shalt  }
0x44: {  	_ =	shalt  }
0x45: {  	_ =	shalt  }
0x46: {  	_ =	shalt  }
0x47: {  	_ =	shalt  }
0x48: {  	_ =	shalt  }
0x49: {  	_ =	shalt  }
0x4a: {  	_ =	shalt  }
0x4b: {  	_ =	shalt  }
0x4c: {  	_ =	shalt  }
0x4d: {  	_ =	shalt  }
0x4e: {  	_ =	shalt  }
0x4f: {  	_ =	shalt  }
0x50: {  	_ =	shalt  }
0x51: {  	_ =	shalt  }
0x52: {  	_ =	shalt  }
0x53: {  	_ =	shalt  }
0x54: {  	_ =	shalt  }
0x55: {  	_ =	shalt  }
0x56: {  	_ =	shalt  }
0x57: {  	_ =	shalt  }
0x58: {  	_ =	shalt  }
0x59: {  	_ =	shalt  }
0x5a: {  	_ =	shalt  }
0x5b: {  	_ =	shalt  }
0x5c: {  	_ =	shalt  }
0x5d: {  	_ =	shalt  }
0x5e: {  	_ =	shalt  }
0x5f: {  	_ =	shalt  }
0x60: {  	_ =	shalt  }
0x61: {  	_ =	shalt  }
0x62: {  	_ =	shalt  }
0x63: {  	_ =	shalt  }
0x64: {  	_ =	shalt  }
0x65: {  	_ =	shalt  }
0x66: {  	_ =	shalt  }
0x67: {  	_ =	shalt  }
0x68: {  	_ =	shalt  }
0x69: {  	_ =	shalt  }
0x6a: {  	_ =	shalt  }
0x6b: {  	_ =	shalt  }
0x6c: {  	_ =	shalt  }
0x6d: {  	_ =	shalt  }
0x6e: {  	_ =	shalt  }
0x6f: {  	_ =	shalt  }
0x70: {  	_ =	shalt  }
0x71: {  	_ =	shalt  }
0x72: {  	_ =	shalt  }
0x73: {  	_ =	shalt  }
0x74: {  	_ =	shalt  }
0x75: {  	_ =	shalt  }
0x76: {  	_ =	shalt  }
0x77: {  	_ =	shalt  }
0x78: {  	_ =	shalt  }
0x79: {  	_ =	shalt  }
0x7a: {  	_ =	shalt  }
0x7b: {  	_ =	shalt  }
0x7c: {  	_ =	shalt  }
0x7d: {  	_ =	shalt  }
0x7e: {  	_ =	shalt  }
0x7f: {  	_ =	shalt  }
0x80: {  	_ =	shalt  }
0x81: {  	_ =	shalt  }
0x82: {  	_ =	shalt  }
0x83: {  	_ =	shalt  }
0x84: {  	_ =	shalt  }
0x85: {  	_ =	shalt  }
0x86: {  	_ =	shalt  }
0x87: {  	_ =	shalt  }
.Lfunc_end0:
.L_simem_size_0:
called_computation_lowered:
.L_overlay_start_0:
0x88: {  	s2 =	sld [smem:$0x3FD9]  }
0x89: {  	s3 =	sld [smem:$0x3FFE];
	_ =	sdelay $0x1  }
0x8a: {  	s1 =	srdreg.scid  }
0x8b: {  	s0 =	sand.u32 $0x1, s1  }
0x8c: {  	s16 =	sshll.u32 s0, $0xA;
	s2 =	sadd.s32 s3, s2  }
0x8d: {  	s2 =	sadd.s32 s2, s16  }
0x8e: {  	[smem:$0x3FA6] =	sst s2  }
0x8f: {  	_ = 	snop  }
0x90: {  	(tm) =	ssettm $0x1  }
0x91: {  	s17 =	sld [smem:$0x3FFB];
	_ =	sdelay $0x3  }
0x92: {  	_ =	strace s17  }
0x93: {  	s2 =	sld [smem:$0x3FFC];
	_ =	sdelay $0x3  }
0x94: {  	_ =	strace s2  }
0x95: {  	s2 =	sld [smem:$0x3FFD];
	_ =	sdelay $0x3  }
0x96: {  	_ =	strace s2  }
0x97: {  	_ =	strace $0x8FFFFFFF  }
0x98: {  	s18 =	sld [smem:$0x3FDB];
	_ =	sdelay $0x1  }
0x99: {  	s19 =	simm.s32 $_scs_section_size  }
0x9a: {  	s4 =	simm.s32 $_size__tile_overlayer_lowered;
	s5 =	simm.s32 $_tile_overlayer_lowered  }
0x9b: {  	s22 =	simm.s32 $0x1BFF;
	s21 =	sshll.u32 s5, $0x1;
	s2 =	sadd.s32 s19, s18  }
0x9c: {  	s6 =	simm.s32 $0x0;
	s20 =	sshll.u32 s4, $0x1;
	s4 =	sadd.s32 s21, s2  }
0x9d: {  	[timem:s6], [sflag:s22] =	dma.local [hbm:s4], s20  }
0x9e: {  	_ =	swait.ge [sflag:s22], s20  }
0x9f: {  	s3 =	ssub.s32 $0x0, s20;
	[sflag:s22] =	ssyncset.done $0x0  }
0xa0: {  	[sflag:s22] =	ssyncadd.s32 s3;
	_ =	sdelay $0x1  }
0xa1: {  	s23 =	simm.s32 $0x1B8B  }
0xa2: {  	_ =	swait.ge [sflag:s23], $0x1  }
0xa3: {  	[sflag:s23] =	ssyncset.done $0x0  }
0xa4: {  	s25 =	simm.s32 $0x1B8E;
	s24 =	sld [smem:$0x3FFE];
	[sflag:s23] =	ssyncadd.s32 $0xFFFFFFFF  }
0xa5: {  	s26 =	simm.s32 $execute0_lowered;
	[smem:$0x3FD2] =	sst s25  }
0xa6: {  	s4 =	sshll.u32 s26, $0x1;
	_ =	strace $0x80000046;
	[dreg:$0x1] =	wrdreg $0xFFFFFFFF  }
0xa7: {  	s28 =	simm.s32 $_size_execute0_lowered;
	s2 =	sadd.s32 s2, s4;
	[dreg:$0x0] =	wrdreg $0x0  }
0xa8: {  	s4 =	sshll.u32 s28, $0x1;
	[dreg:$0x2] =	wrdreg s2  }
0xa9: {  	[dreg:$0x3] =	wrdreg s4  }
0xaa: {  	[dreg:$0x4] =	wrdreg $0xC0  }
0xab: {  	_ =	task [dreg:s6], $0x5FFFF  }
0xac: {  	[dreg:$0x1] =	wrdreg $0xFFFFFFFF  }
0xad: {  	[dreg:$0x0] =	wrdreg $0x60  }
0xae: {  	[dreg:$0x2] =	wrdreg s24  }
0xaf: {  	[dreg:$0x3] =	wrdreg $0x0  }
0xb0: {  	[dreg:$0x4] =	wrdreg $0x9  }
0xb1: {  	_ =	task.clear_ibuf [dreg:s6], $0x5FFFF;
	_ =	strace $0x90000046  }
0xb2: {  	s29 =	simm.s32 $0x9;
	_ =	strace $0x80000048  }
0xb3: {  	_ =	swait.ge [sflag:s29], $0x1  }
0xb4: {  	[sflag:s29] =	ssyncadd.s32 $0xFFFFFFFF  }
0xb5: {  	_ =	strace $0x90000048  }
0xb6: {  	_ =	sfence  }
0xb7: {  	s30 =	sld [smem:$0x0];
	_ =	sdelay $0x2  }
0xb8: {  	s31 =	sshll.u32 s1, $0xD;
	s1 =	sshrl.u32 s1, $0x2  }
0xb9: {  	s3 =	sand.u32 $0x4000, s31;
	s1 =	sadd.s32 s1, s30  }
0xba: {  	s0 =	sor.u32 s3, s0;
	s1 =	sshll.u32 s1, $0x11  }
0xbb: {  	s0 =	sor.u32 s1, s0  }
0xbc: {  	s0 =	sadd.s32 $0x8F2B, s0  }
0xbd: {  	[sflag:s0] =	ssyncadd.remote.s32 $0x1  }
0xbe: {  	_ =	sfence.sel $0xFFFF  }
0xbf: {  	[dreg:$0x0] =	wrdreg $0xFFFFFFFF;
	(pc) =	sbr.abs _section_cstart, $3  }
0xc0: {  	[dreg:$0x1] =	wrdreg $0xFFFFFFFF  }
0xc1: {  	_ =	task.clear_ibuf [dreg:s6], $0x2FFFF;
	_ =	strace $0x9FFFFFFF  }
0xc2: {  	(tm) =	ssettm $0x7FFFFFFF  }
0xc3: {  	_ =	shalt  }
tec
execute0_lowered:
.L_overlay_start_1:
0x0: {  	(tag) =	ssettag $0x1  }
0x1: {  	s1 =	srdreg.scid  }
0x2: {  	s1 =	sand.u32 $0x1, s1  }
0x3: {  	p0 =	seq.s32 s1, $0x1  }
.Ltmp0:
0x4: {  	_ = 	snop;
	(pc) =	sbr.rel @p0 .LBB2_4-.Ltmp0, $4  }
0x5: {  	s8 =	rddreg [dreg:$0x0]  }
0x6: {  	s2 =	rddreg [dreg:$0x1];
	s5 =	simm.s32 $0x0  }
0x7: {  	[smem:$0x7FF] =	sst s5  }
0x8: {  	s0 =	rddreg [dreg:$0x2];
	_ =	strace $0x80000047;
	s1 =	stileid.u32  }
0x9: {  	s3 =	smul.u32 $0x50000, s1  }
0xa: {  	s14 =	smul.u32 $0x2800, s1  }
0xb: {  	s4 =	sadd.s32 $0x46800, s8;
	s3 =	sshrl.u32 s3, $0x2  }
0xc: {  	s29 =	sshll.u32 s1, $0x6;
	s7 =	sadd.s32 s4, s14;
	s6 =	sadd.s32 s3, s2  }
0xd: {  	s3 =	sor.u32 $0x1C02, s29;
	s4 =	sshrl.u32 s6, $0x3;
	s6 =	simm.s32 $0x2  }
0xe: {  	[spmem:s4], [sflag:s3] =	dma.local [hbm:s7], $0x2800  }
0xf: {  	s30 =	smul.u32 $0x9C4, s1;
	_ =	swait.ge [sflag:s6], $0x2800  }
0x10: {  	s17 =	sadd.s32 $0x14A00, s8;
	[sflag:s6] =	ssyncset.done $0x0  }
0x11: {  	s11 =	sadd.s32 s30, s17;
	[sflag:s6] =	ssyncadd.s32 $0xFFFFD800  }
0x12: {  	s9 =	simm.s32 $0x14000;
	s10 =	sadd.s32 $0x0, s11;
	[bflag:$0x0] =	sbarrier.arrive $0xFFFF  }
0x13: {  	[tilespmem:s9], [sflag:$0x2] =	stream.linear.gather [hbm4b:s10+s5], $0x80, $0x38;
	[tilespmem:$0x19200] =	vst v63  }
0x14: {  	s18 =	sadd.s32 $0xAC00, s8;
	_ =	swait.ge [sflag:s6], $0x80  }
0x15: {  	s12 =	sadd.s32 s30, s18;
	[sflag:s6] =	ssyncset.done $0x0  }
0x16: {  	s7 =	sadd.s32 $0x0, s12;
	s10 =	simm.s32 $0x14080;
	[sflag:s6] =	ssyncadd.s32 $0xFFFFFF80  }
0x17: {  	[tilespmem:s10], [sflag:$0x2] =	stream.linear.gather [hbm4b:s7+s5], $0x80, $0x38;
	[tilespmem:$0x19200] =	vst v63  }
0x18: {  	s19 =	smul.u32 $0x4E20, s1;
	_ =	swait.ge [sflag:s6], $0x80  }
0x19: {  	s13 =	simm.s32 $0x80;
	s15 =	simm.s32 $0x14100;
	[sflag:s6] =	ssyncset.done $0x0  }
0x1a: {  	s16 =	simm.s32 $0x1;
	s7 =	sadd.s32 $0x1E800, s8;
	[sflag:s6] =	ssyncadd.s32 $0xFFFFFF80  }
0x1b: {  	[tilespmem:s15], [sflag:$0x1] =	stream.indirect.gather [hbm4b:s7+s13], $0x80, s9, s13, $0xb8;
	[tilespmem:$0x19200] =	vst v63  }
0x1c: {  	s19 =	sshrl.u32 s19, $0x3;
	_ =	swait.ge [sflag:s16], $0x4000  }
0x1d: {  	s19 =	sadd.s32 $0x9C0, s19;
	[sflag:s16] =	ssyncset.done $0x0  }
0x1e: {  	s31 =	sadd.s32 s14, s8;
	s17 =	sadd.s32 s17, s19;
	[sflag:s16] =	ssyncadd.s32 $0xFFFFC000  }
0x1f: {  	[spmem:s2] =	stream.indirect.scatter.add.f32 [tilespmem:s15], [sflag:$0x2], $0x80, s10, s13, $0xb8;
	[tilespmem:$0x19200] =	vst v63  }
0x20: {  	s14 =	sadd.s32 s18, s19;
	s18 =	simm.s32 $0x10;
	_ =	swait.ge [sflag:s6], $0x4000  }
0x21: {  	s19 =	simm.s32 $0x20;
	s8 =	sadd.s32 $0x6E800, s31;
	[sflag:s6] =	ssyncset.done $0x0  }
.LBB2_2:
0x22: {  	s20 =	sadd.s32 s18, s11  }
0x23: {  	[sflag:s6] =	ssyncadd.s32 $0xFFFFC000;
	s21 =	smov.u32 s19;
	s22 =	sadd.s32 $0x10, s19  }
0x24: {  	[tilespmem:s9], [sflag:$0x2] =	stream.linear.gather [hbm4b:s20+s5], $0x80, $0x38;
	[tilespmem:$0x19200] =	vst v63  }
0x25: {  	p0 =	sne.s32 s19, $0x9B0;
	_ =	swait.ge [sflag:s6], $0x80  }
0x26: {  	[sflag:s6] =	ssyncset.done $0x0  }
0x27: {  	s19 =	sadd.s32 s18, s12;
	s18 =	smov.u32 s21;
	[sflag:s6] =	ssyncadd.s32 $0xFFFFFF80  }
0x28: {  	[tilespmem:s10], [sflag:$0x2] =	stream.linear.gather [hbm4b:s19+s5], $0x80, $0x38;
	[tilespmem:$0x19200] =	vst v63  }
0x29: {  	_ =	swait.ge [sflag:s6], $0x80  }
0x2a: {  	[sflag:s6] =	ssyncset.done $0x0  }
0x2b: {  	[sflag:s6] =	ssyncadd.s32 $0xFFFFFF80  }
0x2c: {  	[tilespmem:s15], [sflag:$0x1] =	stream.indirect.gather [hbm4b:s7+s13], $0x80, s9, s13, $0xb8;
	[tilespmem:$0x19200] =	vst v63  }
0x2d: {  	_ =	swait.ge [sflag:s16], $0x4000  }
.Ltmp1:
0x2e: {  	[sflag:s16] =	ssyncset.done $0x0;
	(pc) =	sbr.rel @p0 .LBB2_2-.Ltmp1, $4  }
0x2f: {  	[sflag:s16] =	ssyncadd.s32 $0xFFFFC000  }
0x30: {  	[spmem:s2] =	stream.indirect.scatter.add.f32 [tilespmem:s15], [sflag:$0x2], $0x80, s10, s13, $0xb8;
	[tilespmem:$0x19200] =	vst v63  }
0x31: {  	_ =	swait.ge [sflag:s6], $0x4000  }
0x32: {  	s19 =	smov.u32 s22;
	[sflag:s6] =	ssyncset.done $0x0  }
0x33: {  	s11 =	sadd.s32 s18, s11;
	[sflag:s6] =	ssyncadd.s32 $0xFFFFC000  }
0x34: {  	[tilespmem:s9], [sflag:$0x2] =	stream.linear.gather [hbm4b:s11+s5], $0x80, $0x38;
	[tilespmem:$0x19200] =	vst v63  }
0x35: {  	_ =	swait.ge [sflag:s6], $0x80  }
0x36: {  	[sflag:s6] =	ssyncset.done $0x0  }
0x37: {  	s23 =	sadd.s32 s18, s12;
	[sflag:s6] =	ssyncadd.s32 $0xFFFFFF80  }
0x38: {  	[tilespmem:s10], [sflag:$0x2] =	stream.linear.gather [hbm4b:s23+s5], $0x80, $0x38;
	[tilespmem:$0x19200] =	vst v63  }
0x39: {  	_ =	swait.ge [sflag:s6], $0x80  }
0x3a: {  	[sflag:s6] =	ssyncset.done $0x0  }
0x3b: {  	[sflag:s6] =	ssyncadd.s32 $0xFFFFFF80  }
0x3c: {  	[tilespmem:s15], [sflag:$0x1] =	stream.indirect.gather [hbm4b:s7+s13], $0x80, s9, s13, $0xb8;
	[tilespmem:$0x19200] =	vst v63  }
0x3d: {  	_ =	swait.ge [sflag:s16], $0x4000  }
0x3e: {  	[sflag:s16] =	ssyncset.done $0x0  }
0x3f: {  	[sflag:s16] =	ssyncadd.s32 $0xFFFFC000  }
0x40: {  	[spmem:s2] =	stream.indirect.scatter.add.f32 [tilespmem:s15], [sflag:$0x2], $0x80, s10, s13, $0xb8;
	[tilespmem:$0x19200] =	vst v63  }
0x41: {  	_ =	swait.ge [sflag:s6], $0x4000  }
0x42: {  	s24 =	simm.s32 $0x0;
	[sflag:s6] =	ssyncset.done $0x0  }
0x43: {  	s25 =	simm.s32 $0x18100;
	s26 =	simm.s32 $0x2;
	[sflag:s6] =	ssyncadd.s32 $0xFFFFC000  }
0x44: {  	[tilespmem:s25], [sflag:$0x2] =	stream.linear.gather [hbm4b:s17+s24], $0x20, $0x38;
	[tilespmem:$0x19200] =	vst v63  }
0x45: {  	_ =	swait.ge [sflag:s26], $0x20  }
0x46: {  	[sflag:s26] =	ssyncset.done $0x0  }
0x47: {  	s28 =	simm.s32 $0x18180;
	[sflag:s26] =	ssyncadd.s32 $0xFFFFFFE0  }
0x48: {  	[tilespmem:s28], [sflag:$0x2] =	stream.linear.gather [hbm4b:s14+s24], $0x20, $0x38;
	[tilespmem:$0x19200] =	vst v63  }
0x49: {  	_ =	swait.ge [sflag:s26], $0x20  }
0x4a: {  	s29 =	simm.s32 $0x20;
	[sflag:s26] =	ssyncset.done $0x0  }
0x4b: {  	s30 =	simm.s32 $0x18200;
	s31 =	simm.s32 $0x1;
	[sflag:s26] =	ssyncadd.s32 $0xFFFFFFE0  }
0x4c: {  	[tilespmem:s30], [sflag:$0x1] =	stream.indirect.gather [hbm4b:s7+s29], $0x80, s25, s29, $0xb8;
	[tilespmem:$0x19200] =	vst v63  }
0x4d: {  	_ =	swait.ge [sflag:s31], $0x1000  }
0x4e: {  	[sflag:s31] =	ssyncset.done $0x0  }
0x4f: {  	[sflag:s31] =	ssyncadd.s32 $0xFFFFF000  }
0x50: {  	[spmem:s2] =	stream.indirect.scatter.add.f32 [tilespmem:s30], [sflag:$0x2], $0x80, s28, s29, $0xb8;
	[tilespmem:$0x19200] =	vst v63  }
0x51: {  	_ =	swait.ge [sflag:s26], $0x1000  }
0x52: {  	[sflag:s26] =	ssyncset.done $0x0  }
0x53: {  	[sflag:s26] =	ssyncadd.s32 $0xFFFFF000  }
0x54: {  	[bflag:$0x0] =	sbarrier.arrive $0xFFFF  }
0x55: {  	[hbm:s8], [sflag:s3] =	dma.local [spmem:s4], $0x2800  }
0x56: {  	_ =	swait.ge [sflag:s26], $0x2800  }
0x57: {  	[sflag:s26] =	ssyncset.done $0x0  }
0x58: {  	[sflag:s26] =	ssyncadd.s32 $0xFFFFD800  }
.LBB2_4:
0x59: {  	_ =	sfence.sel $0x180000  }
0x5a: {  	[bflag:$0x0] =	sbarrier.arrive $0xFFFF  }
0x5b: {  	p0 =	sne.s32 s1, $0x0;
	_ =	strace $0x90000047  }
0x5c: {  	s0 =	sadd.s32 @!p0 $0x100000, s0;
	[bflag:$0x2] =	sbarrier.arrive $0xFFFF  }
0x5d: {  	[sflag:s0] =	ssyncadd.tile.s32 @!p0 $0x1;
	_ =	shalt  }
.Lfunc_end2:
_tile_overlayer_lowered:
.L_overlay_start_2:
0x5e: {  	(tag) =	ssettag $0x2  }
0x5f: {  	s0 =	rddreg [dreg:$0x0];
	s2 =	stileid.u32  }
0x60: {  	s1 =	rddreg [dreg:$0x1];
	p0 =	sne.s32 s2, $0x0  }
0x61: {  	s3 =	rddreg [dreg:$0x2];
	[bflag:$0x3] =	sbarrier.arrive $0xFFFF;
	s2 =	simm.s32 @!p0 $0x1C02  }
0x62: {  	[timem:s3], [sflag:s2] =	dma.local @!p0 [hbm:s0], s1  }
0x63: {  	s0 =	simm.s32 @!p0 $0x2  }
0x64: {  	_ =	swait.ge @!p0 [sflag:s0], s1  }
0x65: {  	s1 =	ssub.s32 @!p0 $0x0, s1;
	[sflag:s0] =	ssyncset.done @!p0 $0x0  }
0x66: {  	[sflag:s0] =	ssyncadd.s32 @!p0 s1  }
0x67: {  	[bflag:$0x3] =	sbarrier.arrive $0xFFFF  }
0x68: {  	_ =	shalt  }

// kernel: kernel.25.cloned.1.call-start
scs
__scs_entry_jumppad:
0x0: {  	(pc) =	sbr.rel $0x88, $3  }
0x1: {  	(tag) =	ssettag $0x0;
	lr =	simm.s32 $0x1  }
0x2: {  	[smem:$0x3F7F] =	sst lr;
	_ =	strace $0xD0000000  }
0x3: {  	_ = 	snop  }
0x4: {  	_ = 	snop  }
0x5: {  	_ = 	snop  }
0x6: {  	_ = 	snop  }
0x7: {  	_ = 	snop  }
__scs_overlays_trampoline_lowered:
0x8: {  	[smem:$0x3F8E] =	sst s0  }
0x9: {  	[smem:$0x3F8F] =	sst s1  }
0xa: {  	[smem:$0x3F90] =	sst s2  }
0xb: {  	[smem:$0x3F91] =	sst s3  }
0xc: {  	[smem:$0x3F92] =	sst s4  }
0xd: {  	[smem:$0x3F93] =	sst s5  }
0xe: {  	[smem:$0x3F94] =	sst s6  }
0xf: {  	[smem:$0x3F95] =	sst s7  }
0x10: {  	[smem:$0x3F96] =	sst s8  }
0x11: {  	[smem:$0x3F97] =	sst s9;
	s0 =	simm.s32 @!p0 $0x0  }
0x12: {  	s1 =	sld [smem:$0x3F7D];
	s0 =	simm.s32 @p0 $0x1  }
0x13: {  	[smem:$0x3F98] =	sst s0;
	s0 =	simm.s32 @!p1 $0x0  }
0x14: {  	s2 =	sld [smem:$0x3F7C];
	s0 =	simm.s32 @p1 $0x1  }
0x15: {  	[smem:$0x3F99] =	sst s0;
	s0 =	simm.s32 @!p2 $0x0  }
0x16: {  	s3 =	sld [smem:$0x3FDB];
	s0 =	simm.s32 @p2 $0x1  }
0x17: {  	s4 =	simm.s32 $0x1BF5;
	[smem:$0x3F9B] =	sst s0  }
0x18: {  	s0 =	sld [smem:$0x3F7E];
	_ =	swait.ge [sflag:s4], $0x0  }
0x19: {  	s7 =	sld [smem:$0x3F7F]  }
0x1a: {  	s8 =	sadd.s32 $0xFFFFE003, lr  }
0x1b: {  	s9 =	sadd.s32 $0xFFFFFEF7, lr;
	s5 =	simm.s32 $0xFFFFFFFF;
	p2 =	slt.u32 s8, $0xFFFFF086  }
0x1c: {  	p1 =	slt.u32 s9, $0xF7A;
	s5 =	simm.s32 @!p2 $0x0  }
0x1d: {  	s5 =	simm.s32 @p1 $0x1;
	p0 =	seq.s32 s7, s2  }
0x1e: {  	s7 =	smul.u32 @!p0 $0xF7A, s2;
	p2 =	seq.s32 @!p0 s5, $0x0  }
0x1f: {  	s9 =	smul.u32 $0xF7A, s1;
	s8 =	simm.s32 @!p0 $0x1BF5;
	p2 =	por !p2, p0  }
0x20: {  	[sflag:s8] =	ssyncset.s32 @!p0 $0xFFFFF086;
	s6 =	sadd.s32 @!p0 s3, s7;
	s7 =	simm.s32 @!p0 $0x108  }
0x21: {  	s3 =	sadd.s32 s3, s9;
	s6 =	sadd.s32 @!p0 $0x88, s6;
	s7 =	simm.s32 @p2 $0x1082  }
0x22: {  	[simem:s7], [sflag:s8] =	dma.local @!p0 [hbm:s6], $0xF7A  }
0x23: {  	s9 =	sor.u32 $0xD0000000, s2;
	s6 =	simm.s32 $0x108;
	_ =	swait.ge @!p0 [sflag:s8], $0x0  }
0x24: {  	s3 =	sadd.s32 $0x88, s3;
	s6 =	simm.s32 @!p1 $0x1082;
	[sflag:s4] =	ssyncset.s32 $0xFFFFF086  }
0x25: {  	[simem:s6], [sflag:s4] =	dma.local [hbm:s3], $0xF7A  }
0x26: {  	[smem:$0x3F7F] =	sst s1;
	(tag) =	ssettag s2;
	_ =	strace s9  }
0x27: {  	s1 =	sld [smem:$0x3F8F]  }
0x28: {  	s2 =	sld [smem:$0x3F90]  }
0x29: {  	s4 =	sld [smem:$0x3F92]  }
0x2a: {  	p0 =	seq.s32 s5, $0x0;
	s5 =	sld [smem:$0x3F93]  }
0x2b: {  	s6 =	sld [smem:$0x3F94]  }
0x2c: {  	s7 =	sld [smem:$0x3F95]  }
0x2d: {  	s3 =	simm.s32 $0x108;
	s8 =	sld [smem:$0x3F96]  }
0x2e: {  	s3 =	simm.s32 @!p0 $0x1082;
	s9 =	sld [smem:$0x3F97]  }
0x2f: {  	lr =	sadd.s32 s0, s3;
	s0 =	sld [smem:$0x3F8E]  }
0x30: {  	s3 =	sld [smem:$0x3F91]  }
0x31: {  	[smem:$0x3F9A] =	sst s10  }
0x32: {  	s10 =	sld [smem:$0x3F98];
	_ =	sdelay $0x3  }
0x33: {  	p0 =	seq.s32 s10, $0x1;
	s10 =	sld [smem:$0x3F9A];
	_ =	sdelay $0x3  }
0x34: {  	[smem:$0x3F9A] =	sst s10  }
0x35: {  	s10 =	sld [smem:$0x3F99];
	_ =	sdelay $0x3  }
0x36: {  	p1 =	seq.s32 s10, $0x1;
	s10 =	sld [smem:$0x3F9A];
	_ =	sdelay $0x3  }
0x37: {  	[smem:$0x3F9A] =	sst s10  }
0x38: {  	s10 =	sld [smem:$0x3F9B]  }
0x39: {  	_ = 	snop;
	(pc) =	sbr.ind lr, $3  }
0x3a: {  	_ = 	snop  }
0x3b: {  	_ = 	snop  }
0x3c: {  	p2 =	seq.s32 s10, $0x1;
	s10 =	sld [smem:$0x3F9A]  }
0x3d: {  	_ =	shalt  }
0x3e: {  	_ =	shalt  }
0x3f: {  	_ =	shalt  }
0x40: {  	_ =	shalt  }
0x41: {  	_ =	shalt  }
0x42: {  	_ =	shalt  }
0x43: {  	_ =	shalt  }
0x44: {  	_ =	shalt  }
0x45: {  	_ =	shalt  }
0x46: {  	_ =	shalt  }
0x47: {  	_ =	shalt  }
0x48: {  	_ =	shalt  }
0x49: {  	_ =	shalt  }
0x4a: {  	_ =	shalt  }
0x4b: {  	_ =	shalt  }
0x4c: {  	_ =	shalt  }
0x4d: {  	_ =	shalt  }
0x4e: {  	_ =	shalt  }
0x4f: {  	_ =	shalt  }
0x50: {  	_ =	shalt  }
0x51: {  	_ =	shalt  }
0x52: {  	_ =	shalt  }
0x53: {  	_ =	shalt  }
0x54: {  	_ =	shalt  }
0x55: {  	_ =	shalt  }
0x56: {  	_ =	shalt  }
0x57: {  	_ =	shalt  }
0x58: {  	_ =	shalt  }
0x59: {  	_ =	shalt  }
0x5a: {  	_ =	shalt  }
0x5b: {  	_ =	shalt  }
0x5c: {  	_ =	shalt  }
0x5d: {  	_ =	shalt  }
0x5e: {  	_ =	shalt  }
0x5f: {  	_ =	shalt  }
0x60: {  	_ =	shalt  }
0x61: {  	_ =	shalt  }
0x62: {  	_ =	shalt  }
0x63: {  	_ =	shalt  }
0x64: {  	_ =	shalt  }
0x65: {  	_ =	shalt  }
0x66: {  	_ =	shalt  }
0x67: {  	_ =	shalt  }
0x68: {  	_ =	shalt  }
0x69: {  	_ =	shalt  }
0x6a: {  	_ =	shalt  }
0x6b: {  	_ =	shalt  }
0x6c: {  	_ =	shalt  }
0x6d: {  	_ =	shalt  }
0x6e: {  	_ =	shalt  }
0x6f: {  	_ =	shalt  }
0x70: {  	_ =	shalt  }
0x71: {  	_ =	shalt  }
0x72: {  	_ =	shalt  }
0x73: {  	_ =	shalt  }
0x74: {  	_ =	shalt  }
0x75: {  	_ =	shalt  }
0x76: {  	_ =	shalt  }
0x77: {  	_ =	shalt  }
0x78: {  	_ =	shalt  }
0x79: {  	_ =	shalt  }
0x7a: {  	_ =	shalt  }
0x7b: {  	_ =	shalt  }
0x7c: {  	_ =	shalt  }
0x7d: {  	_ =	shalt  }
0x7e: {  	_ =	shalt  }
0x7f: {  	_ =	shalt  }
0x80: {  	_ =	shalt  }
0x81: {  	_ =	shalt  }
0x82: {  	_ =	shalt  }
0x83: {  	_ =	shalt  }
0x84: {  	_ =	shalt  }
0x85: {  	_ =	shalt  }
0x86: {  	_ =	shalt  }
0x87: {  	_ =	shalt  }
.Lfunc_end0:
.L_simem_size_0:
called_computation.1_lowered:
.L_overlay_start_0:
0x88: {  	s2 =	sld [smem:$0x3FD9]  }
0x89: {  	s3 =	sld [smem:$0x3FFE];
	_ =	sdelay $0x1  }
0x8a: {  	s1 =	srdreg.scid  }
0x8b: {  	s0 =	sand.u32 $0x1, s1  }
0x8c: {  	s16 =	sshll.u32 s0, $0xA;
	s2 =	sadd.s32 s3, s2  }
0x8d: {  	s2 =	sadd.s32 s2, s16  }
0x8e: {  	[smem:$0x3FA6] =	sst s2  }
0x8f: {  	_ = 	snop  }
0x90: {  	(tm) =	ssettm $0x1  }
0x91: {  	s17 =	sld [smem:$0x3FFB];
	_ =	sdelay $0x3  }
0x92: {  	_ =	strace s17  }
0x93: {  	s2 =	sld [smem:$0x3FFC];
	_ =	sdelay $0x3  }
0x94: {  	_ =	strace s2  }
0x95: {  	s2 =	sld [smem:$0x3FFD];
	_ =	sdelay $0x3  }
0x96: {  	_ =	strace s2  }
0x97: {  	_ =	strace $0x8FFFFFFF  }
0x98: {  	s18 =	sld [smem:$0x3FDB];
	_ =	sdelay $0x1  }
0x99: {  	s19 =	simm.s32 $_scs_section_size  }
0x9a: {  	s4 =	simm.s32 $_size__tile_overlayer_lowered;
	s5 =	simm.s32 $_tile_overlayer_lowered  }
0x9b: {  	s22 =	simm.s32 $0x1BFF;
	s21 =	sshll.u32 s5, $0x1;
	s2 =	sadd.s32 s19, s18  }
0x9c: {  	s6 =	simm.s32 $0x0;
	s20 =	sshll.u32 s4, $0x1;
	s4 =	sadd.s32 s21, s2  }
0x9d: {  	[timem:s6], [sflag:s22] =	dma.local [hbm:s4], s20  }
0x9e: {  	_ =	swait.ge [sflag:s22], s20  }
0x9f: {  	s3 =	ssub.s32 $0x0, s20;
	[sflag:s22] =	ssyncset.done $0x0  }
0xa0: {  	[sflag:s22] =	ssyncadd.s32 s3;
	_ =	sdelay $0x1  }
0xa1: {  	s23 =	simm.s32 $0x1B8B  }
0xa2: {  	_ =	swait.ge [sflag:s23], $0x1  }
0xa3: {  	[sflag:s23] =	ssyncset.done $0x0  }
0xa4: {  	s25 =	simm.s32 $0x1B8E;
	s24 =	sld [smem:$0x3FFE];
	[sflag:s23] =	ssyncadd.s32 $0xFFFFFFFF  }
0xa5: {  	s26 =	simm.s32 $execute0_lowered;
	[smem:$0x3FD2] =	sst s25  }
0xa6: {  	s4 =	sshll.u32 s26, $0x1;
	_ =	strace $0x80000049;
	[dreg:$0x1] =	wrdreg $0xFFFFFFFF  }
0xa7: {  	s28 =	simm.s32 $_size_execute0_lowered;
	s2 =	sadd.s32 s2, s4;
	[dreg:$0x0] =	wrdreg $0x0  }
0xa8: {  	s4 =	sshll.u32 s28, $0x1;
	[dreg:$0x2] =	wrdreg s2  }
0xa9: {  	[dreg:$0x3] =	wrdreg s4  }
0xaa: {  	[dreg:$0x4] =	wrdreg $0xC0  }
0xab: {  	_ =	task [dreg:s6], $0x5FFFF  }
0xac: {  	[dreg:$0x1] =	wrdreg $0xFFFFFFFF  }
0xad: {  	[dreg:$0x0] =	wrdreg $0x60  }
0xae: {  	[dreg:$0x2] =	wrdreg s24  }
0xaf: {  	[dreg:$0x3] =	wrdreg $0x0  }
0xb0: {  	[dreg:$0x4] =	wrdreg $0x9  }
0xb1: {  	_ =	task.clear_ibuf [dreg:s6], $0x5FFFF;
	_ =	strace $0x90000049  }
0xb2: {  	s29 =	simm.s32 $0x9;
	_ =	strace $0x8000004B  }
0xb3: {  	_ =	swait.ge [sflag:s29], $0x1  }
0xb4: {  	[sflag:s29] =	ssyncadd.s32 $0xFFFFFFFF  }
0xb5: {  	_ =	strace $0x9000004B  }
0xb6: {  	_ =	sfence  }
0xb7: {  	s30 =	sld [smem:$0x0];
	_ =	sdelay $0x2  }
0xb8: {  	s31 =	sshll.u32 s1, $0xD;
	s1 =	sshrl.u32 s1, $0x2  }
0xb9: {  	s3 =	sand.u32 $0x4000, s31;
	s1 =	sadd.s32 s1, s30  }
0xba: {  	s0 =	sor.u32 s3, s0;
	s1 =	sshll.u32 s1, $0x11  }
0xbb: {  	s0 =	sor.u32 s1, s0  }
0xbc: {  	s0 =	sadd.s32 $0x8F2B, s0  }
0xbd: {  	[sflag:s0] =	ssyncadd.remote.s32 $0x1  }
0xbe: {  	_ =	sfence.sel $0xFFFF  }
0xbf: {  	[dreg:$0x0] =	wrdreg $0xFFFFFFFF;
	(pc) =	sbr.abs _section_cstart, $3  }
0xc0: {  	[dreg:$0x1] =	wrdreg $0xFFFFFFFF  }
0xc1: {  	_ =	task.clear_ibuf [dreg:s6], $0x2FFFF;
	_ =	strace $0x9FFFFFFF  }
0xc2: {  	(tm) =	ssettm $0x7FFFFFFF  }
0xc3: {  	_ =	shalt  }
tec
execute0_lowered:
.L_overlay_start_1:
0x0: {  	(tag) =	ssettag $0x1  }
0x1: {  	s0 =	rddreg [dreg:$0x0]  }
0x2: {  	s1 =	rddreg [dreg:$0x1];
	s2 =	simm.s32 $0x0  }
0x3: {  	s9 =	stileid.u32;
	s11 =	srdreg.scid;
	s28 =	simm.s32 $0x14100  }
0x4: {  	s29 =	simm.s32 $0x1;
	s30 =	simm.s32 $0x18100;
	s31 =	simm.s32 $0x18180  }
0x5: {  	[smem:$0x7FF] =	sst s2;
	s4 =	sadd.s32 $0x1E800, s0;
	s5 =	sadd.s32 $0x96800, s0  }
0x6: {  	s6 =	sadd.s32 $0xBE800, s0;
	s7 =	sadd.s32 $0xE6800, s0;
	s13 =	smul.u32 $0x2800, s9  }
0x7: {  	s8 =	sadd.s32 $0x6E800, s0;
	s3 =	sadd.s32 $0x14A00, s0;
	s12 =	smul.u32 $0x50000, s9  }
0x8: {  	s10 =	sadd.s32 $0xAC00, s0;
	s11 =	sand.u32 $0x1, s11;
	s20 =	smul.u32 $0x4E20, s9  }
0x9: {  	s14 =	sadd.s32 $0x186800, s0;
	s17 =	smul.u32 $0x9C4, s9;
	s26 =	sshll.u32 s9, $0x6  }
0xa: {  	_ =	strace $0x8000004A;
	[dreg:$0x4] =	wrdreg s14;
	s21 =	ssub.s32 $0x2, s11  }
0xb: {  	p0 =	sne.s32 s11, $0x0;
	[dreg:$0x3] =	wrdreg s13;
	s15 =	sadd.s32 s13, s0  }
0xc: {  	s0 =	sadd.s32 $0x1AE800, s0;
	s22 =	sshrl.u32 s21, $0x1;
	s12 =	sshrl.u32 s12, $0x2  }
0xd: {  	s13 =	sshrl.u32 s20, $0x3;
	s20 =	sor.u32 $0x1C02, s26;
	s26 =	simm.s32 $0x80  }
0xe: {  	[dreg:$0x5] =	wrdreg s0;
	s0 =	ssub.s32 s21, s22;
	s12 =	sadd.s32 s12, s1  }
0xf: {  	s16 =	sadd.s32 $0x9C0, s13;
	s13 =	sadd.s32 $0x46800, s15;
	s23 =	sadd.s32 $0x136800, s15  }
0x10: {  	s24 =	sadd.s32 $0x10E800, s15;
	s25 =	sadd.s32 $0x15E800, s15;
	[dreg:$0x6] =	wrdreg s12  }
.Ltmp0:
0x11: {  	s21 =	sadd.s32 s17, s10;
	[dreg:$0x7] =	wrdreg s23;
	(pc) =	sbr.rel .LBB2_1-.Ltmp0, $4  }
0x12: {  	s22 =	sadd.s32 s17, s3;
	s14 =	sadd.s32 s3, s16;
	[dreg:$0x8] =	wrdreg s24  }
0x13: {  	s16 =	sadd.s32 s10, s16;
	[dreg:$0x9] =	wrdreg s25;
	s19 =	smax.u32 s0, $0x1  }
0x14: {  	s23 =	simm.s32 $0x2;
	s24 =	simm.s32 $0x14000;
	s25 =	simm.s32 $0x14080  }
0x15: {  	s0 =	simm.s32 $0x20;
	s3 =	simm.s32 $0x18200;
	s10 =	simm.s32 $0x0  }
.LBB2_13:
0x16: {  	s9 =	sadd.s32 s15, s22;
	[sflag:s23] =	ssyncadd.s32 $0xFFFFC000  }
0x17: {  	[tilespmem:s24], [sflag:$0x2] =	stream.linear.gather [hbm4b:s9+s2], $0x80, $0x38;
	[tilespmem:$0x19200] =	vst v63  }
0x18: {  	_ =	swait.ge [sflag:s23], $0x80  }
0x19: {  	[sflag:s23] =	ssyncset.done $0x0  }
0x1a: {  	s18 =	sadd.s32 s15, s21;
	[sflag:s23] =	ssyncadd.s32 $0xFFFFFF80  }
0x1b: {  	[tilespmem:s25], [sflag:$0x2] =	stream.linear.gather [hbm4b:s18+s2], $0x80, $0x38;
	[tilespmem:$0x19200] =	vst v63  }
0x1c: {  	_ =	swait.ge [sflag:s23], $0x80  }
0x1d: {  	[sflag:s23] =	ssyncset.done $0x0  }
0x1e: {  	[sflag:s23] =	ssyncadd.s32 $0xFFFFFF80  }
0x1f: {  	[tilespmem:s28], [sflag:$0x1] =	stream.indirect.gather [hbm4b:s7+s26], $0x80, s24, s26, $0xb8;
	[tilespmem:$0x19200] =	vst v63  }
0x20: {  	_ =	swait.ge [sflag:s29], $0x4000  }
0x21: {  	[sflag:s29] =	ssyncset.done $0x0  }
0x22: {  	[sflag:s29] =	ssyncadd.s32 $0xFFFFC000  }
0x23: {  	[spmem:s1] =	stream.indirect.scatter.add.f32 [tilespmem:s28], [sflag:$0x2], $0x80, s25, s26, $0xb8;
	[tilespmem:$0x19200] =	vst v63  }
0x24: {  	_ =	swait.ge [sflag:s23], $0x4000  }
0x25: {  	[sflag:s23] =	ssyncset.done $0x0  }
0x26: {  	s17 =	smov.u32 s7;
	s15 =	rddreg [dreg:$0x4];
	[sflag:s23] =	ssyncadd.s32 $0xFFFFC000  }
.LBB2_14:
0x27: {  	[tilespmem:s30], [sflag:$0x2] =	stream.linear.gather [hbm4b:s14+s2], $0x20, $0x38;
	[tilespmem:$0x19200] =	vst v63  }
0x28: {  	_ =	swait.ge [sflag:s23], $0x20  }
0x29: {  	[sflag:s23] =	ssyncset.done $0x0  }
0x2a: {  	[sflag:s23] =	ssyncadd.s32 $0xFFFFFFE0  }
0x2b: {  	[tilespmem:s31], [sflag:$0x2] =	stream.linear.gather [hbm4b:s16+s2], $0x20, $0x38;
	[tilespmem:$0x19200] =	vst v63  }
0x2c: {  	_ =	swait.ge [sflag:s23], $0x20  }
0x2d: {  	[sflag:s23] =	ssyncset.done $0x0  }
0x2e: {  	[sflag:s23] =	ssyncadd.s32 $0xFFFFFFE0  }
0x2f: {  	[tilespmem:s3], [sflag:$0x1] =	stream.indirect.gather [hbm4b:s17+s0], $0x80, s30, s0, $0xb8;
	[tilespmem:$0x19200] =	vst v63  }
0x30: {  	_ =	swait.ge [sflag:s29], $0x1000  }
0x31: {  	[sflag:s29] =	ssyncset.done $0x0  }
0x32: {  	[sflag:s29] =	ssyncadd.s32 $0xFFFFF000  }
0x33: {  	[spmem:s1] =	stream.indirect.scatter.add.f32 [tilespmem:s3], [sflag:$0x2], $0x80, s31, s0, $0xb8;
	[tilespmem:$0x19200] =	vst v63  }
0x34: {  	_ =	swait.ge [sflag:s23], $0x1000  }
0x35: {  	s10 =	sadd.s32 $0x1, s10;
	[sflag:s23] =	ssyncset.done $0x0  }
0x36: {  	p1 =	sne.s32 s10, s19;
	s9 =	rddreg [dreg:$0x3];
	[sflag:s23] =	ssyncadd.s32 $0xFFFFF000  }
.Ltmp1:
0x37: {  	s9 =	sadd.s32 s15, s9;
	[bflag:$0x0] =	sbarrier.arrive $0xFFFF;
	(pc) =	sbr.rel @!p1 .LBB2_15-.Ltmp1, $4  }
0x38: {  	[hbm:s9], [sflag:s20] =	dma.local [spmem:s11], $0x2800  }
0x39: {  	_ =	swait.ge [sflag:s23], $0x2800  }
0x3a: {  	[sflag:s23] =	ssyncset.done $0x0  }
0x3b: {  	[sflag:s23] =	ssyncadd.s32 $0xFFFFD800  }
.LBB2_1:
0x3c: {  	s9 =	rddreg [dreg:$0x6]  }
0x3d: {  	s11 =	sshrl.u32 s9, $0x3  }
0x3e: {  	[spmem:s11], [sflag:s20] =	dma.local [hbm:s13], $0x2800  }
.Ltmp2:
0x3f: {  	_ =	swait.ge [sflag:s23], $0x2800;
	(pc) =	sbr.rel @p0 .LBB2_9-.Ltmp2, $3  }
0x40: {  	[sflag:s23] =	ssyncset.done $0x0  }
0x41: {  	[sflag:s23] =	ssyncadd.s32 $0xFFFFD800  }
0x42: {  	[bflag:$0x0] =	sbarrier.arrive $0xFFFF;
	_ =	sdelay $0x1  }
0x43: {  	s15 =	sadd.s32 $0x0, s22  }
0x44: {  	[tilespmem:s24], [sflag:$0x2] =	stream.linear.gather [hbm4b:s15+s2], $0x80, $0x38;
	[tilespmem:$0x19200] =	vst v63  }
0x45: {  	_ =	swait.ge [sflag:s23], $0x80  }
0x46: {  	[sflag:s23] =	ssyncset.done $0x0  }
0x47: {  	s18 =	sadd.s32 $0x0, s21;
	[sflag:s23] =	ssyncadd.s32 $0xFFFFFF80  }
0x48: {  	[tilespmem:s25], [sflag:$0x2] =	stream.linear.gather [hbm4b:s18+s2], $0x80, $0x38;
	[tilespmem:$0x19200] =	vst v63  }
0x49: {  	_ =	swait.ge [sflag:s23], $0x80  }
0x4a: {  	[sflag:s23] =	ssyncset.done $0x0  }
0x4b: {  	[sflag:s23] =	ssyncadd.s32 $0xFFFFFF80  }
0x4c: {  	[tilespmem:s28], [sflag:$0x1] =	stream.indirect.gather [hbm4b:s4+s26], $0x80, s24, s26, $0xb8;
	[tilespmem:$0x19200] =	vst v63  }
0x4d: {  	_ =	swait.ge [sflag:s29], $0x4000  }
0x4e: {  	[sflag:s29] =	ssyncset.done $0x0  }
0x4f: {  	[sflag:s29] =	ssyncadd.s32 $0xFFFFC000  }
0x50: {  	[spmem:s1] =	stream.indirect.scatter.add.f32 [tilespmem:s28], [sflag:$0x2], $0x80, s25, s26, $0xb8;
	[tilespmem:$0x19200] =	vst v63  }
0x51: {  	_ =	swait.ge [sflag:s23], $0x4000  }
0x52: {  	s17 =	simm.s32 $0x20;
	s15 =	simm.s32 $0x10;
	[sflag:s23] =	ssyncset.done $0x0  }
.LBB2_3:
0x53: {  	s18 =	sadd.s32 s15, s22  }
0x54: {  	[sflag:s23] =	ssyncadd.s32 $0xFFFFC000;
	s12 =	smov.u32 s17;
	s9 =	sadd.s32 $0x10, s17  }
0x55: {  	[tilespmem:s24], [sflag:$0x2] =	stream.linear.gather [hbm4b:s18+s2], $0x80, $0x38;
	[tilespmem:$0x19200] =	vst v63  }
0x56: {  	p1 =	sne.s32 s17, $0x9B0;
	_ =	swait.ge [sflag:s23], $0x80  }
0x57: {  	[sflag:s23] =	ssyncset.done $0x0  }
0x58: {  	s17 =	sadd.s32 s15, s21;
	s15 =	smov.u32 s12;
	[sflag:s23] =	ssyncadd.s32 $0xFFFFFF80  }
0x59: {  	[tilespmem:s25], [sflag:$0x2] =	stream.linear.gather [hbm4b:s17+s2], $0x80, $0x38;
	[tilespmem:$0x19200] =	vst v63  }
0x5a: {  	_ =	swait.ge [sflag:s23], $0x80  }
0x5b: {  	[sflag:s23] =	ssyncset.done $0x0  }
0x5c: {  	[sflag:s23] =	ssyncadd.s32 $0xFFFFFF80  }
0x5d: {  	[tilespmem:s28], [sflag:$0x1] =	stream.indirect.gather [hbm4b:s4+s26], $0x80, s24, s26, $0xb8;
	[tilespmem:$0x19200] =	vst v63  }
0x5e: {  	_ =	swait.ge [sflag:s29], $0x4000  }
.Ltmp3:
0x5f: {  	[sflag:s29] =	ssyncset.done $0x0;
	(pc) =	sbr.rel @p1 .LBB2_3-.Ltmp3, $4  }
0x60: {  	[sflag:s29] =	ssyncadd.s32 $0xFFFFC000  }
0x61: {  	[spmem:s1] =	stream.indirect.scatter.add.f32 [tilespmem:s28], [sflag:$0x2], $0x80, s25, s26, $0xb8;
	[tilespmem:$0x19200] =	vst v63  }
0x62: {  	_ =	swait.ge [sflag:s23], $0x4000  }
0x63: {  	s17 =	smov.u32 s9;
	[sflag:s23] =	ssyncset.done $0x0  }
0x64: {  	s9 =	sadd.s32 s15, s22;
	[sflag:s23] =	ssyncadd.s32 $0xFFFFC000  }
0x65: {  	[tilespmem:s24], [sflag:$0x2] =	stream.linear.gather [hbm4b:s9+s2], $0x80, $0x38;
	[tilespmem:$0x19200] =	vst v63  }
0x66: {  	_ =	swait.ge [sflag:s23], $0x80  }
0x67: {  	[sflag:s23] =	ssyncset.done $0x0  }
0x68: {  	s18 =	sadd.s32 s15, s21;
	[sflag:s23] =	ssyncadd.s32 $0xFFFFFF80  }
0x69: {  	[tilespmem:s25], [sflag:$0x2] =	stream.linear.gather [hbm4b:s18+s2], $0x80, $0x38;
	[tilespmem:$0x19200] =	vst v63  }
0x6a: {  	_ =	swait.ge [sflag:s23], $0x80  }
0x6b: {  	[sflag:s23] =	ssyncset.done $0x0  }
0x6c: {  	[sflag:s23] =	ssyncadd.s32 $0xFFFFFF80  }
0x6d: {  	[tilespmem:s28], [sflag:$0x1] =	stream.indirect.gather [hbm4b:s4+s26], $0x80, s24, s26, $0xb8;
	[tilespmem:$0x19200] =	vst v63  }
0x6e: {  	_ =	swait.ge [sflag:s29], $0x4000  }
0x6f: {  	[sflag:s29] =	ssyncset.done $0x0  }
0x70: {  	[sflag:s29] =	ssyncadd.s32 $0xFFFFC000  }
0x71: {  	[spmem:s1] =	stream.indirect.scatter.add.f32 [tilespmem:s28], [sflag:$0x2], $0x80, s25, s26, $0xb8;
	[tilespmem:$0x19200] =	vst v63  }
0x72: {  	_ =	swait.ge [sflag:s23], $0x4000  }
0x73: {  	[sflag:s23] =	ssyncset.done $0x0  }
0x74: {  	s12 =	simm.s32 $0x0;
	[sflag:s23] =	ssyncadd.s32 $0xFFFFC000  }
0x75: {  	[tilespmem:s30], [sflag:$0x2] =	stream.linear.gather [hbm4b:s14+s12], $0x20, $0x38;
	[tilespmem:$0x19200] =	vst v63  }
0x76: {  	_ =	swait.ge [sflag:s23], $0x20  }
0x77: {  	[sflag:s23] =	ssyncset.done $0x0  }
0x78: {  	[sflag:s23] =	ssyncadd.s32 $0xFFFFFFE0  }
0x79: {  	[tilespmem:s31], [sflag:$0x2] =	stream.linear.gather [hbm4b:s16+s12], $0x20, $0x38;
	[tilespmem:$0x19200] =	vst v63  }
0x7a: {  	_ =	swait.ge [sflag:s23], $0x20  }
0x7b: {  	[sflag:s23] =	ssyncset.done $0x0  }
0x7c: {  	[sflag:s23] =	ssyncadd.s32 $0xFFFFFFE0  }
0x7d: {  	[tilespmem:s3], [sflag:$0x1] =	stream.indirect.gather [hbm4b:s4+s0], $0x80, s30, s0, $0xb8;
	[tilespmem:$0x19200] =	vst v63  }
0x7e: {  	_ =	swait.ge [sflag:s29], $0x1000  }
0x7f: {  	[sflag:s29] =	ssyncset.done $0x0  }
0x80: {  	[sflag:s29] =	ssyncadd.s32 $0xFFFFF000  }
0x81: {  	[spmem:s1] =	stream.indirect.scatter.add.f32 [tilespmem:s3], [sflag:$0x2], $0x80, s31, s0, $0xb8;
	[tilespmem:$0x19200] =	vst v63  }
0x82: {  	_ =	swait.ge [sflag:s23], $0x1000  }
0x83: {  	[sflag:s23] =	ssyncset.done $0x0  }
0x84: {  	[sflag:s23] =	ssyncadd.s32 $0xFFFFF000  }
0x85: {  	[bflag:$0x0] =	sbarrier.arrive $0xFFFF  }
0x86: {  	s15 =	rddreg [dreg:$0x8]  }
0x87: {  	[hbm:s15], [sflag:s20] =	dma.local [spmem:s11], $0x2800  }
0x88: {  	_ =	swait.ge [sflag:s23], $0x2800  }
0x89: {  	[sflag:s23] =	ssyncset.done $0x0  }
0x8a: {  	[sflag:s23] =	ssyncadd.s32 $0xFFFFD800  }
0x8b: {  	[spmem:s11], [sflag:s20] =	dma.local [hbm:s13], $0x2800  }
0x8c: {  	_ =	swait.ge [sflag:s23], $0x2800  }
0x8d: {  	[sflag:s23] =	ssyncset.done $0x0  }
0x8e: {  	[sflag:s23] =	ssyncadd.s32 $0xFFFFD800  }
0x8f: {  	s17 =	sadd.s32 $0x0, s22;
	[bflag:$0x0] =	sbarrier.arrive $0xFFFF  }
0x90: {  	[tilespmem:s24], [sflag:$0x2] =	stream.linear.gather [hbm4b:s17+s2], $0x80, $0x38;
	[tilespmem:$0x19200] =	vst v63  }
0x91: {  	_ =	swait.ge [sflag:s23], $0x80  }
0x92: {  	[sflag:s23] =	ssyncset.done $0x0  }
0x93: {  	s18 =	sadd.s32 $0x0, s21;
	[sflag:s23] =	ssyncadd.s32 $0xFFFFFF80  }
0x94: {  	[tilespmem:s25], [sflag:$0x2] =	stream.linear.gather [hbm4b:s18+s2], $0x80, $0x38;
	[tilespmem:$0x19200] =	vst v63  }
0x95: {  	_ =	swait.ge [sflag:s23], $0x80  }
0x96: {  	[sflag:s23] =	ssyncset.done $0x0  }
0x97: {  	[sflag:s23] =	ssyncadd.s32 $0xFFFFFF80  }
0x98: {  	[tilespmem:s28], [sflag:$0x1] =	stream.indirect.gather [hbm4b:s6+s26], $0x80, s24, s26, $0xb8;
	[tilespmem:$0x19200] =	vst v63  }
0x99: {  	_ =	swait.ge [sflag:s29], $0x4000  }
0x9a: {  	[sflag:s29] =	ssyncset.done $0x0  }
0x9b: {  	[sflag:s29] =	ssyncadd.s32 $0xFFFFC000  }
0x9c: {  	[spmem:s1] =	stream.indirect.scatter.add.f32 [tilespmem:s28], [sflag:$0x2], $0x80, s25, s26, $0xb8;
	[tilespmem:$0x19200] =	vst v63  }
0x9d: {  	_ =	swait.ge [sflag:s23], $0x4000  }
0x9e: {  	s15 =	simm.s32 $0x10;
	s17 =	simm.s32 $0x20;
	[sflag:s23] =	ssyncset.done $0x0  }
.LBB2_5:
0x9f: {  	s9 =	sadd.s32 s15, s22  }
0xa0: {  	[sflag:s23] =	ssyncadd.s32 $0xFFFFC000;
	s12 =	smov.u32 s17;
	s18 =	sadd.s32 $0x10, s17  }
0xa1: {  	[tilespmem:s24], [sflag:$0x2] =	stream.linear.gather [hbm4b:s9+s2], $0x80, $0x38;
	[tilespmem:$0x19200] =	vst v63  }
0xa2: {  	p1 =	seq.s32 s17, $0x9B0;
	_ =	swait.ge [sflag:s23], $0x80  }
0xa3: {  	[sflag:s23] =	ssyncset.done $0x0  }
0xa4: {  	s9 =	sadd.s32 s15, s21;
	s15 =	smov.u32 s12;
	[sflag:s23] =	ssyncadd.s32 $0xFFFFFF80  }
0xa5: {  	[tilespmem:s25], [sflag:$0x2] =	stream.linear.gather [hbm4b:s9+s2], $0x80, $0x38;
	[tilespmem:$0x19200] =	vst v63  }
0xa6: {  	_ =	swait.ge [sflag:s23], $0x80  }
0xa7: {  	[sflag:s23] =	ssyncset.done $0x0  }
0xa8: {  	[sflag:s23] =	ssyncadd.s32 $0xFFFFFF80  }
0xa9: {  	[tilespmem:s28], [sflag:$0x1] =	stream.indirect.gather [hbm4b:s6+s26], $0x80, s24, s26, $0xb8;
	[tilespmem:$0x19200] =	vst v63  }
0xaa: {  	_ =	swait.ge [sflag:s29], $0x4000  }
.Ltmp4:
0xab: {  	[sflag:s29] =	ssyncset.done $0x0;
	(pc) =	sbr.rel @!p1 .LBB2_5-.Ltmp4, $4  }
0xac: {  	[sflag:s29] =	ssyncadd.s32 $0xFFFFC000  }
0xad: {  	[spmem:s1] =	stream.indirect.scatter.add.f32 [tilespmem:s28], [sflag:$0x2], $0x80, s25, s26, $0xb8;
	[tilespmem:$0x19200] =	vst v63  }
0xae: {  	_ =	swait.ge [sflag:s23], $0x4000  }
0xaf: {  	s17 =	smov.u32 s18;
	[sflag:s23] =	ssyncset.done $0x0  }
0xb0: {  	s9 =	sadd.s32 s15, s22;
	[sflag:s23] =	ssyncadd.s32 $0xFFFFC000  }
0xb1: {  	[tilespmem:s24], [sflag:$0x2] =	stream.linear.gather [hbm4b:s9+s2], $0x80, $0x38;
	[tilespmem:$0x19200] =	vst v63  }
0xb2: {  	_ =	swait.ge [sflag:s23], $0x80  }
0xb3: {  	[sflag:s23] =	ssyncset.done $0x0  }
0xb4: {  	s18 =	sadd.s32 s15, s21;
	[sflag:s23] =	ssyncadd.s32 $0xFFFFFF80  }
0xb5: {  	[tilespmem:s25], [sflag:$0x2] =	stream.linear.gather [hbm4b:s18+s2], $0x80, $0x38;
	[tilespmem:$0x19200] =	vst v63  }
0xb6: {  	_ =	swait.ge [sflag:s23], $0x80  }
0xb7: {  	[sflag:s23] =	ssyncset.done $0x0  }
0xb8: {  	[sflag:s23] =	ssyncadd.s32 $0xFFFFFF80  }
0xb9: {  	[tilespmem:s28], [sflag:$0x1] =	stream.indirect.gather [hbm4b:s6+s26], $0x80, s24, s26, $0xb8;
	[tilespmem:$0x19200] =	vst v63  }
0xba: {  	_ =	swait.ge [sflag:s29], $0x4000  }
0xbb: {  	[sflag:s29] =	ssyncset.done $0x0  }
0xbc: {  	[sflag:s29] =	ssyncadd.s32 $0xFFFFC000  }
0xbd: {  	[spmem:s1] =	stream.indirect.scatter.add.f32 [tilespmem:s28], [sflag:$0x2], $0x80, s25, s26, $0xb8;
	[tilespmem:$0x19200] =	vst v63  }
0xbe: {  	_ =	swait.ge [sflag:s23], $0x4000  }
0xbf: {  	[sflag:s23] =	ssyncset.done $0x0  }
0xc0: {  	s12 =	simm.s32 $0x0;
	[sflag:s23] =	ssyncadd.s32 $0xFFFFC000  }
0xc1: {  	[tilespmem:s30], [sflag:$0x2] =	stream.linear.gather [hbm4b:s14+s12], $0x20, $0x38;
	[tilespmem:$0x19200] =	vst v63  }
0xc2: {  	_ =	swait.ge [sflag:s23], $0x20  }
0xc3: {  	[sflag:s23] =	ssyncset.done $0x0  }
0xc4: {  	[sflag:s23] =	ssyncadd.s32 $0xFFFFFFE0  }
0xc5: {  	[tilespmem:s31], [sflag:$0x2] =	stream.linear.gather [hbm4b:s16+s12], $0x20, $0x38;
	[tilespmem:$0x19200] =	vst v63  }
0xc6: {  	_ =	swait.ge [sflag:s23], $0x20  }
0xc7: {  	[sflag:s23] =	ssyncset.done $0x0  }
0xc8: {  	[sflag:s23] =	ssyncadd.s32 $0xFFFFFFE0  }
0xc9: {  	[tilespmem:s3], [sflag:$0x1] =	stream.indirect.gather [hbm4b:s6+s0], $0x80, s30, s0, $0xb8;
	[tilespmem:$0x19200] =	vst v63  }
0xca: {  	_ =	swait.ge [sflag:s29], $0x1000  }
0xcb: {  	[sflag:s29] =	ssyncset.done $0x0  }
0xcc: {  	[sflag:s29] =	ssyncadd.s32 $0xFFFFF000  }
0xcd: {  	[spmem:s1] =	stream.indirect.scatter.add.f32 [tilespmem:s3], [sflag:$0x2], $0x80, s31, s0, $0xb8;
	[tilespmem:$0x19200] =	vst v63  }
0xce: {  	_ =	swait.ge [sflag:s23], $0x1000  }
0xcf: {  	[sflag:s23] =	ssyncset.done $0x0  }
0xd0: {  	[sflag:s23] =	ssyncadd.s32 $0xFFFFF000  }
0xd1: {  	[bflag:$0x0] =	sbarrier.arrive $0xFFFF  }
0xd2: {  	s15 =	rddreg [dreg:$0x9]  }
0xd3: {  	[hbm:s15], [sflag:s20] =	dma.local [spmem:s11], $0x2800  }
0xd4: {  	_ =	swait.ge [sflag:s23], $0x2800  }
0xd5: {  	[sflag:s23] =	ssyncset.done $0x0  }
0xd6: {  	[sflag:s23] =	ssyncadd.s32 $0xFFFFD800  }
0xd7: {  	[spmem:s11], [sflag:s20] =	dma.local [hbm:s13], $0x2800  }
0xd8: {  	_ =	swait.ge [sflag:s23], $0x2800  }
0xd9: {  	[sflag:s23] =	ssyncset.done $0x0  }
0xda: {  	[sflag:s23] =	ssyncadd.s32 $0xFFFFD800  }
0xdb: {  	s17 =	sadd.s32 $0x0, s22;
	[bflag:$0x0] =	sbarrier.arrive $0xFFFF  }
0xdc: {  	[tilespmem:s24], [sflag:$0x2] =	stream.linear.gather [hbm4b:s17+s2], $0x80, $0x38;
	[tilespmem:$0x19200] =	vst v63  }
0xdd: {  	_ =	swait.ge [sflag:s23], $0x80  }
0xde: {  	[sflag:s23] =	ssyncset.done $0x0  }
0xdf: {  	s18 =	sadd.s32 $0x0, s21;
	[sflag:s23] =	ssyncadd.s32 $0xFFFFFF80  }
0xe0: {  	[tilespmem:s25], [sflag:$0x2] =	stream.linear.gather [hbm4b:s18+s2], $0x80, $0x38;
	[tilespmem:$0x19200] =	vst v63  }
0xe1: {  	_ =	swait.ge [sflag:s23], $0x80  }
0xe2: {  	[sflag:s23] =	ssyncset.done $0x0  }
0xe3: {  	[sflag:s23] =	ssyncadd.s32 $0xFFFFFF80  }
0xe4: {  	[tilespmem:s28], [sflag:$0x1] =	stream.indirect.gather [hbm4b:s8+s26], $0x80, s24, s26, $0xb8;
	[tilespmem:$0x19200] =	vst v63  }
0xe5: {  	_ =	swait.ge [sflag:s29], $0x4000  }
0xe6: {  	[sflag:s29] =	ssyncset.done $0x0  }
0xe7: {  	[sflag:s29] =	ssyncadd.s32 $0xFFFFC000  }
0xe8: {  	[spmem:s1] =	stream.indirect.scatter.add.f32 [tilespmem:s28], [sflag:$0x2], $0x80, s25, s26, $0xb8;
	[tilespmem:$0x19200] =	vst v63  }
0xe9: {  	_ =	swait.ge [sflag:s23], $0x4000  }
0xea: {  	s15 =	simm.s32 $0x10;
	s17 =	simm.s32 $0x20;
	[sflag:s23] =	ssyncset.done $0x0  }
.LBB2_7:
0xeb: {  	s9 =	sadd.s32 s15, s22  }
0xec: {  	[sflag:s23] =	ssyncadd.s32 $0xFFFFC000;
	s12 =	smov.u32 s17;
	s18 =	sadd.s32 $0x10, s17  }
0xed: {  	[tilespmem:s24], [sflag:$0x2] =	stream.linear.gather [hbm4b:s9+s2], $0x80, $0x38;
	[tilespmem:$0x19200] =	vst v63  }
0xee: {  	p1 =	sne.s32 s17, $0x9B0;
	_ =	swait.ge [sflag:s23], $0x80  }
0xef: {  	[sflag:s23] =	ssyncset.done $0x0  }
0xf0: {  	s9 =	sadd.s32 s15, s21;
	s15 =	smov.u32 s12;
	[sflag:s23] =	ssyncadd.s32 $0xFFFFFF80  }
0xf1: {  	[tilespmem:s25], [sflag:$0x2] =	stream.linear.gather [hbm4b:s9+s2], $0x80, $0x38;
	[tilespmem:$0x19200] =	vst v63  }
0xf2: {  	_ =	swait.ge [sflag:s23], $0x80  }
0xf3: {  	[sflag:s23] =	ssyncset.done $0x0  }
0xf4: {  	[sflag:s23] =	ssyncadd.s32 $0xFFFFFF80  }
0xf5: {  	[tilespmem:s28], [sflag:$0x1] =	stream.indirect.gather [hbm4b:s8+s26], $0x80, s24, s26, $0xb8;
	[tilespmem:$0x19200] =	vst v63  }
0xf6: {  	_ =	swait.ge [sflag:s29], $0x4000  }
.Ltmp5:
0xf7: {  	[sflag:s29] =	ssyncset.done $0x0;
	(pc) =	sbr.rel @p1 .LBB2_7-.Ltmp5, $4  }
0xf8: {  	[sflag:s29] =	ssyncadd.s32 $0xFFFFC000  }
0xf9: {  	[spmem:s1] =	stream.indirect.scatter.add.f32 [tilespmem:s28], [sflag:$0x2], $0x80, s25, s26, $0xb8;
	[tilespmem:$0x19200] =	vst v63  }
0xfa: {  	_ =	swait.ge [sflag:s23], $0x4000  }
0xfb: {  	s17 =	smov.u32 s18;
	[sflag:s23] =	ssyncset.done $0x0  }
0xfc: {  	s9 =	sadd.s32 s15, s22;
	[sflag:s23] =	ssyncadd.s32 $0xFFFFC000  }
0xfd: {  	[tilespmem:s24], [sflag:$0x2] =	stream.linear.gather [hbm4b:s9+s2], $0x80, $0x38;
	[tilespmem:$0x19200] =	vst v63  }
0xfe: {  	_ =	swait.ge [sflag:s23], $0x80  }
0xff: {  	[sflag:s23] =	ssyncset.done $0x0  }
0x100: {  	s18 =	sadd.s32 s15, s21;
	[sflag:s23] =	ssyncadd.s32 $0xFFFFFF80  }
0x101: {  	[tilespmem:s25], [sflag:$0x2] =	stream.linear.gather [hbm4b:s18+s2], $0x80, $0x38;
	[tilespmem:$0x19200] =	vst v63  }
0x102: {  	_ =	swait.ge [sflag:s23], $0x80  }
0x103: {  	[sflag:s23] =	ssyncset.done $0x0  }
0x104: {  	[sflag:s23] =	ssyncadd.s32 $0xFFFFFF80  }
0x105: {  	[tilespmem:s28], [sflag:$0x1] =	stream.indirect.gather [hbm4b:s8+s26], $0x80, s24, s26, $0xb8;
	[tilespmem:$0x19200] =	vst v63  }
0x106: {  	_ =	swait.ge [sflag:s29], $0x4000  }
0x107: {  	[sflag:s29] =	ssyncset.done $0x0  }
.Ltmp6:
0x108: {  	[sflag:s29] =	ssyncadd.s32 $0xFFFFC000;
	(pc) =	sbr.rel .LBB2_14-.Ltmp6, $4  }
0x109: {  	[spmem:s1] =	stream.indirect.scatter.add.f32 [tilespmem:s28], [sflag:$0x2], $0x80, s25, s26, $0xb8;
	[tilespmem:$0x19200] =	vst v63  }
0x10a: {  	_ =	swait.ge [sflag:s23], $0x4000  }
0x10b: {  	[sflag:s23] =	ssyncset.done $0x0  }
0x10c: {  	s17 =	smov.u32 s8;
	s15 =	rddreg [dreg:$0x5];
	[sflag:s23] =	ssyncadd.s32 $0xFFFFC000  }
.LBB2_9:
0x10d: {  	s9 =	sadd.s32 $0x0, s22  }
0x10e: {  	[tilespmem:s24], [sflag:$0x2] =	stream.linear.gather [hbm4b:s9+s2], $0x80, $0x38;
	[tilespmem:$0x19200] =	vst v63  }
0x10f: {  	_ =	swait.ge [sflag:s23], $0x80  }
0x110: {  	[sflag:s23] =	ssyncset.done $0x0  }
0x111: {  	s18 =	sadd.s32 $0x0, s21;
	[sflag:s23] =	ssyncadd.s32 $0xFFFFFF80  }
0x112: {  	[tilespmem:s25], [sflag:$0x2] =	stream.linear.gather [hbm4b:s18+s2], $0x80, $0x38;
	[tilespmem:$0x19200] =	vst v63  }
0x113: {  	_ =	swait.ge [sflag:s23], $0x80  }
0x114: {  	[sflag:s23] =	ssyncset.done $0x0  }
0x115: {  	[sflag:s23] =	ssyncadd.s32 $0xFFFFFF80  }
0x116: {  	[tilespmem:s28], [sflag:$0x1] =	stream.indirect.gather [hbm4b:s5+s26], $0x80, s24, s26, $0xb8;
	[tilespmem:$0x19200] =	vst v63  }
0x117: {  	_ =	swait.ge [sflag:s29], $0x4000  }
0x118: {  	[sflag:s29] =	ssyncset.done $0x0  }
0x119: {  	[sflag:s29] =	ssyncadd.s32 $0xFFFFC000  }
0x11a: {  	[spmem:s1] =	stream.indirect.scatter.add.f32 [tilespmem:s28], [sflag:$0x2], $0x80, s25, s26, $0xb8;
	[tilespmem:$0x19200] =	vst v63  }
0x11b: {  	_ =	swait.ge [sflag:s23], $0x4000  }
0x11c: {  	s15 =	simm.s32 $0x10;
	s17 =	simm.s32 $0x20;
	[sflag:s23] =	ssyncset.done $0x0  }
.LBB2_10:
0x11d: {  	s9 =	sadd.s32 s15, s22  }
0x11e: {  	[sflag:s23] =	ssyncadd.s32 $0xFFFFC000;
	s12 =	smov.u32 s17;
	s18 =	sadd.s32 $0x10, s17  }
0x11f: {  	[tilespmem:s24], [sflag:$0x2] =	stream.linear.gather [hbm4b:s9+s2], $0x80, $0x38;
	[tilespmem:$0x19200] =	vst v63  }
0x120: {  	p1 =	seq.s32 s17, $0x9B0;
	_ =	swait.ge [sflag:s23], $0x80  }
0x121: {  	[sflag:s23] =	ssyncset.done $0x0  }
0x122: {  	s9 =	sadd.s32 s15, s21;
	s15 =	smov.u32 s12;
	[sflag:s23] =	ssyncadd.s32 $0xFFFFFF80  }
0x123: {  	[tilespmem:s25], [sflag:$0x2] =	stream.linear.gather [hbm4b:s9+s2], $0x80, $0x38;
	[tilespmem:$0x19200] =	vst v63  }
0x124: {  	_ =	swait.ge [sflag:s23], $0x80  }
0x125: {  	[sflag:s23] =	ssyncset.done $0x0  }
0x126: {  	[sflag:s23] =	ssyncadd.s32 $0xFFFFFF80  }
0x127: {  	[tilespmem:s28], [sflag:$0x1] =	stream.indirect.gather [hbm4b:s5+s26], $0x80, s24, s26, $0xb8;
	[tilespmem:$0x19200] =	vst v63  }
0x128: {  	_ =	swait.ge [sflag:s29], $0x4000  }
.Ltmp7:
0x129: {  	[sflag:s29] =	ssyncset.done $0x0;
	(pc) =	sbr.rel @!p1 .LBB2_10-.Ltmp7, $4  }
0x12a: {  	[sflag:s29] =	ssyncadd.s32 $0xFFFFC000  }
0x12b: {  	[spmem:s1] =	stream.indirect.scatter.add.f32 [tilespmem:s28], [sflag:$0x2], $0x80, s25, s26, $0xb8;
	[tilespmem:$0x19200] =	vst v63  }
0x12c: {  	_ =	swait.ge [sflag:s23], $0x4000  }
0x12d: {  	s17 =	smov.u32 s18;
	[sflag:s23] =	ssyncset.done $0x0  }
0x12e: {  	s9 =	sadd.s32 s15, s22;
	[sflag:s23] =	ssyncadd.s32 $0xFFFFC000  }
0x12f: {  	[tilespmem:s24], [sflag:$0x2] =	stream.linear.gather [hbm4b:s9+s2], $0x80, $0x38;
	[tilespmem:$0x19200] =	vst v63  }
0x130: {  	_ =	swait.ge [sflag:s23], $0x80  }
0x131: {  	[sflag:s23] =	ssyncset.done $0x0  }
0x132: {  	s18 =	sadd.s32 s15, s21;
	[sflag:s23] =	ssyncadd.s32 $0xFFFFFF80  }
0x133: {  	[tilespmem:s25], [sflag:$0x2] =	stream.linear.gather [hbm4b:s18+s2], $0x80, $0x38;
	[tilespmem:$0x19200] =	vst v63  }
0x134: {  	_ =	swait.ge [sflag:s23], $0x80  }
0x135: {  	[sflag:s23] =	ssyncset.done $0x0  }
0x136: {  	[sflag:s23] =	ssyncadd.s32 $0xFFFFFF80  }
0x137: {  	[tilespmem:s28], [sflag:$0x1] =	stream.indirect.gather [hbm4b:s5+s26], $0x80, s24, s26, $0xb8;
	[tilespmem:$0x19200] =	vst v63  }
0x138: {  	_ =	swait.ge [sflag:s29], $0x4000  }
0x139: {  	[sflag:s29] =	ssyncset.done $0x0  }
0x13a: {  	[sflag:s29] =	ssyncadd.s32 $0xFFFFC000  }
0x13b: {  	[spmem:s1] =	stream.indirect.scatter.add.f32 [tilespmem:s28], [sflag:$0x2], $0x80, s25, s26, $0xb8;
	[tilespmem:$0x19200] =	vst v63  }
0x13c: {  	_ =	swait.ge [sflag:s23], $0x4000  }
0x13d: {  	[sflag:s23] =	ssyncset.done $0x0  }
0x13e: {  	s12 =	simm.s32 $0x0;
	[sflag:s23] =	ssyncadd.s32 $0xFFFFC000  }
0x13f: {  	[tilespmem:s30], [sflag:$0x2] =	stream.linear.gather [hbm4b:s14+s12], $0x20, $0x38;
	[tilespmem:$0x19200] =	vst v63  }
0x140: {  	_ =	swait.ge [sflag:s23], $0x20  }
0x141: {  	[sflag:s23] =	ssyncset.done $0x0  }
0x142: {  	[sflag:s23] =	ssyncadd.s32 $0xFFFFFFE0  }
0x143: {  	[tilespmem:s31], [sflag:$0x2] =	stream.linear.gather [hbm4b:s16+s12], $0x20, $0x38;
	[tilespmem:$0x19200] =	vst v63  }
0x144: {  	_ =	swait.ge [sflag:s23], $0x20  }
0x145: {  	[sflag:s23] =	ssyncset.done $0x0  }
0x146: {  	[sflag:s23] =	ssyncadd.s32 $0xFFFFFFE0  }
0x147: {  	[tilespmem:s3], [sflag:$0x1] =	stream.indirect.gather [hbm4b:s5+s0], $0x80, s30, s0, $0xb8;
	[tilespmem:$0x19200] =	vst v63  }
0x148: {  	_ =	swait.ge [sflag:s29], $0x1000  }
0x149: {  	[sflag:s29] =	ssyncset.done $0x0  }
0x14a: {  	[sflag:s29] =	ssyncadd.s32 $0xFFFFF000  }
0x14b: {  	[spmem:s1] =	stream.indirect.scatter.add.f32 [tilespmem:s3], [sflag:$0x2], $0x80, s31, s0, $0xb8;
	[tilespmem:$0x19200] =	vst v63  }
0x14c: {  	_ =	swait.ge [sflag:s23], $0x1000  }
0x14d: {  	[sflag:s23] =	ssyncset.done $0x0  }
0x14e: {  	[sflag:s23] =	ssyncadd.s32 $0xFFFFF000  }
0x14f: {  	[bflag:$0x0] =	sbarrier.arrive $0xFFFF  }
0x150: {  	s15 =	rddreg [dreg:$0x7]  }
0x151: {  	[hbm:s15], [sflag:s20] =	dma.local [spmem:s11], $0x2800  }
0x152: {  	_ =	swait.ge [sflag:s23], $0x2800  }
0x153: {  	[sflag:s23] =	ssyncset.done $0x0  }
0x154: {  	[sflag:s23] =	ssyncadd.s32 $0xFFFFD800  }
0x155: {  	[spmem:s11], [sflag:s20] =	dma.local [hbm:s13], $0x2800  }
0x156: {  	_ =	swait.ge [sflag:s23], $0x2800  }
0x157: {  	[sflag:s23] =	ssyncset.done $0x0  }
0x158: {  	[sflag:s23] =	ssyncadd.s32 $0xFFFFD800  }
0x159: {  	s17 =	sadd.s32 $0x0, s22;
	[bflag:$0x0] =	sbarrier.arrive $0xFFFF  }
0x15a: {  	[tilespmem:s24], [sflag:$0x2] =	stream.linear.gather [hbm4b:s17+s2], $0x80, $0x38;
	[tilespmem:$0x19200] =	vst v63  }
0x15b: {  	_ =	swait.ge [sflag:s23], $0x80  }
0x15c: {  	[sflag:s23] =	ssyncset.done $0x0  }
0x15d: {  	s18 =	sadd.s32 $0x0, s21;
	[sflag:s23] =	ssyncadd.s32 $0xFFFFFF80  }
0x15e: {  	[tilespmem:s25], [sflag:$0x2] =	stream.linear.gather [hbm4b:s18+s2], $0x80, $0x38;
	[tilespmem:$0x19200] =	vst v63  }
0x15f: {  	_ =	swait.ge [sflag:s23], $0x80  }
0x160: {  	[sflag:s23] =	ssyncset.done $0x0  }
0x161: {  	[sflag:s23] =	ssyncadd.s32 $0xFFFFFF80  }
0x162: {  	[tilespmem:s28], [sflag:$0x1] =	stream.indirect.gather [hbm4b:s7+s26], $0x80, s24, s26, $0xb8;
	[tilespmem:$0x19200] =	vst v63  }
0x163: {  	_ =	swait.ge [sflag:s29], $0x4000  }
0x164: {  	[sflag:s29] =	ssyncset.done $0x0  }
0x165: {  	[sflag:s29] =	ssyncadd.s32 $0xFFFFC000  }
0x166: {  	[spmem:s1] =	stream.indirect.scatter.add.f32 [tilespmem:s28], [sflag:$0x2], $0x80, s25, s26, $0xb8;
	[tilespmem:$0x19200] =	vst v63  }
0x167: {  	_ =	swait.ge [sflag:s23], $0x4000  }
0x168: {  	s15 =	simm.s32 $0x10;
	s17 =	simm.s32 $0x20;
	[sflag:s23] =	ssyncset.done $0x0  }
.LBB2_12:
0x169: {  	s9 =	sadd.s32 s15, s22  }
0x16a: {  	[sflag:s23] =	ssyncadd.s32 $0xFFFFC000;
	s12 =	smov.u32 s17;
	s18 =	sadd.s32 $0x10, s17  }
0x16b: {  	[tilespmem:s24], [sflag:$0x2] =	stream.linear.gather [hbm4b:s9+s2], $0x80, $0x38;
	[tilespmem:$0x19200] =	vst v63  }
0x16c: {  	p1 =	seq.s32 s17, $0x9B0;
	_ =	swait.ge [sflag:s23], $0x80  }
0x16d: {  	[sflag:s23] =	ssyncset.done $0x0  }
0x16e: {  	s9 =	sadd.s32 s15, s21;
	s15 =	smov.u32 s12;
	[sflag:s23] =	ssyncadd.s32 $0xFFFFFF80  }
0x16f: {  	[tilespmem:s25], [sflag:$0x2] =	stream.linear.gather [hbm4b:s9+s2], $0x80, $0x38;
	[tilespmem:$0x19200] =	vst v63  }
0x170: {  	_ =	swait.ge [sflag:s23], $0x80  }
0x171: {  	[sflag:s23] =	ssyncset.done $0x0  }
0x172: {  	[sflag:s23] =	ssyncadd.s32 $0xFFFFFF80  }
0x173: {  	[tilespmem:s28], [sflag:$0x1] =	stream.indirect.gather [hbm4b:s7+s26], $0x80, s24, s26, $0xb8;
	[tilespmem:$0x19200] =	vst v63  }
0x174: {  	_ =	swait.ge [sflag:s29], $0x4000  }
.Ltmp8:
0x175: {  	[sflag:s29] =	ssyncset.done $0x0;
	(pc) =	sbr.rel @!p1 .LBB2_12-.Ltmp8, $4  }
0x176: {  	[sflag:s29] =	ssyncadd.s32 $0xFFFFC000  }
0x177: {  	[spmem:s1] =	stream.indirect.scatter.add.f32 [tilespmem:s28], [sflag:$0x2], $0x80, s25, s26, $0xb8;
	[tilespmem:$0x19200] =	vst v63  }
0x178: {  	_ =	swait.ge [sflag:s23], $0x4000  }
0x179: {  	s17 =	smov.u32 s18;
	[sflag:s23] =	ssyncset.done $0x0  }
.Ltmp9:
0x17a: {  	_ = 	snop;
	(pc) =	sbr.rel .LBB2_13-.Ltmp9, $1  }
0x17b: {  	_ =	sdelay $0x3  }
.LBB2_15:
0x17c: {  	_ =	sfence.sel $0x180000  }
0x17d: {  	[bflag:$0x0] =	sbarrier.arrive $0xFFFF  }
0x17e: {  	_ =	strace $0x9000004A  }
0x17f: {  	s0 =	stileid.u32;
	[bflag:$0x2] =	sbarrier.arrive $0xFFFF  }
0x180: {  	p0 =	sne.s32 s0, $0x0;
	s0 =	rddreg [dreg:$0x2]  }
0x181: {  	s0 =	sadd.s32 @!p0 $0x100000, s0  }
0x182: {  	[sflag:s0] =	ssyncadd.tile.s32 @!p0 $0x1;
	_ =	shalt  }
.Lfunc_end2:
_tile_overlayer_lowered:
.L_overlay_start_2:
0x183: {  	(tag) =	ssettag $0x2  }
0x184: {  	s0 =	rddreg [dreg:$0x0];
	s2 =	stileid.u32  }
0x185: {  	s1 =	rddreg [dreg:$0x1];
	p0 =	sne.s32 s2, $0x0  }
0x186: {  	s3 =	rddreg [dreg:$0x2];
	[bflag:$0x3] =	sbarrier.arrive $0xFFFF;
	s2 =	simm.s32 @!p0 $0x1C02  }
0x187: {  	[timem:s3], [sflag:s2] =	dma.local @!p0 [hbm:s0], s1  }
0x188: {  	s0 =	simm.s32 @!p0 $0x2  }
0x189: {  	_ =	swait.ge @!p0 [sflag:s0], s1  }
0x18a: {  	s1 =	ssub.s32 @!p0 $0x0, s1;
	[sflag:s0] =	ssyncset.done @!p0 $0x0  }
0x18b: {  	[sflag:s0] =	ssyncadd.s32 @!p0 s1  }
0x18c: {  	[bflag:$0x3] =	sbarrier.arrive $0xFFFF  }
0x18d: {  	_ =	shalt  }

// kernel: kernel.28.cloned.1.call-start
scs
__scs_entry_jumppad:
0x0: {  	(pc) =	sbr.rel $0x88, $3  }
0x1: {  	(tag) =	ssettag $0x0;
	lr =	simm.s32 $0x1  }
0x2: {  	[smem:$0x3F7F] =	sst lr;
	_ =	strace $0xD0000000  }
0x3: {  	_ = 	snop  }
0x4: {  	_ = 	snop  }
0x5: {  	_ = 	snop  }
0x6: {  	_ = 	snop  }
0x7: {  	_ = 	snop  }
__scs_overlays_trampoline_lowered:
0x8: {  	[smem:$0x3F8E] =	sst s0  }
0x9: {  	[smem:$0x3F8F] =	sst s1  }
0xa: {  	[smem:$0x3F90] =	sst s2  }
0xb: {  	[smem:$0x3F91] =	sst s3  }
0xc: {  	[smem:$0x3F92] =	sst s4  }
0xd: {  	[smem:$0x3F93] =	sst s5  }
0xe: {  	[smem:$0x3F94] =	sst s6  }
0xf: {  	[smem:$0x3F95] =	sst s7  }
0x10: {  	[smem:$0x3F96] =	sst s8  }
0x11: {  	[smem:$0x3F97] =	sst s9;
	s0 =	simm.s32 @!p0 $0x0  }
0x12: {  	s1 =	sld [smem:$0x3F7D];
	s0 =	simm.s32 @p0 $0x1  }
0x13: {  	[smem:$0x3F98] =	sst s0;
	s0 =	simm.s32 @!p1 $0x0  }
0x14: {  	s2 =	sld [smem:$0x3F7C];
	s0 =	simm.s32 @p1 $0x1  }
0x15: {  	[smem:$0x3F99] =	sst s0;
	s0 =	simm.s32 @!p2 $0x0  }
0x16: {  	s3 =	sld [smem:$0x3FDB];
	s0 =	simm.s32 @p2 $0x1  }
0x17: {  	s4 =	simm.s32 $0x1BF5;
	[smem:$0x3F9B] =	sst s0  }
0x18: {  	s0 =	sld [smem:$0x3F7E];
	_ =	swait.ge [sflag:s4], $0x0  }
0x19: {  	s7 =	sld [smem:$0x3F7F]  }
0x1a: {  	s8 =	sadd.s32 $0xFFFFE003, lr  }
0x1b: {  	s9 =	sadd.s32 $0xFFFFFEF7, lr;
	s5 =	simm.s32 $0xFFFFFFFF;
	p2 =	slt.u32 s8, $0xFFFFF086  }
0x1c: {  	p1 =	slt.u32 s9, $0xF7A;
	s5 =	simm.s32 @!p2 $0x0  }
0x1d: {  	s5 =	simm.s32 @p1 $0x1;
	p0 =	seq.s32 s7, s2  }
0x1e: {  	s7 =	smul.u32 @!p0 $0xF7A, s2;
	p2 =	seq.s32 @!p0 s5, $0x0  }
0x1f: {  	s9 =	smul.u32 $0xF7A, s1;
	s8 =	simm.s32 @!p0 $0x1BF5;
	p2 =	por !p2, p0  }
0x20: {  	[sflag:s8] =	ssyncset.s32 @!p0 $0xFFFFF086;
	s6 =	sadd.s32 @!p0 s3, s7;
	s7 =	simm.s32 @!p0 $0x108  }
0x21: {  	s3 =	sadd.s32 s3, s9;
	s6 =	sadd.s32 @!p0 $0x88, s6;
	s7 =	simm.s32 @p2 $0x1082  }
0x22: {  	[simem:s7], [sflag:s8] =	dma.local @!p0 [hbm:s6], $0xF7A  }
0x23: {  	s9 =	sor.u32 $0xD0000000, s2;
	s6 =	simm.s32 $0x108;
	_ =	swait.ge @!p0 [sflag:s8], $0x0  }
0x24: {  	s3 =	sadd.s32 $0x88, s3;
	s6 =	simm.s32 @!p1 $0x1082;
	[sflag:s4] =	ssyncset.s32 $0xFFFFF086  }
0x25: {  	[simem:s6], [sflag:s4] =	dma.local [hbm:s3], $0xF7A  }
0x26: {  	[smem:$0x3F7F] =	sst s1;
	(tag) =	ssettag s2;
	_ =	strace s9  }
0x27: {  	s1 =	sld [smem:$0x3F8F]  }
0x28: {  	s2 =	sld [smem:$0x3F90]  }
0x29: {  	s4 =	sld [smem:$0x3F92]  }
0x2a: {  	p0 =	seq.s32 s5, $0x0;
	s5 =	sld [smem:$0x3F93]  }
0x2b: {  	s6 =	sld [smem:$0x3F94]  }
0x2c: {  	s7 =	sld [smem:$0x3F95]  }
0x2d: {  	s3 =	simm.s32 $0x108;
	s8 =	sld [smem:$0x3F96]  }
0x2e: {  	s3 =	simm.s32 @!p0 $0x1082;
	s9 =	sld [smem:$0x3F97]  }
0x2f: {  	lr =	sadd.s32 s0, s3;
	s0 =	sld [smem:$0x3F8E]  }
0x30: {  	s3 =	sld [smem:$0x3F91]  }
0x31: {  	[smem:$0x3F9A] =	sst s10  }
0x32: {  	s10 =	sld [smem:$0x3F98];
	_ =	sdelay $0x3  }
0x33: {  	p0 =	seq.s32 s10, $0x1;
	s10 =	sld [smem:$0x3F9A];
	_ =	sdelay $0x3  }
0x34: {  	[smem:$0x3F9A] =	sst s10  }
0x35: {  	s10 =	sld [smem:$0x3F99];
	_ =	sdelay $0x3  }
0x36: {  	p1 =	seq.s32 s10, $0x1;
	s10 =	sld [smem:$0x3F9A];
	_ =	sdelay $0x3  }
0x37: {  	[smem:$0x3F9A] =	sst s10  }
0x38: {  	s10 =	sld [smem:$0x3F9B]  }
0x39: {  	_ = 	snop;
	(pc) =	sbr.ind lr, $3  }
0x3a: {  	_ = 	snop  }
0x3b: {  	_ = 	snop  }
0x3c: {  	p2 =	seq.s32 s10, $0x1;
	s10 =	sld [smem:$0x3F9A]  }
0x3d: {  	_ =	shalt  }
0x3e: {  	_ =	shalt  }
0x3f: {  	_ =	shalt  }
0x40: {  	_ =	shalt  }
0x41: {  	_ =	shalt  }
0x42: {  	_ =	shalt  }
0x43: {  	_ =	shalt  }
0x44: {  	_ =	shalt  }
0x45: {  	_ =	shalt  }
0x46: {  	_ =	shalt  }
0x47: {  	_ =	shalt  }
0x48: {  	_ =	shalt  }
0x49: {  	_ =	shalt  }
0x4a: {  	_ =	shalt  }
0x4b: {  	_ =	shalt  }
0x4c: {  	_ =	shalt  }
0x4d: {  	_ =	shalt  }
0x4e: {  	_ =	shalt  }
0x4f: {  	_ =	shalt  }
0x50: {  	_ =	shalt  }
0x51: {  	_ =	shalt  }
0x52: {  	_ =	shalt  }
0x53: {  	_ =	shalt  }
0x54: {  	_ =	shalt  }
0x55: {  	_ =	shalt  }
0x56: {  	_ =	shalt  }
0x57: {  	_ =	shalt  }
0x58: {  	_ =	shalt  }
0x59: {  	_ =	shalt  }
0x5a: {  	_ =	shalt  }
0x5b: {  	_ =	shalt  }
0x5c: {  	_ =	shalt  }
0x5d: {  	_ =	shalt  }
0x5e: {  	_ =	shalt  }
0x5f: {  	_ =	shalt  }
0x60: {  	_ =	shalt  }
0x61: {  	_ =	shalt  }
0x62: {  	_ =	shalt  }
0x63: {  	_ =	shalt  }
0x64: {  	_ =	shalt  }
0x65: {  	_ =	shalt  }
0x66: {  	_ =	shalt  }
0x67: {  	_ =	shalt  }
0x68: {  	_ =	shalt  }
0x69: {  	_ =	shalt  }
0x6a: {  	_ =	shalt  }
0x6b: {  	_ =	shalt  }
0x6c: {  	_ =	shalt  }
0x6d: {  	_ =	shalt  }
0x6e: {  	_ =	shalt  }
0x6f: {  	_ =	shalt  }
0x70: {  	_ =	shalt  }
0x71: {  	_ =	shalt  }
0x72: {  	_ =	shalt  }
0x73: {  	_ =	shalt  }
0x74: {  	_ =	shalt  }
0x75: {  	_ =	shalt  }
0x76: {  	_ =	shalt  }
0x77: {  	_ =	shalt  }
0x78: {  	_ =	shalt  }
0x79: {  	_ =	shalt  }
0x7a: {  	_ =	shalt  }
0x7b: {  	_ =	shalt  }
0x7c: {  	_ =	shalt  }
0x7d: {  	_ =	shalt  }
0x7e: {  	_ =	shalt  }
0x7f: {  	_ =	shalt  }
0x80: {  	_ =	shalt  }
0x81: {  	_ =	shalt  }
0x82: {  	_ =	shalt  }
0x83: {  	_ =	shalt  }
0x84: {  	_ =	shalt  }
0x85: {  	_ =	shalt  }
0x86: {  	_ =	shalt  }
0x87: {  	_ =	shalt  }
.Lfunc_end0:
.L_simem_size_0:
called_computation.2_lowered:
.L_overlay_start_0:
0x88: {  	s2 =	sld [smem:$0x3FD9]  }
0x89: {  	s3 =	sld [smem:$0x3FFE];
	_ =	sdelay $0x1  }
0x8a: {  	s1 =	srdreg.scid  }
0x8b: {  	s0 =	sand.u32 $0x1, s1  }
0x8c: {  	s16 =	sshll.u32 s0, $0xA;
	s2 =	sadd.s32 s3, s2  }
0x8d: {  	s2 =	sadd.s32 s2, s16  }
0x8e: {  	[smem:$0x3FA6] =	sst s2  }
0x8f: {  	_ = 	snop  }
0x90: {  	(tm) =	ssettm $0x1  }
0x91: {  	s17 =	sld [smem:$0x3FFB];
	_ =	sdelay $0x3  }
0x92: {  	_ =	strace s17  }
0x93: {  	s2 =	sld [smem:$0x3FFC];
	_ =	sdelay $0x3  }
0x94: {  	_ =	strace s2  }
0x95: {  	s2 =	sld [smem:$0x3FFD];
	_ =	sdelay $0x3  }
0x96: {  	_ =	strace s2  }
0x97: {  	_ =	strace $0x8FFFFFFF  }
0x98: {  	s18 =	sld [smem:$0x3FDB];
	_ =	sdelay $0x1  }
0x99: {  	s19 =	simm.s32 $_scs_section_size  }
0x9a: {  	s4 =	simm.s32 $_size__tile_overlayer_lowered;
	s5 =	simm.s32 $_tile_overlayer_lowered  }
0x9b: {  	s22 =	simm.s32 $0x1BFF;
	s21 =	sshll.u32 s5, $0x1;
	s2 =	sadd.s32 s19, s18  }
0x9c: {  	s6 =	simm.s32 $0x0;
	s20 =	sshll.u32 s4, $0x1;
	s4 =	sadd.s32 s21, s2  }
0x9d: {  	[timem:s6], [sflag:s22] =	dma.local [hbm:s4], s20  }
0x9e: {  	_ =	swait.ge [sflag:s22], s20  }
0x9f: {  	s3 =	ssub.s32 $0x0, s20;
	[sflag:s22] =	ssyncset.done $0x0  }
0xa0: {  	[sflag:s22] =	ssyncadd.s32 s3;
	_ =	sdelay $0x1  }
0xa1: {  	s23 =	simm.s32 $0x1B8B  }
0xa2: {  	_ =	swait.ge [sflag:s23], $0x1  }
0xa3: {  	[sflag:s23] =	ssyncset.done $0x0  }
0xa4: {  	s25 =	simm.s32 $0x1B8E;
	s24 =	sld [smem:$0x3FFE];
	[sflag:s23] =	ssyncadd.s32 $0xFFFFFFFF  }
0xa5: {  	s26 =	simm.s32 $execute0_lowered;
	[smem:$0x3FD2] =	sst s25  }
0xa6: {  	s4 =	sshll.u32 s26, $0x1;
	_ =	strace $0x8000004C;
	[dreg:$0x1] =	wrdreg $0xFFFFFFFF  }
0xa7: {  	s28 =	simm.s32 $_size_execute0_lowered;
	s2 =	sadd.s32 s2, s4;
	[dreg:$0x0] =	wrdreg $0x0  }
0xa8: {  	s4 =	sshll.u32 s28, $0x1;
	[dreg:$0x2] =	wrdreg s2  }
0xa9: {  	[dreg:$0x3] =	wrdreg s4  }
0xaa: {  	[dreg:$0x4] =	wrdreg $0xC0  }
0xab: {  	_ =	task [dreg:s6], $0x5FFFF  }
0xac: {  	[dreg:$0x1] =	wrdreg $0xFFFFFFFF  }
0xad: {  	[dreg:$0x0] =	wrdreg $0x60  }
0xae: {  	[dreg:$0x2] =	wrdreg s24  }
0xaf: {  	[dreg:$0x3] =	wrdreg $0x0  }
0xb0: {  	[dreg:$0x4] =	wrdreg $0x9  }
0xb1: {  	_ =	task.clear_ibuf [dreg:s6], $0x5FFFF;
	_ =	strace $0x9000004C  }
0xb2: {  	s29 =	simm.s32 $0x9;
	_ =	strace $0x8000004E  }
0xb3: {  	_ =	swait.ge [sflag:s29], $0x1  }
0xb4: {  	[sflag:s29] =	ssyncadd.s32 $0xFFFFFFFF  }
0xb5: {  	_ =	strace $0x9000004E  }
0xb6: {  	_ =	sfence  }
0xb7: {  	s30 =	sld [smem:$0x0];
	_ =	sdelay $0x2  }
0xb8: {  	s31 =	sshll.u32 s1, $0xD;
	s1 =	sshrl.u32 s1, $0x2  }
0xb9: {  	s3 =	sand.u32 $0x4000, s31;
	s1 =	sadd.s32 s1, s30  }
0xba: {  	s0 =	sor.u32 s3, s0;
	s1 =	sshll.u32 s1, $0x11  }
0xbb: {  	s0 =	sor.u32 s1, s0  }
0xbc: {  	s0 =	sadd.s32 $0x8F2B, s0  }
0xbd: {  	[sflag:s0] =	ssyncadd.remote.s32 $0x1  }
0xbe: {  	_ =	sfence.sel $0xFFFF  }
0xbf: {  	[dreg:$0x0] =	wrdreg $0xFFFFFFFF;
	(pc) =	sbr.abs _section_cstart, $3  }
0xc0: {  	[dreg:$0x1] =	wrdreg $0xFFFFFFFF  }
0xc1: {  	_ =	task.clear_ibuf [dreg:s6], $0x2FFFF;
	_ =	strace $0x9FFFFFFF  }
0xc2: {  	(tm) =	ssettm $0x7FFFFFFF  }
0xc3: {  	_ =	shalt  }
tec
execute0_lowered:
.L_overlay_start_1:
0x0: {  	(tag) =	ssettag $0x1  }
0x1: {  	s0 =	rddreg [dreg:$0x0]  }
0x2: {  	s1 =	rddreg [dreg:$0x1];
	s2 =	simm.s32 $0x0  }
0x3: {  	s9 =	stileid.u32;
	s11 =	srdreg.scid;
	s28 =	simm.s32 $0x14100  }
0x4: {  	s29 =	simm.s32 $0x1;
	s30 =	simm.s32 $0x18100;
	s31 =	simm.s32 $0x18180  }
0x5: {  	[smem:$0x7FF] =	sst s2;
	s4 =	sadd.s32 $0x1E800, s0;
	s5 =	sadd.s32 $0x6E800, s0  }
0x6: {  	s6 =	sadd.s32 $0x96800, s0;
	s7 =	sadd.s32 $0xBE800, s0;
	s13 =	smul.u32 $0x2800, s9  }
0x7: {  	s8 =	sadd.s32 $0x10E800, s0;
	s3 =	sadd.s32 $0x14A00, s0;
	s12 =	smul.u32 $0x50000, s9  }
0x8: {  	s10 =	sadd.s32 $0xAC00, s0;
	s11 =	sand.u32 $0x1, s11;
	s20 =	smul.u32 $0x4E20, s9  }
0x9: {  	s14 =	sadd.s32 $0x186800, s0;
	s17 =	smul.u32 $0x9C4, s9;
	s26 =	sshll.u32 s9, $0x6  }
0xa: {  	_ =	strace $0x8000004D;
	[dreg:$0x4] =	wrdreg s14;
	s21 =	ssub.s32 $0x2, s11  }
0xb: {  	p0 =	sne.s32 s11, $0x0;
	[dreg:$0x3] =	wrdreg s13;
	s16 =	sadd.s32 s13, s0  }
0xc: {  	s0 =	sadd.s32 $0x1AE800, s0;
	s22 =	sshrl.u32 s21, $0x1;
	s12 =	sshrl.u32 s12, $0x2  }
0xd: {  	s13 =	sshrl.u32 s20, $0x3;
	s20 =	sor.u32 $0x1C02, s26;
	s26 =	simm.s32 $0x80  }
0xe: {  	[dreg:$0x5] =	wrdreg s0;
	s0 =	ssub.s32 s21, s22;
	s12 =	sadd.s32 s12, s1  }
0xf: {  	s15 =	sadd.s32 $0x9C0, s13;
	s13 =	sadd.s32 $0x46800, s16;
	s23 =	sadd.s32 $0x136800, s16  }
0x10: {  	s24 =	sadd.s32 $0xE6800, s16;
	s25 =	sadd.s32 $0x15E800, s16;
	[dreg:$0x6] =	wrdreg s12  }
.Ltmp0:
0x11: {  	s21 =	sadd.s32 s17, s10;
	[dreg:$0x7] =	wrdreg s23;
	(pc) =	sbr.rel .LBB2_1-.Ltmp0, $4  }
0x12: {  	s22 =	sadd.s32 s17, s3;
	s14 =	sadd.s32 s3, s15;
	[dreg:$0x8] =	wrdreg s24  }
0x13: {  	s15 =	sadd.s32 s10, s15;
	[dreg:$0x9] =	wrdreg s25;
	s19 =	smax.u32 s0, $0x1  }
0x14: {  	s23 =	simm.s32 $0x2;
	s24 =	simm.s32 $0x14000;
	s25 =	simm.s32 $0x14080  }
0x15: {  	s0 =	simm.s32 $0x20;
	s3 =	simm.s32 $0x18200;
	s10 =	simm.s32 $0x0  }
.LBB2_13:
0x16: {  	s9 =	sadd.s32 s16, s22;
	[sflag:s23] =	ssyncadd.s32 $0xFFFFC000  }
0x17: {  	[tilespmem:s24], [sflag:$0x2] =	stream.linear.gather [hbm4b:s9+s2], $0x80, $0x38;
	[tilespmem:$0x19200] =	vst v63  }
0x18: {  	_ =	swait.ge [sflag:s23], $0x80  }
0x19: {  	[sflag:s23] =	ssyncset.done $0x0  }
0x1a: {  	s18 =	sadd.s32 s16, s21;
	[sflag:s23] =	ssyncadd.s32 $0xFFFFFF80  }
0x1b: {  	[tilespmem:s25], [sflag:$0x2] =	stream.linear.gather [hbm4b:s18+s2], $0x80, $0x38;
	[tilespmem:$0x19200] =	vst v63  }
0x1c: {  	_ =	swait.ge [sflag:s23], $0x80  }
0x1d: {  	[sflag:s23] =	ssyncset.done $0x0  }
0x1e: {  	[sflag:s23] =	ssyncadd.s32 $0xFFFFFF80  }
0x1f: {  	[tilespmem:s28], [sflag:$0x1] =	stream.indirect.gather [hbm4b:s7+s26], $0x80, s24, s26, $0xb8;
	[tilespmem:$0x19200] =	vst v63  }
0x20: {  	_ =	swait.ge [sflag:s29], $0x4000  }
0x21: {  	[sflag:s29] =	ssyncset.done $0x0  }
0x22: {  	[sflag:s29] =	ssyncadd.s32 $0xFFFFC000  }
0x23: {  	[spmem:s1] =	stream.indirect.scatter.add.f32 [tilespmem:s28], [sflag:$0x2], $0x80, s25, s26, $0xb8;
	[tilespmem:$0x19200] =	vst v63  }
0x24: {  	_ =	swait.ge [sflag:s23], $0x4000  }
0x25: {  	[sflag:s23] =	ssyncset.done $0x0  }
0x26: {  	s17 =	smov.u32 s7;
	s16 =	rddreg [dreg:$0x4];
	[sflag:s23] =	ssyncadd.s32 $0xFFFFC000  }
.LBB2_14:
0x27: {  	[tilespmem:s30], [sflag:$0x2] =	stream.linear.gather [hbm4b:s14+s2], $0x20, $0x38;
	[tilespmem:$0x19200] =	vst v63  }
0x28: {  	_ =	swait.ge [sflag:s23], $0x20  }
0x29: {  	[sflag:s23] =	ssyncset.done $0x0  }
0x2a: {  	[sflag:s23] =	ssyncadd.s32 $0xFFFFFFE0  }
0x2b: {  	[tilespmem:s31], [sflag:$0x2] =	stream.linear.gather [hbm4b:s15+s2], $0x20, $0x38;
	[tilespmem:$0x19200] =	vst v63  }
0x2c: {  	_ =	swait.ge [sflag:s23], $0x20  }
0x2d: {  	[sflag:s23] =	ssyncset.done $0x0  }
0x2e: {  	[sflag:s23] =	ssyncadd.s32 $0xFFFFFFE0  }
0x2f: {  	[tilespmem:s3], [sflag:$0x1] =	stream.indirect.gather [hbm4b:s17+s0], $0x80, s30, s0, $0xb8;
	[tilespmem:$0x19200] =	vst v63  }
0x30: {  	_ =	swait.ge [sflag:s29], $0x1000  }
0x31: {  	[sflag:s29] =	ssyncset.done $0x0  }
0x32: {  	[sflag:s29] =	ssyncadd.s32 $0xFFFFF000  }
0x33: {  	[spmem:s1] =	stream.indirect.scatter.add.f32 [tilespmem:s3], [sflag:$0x2], $0x80, s31, s0, $0xb8;
	[tilespmem:$0x19200] =	vst v63  }
0x34: {  	_ =	swait.ge [sflag:s23], $0x1000  }
0x35: {  	s10 =	sadd.s32 $0x1, s10;
	[sflag:s23] =	ssyncset.done $0x0  }
0x36: {  	p1 =	sne.s32 s10, s19;
	s9 =	rddreg [dreg:$0x3];
	[sflag:s23] =	ssyncadd.s32 $0xFFFFF000  }
.Ltmp1:
0x37: {  	s9 =	sadd.s32 s16, s9;
	[bflag:$0x0] =	sbarrier.arrive $0xFFFF;
	(pc) =	sbr.rel @!p1 .LBB2_15-.Ltmp1, $4  }
0x38: {  	[hbm:s9], [sflag:s20] =	dma.local [spmem:s11], $0x2800  }
0x39: {  	_ =	swait.ge [sflag:s23], $0x2800  }
0x3a: {  	[sflag:s23] =	ssyncset.done $0x0  }
0x3b: {  	[sflag:s23] =	ssyncadd.s32 $0xFFFFD800  }
.LBB2_1:
0x3c: {  	s9 =	rddreg [dreg:$0x6]  }
0x3d: {  	s11 =	sshrl.u32 s9, $0x3  }
0x3e: {  	[spmem:s11], [sflag:s20] =	dma.local [hbm:s13], $0x2800  }
.Ltmp2:
0x3f: {  	_ =	swait.ge [sflag:s23], $0x2800;
	(pc) =	sbr.rel @p0 .LBB2_9-.Ltmp2, $3  }
0x40: {  	[sflag:s23] =	ssyncset.done $0x0  }
0x41: {  	[sflag:s23] =	ssyncadd.s32 $0xFFFFD800  }
0x42: {  	[bflag:$0x0] =	sbarrier.arrive $0xFFFF;
	_ =	sdelay $0x1  }
0x43: {  	s16 =	sadd.s32 $0x0, s22  }
0x44: {  	[tilespmem:s24], [sflag:$0x2] =	stream.linear.gather [hbm4b:s16+s2], $0x80, $0x38;
	[tilespmem:$0x19200] =	vst v63  }
0x45: {  	_ =	swait.ge [sflag:s23], $0x80  }
0x46: {  	[sflag:s23] =	ssyncset.done $0x0  }
0x47: {  	s18 =	sadd.s32 $0x0, s21;
	[sflag:s23] =	ssyncadd.s32 $0xFFFFFF80  }
0x48: {  	[tilespmem:s25], [sflag:$0x2] =	stream.linear.gather [hbm4b:s18+s2], $0x80, $0x38;
	[tilespmem:$0x19200] =	vst v63  }
0x49: {  	_ =	swait.ge [sflag:s23], $0x80  }
0x4a: {  	[sflag:s23] =	ssyncset.done $0x0  }
0x4b: {  	[sflag:s23] =	ssyncadd.s32 $0xFFFFFF80  }
0x4c: {  	[tilespmem:s28], [sflag:$0x1] =	stream.indirect.gather [hbm4b:s4+s26], $0x80, s24, s26, $0xb8;
	[tilespmem:$0x19200] =	vst v63  }
0x4d: {  	_ =	swait.ge [sflag:s29], $0x4000  }
0x4e: {  	[sflag:s29] =	ssyncset.done $0x0  }
0x4f: {  	[sflag:s29] =	ssyncadd.s32 $0xFFFFC000  }
0x50: {  	[spmem:s1] =	stream.indirect.scatter.add.f32 [tilespmem:s28], [sflag:$0x2], $0x80, s25, s26, $0xb8;
	[tilespmem:$0x19200] =	vst v63  }
0x51: {  	_ =	swait.ge [sflag:s23], $0x4000  }
0x52: {  	s17 =	simm.s32 $0x20;
	s16 =	simm.s32 $0x10;
	[sflag:s23] =	ssyncset.done $0x0  }
.LBB2_3:
0x53: {  	s18 =	sadd.s32 s16, s22  }
0x54: {  	[sflag:s23] =	ssyncadd.s32 $0xFFFFC000;
	s12 =	smov.u32 s17;
	s9 =	sadd.s32 $0x10, s17  }
0x55: {  	[tilespmem:s24], [sflag:$0x2] =	stream.linear.gather [hbm4b:s18+s2], $0x80, $0x38;
	[tilespmem:$0x19200] =	vst v63  }
0x56: {  	p1 =	sne.s32 s17, $0x9B0;
	_ =	swait.ge [sflag:s23], $0x80  }
0x57: {  	[sflag:s23] =	ssyncset.done $0x0  }
0x58: {  	s17 =	sadd.s32 s16, s21;
	s16 =	smov.u32 s12;
	[sflag:s23] =	ssyncadd.s32 $0xFFFFFF80  }
0x59: {  	[tilespmem:s25], [sflag:$0x2] =	stream.linear.gather [hbm4b:s17+s2], $0x80, $0x38;
	[tilespmem:$0x19200] =	vst v63  }
0x5a: {  	_ =	swait.ge [sflag:s23], $0x80  }
0x5b: {  	[sflag:s23] =	ssyncset.done $0x0  }
0x5c: {  	[sflag:s23] =	ssyncadd.s32 $0xFFFFFF80  }
0x5d: {  	[tilespmem:s28], [sflag:$0x1] =	stream.indirect.gather [hbm4b:s4+s26], $0x80, s24, s26, $0xb8;
	[tilespmem:$0x19200] =	vst v63  }
0x5e: {  	_ =	swait.ge [sflag:s29], $0x4000  }
.Ltmp3:
0x5f: {  	[sflag:s29] =	ssyncset.done $0x0;
	(pc) =	sbr.rel @p1 .LBB2_3-.Ltmp3, $4  }
0x60: {  	[sflag:s29] =	ssyncadd.s32 $0xFFFFC000  }
0x61: {  	[spmem:s1] =	stream.indirect.scatter.add.f32 [tilespmem:s28], [sflag:$0x2], $0x80, s25, s26, $0xb8;
	[tilespmem:$0x19200] =	vst v63  }
0x62: {  	_ =	swait.ge [sflag:s23], $0x4000  }
0x63: {  	s17 =	smov.u32 s9;
	[sflag:s23] =	ssyncset.done $0x0  }
0x64: {  	s9 =	sadd.s32 s16, s22;
	[sflag:s23] =	ssyncadd.s32 $0xFFFFC000  }
0x65: {  	[tilespmem:s24], [sflag:$0x2] =	stream.linear.gather [hbm4b:s9+s2], $0x80, $0x38;
	[tilespmem:$0x19200] =	vst v63  }
0x66: {  	_ =	swait.ge [sflag:s23], $0x80  }
0x67: {  	[sflag:s23] =	ssyncset.done $0x0  }
0x68: {  	s18 =	sadd.s32 s16, s21;
	[sflag:s23] =	ssyncadd.s32 $0xFFFFFF80  }
0x69: {  	[tilespmem:s25], [sflag:$0x2] =	stream.linear.gather [hbm4b:s18+s2], $0x80, $0x38;
	[tilespmem:$0x19200] =	vst v63  }
0x6a: {  	_ =	swait.ge [sflag:s23], $0x80  }
0x6b: {  	[sflag:s23] =	ssyncset.done $0x0  }
0x6c: {  	[sflag:s23] =	ssyncadd.s32 $0xFFFFFF80  }
0x6d: {  	[tilespmem:s28], [sflag:$0x1] =	stream.indirect.gather [hbm4b:s4+s26], $0x80, s24, s26, $0xb8;
	[tilespmem:$0x19200] =	vst v63  }
0x6e: {  	_ =	swait.ge [sflag:s29], $0x4000  }
0x6f: {  	[sflag:s29] =	ssyncset.done $0x0  }
0x70: {  	[sflag:s29] =	ssyncadd.s32 $0xFFFFC000  }
0x71: {  	[spmem:s1] =	stream.indirect.scatter.add.f32 [tilespmem:s28], [sflag:$0x2], $0x80, s25, s26, $0xb8;
	[tilespmem:$0x19200] =	vst v63  }
0x72: {  	_ =	swait.ge [sflag:s23], $0x4000  }
0x73: {  	[sflag:s23] =	ssyncset.done $0x0  }
0x74: {  	s12 =	simm.s32 $0x0;
	[sflag:s23] =	ssyncadd.s32 $0xFFFFC000  }
0x75: {  	[tilespmem:s30], [sflag:$0x2] =	stream.linear.gather [hbm4b:s14+s12], $0x20, $0x38;
	[tilespmem:$0x19200] =	vst v63  }
0x76: {  	_ =	swait.ge [sflag:s23], $0x20  }
0x77: {  	[sflag:s23] =	ssyncset.done $0x0  }
0x78: {  	[sflag:s23] =	ssyncadd.s32 $0xFFFFFFE0  }
0x79: {  	[tilespmem:s31], [sflag:$0x2] =	stream.linear.gather [hbm4b:s15+s12], $0x20, $0x38;
	[tilespmem:$0x19200] =	vst v63  }
0x7a: {  	_ =	swait.ge [sflag:s23], $0x20  }
0x7b: {  	[sflag:s23] =	ssyncset.done $0x0  }
0x7c: {  	[sflag:s23] =	ssyncadd.s32 $0xFFFFFFE0  }
0x7d: {  	[tilespmem:s3], [sflag:$0x1] =	stream.indirect.gather [hbm4b:s4+s0], $0x80, s30, s0, $0xb8;
	[tilespmem:$0x19200] =	vst v63  }
0x7e: {  	_ =	swait.ge [sflag:s29], $0x1000  }
0x7f: {  	[sflag:s29] =	ssyncset.done $0x0  }
0x80: {  	[sflag:s29] =	ssyncadd.s32 $0xFFFFF000  }
0x81: {  	[spmem:s1] =	stream.indirect.scatter.add.f32 [tilespmem:s3], [sflag:$0x2], $0x80, s31, s0, $0xb8;
	[tilespmem:$0x19200] =	vst v63  }
0x82: {  	_ =	swait.ge [sflag:s23], $0x1000  }
0x83: {  	[sflag:s23] =	ssyncset.done $0x0  }
0x84: {  	[sflag:s23] =	ssyncadd.s32 $0xFFFFF000  }
0x85: {  	[bflag:$0x0] =	sbarrier.arrive $0xFFFF  }
0x86: {  	s16 =	rddreg [dreg:$0x8]  }
0x87: {  	[hbm:s16], [sflag:s20] =	dma.local [spmem:s11], $0x2800  }
0x88: {  	_ =	swait.ge [sflag:s23], $0x2800  }
0x89: {  	[sflag:s23] =	ssyncset.done $0x0  }
0x8a: {  	[sflag:s23] =	ssyncadd.s32 $0xFFFFD800  }
0x8b: {  	[spmem:s11], [sflag:s20] =	dma.local [hbm:s13], $0x2800  }
0x8c: {  	_ =	swait.ge [sflag:s23], $0x2800  }
0x8d: {  	[sflag:s23] =	ssyncset.done $0x0  }
0x8e: {  	[sflag:s23] =	ssyncadd.s32 $0xFFFFD800  }
0x8f: {  	s17 =	sadd.s32 $0x0, s22;
	[bflag:$0x0] =	sbarrier.arrive $0xFFFF  }
0x90: {  	[tilespmem:s24], [sflag:$0x2] =	stream.linear.gather [hbm4b:s17+s2], $0x80, $0x38;
	[tilespmem:$0x19200] =	vst v63  }
0x91: {  	_ =	swait.ge [sflag:s23], $0x80  }
0x92: {  	[sflag:s23] =	ssyncset.done $0x0  }
0x93: {  	s18 =	sadd.s32 $0x0, s21;
	[sflag:s23] =	ssyncadd.s32 $0xFFFFFF80  }
0x94: {  	[tilespmem:s25], [sflag:$0x2] =	stream.linear.gather [hbm4b:s18+s2], $0x80, $0x38;
	[tilespmem:$0x19200] =	vst v63  }
0x95: {  	_ =	swait.ge [sflag:s23], $0x80  }
0x96: {  	[sflag:s23] =	ssyncset.done $0x0  }
0x97: {  	[sflag:s23] =	ssyncadd.s32 $0xFFFFFF80  }
0x98: {  	[tilespmem:s28], [sflag:$0x1] =	stream.indirect.gather [hbm4b:s6+s26], $0x80, s24, s26, $0xb8;
	[tilespmem:$0x19200] =	vst v63  }
0x99: {  	_ =	swait.ge [sflag:s29], $0x4000  }
0x9a: {  	[sflag:s29] =	ssyncset.done $0x0  }
0x9b: {  	[sflag:s29] =	ssyncadd.s32 $0xFFFFC000  }
0x9c: {  	[spmem:s1] =	stream.indirect.scatter.add.f32 [tilespmem:s28], [sflag:$0x2], $0x80, s25, s26, $0xb8;
	[tilespmem:$0x19200] =	vst v63  }
0x9d: {  	_ =	swait.ge [sflag:s23], $0x4000  }
0x9e: {  	s16 =	simm.s32 $0x10;
	s17 =	simm.s32 $0x20;
	[sflag:s23] =	ssyncset.done $0x0  }
.LBB2_5:
0x9f: {  	s9 =	sadd.s32 s16, s22  }
0xa0: {  	[sflag:s23] =	ssyncadd.s32 $0xFFFFC000;
	s12 =	smov.u32 s17;
	s18 =	sadd.s32 $0x10, s17  }
0xa1: {  	[tilespmem:s24], [sflag:$0x2] =	stream.linear.gather [hbm4b:s9+s2], $0x80, $0x38;
	[tilespmem:$0x19200] =	vst v63  }
0xa2: {  	p1 =	seq.s32 s17, $0x9B0;
	_ =	swait.ge [sflag:s23], $0x80  }
0xa3: {  	[sflag:s23] =	ssyncset.done $0x0  }
0xa4: {  	s9 =	sadd.s32 s16, s21;
	s16 =	smov.u32 s12;
	[sflag:s23] =	ssyncadd.s32 $0xFFFFFF80  }
0xa5: {  	[tilespmem:s25], [sflag:$0x2] =	stream.linear.gather [hbm4b:s9+s2], $0x80, $0x38;
	[tilespmem:$0x19200] =	vst v63  }
0xa6: {  	_ =	swait.ge [sflag:s23], $0x80  }
0xa7: {  	[sflag:s23] =	ssyncset.done $0x0  }
0xa8: {  	[sflag:s23] =	ssyncadd.s32 $0xFFFFFF80  }
0xa9: {  	[tilespmem:s28], [sflag:$0x1] =	stream.indirect.gather [hbm4b:s6+s26], $0x80, s24, s26, $0xb8;
	[tilespmem:$0x19200] =	vst v63  }
0xaa: {  	_ =	swait.ge [sflag:s29], $0x4000  }
.Ltmp4:
0xab: {  	[sflag:s29] =	ssyncset.done $0x0;
	(pc) =	sbr.rel @!p1 .LBB2_5-.Ltmp4, $4  }
0xac: {  	[sflag:s29] =	ssyncadd.s32 $0xFFFFC000  }
0xad: {  	[spmem:s1] =	stream.indirect.scatter.add.f32 [tilespmem:s28], [sflag:$0x2], $0x80, s25, s26, $0xb8;
	[tilespmem:$0x19200] =	vst v63  }
0xae: {  	_ =	swait.ge [sflag:s23], $0x4000  }
0xaf: {  	s17 =	smov.u32 s18;
	[sflag:s23] =	ssyncset.done $0x0  }
0xb0: {  	s9 =	sadd.s32 s16, s22;
	[sflag:s23] =	ssyncadd.s32 $0xFFFFC000  }
0xb1: {  	[tilespmem:s24], [sflag:$0x2] =	stream.linear.gather [hbm4b:s9+s2], $0x80, $0x38;
	[tilespmem:$0x19200] =	vst v63  }
0xb2: {  	_ =	swait.ge [sflag:s23], $0x80  }
0xb3: {  	[sflag:s23] =	ssyncset.done $0x0  }
0xb4: {  	s18 =	sadd.s32 s16, s21;
	[sflag:s23] =	ssyncadd.s32 $0xFFFFFF80  }
0xb5: {  	[tilespmem:s25], [sflag:$0x2] =	stream.linear.gather [hbm4b:s18+s2], $0x80, $0x38;
	[tilespmem:$0x19200] =	vst v63  }
0xb6: {  	_ =	swait.ge [sflag:s23], $0x80  }
0xb7: {  	[sflag:s23] =	ssyncset.done $0x0  }
0xb8: {  	[sflag:s23] =	ssyncadd.s32 $0xFFFFFF80  }
0xb9: {  	[tilespmem:s28], [sflag:$0x1] =	stream.indirect.gather [hbm4b:s6+s26], $0x80, s24, s26, $0xb8;
	[tilespmem:$0x19200] =	vst v63  }
0xba: {  	_ =	swait.ge [sflag:s29], $0x4000  }
0xbb: {  	[sflag:s29] =	ssyncset.done $0x0  }
0xbc: {  	[sflag:s29] =	ssyncadd.s32 $0xFFFFC000  }
0xbd: {  	[spmem:s1] =	stream.indirect.scatter.add.f32 [tilespmem:s28], [sflag:$0x2], $0x80, s25, s26, $0xb8;
	[tilespmem:$0x19200] =	vst v63  }
0xbe: {  	_ =	swait.ge [sflag:s23], $0x4000  }
0xbf: {  	[sflag:s23] =	ssyncset.done $0x0  }
0xc0: {  	s12 =	simm.s32 $0x0;
	[sflag:s23] =	ssyncadd.s32 $0xFFFFC000  }
0xc1: {  	[tilespmem:s30], [sflag:$0x2] =	stream.linear.gather [hbm4b:s14+s12], $0x20, $0x38;
	[tilespmem:$0x19200] =	vst v63  }
0xc2: {  	_ =	swait.ge [sflag:s23], $0x20  }
0xc3: {  	[sflag:s23] =	ssyncset.done $0x0  }
0xc4: {  	[sflag:s23] =	ssyncadd.s32 $0xFFFFFFE0  }
0xc5: {  	[tilespmem:s31], [sflag:$0x2] =	stream.linear.gather [hbm4b:s15+s12], $0x20, $0x38;
	[tilespmem:$0x19200] =	vst v63  }
0xc6: {  	_ =	swait.ge [sflag:s23], $0x20  }
0xc7: {  	[sflag:s23] =	ssyncset.done $0x0  }
0xc8: {  	[sflag:s23] =	ssyncadd.s32 $0xFFFFFFE0  }
0xc9: {  	[tilespmem:s3], [sflag:$0x1] =	stream.indirect.gather [hbm4b:s6+s0], $0x80, s30, s0, $0xb8;
	[tilespmem:$0x19200] =	vst v63  }
0xca: {  	_ =	swait.ge [sflag:s29], $0x1000  }
0xcb: {  	[sflag:s29] =	ssyncset.done $0x0  }
0xcc: {  	[sflag:s29] =	ssyncadd.s32 $0xFFFFF000  }
0xcd: {  	[spmem:s1] =	stream.indirect.scatter.add.f32 [tilespmem:s3], [sflag:$0x2], $0x80, s31, s0, $0xb8;
	[tilespmem:$0x19200] =	vst v63  }
0xce: {  	_ =	swait.ge [sflag:s23], $0x1000  }
0xcf: {  	[sflag:s23] =	ssyncset.done $0x0  }
0xd0: {  	[sflag:s23] =	ssyncadd.s32 $0xFFFFF000  }
0xd1: {  	[bflag:$0x0] =	sbarrier.arrive $0xFFFF  }
0xd2: {  	s16 =	rddreg [dreg:$0x9]  }
0xd3: {  	[hbm:s16], [sflag:s20] =	dma.local [spmem:s11], $0x2800  }
0xd4: {  	_ =	swait.ge [sflag:s23], $0x2800  }
0xd5: {  	[sflag:s23] =	ssyncset.done $0x0  }
0xd6: {  	[sflag:s23] =	ssyncadd.s32 $0xFFFFD800  }
0xd7: {  	[spmem:s11], [sflag:s20] =	dma.local [hbm:s13], $0x2800  }
0xd8: {  	_ =	swait.ge [sflag:s23], $0x2800  }
0xd9: {  	[sflag:s23] =	ssyncset.done $0x0  }
0xda: {  	[sflag:s23] =	ssyncadd.s32 $0xFFFFD800  }
0xdb: {  	s17 =	sadd.s32 $0x0, s22;
	[bflag:$0x0] =	sbarrier.arrive $0xFFFF  }
0xdc: {  	[tilespmem:s24], [sflag:$0x2] =	stream.linear.gather [hbm4b:s17+s2], $0x80, $0x38;
	[tilespmem:$0x19200] =	vst v63  }
0xdd: {  	_ =	swait.ge [sflag:s23], $0x80  }
0xde: {  	[sflag:s23] =	ssyncset.done $0x0  }
0xdf: {  	s18 =	sadd.s32 $0x0, s21;
	[sflag:s23] =	ssyncadd.s32 $0xFFFFFF80  }
0xe0: {  	[tilespmem:s25], [sflag:$0x2] =	stream.linear.gather [hbm4b:s18+s2], $0x80, $0x38;
	[tilespmem:$0x19200] =	vst v63  }
0xe1: {  	_ =	swait.ge [sflag:s23], $0x80  }
0xe2: {  	[sflag:s23] =	ssyncset.done $0x0  }
0xe3: {  	[sflag:s23] =	ssyncadd.s32 $0xFFFFFF80  }
0xe4: {  	[tilespmem:s28], [sflag:$0x1] =	stream.indirect.gather [hbm4b:s8+s26], $0x80, s24, s26, $0xb8;
	[tilespmem:$0x19200] =	vst v63  }
0xe5: {  	_ =	swait.ge [sflag:s29], $0x4000  }
0xe6: {  	[sflag:s29] =	ssyncset.done $0x0  }
0xe7: {  	[sflag:s29] =	ssyncadd.s32 $0xFFFFC000  }
0xe8: {  	[spmem:s1] =	stream.indirect.scatter.add.f32 [tilespmem:s28], [sflag:$0x2], $0x80, s25, s26, $0xb8;
	[tilespmem:$0x19200] =	vst v63  }
0xe9: {  	_ =	swait.ge [sflag:s23], $0x4000  }
0xea: {  	s16 =	simm.s32 $0x10;
	s17 =	simm.s32 $0x20;
	[sflag:s23] =	ssyncset.done $0x0  }
.LBB2_7:
0xeb: {  	s9 =	sadd.s32 s16, s22  }
0xec: {  	[sflag:s23] =	ssyncadd.s32 $0xFFFFC000;
	s12 =	smov.u32 s17;
	s18 =	sadd.s32 $0x10, s17  }
0xed: {  	[tilespmem:s24], [sflag:$0x2] =	stream.linear.gather [hbm4b:s9+s2], $0x80, $0x38;
	[tilespmem:$0x19200] =	vst v63  }
0xee: {  	p1 =	sne.s32 s17, $0x9B0;
	_ =	swait.ge [sflag:s23], $0x80  }
0xef: {  	[sflag:s23] =	ssyncset.done $0x0  }
0xf0: {  	s9 =	sadd.s32 s16, s21;
	s16 =	smov.u32 s12;
	[sflag:s23] =	ssyncadd.s32 $0xFFFFFF80  }
0xf1: {  	[tilespmem:s25], [sflag:$0x2] =	stream.linear.gather [hbm4b:s9+s2], $0x80, $0x38;
	[tilespmem:$0x19200] =	vst v63  }
0xf2: {  	_ =	swait.ge [sflag:s23], $0x80  }
0xf3: {  	[sflag:s23] =	ssyncset.done $0x0  }
0xf4: {  	[sflag:s23] =	ssyncadd.s32 $0xFFFFFF80  }
0xf5: {  	[tilespmem:s28], [sflag:$0x1] =	stream.indirect.gather [hbm4b:s8+s26], $0x80, s24, s26, $0xb8;
	[tilespmem:$0x19200] =	vst v63  }
0xf6: {  	_ =	swait.ge [sflag:s29], $0x4000  }
.Ltmp5:
0xf7: {  	[sflag:s29] =	ssyncset.done $0x0;
	(pc) =	sbr.rel @p1 .LBB2_7-.Ltmp5, $4  }
0xf8: {  	[sflag:s29] =	ssyncadd.s32 $0xFFFFC000  }
0xf9: {  	[spmem:s1] =	stream.indirect.scatter.add.f32 [tilespmem:s28], [sflag:$0x2], $0x80, s25, s26, $0xb8;
	[tilespmem:$0x19200] =	vst v63  }
0xfa: {  	_ =	swait.ge [sflag:s23], $0x4000  }
0xfb: {  	s17 =	smov.u32 s18;
	[sflag:s23] =	ssyncset.done $0x0  }
0xfc: {  	s9 =	sadd.s32 s16, s22;
	[sflag:s23] =	ssyncadd.s32 $0xFFFFC000  }
0xfd: {  	[tilespmem:s24], [sflag:$0x2] =	stream.linear.gather [hbm4b:s9+s2], $0x80, $0x38;
	[tilespmem:$0x19200] =	vst v63  }
0xfe: {  	_ =	swait.ge [sflag:s23], $0x80  }
0xff: {  	[sflag:s23] =	ssyncset.done $0x0  }
0x100: {  	s18 =	sadd.s32 s16, s21;
	[sflag:s23] =	ssyncadd.s32 $0xFFFFFF80  }
0x101: {  	[tilespmem:s25], [sflag:$0x2] =	stream.linear.gather [hbm4b:s18+s2], $0x80, $0x38;
	[tilespmem:$0x19200] =	vst v63  }
0x102: {  	_ =	swait.ge [sflag:s23], $0x80  }
0x103: {  	[sflag:s23] =	ssyncset.done $0x0  }
0x104: {  	[sflag:s23] =	ssyncadd.s32 $0xFFFFFF80  }
0x105: {  	[tilespmem:s28], [sflag:$0x1] =	stream.indirect.gather [hbm4b:s8+s26], $0x80, s24, s26, $0xb8;
	[tilespmem:$0x19200] =	vst v63  }
0x106: {  	_ =	swait.ge [sflag:s29], $0x4000  }
0x107: {  	[sflag:s29] =	ssyncset.done $0x0  }
.Ltmp6:
0x108: {  	[sflag:s29] =	ssyncadd.s32 $0xFFFFC000;
	(pc) =	sbr.rel .LBB2_14-.Ltmp6, $4  }
0x109: {  	[spmem:s1] =	stream.indirect.scatter.add.f32 [tilespmem:s28], [sflag:$0x2], $0x80, s25, s26, $0xb8;
	[tilespmem:$0x19200] =	vst v63  }
0x10a: {  	_ =	swait.ge [sflag:s23], $0x4000  }
0x10b: {  	[sflag:s23] =	ssyncset.done $0x0  }
0x10c: {  	s17 =	smov.u32 s8;
	s16 =	rddreg [dreg:$0x5];
	[sflag:s23] =	ssyncadd.s32 $0xFFFFC000  }
.LBB2_9:
0x10d: {  	s9 =	sadd.s32 $0x0, s22  }
0x10e: {  	[tilespmem:s24], [sflag:$0x2] =	stream.linear.gather [hbm4b:s9+s2], $0x80, $0x38;
	[tilespmem:$0x19200] =	vst v63  }
0x10f: {  	_ =	swait.ge [sflag:s23], $0x80  }
0x110: {  	[sflag:s23] =	ssyncset.done $0x0  }
0x111: {  	s18 =	sadd.s32 $0x0, s21;
	[sflag:s23] =	ssyncadd.s32 $0xFFFFFF80  }
0x112: {  	[tilespmem:s25], [sflag:$0x2] =	stream.linear.gather [hbm4b:s18+s2], $0x80, $0x38;
	[tilespmem:$0x19200] =	vst v63  }
0x113: {  	_ =	swait.ge [sflag:s23], $0x80  }
0x114: {  	[sflag:s23] =	ssyncset.done $0x0  }
0x115: {  	[sflag:s23] =	ssyncadd.s32 $0xFFFFFF80  }
0x116: {  	[tilespmem:s28], [sflag:$0x1] =	stream.indirect.gather [hbm4b:s5+s26], $0x80, s24, s26, $0xb8;
	[tilespmem:$0x19200] =	vst v63  }
0x117: {  	_ =	swait.ge [sflag:s29], $0x4000  }
0x118: {  	[sflag:s29] =	ssyncset.done $0x0  }
0x119: {  	[sflag:s29] =	ssyncadd.s32 $0xFFFFC000  }
0x11a: {  	[spmem:s1] =	stream.indirect.scatter.add.f32 [tilespmem:s28], [sflag:$0x2], $0x80, s25, s26, $0xb8;
	[tilespmem:$0x19200] =	vst v63  }
0x11b: {  	_ =	swait.ge [sflag:s23], $0x4000  }
0x11c: {  	s16 =	simm.s32 $0x10;
	s17 =	simm.s32 $0x20;
	[sflag:s23] =	ssyncset.done $0x0  }
.LBB2_10:
0x11d: {  	s9 =	sadd.s32 s16, s22  }
0x11e: {  	[sflag:s23] =	ssyncadd.s32 $0xFFFFC000;
	s12 =	smov.u32 s17;
	s18 =	sadd.s32 $0x10, s17  }
0x11f: {  	[tilespmem:s24], [sflag:$0x2] =	stream.linear.gather [hbm4b:s9+s2], $0x80, $0x38;
	[tilespmem:$0x19200] =	vst v63  }
0x120: {  	p1 =	seq.s32 s17, $0x9B0;
	_ =	swait.ge [sflag:s23], $0x80  }
0x121: {  	[sflag:s23] =	ssyncset.done $0x0  }
0x122: {  	s9 =	sadd.s32 s16, s21;
	s16 =	smov.u32 s12;
	[sflag:s23] =	ssyncadd.s32 $0xFFFFFF80  }
0x123: {  	[tilespmem:s25], [sflag:$0x2] =	stream.linear.gather [hbm4b:s9+s2], $0x80, $0x38;
	[tilespmem:$0x19200] =	vst v63  }
0x124: {  	_ =	swait.ge [sflag:s23], $0x80  }
0x125: {  	[sflag:s23] =	ssyncset.done $0x0  }
0x126: {  	[sflag:s23] =	ssyncadd.s32 $0xFFFFFF80  }
0x127: {  	[tilespmem:s28], [sflag:$0x1] =	stream.indirect.gather [hbm4b:s5+s26], $0x80, s24, s26, $0xb8;
	[tilespmem:$0x19200] =	vst v63  }
0x128: {  	_ =	swait.ge [sflag:s29], $0x4000  }
.Ltmp7:
0x129: {  	[sflag:s29] =	ssyncset.done $0x0;
	(pc) =	sbr.rel @!p1 .LBB2_10-.Ltmp7, $4  }
0x12a: {  	[sflag:s29] =	ssyncadd.s32 $0xFFFFC000  }
0x12b: {  	[spmem:s1] =	stream.indirect.scatter.add.f32 [tilespmem:s28], [sflag:$0x2], $0x80, s25, s26, $0xb8;
	[tilespmem:$0x19200] =	vst v63  }
0x12c: {  	_ =	swait.ge [sflag:s23], $0x4000  }
0x12d: {  	s17 =	smov.u32 s18;
	[sflag:s23] =	ssyncset.done $0x0  }
0x12e: {  	s9 =	sadd.s32 s16, s22;
	[sflag:s23] =	ssyncadd.s32 $0xFFFFC000  }
0x12f: {  	[tilespmem:s24], [sflag:$0x2] =	stream.linear.gather [hbm4b:s9+s2], $0x80, $0x38;
	[tilespmem:$0x19200] =	vst v63  }
0x130: {  	_ =	swait.ge [sflag:s23], $0x80  }
0x131: {  	[sflag:s23] =	ssyncset.done $0x0  }
0x132: {  	s18 =	sadd.s32 s16, s21;
	[sflag:s23] =	ssyncadd.s32 $0xFFFFFF80  }
0x133: {  	[tilespmem:s25], [sflag:$0x2] =	stream.linear.gather [hbm4b:s18+s2], $0x80, $0x38;
	[tilespmem:$0x19200] =	vst v63  }
0x134: {  	_ =	swait.ge [sflag:s23], $0x80  }
0x135: {  	[sflag:s23] =	ssyncset.done $0x0  }
0x136: {  	[sflag:s23] =	ssyncadd.s32 $0xFFFFFF80  }
0x137: {  	[tilespmem:s28], [sflag:$0x1] =	stream.indirect.gather [hbm4b:s5+s26], $0x80, s24, s26, $0xb8;
	[tilespmem:$0x19200] =	vst v63  }
0x138: {  	_ =	swait.ge [sflag:s29], $0x4000  }
0x139: {  	[sflag:s29] =	ssyncset.done $0x0  }
0x13a: {  	[sflag:s29] =	ssyncadd.s32 $0xFFFFC000  }
0x13b: {  	[spmem:s1] =	stream.indirect.scatter.add.f32 [tilespmem:s28], [sflag:$0x2], $0x80, s25, s26, $0xb8;
	[tilespmem:$0x19200] =	vst v63  }
0x13c: {  	_ =	swait.ge [sflag:s23], $0x4000  }
0x13d: {  	[sflag:s23] =	ssyncset.done $0x0  }
0x13e: {  	s12 =	simm.s32 $0x0;
	[sflag:s23] =	ssyncadd.s32 $0xFFFFC000  }
0x13f: {  	[tilespmem:s30], [sflag:$0x2] =	stream.linear.gather [hbm4b:s14+s12], $0x20, $0x38;
	[tilespmem:$0x19200] =	vst v63  }
0x140: {  	_ =	swait.ge [sflag:s23], $0x20  }
0x141: {  	[sflag:s23] =	ssyncset.done $0x0  }
0x142: {  	[sflag:s23] =	ssyncadd.s32 $0xFFFFFFE0  }
0x143: {  	[tilespmem:s31], [sflag:$0x2] =	stream.linear.gather [hbm4b:s15+s12], $0x20, $0x38;
	[tilespmem:$0x19200] =	vst v63  }
0x144: {  	_ =	swait.ge [sflag:s23], $0x20  }
0x145: {  	[sflag:s23] =	ssyncset.done $0x0  }
0x146: {  	[sflag:s23] =	ssyncadd.s32 $0xFFFFFFE0  }
0x147: {  	[tilespmem:s3], [sflag:$0x1] =	stream.indirect.gather [hbm4b:s5+s0], $0x80, s30, s0, $0xb8;
	[tilespmem:$0x19200] =	vst v63  }
0x148: {  	_ =	swait.ge [sflag:s29], $0x1000  }
0x149: {  	[sflag:s29] =	ssyncset.done $0x0  }
0x14a: {  	[sflag:s29] =	ssyncadd.s32 $0xFFFFF000  }
0x14b: {  	[spmem:s1] =	stream.indirect.scatter.add.f32 [tilespmem:s3], [sflag:$0x2], $0x80, s31, s0, $0xb8;
	[tilespmem:$0x19200] =	vst v63  }
0x14c: {  	_ =	swait.ge [sflag:s23], $0x1000  }
0x14d: {  	[sflag:s23] =	ssyncset.done $0x0  }
0x14e: {  	[sflag:s23] =	ssyncadd.s32 $0xFFFFF000  }
0x14f: {  	[bflag:$0x0] =	sbarrier.arrive $0xFFFF  }
0x150: {  	s16 =	rddreg [dreg:$0x7]  }
0x151: {  	[hbm:s16], [sflag:s20] =	dma.local [spmem:s11], $0x2800  }
0x152: {  	_ =	swait.ge [sflag:s23], $0x2800  }
0x153: {  	[sflag:s23] =	ssyncset.done $0x0  }
0x154: {  	[sflag:s23] =	ssyncadd.s32 $0xFFFFD800  }
0x155: {  	[spmem:s11], [sflag:s20] =	dma.local [hbm:s13], $0x2800  }
0x156: {  	_ =	swait.ge [sflag:s23], $0x2800  }
0x157: {  	[sflag:s23] =	ssyncset.done $0x0  }
0x158: {  	[sflag:s23] =	ssyncadd.s32 $0xFFFFD800  }
0x159: {  	s17 =	sadd.s32 $0x0, s22;
	[bflag:$0x0] =	sbarrier.arrive $0xFFFF  }
0x15a: {  	[tilespmem:s24], [sflag:$0x2] =	stream.linear.gather [hbm4b:s17+s2], $0x80, $0x38;
	[tilespmem:$0x19200] =	vst v63  }
0x15b: {  	_ =	swait.ge [sflag:s23], $0x80  }
0x15c: {  	[sflag:s23] =	ssyncset.done $0x0  }
0x15d: {  	s18 =	sadd.s32 $0x0, s21;
	[sflag:s23] =	ssyncadd.s32 $0xFFFFFF80  }
0x15e: {  	[tilespmem:s25], [sflag:$0x2] =	stream.linear.gather [hbm4b:s18+s2], $0x80, $0x38;
	[tilespmem:$0x19200] =	vst v63  }
0x15f: {  	_ =	swait.ge [sflag:s23], $0x80  }
0x160: {  	[sflag:s23] =	ssyncset.done $0x0  }
0x161: {  	[sflag:s23] =	ssyncadd.s32 $0xFFFFFF80  }
0x162: {  	[tilespmem:s28], [sflag:$0x1] =	stream.indirect.gather [hbm4b:s7+s26], $0x80, s24, s26, $0xb8;
	[tilespmem:$0x19200] =	vst v63  }
0x163: {  	_ =	swait.ge [sflag:s29], $0x4000  }
0x164: {  	[sflag:s29] =	ssyncset.done $0x0  }
0x165: {  	[sflag:s29] =	ssyncadd.s32 $0xFFFFC000  }
0x166: {  	[spmem:s1] =	stream.indirect.scatter.add.f32 [tilespmem:s28], [sflag:$0x2], $0x80, s25, s26, $0xb8;
	[tilespmem:$0x19200] =	vst v63  }
0x167: {  	_ =	swait.ge [sflag:s23], $0x4000  }
0x168: {  	s16 =	simm.s32 $0x10;
	s17 =	simm.s32 $0x20;
	[sflag:s23] =	ssyncset.done $0x0  }
.LBB2_12:
0x169: {  	s9 =	sadd.s32 s16, s22  }
0x16a: {  	[sflag:s23] =	ssyncadd.s32 $0xFFFFC000;
	s12 =	smov.u32 s17;
	s18 =	sadd.s32 $0x10, s17  }
0x16b: {  	[tilespmem:s24], [sflag:$0x2] =	stream.linear.gather [hbm4b:s9+s2], $0x80, $0x38;
	[tilespmem:$0x19200] =	vst v63  }
0x16c: {  	p1 =	seq.s32 s17, $0x9B0;
	_ =	swait.ge [sflag:s23], $0x80  }
0x16d: {  	[sflag:s23] =	ssyncset.done $0x0  }
0x16e: {  	s9 =	sadd.s32 s16, s21;
	s16 =	smov.u32 s12;
	[sflag:s23] =	ssyncadd.s32 $0xFFFFFF80  }
0x16f: {  	[tilespmem:s25], [sflag:$0x2] =	stream.linear.gather [hbm4b:s9+s2], $0x80, $0x38;
	[tilespmem:$0x19200] =	vst v63  }
0x170: {  	_ =	swait.ge [sflag:s23], $0x80  }
0x171: {  	[sflag:s23] =	ssyncset.done $0x0  }
0x172: {  	[sflag:s23] =	ssyncadd.s32 $0xFFFFFF80  }
0x173: {  	[tilespmem:s28], [sflag:$0x1] =	stream.indirect.gather [hbm4b:s7+s26], $0x80, s24, s26, $0xb8;
	[tilespmem:$0x19200] =	vst v63  }
0x174: {  	_ =	swait.ge [sflag:s29], $0x4000  }
.Ltmp8:
0x175: {  	[sflag:s29] =	ssyncset.done $0x0;
	(pc) =	sbr.rel @!p1 .LBB2_12-.Ltmp8, $4  }
0x176: {  	[sflag:s29] =	ssyncadd.s32 $0xFFFFC000  }
0x177: {  	[spmem:s1] =	stream.indirect.scatter.add.f32 [tilespmem:s28], [sflag:$0x2], $0x80, s25, s26, $0xb8;
	[tilespmem:$0x19200] =	vst v63  }
0x178: {  	_ =	swait.ge [sflag:s23], $0x4000  }
0x179: {  	s17 =	smov.u32 s18;
	[sflag:s23] =	ssyncset.done $0x0  }
.Ltmp9:
0x17a: {  	_ = 	snop;
	(pc) =	sbr.rel .LBB2_13-.Ltmp9, $1  }
0x17b: {  	_ =	sdelay $0x3  }
.LBB2_15:
0x17c: {  	_ =	sfence.sel $0x180000  }
0x17d: {  	[bflag:$0x0] =	sbarrier.arrive $0xFFFF  }
0x17e: {  	_ =	strace $0x9000004D  }
0x17f: {  	s0 =	stileid.u32;
	[bflag:$0x2] =	sbarrier.arrive $0xFFFF  }
0x180: {  	p0 =	sne.s32 s0, $0x0;
	s0 =	rddreg [dreg:$0x2]  }
0x181: {  	s0 =	sadd.s32 @!p0 $0x100000, s0  }
0x182: {  	[sflag:s0] =	ssyncadd.tile.s32 @!p0 $0x1;
	_ =	shalt  }
.Lfunc_end2:
_tile_overlayer_lowered:
.L_overlay_start_2:
0x183: {  	(tag) =	ssettag $0x2  }
0x184: {  	s0 =	rddreg [dreg:$0x0];
	s2 =	stileid.u32  }
0x185: {  	s1 =	rddreg [dreg:$0x1];
	p0 =	sne.s32 s2, $0x0  }
0x186: {  	s3 =	rddreg [dreg:$0x2];
	[bflag:$0x3] =	sbarrier.arrive $0xFFFF;
	s2 =	simm.s32 @!p0 $0x1C02  }
0x187: {  	[timem:s3], [sflag:s2] =	dma.local @!p0 [hbm:s0], s1  }
0x188: {  	s0 =	simm.s32 @!p0 $0x2  }
0x189: {  	_ =	swait.ge @!p0 [sflag:s0], s1  }
0x18a: {  	s1 =	ssub.s32 @!p0 $0x0, s1;
	[sflag:s0] =	ssyncset.done @!p0 $0x0  }
0x18b: {  	[sflag:s0] =	ssyncadd.s32 @!p0 s1  }
0x18c: {  	[bflag:$0x3] =	sbarrier.arrive $0xFFFF  }
0x18d: {  	_ =	shalt  }

</sc_bundles>
